<compile_context>
chip_gen: v7x
topology: tpu7x:2x2x1
jax: 0.10.2.dev20260603
libtpu: 0.0.44.dev20260713+nightly
codegen_flags: <defaults>
</compile_context>

<pallas_src>
import functools
import math

import jax
import jax.numpy as jnp
from jax import lax
from jax.experimental import pallas as pl
from jax.experimental.pallas import tpu as pltpu
from jax.experimental.pallas import tpu_sc as plsc

N = 10000
E = 320000
D = 128
L = 3

NC = 2
NS = 16
TILES = NC * NS
EPT = E // TILES
CH = 40
NCHUNK = EPT // CH
IB = 25
NG = NCHUNK // IB
K = 6
PREF = 10
ACC_R = N
WPS = 640
ZR = 16

_mesh = plsc.VectorSubcoreMesh(
    core_axis_name="c", subcore_axis_name="s", num_cores=NC, num_subcores=NS)

_agg_out_type = jax.ShapeDtypeStruct((NC, N, D), jnp.float32)


def _zero_acc(acc, zbuf, zsem, s):
    def zstore(t, carry):
        i = t // (D // 16)
        k = t % (D // 16)
        zbuf[i, pl.ds(k * 16, 16)] = jnp.zeros((16,), jnp.float32)
        return carry
    lax.fori_loop(0, ZR * (D // 16), zstore, 0)
    z = jnp.where(s == NS - 1, N - WPS, s * WPS)
    for kk in range(WPS // ZR):
        pltpu.async_copy(zbuf, acc.at[pl.ds(z + kk * ZR, ZR)], zsem)
    for kk in range(WPS // ZR):
        pltpu.make_async_copy(zbuf, acc.at[pl.ds(z + kk * ZR, ZR)],
                              zsem).wait()


def _write_out(acc, out_hbm, c, s):
    w = jnp.where(s == NS - 1, N - WPS, s * WPS)
    pltpu.sync_copy(acc.at[pl.ds(w, WPS)], out_hbm.at[c, pl.ds(w, WPS)])


def _pipelined_agg(issue_fetch, wait_fetch, issue_reload, wait_reload,
                   dst_v, rbuf, ssem, acc):
    def chunk(j, carry):
        g = j // IB
        jj = j - g * IB
        b = lax.rem(j, K)
        gb = lax.rem(g, 2)
        wait_fetch(j, b)
        pltpu.async_copy(rbuf.at[b], acc.at[dst_v.at[gb, jj]], ssem.at[b],
                         add=True)

        @pl.when(j + K - 1 < NCHUNK)
        def _():
            j1 = j + K - 1
            g1 = j1 // IB
            jj1 = j1 - g1 * IB
            nb = lax.rem(j1, K)
            g1b = lax.rem(g1, 2)

            @pl.when(jj1 == 0)
            def _():
                wait_reload(g1, g1b)

            @pl.when((jj1 == PREF) & (j1 < (NG - 1) * IB))
            def _():
                issue_reload(g1 + 1, lax.rem(g1 + 1, 2))

            @pl.when(j1 >= K)
            def _():
                pltpu.make_async_copy(rbuf.at[nb], acc.at[dst_v.at[g1b, jj1]],
                                      ssem.at[nb]).wait()
            issue_fetch(j1, nb)
        return carry
    lax.fori_loop(0, NCHUNK, chunk, 0)
    for r in range(K - 1):
        b = (NCHUNK - K + 1 + r) % K
        pltpu.make_async_copy(rbuf.at[b], acc.at[dst_v.at[0, 0]],
                              ssem.at[b]).wait()


@functools.partial(
    pl.kernel,
    out_type=_agg_out_type,
    mesh=_mesh,
    scratch_types=[
        pltpu.VMEM((2, IB, CH), jnp.int32),
        pltpu.VMEM((2, IB, CH), jnp.int32),
        pltpu.VMEM((K, CH, D), jnp.float32),
        pltpu.VMEM((ZR, D), jnp.float32),
        pltpu.SemaphoreType.DMA((K,)),
        pltpu.SemaphoreType.DMA((K,)),
        pltpu.SemaphoreType.DMA,
        pltpu.SemaphoreType.DMA,
        pltpu.VMEM_SHARED((ACC_R, D), jnp.float32),
    ],
)
def _sc_agg(tab_hbm, src_hbm, dst_hbm, out_hbm,
            src_v, dst_v, rbuf, zbuf, gsem, ssem, zsem, rsem, acc):
    c = lax.axis_index("c")
    s = lax.axis_index("s")
    t = c * NS + s

    def issue_fetch(j, b):
        g = j // IB
        jj = j - g * IB
        gb = lax.rem(g, 2) if not isinstance(g, int) else g % 2
        pltpu.async_copy(tab_hbm.at[src_v.at[gb, jj]], rbuf.at[b],
                         gsem.at[b])

    def wait_fetch(j, b):
        g = j // IB
        jj = j - g * IB
        gb = lax.rem(g, 2) if not isinstance(g, int) else g % 2
        pltpu.make_async_copy(tab_hbm.at[src_v.at[gb, jj]], rbuf.at[b],
                              gsem.at[b]).wait()

    def issue_reload(g1, g1b):
        pltpu.async_copy(src_hbm.at[t, g1], src_v.at[g1b], rsem)
        pltpu.async_copy(dst_hbm.at[t, g1], dst_v.at[g1b], rsem)

    def wait_reload(g1, g1b):
        pltpu.make_async_copy(src_hbm.at[t, g1], src_v.at[g1b],
                              rsem).wait()
        pltpu.make_async_copy(dst_hbm.at[t, g1], dst_v.at[g1b],
                              rsem).wait()

    issue_reload(0, 0)
    wait_reload(0, 0)
    for j in range(K - 1):
        issue_fetch(j, j % K)
    _zero_acc(acc, zbuf, zsem, s)
    plsc.subcore_barrier()
    _pipelined_agg(issue_fetch, wait_fetch, issue_reload, wait_reload,
                   dst_v, rbuf, ssem, acc)
    plsc.subcore_barrier()
    _write_out(acc, out_hbm, c, s)


@functools.partial(
    pl.kernel,
    out_type=_agg_out_type,
    mesh=_mesh,
    scratch_types=[
        pltpu.VMEM((2, IB, CH), jnp.int32),
        pltpu.VMEM((K, CH, D), jnp.float32),
        pltpu.VMEM((ZR, D), jnp.float32),
        pltpu.SemaphoreType.DMA((K,)),
        pltpu.SemaphoreType.DMA((K,)),
        pltpu.SemaphoreType.DMA,
        pltpu.SemaphoreType.DMA,
        pltpu.VMEM_SHARED((ACC_R, D), jnp.float32),
    ],
)
def _sc_agg_linear(ea_hbm, dst_hbm, out_hbm,
                   dst_v, rbuf, zbuf, gsem, ssem, zsem, rsem, acc):
    c = lax.axis_index("c")
    s = lax.axis_index("s")
    t = c * NS + s
    base = t * EPT

    def issue_fetch(j, b):
        pltpu.async_copy(ea_hbm.at[pl.ds(base + j * CH, CH)], rbuf.at[b],
                         gsem.at[b])

    def wait_fetch(j, b):
        pltpu.make_async_copy(ea_hbm.at[pl.ds(base + j * CH, CH)],
                              rbuf.at[b], gsem.at[b]).wait()

    def issue_reload(g1, g1b):
        pltpu.async_copy(dst_hbm.at[t, g1], dst_v.at[g1b], rsem)

    def wait_reload(g1, g1b):
        pltpu.make_async_copy(dst_hbm.at[t, g1], dst_v.at[g1b],
                              rsem).wait()

    issue_reload(0, 0)
    wait_reload(0, 0)
    for j in range(K - 1):
        issue_fetch(j, j % K)
    _zero_acc(acc, zbuf, zsem, s)
    plsc.subcore_barrier()
    _pipelined_agg(issue_fetch, wait_fetch, issue_reload, wait_reload,
                   dst_v, rbuf, ssem, acc)
    plsc.subcore_barrier()
    _write_out(acc, out_hbm, c, s)


def _gelu(x):
    return 0.5 * x * (1.0 + lax.erf(x * (1.0 / math.sqrt(2.0))))


def _ln(x, g, b):
    mu = jnp.mean(x, axis=-1, keepdims=True)
    var = jnp.mean((x - mu) ** 2, axis=-1, keepdims=True)
    return (x - mu) * lax.rsqrt(var + 1e-5) * g + b


def _mlp_body(a, e, h_ref, w1, b1, g1, bb1, w2, b2, g2, bb2, out_ref):
    h = h_ref[...]
    x = a.at[0][...] + a.at[1][...] + e.at[0][...] + e.at[1][...] + h
    u = jnp.dot(x, w1[...], preferred_element_type=jnp.float32) + b1[...]
    u = _gelu(_ln(u, g1[...], bb1[...]))
    v = jnp.dot(u, w2[...], preferred_element_type=jnp.float32) + b2[...]
    v = _ln(v, g2[...], bb2[...])
    out_ref[...] = _gelu(v + h)


_ROWS = 1000


def _tc_mlp(a, e, h, w1, b1, g1, bb1, w2, b2, g2, bb2):
    aspec = pl.BlockSpec((NC, _ROWS, D), lambda i: (0, i, 0))
    big = pl.BlockSpec((_ROWS, D), lambda i: (i, 0))
    wspec = pl.BlockSpec((D, D), lambda i: (0, 0))
    vspec = pl.BlockSpec((1, D), lambda i: (0, 0))
    return pl.pallas_call(
        _mlp_body,
        grid=(N // _ROWS,),
        in_specs=[aspec, aspec, big,
                  wspec, vspec, vspec, vspec,
                  wspec, vspec, vspec, vspec],
        out_specs=big,
        out_shape=jax.ShapeDtypeStruct((N, D), jnp.float32),
    )(a, e, h, w1, b1, g1, bb1, w2, b2, g2, bb2)


def kernel(h, batch, edge_index, h_edge_attr,
           W1, b1, ln1_g, ln1_b, W2, b2, ln2_g, ln2_b):
    del batch
    src = edge_index[0].astype(jnp.int32).reshape(TILES, NG, IB, CH)
    dst = edge_index[1].astype(jnp.int32).reshape(TILES, NG, IB, CH)

    e = _sc_agg_linear(h_edge_attr, dst)

    def body(x, ws):
        w1, bb1v, g1, bv1, w2, bb2v, g2, bv2 = ws
        a = _sc_agg(x, src, dst)
        x = _tc_mlp(a, e, x, w1, bb1v, g1, bv1, w2, bb2v, g2, bv2)
        return x, None

    ws = (W1, b1.reshape(L, 1, D), ln1_g.reshape(L, 1, D),
          ln1_b.reshape(L, 1, D), W2, b2.reshape(L, 1, D),
          ln2_g.reshape(L, 1, D), ln2_b.reshape(L, 1, D))
    x, _ = lax.scan(body, h, ws)
    return x

# --- scband reference (transcript-rebuilt; emitter-appended) ---
"""Pipeline reference for scband-simple-gin-87273735455432 (READ-ONLY COPY).

The authoritative reference and input builder live on the scoring server;
editing this copy changes nothing except your own understanding.
"""

import jax, jax.numpy as jnp
import numpy as np

N = 10000
E = 320000
D = 128
L = 3  # n_gnn_layers - 1 conv layers


def layer_norm(x, g, b):
    mu = jnp.mean(x, axis=-1, keepdims=True)
    var = jnp.mean((x - mu) ** 2, axis=-1, keepdims=True)
    return (x - mu) / jnp.sqrt(var + 1e-5) * g + b


def setup_inputs(seed: int = 0) -> dict:
    key = jax.random.key(seed)
    ks = jax.random.split(key, 8)
    h = jax.random.normal(ks[0], (N, D), dtype=jnp.float32)
    batch = jnp.sort(jax.random.randint(ks[1], (N,), 0, 64, dtype=jnp.int64))
    edge_index = jax.random.randint(ks[2], (2, E), 0, N, dtype=jnp.int64)
    h_edge_attr = jax.random.normal(ks[3], (E, D), dtype=jnp.float32)
    scale = 1.0 / np.sqrt(D)
    W1 = jax.random.normal(ks[4], (L, D, D), dtype=jnp.float32) * scale
    b1 = jnp.zeros((L, D), dtype=jnp.float32)
    ln1_g = jnp.ones((L, D), dtype=jnp.float32)
    ln1_b = jnp.zeros((L, D), dtype=jnp.float32)
    W2 = jax.random.normal(ks[5], (L, D, D), dtype=jnp.float32) * scale
    b2 = jnp.zeros((L, D), dtype=jnp.float32)
    ln2_g = jnp.ones((L, D), dtype=jnp.float32)
    ln2_b = jnp.zeros((L, D), dtype=jnp.float32)
    return {"h": h, "batch": batch, "edge_index": edge_index, "h_edge_attr": h_edge_attr,
            "W1": W1, "b1": b1, "ln1_g": ln1_g, "ln1_b": ln1_b,
            "W2": W2, "b2": b2, "ln2_g": ln2_g, "ln2_b": ln2_b}


def reference(h, batch, edge_index, h_edge_attr, W1, b1, ln1_g, ln1_b, W2, b2, ln2_g, ln2_b):
    # SimpleGIN with per_layer=False, bn_gin=True, bond_encoder=None, eps=0.0
    src = edge_index[0]
    dst = edge_index[1]
    eps = 0.0
    for i in range(L):
        initial_input = h
        # GINEConv: message = x_j + edge_attr, aggr='add'
        msg = h[src] + h_edge_attr
        agg = jax.ops.segment_sum(msg, dst, num_segments=N)
        out = agg + (1.0 + eps) * h
        # mlp: Linear -> LayerNorm -> GELU -> Linear -> LayerNorm
        out = out @ W1[i] + b1[i]
        out = layer_norm(out, ln1_g[i], ln1_b[i])
        out = jax.nn.gelu(out, approximate=False)
        out = out @ W2[i] + b2[i]
        out = layer_norm(out, ln2_g[i], ln2_b[i])
        # residual + gelu
        h = jax.nn.gelu(out + initial_input, approximate=False)
    return h

if __name__ == "__main__":
    import jax
    _d = setup_inputs()
    print(jax.jit(kernel)(*tuple(_d.values())))

</pallas_src>

<mosaic_0001>
#map = affine_map<(d0, d1) -> (0, 0)>
#map1 = affine_map<(d0, d1) -> (0, 0, 0, 0)>
#map2 = affine_map<(d0, d1) -> (0, 0, 0)>
module attributes {stable_mosaic.version = 14 : i64} {
  func.func @_sc_agg_linear(%arg0: i32, %arg1: i32, %arg2: memref<320000x128xf32, #tpu.memory_space<hbm>>, %arg3: memref<32x10x25x40xi32, #tpu.memory_space<hbm>>, %arg4: memref<2x10000x128xf32, #tpu.memory_space<hbm>>, %arg5: memref<2x25x40xi32, #tpu.memory_space<vmem>>, %arg6: memref<6x40x128xf32, #tpu.memory_space<vmem>>, %arg7: memref<16x128xf32, #tpu.memory_space<vmem>>, %arg8: memref<6x!tpu.dma_semaphore, #tpu.memory_space<semaphore_mem>>, %arg9: memref<6x!tpu.dma_semaphore, #tpu.memory_space<semaphore_mem>>, %arg10: memref<!tpu.dma_semaphore, #tpu.memory_space<semaphore_mem>>, %arg11: memref<!tpu.dma_semaphore, #tpu.memory_space<semaphore_mem>>, %arg12: memref<10000x128xf32, #tpu.memory_space<vmem_shared>>) attributes {dimension_semantics = [#tpu.dimension_semantics<core_parallel>, #tpu.dimension_semantics<subcore_parallel>], iteration_bounds = array<i64: 2, 16>, scalar_prefetch = 0 : i64, scratch_operands = 8 : i64, tpu.core_type = #tpu.core_type<sc_vector_subcore>, window_params = [{transform_indices = #map}, {transform_indices = #map1}, {transform_indices = #map2}]} {
    %mul3A = arith.constant 16 : i32
    %mul3A_0 = arith.muli %arg0, %mul3A : i32
    %add3A = arith.addi %mul3A_0, %arg1 : i32
    %mul3A_1 = arith.constant 10000 : i32
    %mul3A_2 = arith.muli %add3A, %mul3A_1 : i32
    %dma_start3A = arith.constant 0 : i32
    %dma_start3A_3 = arith.constant 0 : i32
    %dma_start3A_4 = arith.constant 0 : i32
    %dma_start3A_5 = arith.constant 0 : i32
    %dma_start3A_6 = tpu.memref_slice %arg5[%dma_start3A_3, %dma_start3A_4, %dma_start3A_5] : memref<2x25x40xi32, #tpu.memory_space<vmem>> -> memref<1x25x40xi32, #tpu.memory_space<vmem>>
    %dma_start3A_7 = tpu.memref_squeeze %dma_start3A_6 : memref<1x25x40xi32, #tpu.memory_space<vmem>> -> memref<25x40xi32, #tpu.memory_space<vmem>>
    %dma_start3A_8 = arith.constant 0 : i32
    %dma_start3A_9 = arith.constant 0 : i32
    %dma_start3A_10 = tpu.memref_slice %arg3[%add3A, %dma_start3A, %dma_start3A_8, %dma_start3A_9] : memref<32x10x25x40xi32, #tpu.memory_space<hbm>> -> memref<1x1x25x40xi32, #tpu.memory_space<hbm>>
    %dma_start3A_11 = tpu.memref_squeeze %dma_start3A_10 : memref<1x1x25x40xi32, #tpu.memory_space<hbm>> -> memref<25x40xi32, #tpu.memory_space<hbm>>
    %dma_start3A_12 = arith.constant 0 : i32
    %dma_start3A_13 = arith.constant 0 : i32
    %dma_start3A_14 = tpu.memref_slice %arg5[%dma_start3A_3, %dma_start3A_12, %dma_start3A_13] : memref<2x25x40xi32, #tpu.memory_space<vmem>> -> memref<1x25x40xi32, #tpu.memory_space<vmem>>
    %dma_start3A_15 = tpu.memref_squeeze %dma_start3A_14 : memref<1x25x40xi32, #tpu.memory_space<vmem>> -> memref<25x40xi32, #tpu.memory_space<vmem>>
    %dma_start3A_16 = arith.constant 0 : i32
    %dma_start3A_17 = arith.constant 0 : i32
    %dma_start3A_18 = tpu.memref_slice %arg3[%add3A, %dma_start3A, %dma_start3A_16, %dma_start3A_17] : memref<32x10x25x40xi32, #tpu.memory_space<hbm>> -> memref<1x1x25x40xi32, #tpu.memory_space<hbm>>
    %dma_start3A_19 = tpu.memref_squeeze %dma_start3A_18 : memref<1x1x25x40xi32, #tpu.memory_space<hbm>> -> memref<25x40xi32, #tpu.memory_space<hbm>>
    tpu.enqueue_dma source(%dma_start3A_19 : memref<25x40xi32, #tpu.memory_space<hbm>>) target(%dma_start3A_15 : memref<25x40xi32, #tpu.memory_space<vmem>>) target_semaphore(%arg11 : memref<!tpu.dma_semaphore, #tpu.memory_space<semaphore_mem>>)
    %dma_wait3A = arith.constant 0 : i32
    %dma_wait3A_20 = arith.constant 0 : i32
    %dma_wait3A_21 = arith.constant 0 : i32
    %dma_wait3A_22 = arith.constant 0 : i32
    %dma_wait3A_23 = tpu.memref_slice %arg5[%dma_wait3A_20, %dma_wait3A_21, %dma_wait3A_22] : memref<2x25x40xi32, #tpu.memory_space<vmem>> -> memref<1x25x40xi32, #tpu.memory_space<vmem>>
    %dma_wait3A_24 = tpu.memref_squeeze %dma_wait3A_23 : memref<1x25x40xi32, #tpu.memory_space<vmem>> -> memref<25x40xi32, #tpu.memory_space<vmem>>
    %dma_wait3A_25 = arith.constant 0 : i32
    %dma_wait3A_26 = arith.constant 0 : i32
    %dma_wait3A_27 = tpu.memref_slice %arg3[%add3A, %dma_wait3A, %dma_wait3A_25, %dma_wait3A_26] : memref<32x10x25x40xi32, #tpu.memory_space<hbm>> -> memref<1x1x25x40xi32, #tpu.memory_space<hbm>>
    %dma_wait3A_28 = tpu.memref_squeeze %dma_wait3A_27 : memref<1x1x25x40xi32, #tpu.memory_space<hbm>> -> memref<25x40xi32, #tpu.memory_space<hbm>>
    %dma_wait3A_29 = arith.constant 0 : i32
    %dma_wait3A_30 = arith.constant 0 : i32
    %dma_wait3A_31 = tpu.memref_slice %arg5[%dma_wait3A_20, %dma_wait3A_29, %dma_wait3A_30] : memref<2x25x40xi32, #tpu.memory_space<vmem>> -> memref<1x25x40xi32, #tpu.memory_space<vmem>>
    %dma_wait3A_32 = tpu.memref_squeeze %dma_wait3A_31 : memref<1x25x40xi32, #tpu.memory_space<vmem>> -> memref<25x40xi32, #tpu.memory_space<vmem>>
    %dma_wait3A_33 = arith.constant 0 : i32
    %dma_wait3A_34 = arith.constant 0 : i32
    %dma_wait3A_35 = tpu.memref_slice %arg3[%add3A, %dma_wait3A, %dma_wait3A_33, %dma_wait3A_34] : memref<32x10x25x40xi32, #tpu.memory_space<hbm>> -> memref<1x1x25x40xi32, #tpu.memory_space<hbm>>
    %dma_wait3A_36 = tpu.memref_squeeze %dma_wait3A_35 : memref<1x1x25x40xi32, #tpu.memory_space<hbm>> -> memref<25x40xi32, #tpu.memory_space<hbm>>
    tpu.wait_dma2 semaphore(%arg11 : memref<!tpu.dma_semaphore, #tpu.memory_space<semaphore_mem>>) src(%dma_wait3A_36 : memref<25x40xi32, #tpu.memory_space<hbm>>) dst(%dma_wait3A_32 : memref<25x40xi32, #tpu.memory_space<vmem>>)
    %add3A_37 = arith.constant 0 : i32
    %add3A_38 = arith.addi %mul3A_2, %add3A_37 : i32
    %dma_start3A_39 = arith.constant 0 : i32
    %dma_start3A_40 = arith.constant 0 : i32
    %dma_start3A_41 = arith.constant 0 : i32
    %dma_start3A_42 = arith.constant 0 : i32
    %dma_start3A_43 = tpu.memref_slice %arg6[%dma_start3A_39, %dma_start3A_41, %dma_start3A_42] : memref<6x40x128xf32, #tpu.memory_space<vmem>> -> memref<1x40x128xf32, #tpu.memory_space<vmem>>
    %dma_start3A_44 = tpu.memref_squeeze %dma_start3A_43 : memref<1x40x128xf32, #tpu.memory_space<vmem>> -> memref<40x128xf32, #tpu.memory_space<vmem>>
    %dma_start3A_45 = arith.constant 0 : i32
    %dma_start3A_46 = tpu.memref_slice %arg2[%add3A_38, %dma_start3A_45] : memref<320000x128xf32, #tpu.memory_space<hbm>> -> memref<40x128xf32, #tpu.memory_space<hbm>>
    %dma_start3A_47 = tpu.memref_slice %arg8[%dma_start3A_40] : memref<6x!tpu.dma_semaphore, #tpu.memory_space<semaphore_mem>> -> memref<1x!tpu.dma_semaphore, #tpu.memory_space<semaphore_mem>>
    %dma_start3A_48 = tpu.memref_squeeze %dma_start3A_47 : memref<1x!tpu.dma_semaphore, #tpu.memory_space<semaphore_mem>> -> memref<!tpu.dma_semaphore, #tpu.memory_space<semaphore_mem>>
    %dma_start3A_49 = arith.constant 0 : i32
    %dma_start3A_50 = arith.constant 0 : i32
    %dma_start3A_51 = tpu.memref_slice %arg6[%dma_start3A_39, %dma_start3A_49, %dma_start3A_50] : memref<6x40x128xf32, #tpu.memory_space<vmem>> -> memref<1x40x128xf32, #tpu.memory_space<vmem>>
    %dma_start3A_52 = tpu.memref_squeeze %dma_start3A_51 : memref<1x40x128xf32, #tpu.memory_space<vmem>> -> memref<40x128xf32, #tpu.memory_space<vmem>>
    %dma_start3A_53 = arith.constant 0 : i32
    %dma_start3A_54 = tpu.memref_slice %arg2[%add3A_38, %dma_start3A_53] : memref<320000x128xf32, #tpu.memory_space<hbm>> -> memref<40x128xf32, #tpu.memory_space<hbm>>
    tpu.enqueue_dma source(%dma_start3A_54 : memref<40x128xf32, #tpu.memory_space<hbm>>) target(%dma_start3A_52 : memref<40x128xf32, #tpu.memory_space<vmem>>) target_semaphore(%dma_start3A_48 : memref<!tpu.dma_semaphore, #tpu.memory_space<semaphore_mem>>)
    %add3A_55 = arith.constant 40 : i32
    %add3A_56 = arith.addi %mul3A_2, %add3A_55 : i32
    %dma_start3A_57 = arith.constant 1 : i32
    %dma_start3A_58 = arith.constant 1 : i32
    %dma_start3A_59 = arith.constant 0 : i32
    %dma_start3A_60 = arith.constant 0 : i32
    %dma_start3A_61 = tpu.memref_slice %arg6[%dma_start3A_57, %dma_start3A_59, %dma_start3A_60] : memref<6x40x128xf32, #tpu.memory_space<vmem>> -> memref<1x40x128xf32, #tpu.memory_space<vmem>>
    %dma_start3A_62 = tpu.memref_squeeze %dma_start3A_61 : memref<1x40x128xf32, #tpu.memory_space<vmem>> -> memref<40x128xf32, #tpu.memory_space<vmem>>
    %dma_start3A_63 = arith.constant 0 : i32
    %dma_start3A_64 = tpu.memref_slice %arg2[%add3A_56, %dma_start3A_63] : memref<320000x128xf32, #tpu.memory_space<hbm>> -> memref<40x128xf32, #tpu.memory_space<hbm>>
    %dma_start3A_65 = tpu.memref_slice %arg8[%dma_start3A_58] : memref<6x!tpu.dma_semaphore, #tpu.memory_space<semaphore_mem>> -> memref<1x!tpu.dma_semaphore, #tpu.memory_space<semaphore_mem>>
    %dma_start3A_66 = tpu.memref_squeeze %dma_start3A_65 : memref<1x!tpu.dma_semaphore, #tpu.memory_space<semaphore_mem>> -> memref<!tpu.dma_semaphore, #tpu.memory_space<semaphore_mem>>
    %dma_start3A_67 = arith.constant 0 : i32
    %dma_start3A_68 = arith.constant 0 : i32
    %dma_start3A_69 = tpu.memref_slice %arg6[%dma_start3A_57, %dma_start3A_67, %dma_start3A_68] : memref<6x40x128xf32, #tpu.memory_space<vmem>> -> memref<1x40x128xf32, #tpu.memory_space<vmem>>
    %dma_start3A_70 = tpu.memref_squeeze %dma_start3A_69 : memref<1x40x128xf32, #tpu.memory_space<vmem>> -> memref<40x128xf32, #tpu.memory_space<vmem>>
    %dma_start3A_71 = arith.constant 0 : i32
    %dma_start3A_72 = tpu.memref_slice %arg2[%add3A_56, %dma_start3A_71] : memref<320000x128xf32, #tpu.memory_space<hbm>> -> memref<40x128xf32, #tpu.memory_space<hbm>>
    tpu.enqueue_dma source(%dma_start3A_72 : memref<40x128xf32, #tpu.memory_space<hbm>>) target(%dma_start3A_70 : memref<40x128xf32, #tpu.memory_space<vmem>>) target_semaphore(%dma_start3A_66 : memref<!tpu.dma_semaphore, #tpu.memory_space<semaphore_mem>>)
    %add3A_73 = arith.constant 80 : i32
    %add3A_74 = arith.addi %mul3A_2, %add3A_73 : i32
    %dma_start3A_75 = arith.constant 2 : i32
    %dma_start3A_76 = arith.constant 2 : i32
    %dma_start3A_77 = arith.constant 0 : i32
    %dma_start3A_78 = arith.constant 0 : i32
    %dma_start3A_79 = tpu.memref_slice %arg6[%dma_start3A_75, %dma_start3A_77, %dma_start3A_78] : memref<6x40x128xf32, #tpu.memory_space<vmem>> -> memref<1x40x128xf32, #tpu.memory_space<vmem>>
    %dma_start3A_80 = tpu.memref_squeeze %dma_start3A_79 : memref<1x40x128xf32, #tpu.memory_space<vmem>> -> memref<40x128xf32, #tpu.memory_space<vmem>>
    %dma_start3A_81 = arith.constant 0 : i32
    %dma_start3A_82 = tpu.memref_slice %arg2[%add3A_74, %dma_start3A_81] : memref<320000x128xf32, #tpu.memory_space<hbm>> -> memref<40x128xf32, #tpu.memory_space<hbm>>
    %dma_start3A_83 = tpu.memref_slice %arg8[%dma_start3A_76] : memref<6x!tpu.dma_semaphore, #tpu.memory_space<semaphore_mem>> -> memref<1x!tpu.dma_semaphore, #tpu.memory_space<semaphore_mem>>
    %dma_start3A_84 = tpu.memref_squeeze %dma_start3A_83 : memref<1x!tpu.dma_semaphore, #tpu.memory_space<semaphore_mem>> -> memref<!tpu.dma_semaphore, #tpu.memory_space<semaphore_mem>>
    %dma_start3A_85 = arith.constant 0 : i32
    %dma_start3A_86 = arith.constant 0 : i32
    %dma_start3A_87 = tpu.memref_slice %arg6[%dma_start3A_75, %dma_start3A_85, %dma_start3A_86] : memref<6x40x128xf32, #tpu.memory_space<vmem>> -> memref<1x40x128xf32, #tpu.memory_space<vmem>>
    %dma_start3A_88 = tpu.memref_squeeze %dma_start3A_87 : memref<1x40x128xf32, #tpu.memory_space<vmem>> -> memref<40x128xf32, #tpu.memory_space<vmem>>
    %dma_start3A_89 = arith.constant 0 : i32
    %dma_start3A_90 = tpu.memref_slice %arg2[%add3A_74, %dma_start3A_89] : memref<320000x128xf32, #tpu.memory_space<hbm>> -> memref<40x128xf32, #tpu.memory_space<hbm>>
    tpu.enqueue_dma source(%dma_start3A_90 : memref<40x128xf32, #tpu.memory_space<hbm>>) target(%dma_start3A_88 : memref<40x128xf32, #tpu.memory_space<vmem>>) target_semaphore(%dma_start3A_84 : memref<!tpu.dma_semaphore, #tpu.memory_space<semaphore_mem>>)
    %add3A_91 = arith.constant 120 : i32
    %add3A_92 = arith.addi %mul3A_2, %add3A_91 : i32
    %dma_start3A_93 = arith.constant 3 : i32
    %dma_start3A_94 = arith.constant 3 : i32
    %dma_start3A_95 = arith.constant 0 : i32
    %dma_start3A_96 = arith.constant 0 : i32
    %dma_start3A_97 = tpu.memref_slice %arg6[%dma_start3A_93, %dma_start3A_95, %dma_start3A_96] : memref<6x40x128xf32, #tpu.memory_space<vmem>> -> memref<1x40x128xf32, #tpu.memory_space<vmem>>
    %dma_start3A_98 = tpu.memref_squeeze %dma_start3A_97 : memref<1x40x128xf32, #tpu.memory_space<vmem>> -> memref<40x128xf32, #tpu.memory_space<vmem>>
    %dma_start3A_99 = arith.constant 0 : i32
    %dma_start3A_100 = tpu.memref_slice %arg2[%add3A_92, %dma_start3A_99] : memref<320000x128xf32, #tpu.memory_space<hbm>> -> memref<40x128xf32, #tpu.memory_space<hbm>>
    %dma_start3A_101 = tpu.memref_slice %arg8[%dma_start3A_94] : memref<6x!tpu.dma_semaphore, #tpu.memory_space<semaphore_mem>> -> memref<1x!tpu.dma_semaphore, #tpu.memory_space<semaphore_mem>>
    %dma_start3A_102 = tpu.memref_squeeze %dma_start3A_101 : memref<1x!tpu.dma_semaphore, #tpu.memory_space<semaphore_mem>> -> memref<!tpu.dma_semaphore, #tpu.memory_space<semaphore_mem>>
    %dma_start3A_103 = arith.constant 0 : i32
    %dma_start3A_104 = arith.constant 0 : i32
    %dma_start3A_105 = tpu.memref_slice %arg6[%dma_start3A_93, %dma_start3A_103, %dma_start3A_104] : memref<6x40x128xf32, #tpu.memory_space<vmem>> -> memref<1x40x128xf32, #tpu.memory_space<vmem>>
    %dma_start3A_106 = tpu.memref_squeeze %dma_start3A_105 : memref<1x40x128xf32, #tpu.memory_space<vmem>> -> memref<40x128xf32, #tpu.memory_space<vmem>>
    %dma_start3A_107 = arith.constant 0 : i32
    %dma_start3A_108 = tpu.memref_slice %arg2[%add3A_92, %dma_start3A_107] : memref<320000x128xf32, #tpu.memory_space<hbm>> -> memref<40x128xf32, #tpu.memory_space<hbm>>
    tpu.enqueue_dma source(%dma_start3A_108 : memref<40x128xf32, #tpu.memory_space<hbm>>) target(%dma_start3A_106 : memref<40x128xf32, #tpu.memory_space<vmem>>) target_semaphore(%dma_start3A_102 : memref<!tpu.dma_semaphore, #tpu.memory_space<semaphore_mem>>)
    %add3A_109 = arith.constant 160 : i32
    %add3A_110 = arith.addi %mul3A_2, %add3A_109 : i32
    %dma_start3A_111 = arith.constant 4 : i32
    %dma_start3A_112 = arith.constant 4 : i32
    %dma_start3A_113 = arith.constant 0 : i32
    %dma_start3A_114 = arith.constant 0 : i32
    %dma_start3A_115 = tpu.memref_slice %arg6[%dma_start3A_111, %dma_start3A_113, %dma_start3A_114] : memref<6x40x128xf32, #tpu.memory_space<vmem>> -> memref<1x40x128xf32, #tpu.memory_space<vmem>>
    %dma_start3A_116 = tpu.memref_squeeze %dma_start3A_115 : memref<1x40x128xf32, #tpu.memory_space<vmem>> -> memref<40x128xf32, #tpu.memory_space<vmem>>
    %dma_start3A_117 = arith.constant 0 : i32
    %dma_start3A_118 = tpu.memref_slice %arg2[%add3A_110, %dma_start3A_117] : memref<320000x128xf32, #tpu.memory_space<hbm>> -> memref<40x128xf32, #tpu.memory_space<hbm>>
    %dma_start3A_119 = tpu.memref_slice %arg8[%dma_start3A_112] : memref<6x!tpu.dma_semaphore, #tpu.memory_space<semaphore_mem>> -> memref<1x!tpu.dma_semaphore, #tpu.memory_space<semaphore_mem>>
    %dma_start3A_120 = tpu.memref_squeeze %dma_start3A_119 : memref<1x!tpu.dma_semaphore, #tpu.memory_space<semaphore_mem>> -> memref<!tpu.dma_semaphore, #tpu.memory_space<semaphore_mem>>
    %dma_start3A_121 = arith.constant 0 : i32
    %dma_start3A_122 = arith.constant 0 : i32
    %dma_start3A_123 = tpu.memref_slice %arg6[%dma_start3A_111, %dma_start3A_121, %dma_start3A_122] : memref<6x40x128xf32, #tpu.memory_space<vmem>> -> memref<1x40x128xf32, #tpu.memory_space<vmem>>
    %dma_start3A_124 = tpu.memref_squeeze %dma_start3A_123 : memref<1x40x128xf32, #tpu.memory_space<vmem>> -> memref<40x128xf32, #tpu.memory_space<vmem>>
    %dma_start3A_125 = arith.constant 0 : i32
    %dma_start3A_126 = tpu.memref_slice %arg2[%add3A_110, %dma_start3A_125] : memref<320000x128xf32, #tpu.memory_space<hbm>> -> memref<40x128xf32, #tpu.memory_space<hbm>>
    tpu.enqueue_dma source(%dma_start3A_126 : memref<40x128xf32, #tpu.memory_space<hbm>>) target(%dma_start3A_124 : memref<40x128xf32, #tpu.memory_space<vmem>>) target_semaphore(%dma_start3A_120 : memref<!tpu.dma_semaphore, #tpu.memory_space<semaphore_mem>>)
    %scan3A = arith.constant 0 : i32
    %scan3A_127 = arith.constant 0 : i32
    %scan3A_128 = arith.constant 128 : i32
    %scan3A_129 = arith.addi %scan3A_127, %scan3A_128 : i32
    %scan3A_130 = arith.constant 1 : i32
    scf.for %scan3A_708 = %scan3A_127 to %scan3A_129 step %scan3A_130  : i32 {
      %jit3A_709 = arith.constant 8 : i32
      %div3A = arith.divsi %scan3A_708, %jit3A_709 : i32
      %sign3A = arith.constant 0 : i32
      %sign3A_710 = arith.cmpi sgt, %scan3A_708, %sign3A : i32
      %sign3A_711 = arith.extui %sign3A_710 : i1 to i32
      %sign3A_712 = arith.constant 0 : i32
      %sign3A_713 = arith.cmpi slt, %scan3A_708, %sign3A_712 : i32
      %sign3A_714 = arith.extui %sign3A_713 : i1 to i32
      %sign3A_715 = arith.subi %sign3A_711, %sign3A_714 : i32
      %sign3A_716 = arith.constant 0 : i32
      %sign3A_717 = arith.cmpi sgt, %jit3A_709, %sign3A_716 : i32
      %sign3A_718 = arith.extui %sign3A_717 : i1 to i32
      %sign3A_719 = arith.constant 0 : i32
      %sign3A_720 = arith.cmpi slt, %jit3A_709, %sign3A_719 : i32
      %sign3A_721 = arith.extui %sign3A_720 : i1 to i32
      %sign3A_722 = arith.subi %sign3A_718, %sign3A_721 : i32
      %ne3A = arith.cmpi ne, %sign3A_715, %sign3A_722 : i32
      %rem3A = arith.remsi %scan3A_708, %jit3A_709 : i32
      %ne3A_723 = arith.constant 0 : i32
      %ne3A_724 = arith.cmpi ne, %rem3A, %ne3A_723 : i32
      %and3A = arith.andi %ne3A, %ne3A_724 : i1
      %sub3A = arith.constant 1 : i32
      %sub3A_725 = arith.subi %div3A, %sub3A : i32
      %select_n3A_726 = arith.select %and3A, %sub3A_725, %div3A : i32
      %jit3A_727 = arith.constant 8 : i32
      %eq3A_728 = arith.constant 0 : i32
      %eq3A_729 = arith.cmpi eq, %jit3A_727, %eq3A_728 : i32
      %jit3A_730 = arith.constant 1 : i32
      %select_n3A_731 = arith.select %eq3A_729, %jit3A_730, %jit3A_727 : i32
      %rem3A_732 = arith.remsi %scan3A_708, %select_n3A_731 : i32
      %ne3A_733 = arith.constant 0 : i32
      %ne3A_734 = arith.cmpi ne, %rem3A_732, %ne3A_733 : i32
      %lt3A = arith.constant 0 : i32
      %lt3A_735 = arith.cmpi slt, %rem3A_732, %lt3A : i32
      %lt3A_736 = arith.constant 0 : i32
      %lt3A_737 = arith.cmpi slt, %select_n3A_731, %lt3A_736 : i32
      %ne3A_738 = arith.xori %lt3A_735, %lt3A_737 : i1
      %and3A_739 = arith.andi %ne3A_738, %ne3A_734 : i1
      %add3A_740 = arith.addi %rem3A_732, %select_n3A_731 : i32
      %select_n3A_741 = arith.select %and3A_739, %add3A_740, %rem3A_732 : i32
      %broadcast_in_dim3A = arith.constant 0.000000e+00 : f32
      %broadcast_in_dim3A_742 = vector.broadcast %broadcast_in_dim3A : f32 to vector<16xf32>
      %mul3A_743 = arith.constant 16 : i32
      %mul3A_744 = arith.muli %select_n3A_741, %mul3A_743 : i32
      %swap3A = arith.index_cast %select_n3A_726 : i32 to index
      %swap3A_745 = arith.index_cast %mul3A_744 : i32 to index
      %swap3A_746 = tpu.vector_load %arg7[%swap3A, %swap3A_745] {strides = array<i32>} : memref<16x128xf32, #tpu.memory_space<vmem>>, vector<1x16xf32>,
      %swap3A_747 = vector.shape_cast %swap3A_746 : vector<1x16xf32> to vector<16xf32>
      %swap3A_748 = vector.shape_cast %broadcast_in_dim3A_742 : vector<16xf32> to vector<1x16xf32>
      tpu.vector_store %arg7[%swap3A, %swap3A_745], %swap3A_748 {strides = array<i32>} : memref<16x128xf32, #tpu.memory_space<vmem>>, vector<1x16xf32>,
    }
    %scan3A_131 = arith.constant 128 : i32
    %eq3A = arith.constant 15 : i32
    %eq3A_132 = arith.cmpi eq, %arg1, %eq3A : i32
    %mul3A_133 = arith.constant 640 : i32
    %mul3A_134 = arith.muli %arg1, %mul3A_133 : i32
    %jit3A = arith.constant 9360 : i32
    %select_n3A = arith.select %eq3A_132, %jit3A, %mul3A_134 : i32
    %add3A_135 = arith.constant 0 : i32
    %add3A_136 = arith.addi %select_n3A, %add3A_135 : i32
    %dma_start3A_137 = arith.constant 0 : i32
    %dma_start3A_138 = tpu.memref_slice %arg12[%add3A_136, %dma_start3A_137] : memref<10000x128xf32, #tpu.memory_space<vmem_shared>> -> memref<16x128xf32, #tpu.memory_space<vmem_shared>>
    %dma_start3A_139 = arith.constant 0 : i32
    %dma_start3A_140 = tpu.memref_slice %arg12[%add3A_136, %dma_start3A_139] : memref<10000x128xf32, #tpu.memory_space<vmem_shared>> -> memref<16x128xf32, #tpu.memory_space<vmem_shared>>
    tpu.enqueue_dma source(%arg7 : memref<16x128xf32, #tpu.memory_space<vmem>>) target(%dma_start3A_140 : memref<16x128xf32, #tpu.memory_space<vmem_shared>>) target_semaphore(%arg10 : memref<!tpu.dma_semaphore, #tpu.memory_space<semaphore_mem>>)
    %add3A_141 = arith.constant 16 : i32
    %add3A_142 = arith.addi %select_n3A, %add3A_141 : i32
    %dma_start3A_143 = arith.constant 0 : i32
    %dma_start3A_144 = tpu.memref_slice %arg12[%add3A_142, %dma_start3A_143] : memref<10000x128xf32, #tpu.memory_space<vmem_shared>> -> memref<16x128xf32, #tpu.memory_space<vmem_shared>>
    %dma_start3A_145 = arith.constant 0 : i32
    %dma_start3A_146 = tpu.memref_slice %arg12[%add3A_142, %dma_start3A_145] : memref<10000x128xf32, #tpu.memory_space<vmem_shared>> -> memref<16x128xf32, #tpu.memory_space<vmem_shared>>
    tpu.enqueue_dma source(%arg7 : memref<16x128xf32, #tpu.memory_space<vmem>>) target(%dma_start3A_146 : memref<16x128xf32, #tpu.memory_space<vmem_shared>>) target_semaphore(%arg10 : memref<!tpu.dma_semaphore, #tpu.memory_space<semaphore_mem>>)
    %add3A_147 = arith.constant 32 : i32
    %add3A_148 = arith.addi %select_n3A, %add3A_147 : i32
    %dma_start3A_149 = arith.constant 0 : i32
    %dma_start3A_150 = tpu.memref_slice %arg12[%add3A_148, %dma_start3A_149] : memref<10000x128xf32, #tpu.memory_space<vmem_shared>> -> memref<16x128xf32, #tpu.memory_space<vmem_shared>>
    %dma_start3A_151 = arith.constant 0 : i32
    %dma_start3A_152 = tpu.memref_slice %arg12[%add3A_148, %dma_start3A_151] : memref<10000x128xf32, #tpu.memory_space<vmem_shared>> -> memref<16x128xf32, #tpu.memory_space<vmem_shared>>
    tpu.enqueue_dma source(%arg7 : memref<16x128xf32, #tpu.memory_space<vmem>>) target(%dma_start3A_152 : memref<16x128xf32, #tpu.memory_space<vmem_shared>>) target_semaphore(%arg10 : memref<!tpu.dma_semaphore, #tpu.memory_space<semaphore_mem>>)
    %add3A_153 = arith.constant 48 : i32
    %add3A_154 = arith.addi %select_n3A, %add3A_153 : i32
    %dma_start3A_155 = arith.constant 0 : i32
    %dma_start3A_156 = tpu.memref_slice %arg12[%add3A_154, %dma_start3A_155] : memref<10000x128xf32, #tpu.memory_space<vmem_shared>> -> memref<16x128xf32, #tpu.memory_space<vmem_shared>>
    %dma_start3A_157 = arith.constant 0 : i32
    %dma_start3A_158 = tpu.memref_slice %arg12[%add3A_154, %dma_start3A_157] : memref<10000x128xf32, #tpu.memory_space<vmem_shared>> -> memref<16x128xf32, #tpu.memory_space<vmem_shared>>
    tpu.enqueue_dma source(%arg7 : memref<16x128xf32, #tpu.memory_space<vmem>>) target(%dma_start3A_158 : memref<16x128xf32, #tpu.memory_space<vmem_shared>>) target_semaphore(%arg10 : memref<!tpu.dma_semaphore, #tpu.memory_space<semaphore_mem>>)
    %add3A_159 = arith.constant 64 : i32
    %add3A_160 = arith.addi %select_n3A, %add3A_159 : i32
    %dma_start3A_161 = arith.constant 0 : i32
    %dma_start3A_162 = tpu.memref_slice %arg12[%add3A_160, %dma_start3A_161] : memref<10000x128xf32, #tpu.memory_space<vmem_shared>> -> memref<16x128xf32, #tpu.memory_space<vmem_shared>>
    %dma_start3A_163 = arith.constant 0 : i32
    %dma_start3A_164 = tpu.memref_slice %arg12[%add3A_160, %dma_start3A_163] : memref<10000x128xf32, #tpu.memory_space<vmem_shared>> -> memref<16x128xf32, #tpu.memory_space<vmem_shared>>
    tpu.enqueue_dma source(%arg7 : memref<16x128xf32, #tpu.memory_space<vmem>>) target(%dma_start3A_164 : memref<16x128xf32, #tpu.memory_space<vmem_shared>>) target_semaphore(%arg10 : memref<!tpu.dma_semaphore, #tpu.memory_space<semaphore_mem>>)
    %add3A_165 = arith.constant 80 : i32
    %add3A_166 = arith.addi %select_n3A, %add3A_165 : i32
    %dma_start3A_167 = arith.constant 0 : i32
    %dma_start3A_168 = tpu.memref_slice %arg12[%add3A_166, %dma_start3A_167] : memref<10000x128xf32, #tpu.memory_space<vmem_shared>> -> memref<16x128xf32, #tpu.memory_space<vmem_shared>>
    %dma_start3A_169 = arith.constant 0 : i32
    %dma_start3A_170 = tpu.memref_slice %arg12[%add3A_166, %dma_start3A_169] : memref<10000x128xf32, #tpu.memory_space<vmem_shared>> -> memref<16x128xf32, #tpu.memory_space<vmem_shared>>
    tpu.enqueue_dma source(%arg7 : memref<16x128xf32, #tpu.memory_space<vmem>>) target(%dma_start3A_170 : memref<16x128xf32, #tpu.memory_space<vmem_shared>>) target_semaphore(%arg10 : memref<!tpu.dma_semaphore, #tpu.memory_space<semaphore_mem>>)
    %add3A_171 = arith.constant 96 : i32
    %add3A_172 = arith.addi %select_n3A, %add3A_171 : i32
    %dma_start3A_173 = arith.constant 0 : i32
    %dma_start3A_174 = tpu.memref_slice %arg12[%add3A_172, %dma_start3A_173] : memref<10000x128xf32, #tpu.memory_space<vmem_shared>> -> memref<16x128xf32, #tpu.memory_space<vmem_shared>>
    %dma_start3A_175 = arith.constant 0 : i32
    %dma_start3A_176 = tpu.memref_slice %arg12[%add3A_172, %dma_start3A_175] : memref<10000x128xf32, #tpu.memory_space<vmem_shared>> -> memref<16x128xf32, #tpu.memory_space<vmem_shared>>
    tpu.enqueue_dma source(%arg7 : memref<16x128xf32, #tpu.memory_space<vmem>>) target(%dma_start3A_176 : memref<16x128xf32, #tpu.memory_space<vmem_shared>>) target_semaphore(%arg10 : memref<!tpu.dma_semaphore, #tpu.memory_space<semaphore_mem>>)
    %add3A_177 = arith.constant 112 : i32
    %add3A_178 = arith.addi %select_n3A, %add3A_177 : i32
    %dma_start3A_179 = arith.constant 0 : i32
    %dma_start3A_180 = tpu.memref_slice %arg12[%add3A_178, %dma_start3A_179] : memref<10000x128xf32, #tpu.memory_space<vmem_shared>> -> memref<16x128xf32, #tpu.memory_space<vmem_shared>>
    %dma_start3A_181 = arith.constant 0 : i32
    %dma_start3A_182 = tpu.memref_slice %arg12[%add3A_178, %dma_start3A_181] : memref<10000x128xf32, #tpu.memory_space<vmem_shared>> -> memref<16x128xf32, #tpu.memory_space<vmem_shared>>
    tpu.enqueue_dma source(%arg7 : memref<16x128xf32, #tpu.memory_space<vmem>>) target(%dma_start3A_182 : memref<16x128xf32, #tpu.memory_space<vmem_shared>>) target_semaphore(%arg10 : memref<!tpu.dma_semaphore, #tpu.memory_space<semaphore_mem>>)
    %add3A_183 = arith.constant 128 : i32
    %add3A_184 = arith.addi %select_n3A, %add3A_183 : i32
    %dma_start3A_185 = arith.constant 0 : i32
    %dma_start3A_186 = tpu.memref_slice %arg12[%add3A_184, %dma_start3A_185] : memref<10000x128xf32, #tpu.memory_space<vmem_shared>> -> memref<16x128xf32, #tpu.memory_space<vmem_shared>>
    %dma_start3A_187 = arith.constant 0 : i32
    %dma_start3A_188 = tpu.memref_slice %arg12[%add3A_184, %dma_start3A_187] : memref<10000x128xf32, #tpu.memory_space<vmem_shared>> -> memref<16x128xf32, #tpu.memory_space<vmem_shared>>
    tpu.enqueue_dma source(%arg7 : memref<16x128xf32, #tpu.memory_space<vmem>>) target(%dma_start3A_188 : memref<16x128xf32, #tpu.memory_space<vmem_shared>>) target_semaphore(%arg10 : memref<!tpu.dma_semaphore, #tpu.memory_space<semaphore_mem>>)
    %add3A_189 = arith.constant 144 : i32
    %add3A_190 = arith.addi %select_n3A, %add3A_189 : i32
    %dma_start3A_191 = arith.constant 0 : i32
    %dma_start3A_192 = tpu.memref_slice %arg12[%add3A_190, %dma_start3A_191] : memref<10000x128xf32, #tpu.memory_space<vmem_shared>> -> memref<16x128xf32, #tpu.memory_space<vmem_shared>>
    %dma_start3A_193 = arith.constant 0 : i32
    %dma_start3A_194 = tpu.memref_slice %arg12[%add3A_190, %dma_start3A_193] : memref<10000x128xf32, #tpu.memory_space<vmem_shared>> -> memref<16x128xf32, #tpu.memory_space<vmem_shared>>
    tpu.enqueue_dma source(%arg7 : memref<16x128xf32, #tpu.memory_space<vmem>>) target(%dma_start3A_194 : memref<16x128xf32, #tpu.memory_space<vmem_shared>>) target_semaphore(%arg10 : memref<!tpu.dma_semaphore, #tpu.memory_space<semaphore_mem>>)
    %add3A_195 = arith.constant 160 : i32
    %add3A_196 = arith.addi %select_n3A, %add3A_195 : i32
    %dma_start3A_197 = arith.constant 0 : i32
    %dma_start3A_198 = tpu.memref_slice %arg12[%add3A_196, %dma_start3A_197] : memref<10000x128xf32, #tpu.memory_space<vmem_shared>> -> memref<16x128xf32, #tpu.memory_space<vmem_shared>>
    %dma_start3A_199 = arith.constant 0 : i32
    %dma_start3A_200 = tpu.memref_slice %arg12[%add3A_196, %dma_start3A_199] : memref<10000x128xf32, #tpu.memory_space<vmem_shared>> -> memref<16x128xf32, #tpu.memory_space<vmem_shared>>
    tpu.enqueue_dma source(%arg7 : memref<16x128xf32, #tpu.memory_space<vmem>>) target(%dma_start3A_200 : memref<16x128xf32, #tpu.memory_space<vmem_shared>>) target_semaphore(%arg10 : memref<!tpu.dma_semaphore, #tpu.memory_space<semaphore_mem>>)
    %add3A_201 = arith.constant 176 : i32
    %add3A_202 = arith.addi %select_n3A, %add3A_201 : i32
    %dma_start3A_203 = arith.constant 0 : i32
    %dma_start3A_204 = tpu.memref_slice %arg12[%add3A_202, %dma_start3A_203] : memref<10000x128xf32, #tpu.memory_space<vmem_shared>> -> memref<16x128xf32, #tpu.memory_space<vmem_shared>>
    %dma_start3A_205 = arith.constant 0 : i32
    %dma_start3A_206 = tpu.memref_slice %arg12[%add3A_202, %dma_start3A_205] : memref<10000x128xf32, #tpu.memory_space<vmem_shared>> -> memref<16x128xf32, #tpu.memory_space<vmem_shared>>
    tpu.enqueue_dma source(%arg7 : memref<16x128xf32, #tpu.memory_space<vmem>>) target(%dma_start3A_206 : memref<16x128xf32, #tpu.memory_space<vmem_shared>>) target_semaphore(%arg10 : memref<!tpu.dma_semaphore, #tpu.memory_space<semaphore_mem>>)
    %add3A_207 = arith.constant 192 : i32
    %add3A_208 = arith.addi %select_n3A, %add3A_207 : i32
    %dma_start3A_209 = arith.constant 0 : i32
    %dma_start3A_210 = tpu.memref_slice %arg12[%add3A_208, %dma_start3A_209] : memref<10000x128xf32, #tpu.memory_space<vmem_shared>> -> memref<16x128xf32, #tpu.memory_space<vmem_shared>>
    %dma_start3A_211 = arith.constant 0 : i32
    %dma_start3A_212 = tpu.memref_slice %arg12[%add3A_208, %dma_start3A_211] : memref<10000x128xf32, #tpu.memory_space<vmem_shared>> -> memref<16x128xf32, #tpu.memory_space<vmem_shared>>
    tpu.enqueue_dma source(%arg7 : memref<16x128xf32, #tpu.memory_space<vmem>>) target(%dma_start3A_212 : memref<16x128xf32, #tpu.memory_space<vmem_shared>>) target_semaphore(%arg10 : memref<!tpu.dma_semaphore, #tpu.memory_space<semaphore_mem>>)
    %add3A_213 = arith.constant 208 : i32
    %add3A_214 = arith.addi %select_n3A, %add3A_213 : i32
    %dma_start3A_215 = arith.constant 0 : i32
    %dma_start3A_216 = tpu.memref_slice %arg12[%add3A_214, %dma_start3A_215] : memref<10000x128xf32, #tpu.memory_space<vmem_shared>> -> memref<16x128xf32, #tpu.memory_space<vmem_shared>>
    %dma_start3A_217 = arith.constant 0 : i32
    %dma_start3A_218 = tpu.memref_slice %arg12[%add3A_214, %dma_start3A_217] : memref<10000x128xf32, #tpu.memory_space<vmem_shared>> -> memref<16x128xf32, #tpu.memory_space<vmem_shared>>
    tpu.enqueue_dma source(%arg7 : memref<16x128xf32, #tpu.memory_space<vmem>>) target(%dma_start3A_218 : memref<16x128xf32, #tpu.memory_space<vmem_shared>>) target_semaphore(%arg10 : memref<!tpu.dma_semaphore, #tpu.memory_space<semaphore_mem>>)
    %add3A_219 = arith.constant 224 : i32
    %add3A_220 = arith.addi %select_n3A, %add3A_219 : i32
    %dma_start3A_221 = arith.constant 0 : i32
    %dma_start3A_222 = tpu.memref_slice %arg12[%add3A_220, %dma_start3A_221] : memref<10000x128xf32, #tpu.memory_space<vmem_shared>> -> memref<16x128xf32, #tpu.memory_space<vmem_shared>>
    %dma_start3A_223 = arith.constant 0 : i32
    %dma_start3A_224 = tpu.memref_slice %arg12[%add3A_220, %dma_start3A_223] : memref<10000x128xf32, #tpu.memory_space<vmem_shared>> -> memref<16x128xf32, #tpu.memory_space<vmem_shared>>
    tpu.enqueue_dma source(%arg7 : memref<16x128xf32, #tpu.memory_space<vmem>>) target(%dma_start3A_224 : memref<16x128xf32, #tpu.memory_space<vmem_shared>>) target_semaphore(%arg10 : memref<!tpu.dma_semaphore, #tpu.memory_space<semaphore_mem>>)
    %add3A_225 = arith.constant 240 : i32
    %add3A_226 = arith.addi %select_n3A, %add3A_225 : i32
    %dma_start3A_227 = arith.constant 0 : i32
    %dma_start3A_228 = tpu.memref_slice %arg12[%add3A_226, %dma_start3A_227] : memref<10000x128xf32, #tpu.memory_space<vmem_shared>> -> memref<16x128xf32, #tpu.memory_space<vmem_shared>>
    %dma_start3A_229 = arith.constant 0 : i32
    %dma_start3A_230 = tpu.memref_slice %arg12[%add3A_226, %dma_start3A_229] : memref<10000x128xf32, #tpu.memory_space<vmem_shared>> -> memref<16x128xf32, #tpu.memory_space<vmem_shared>>
    tpu.enqueue_dma source(%arg7 : memref<16x128xf32, #tpu.memory_space<vmem>>) target(%dma_start3A_230 : memref<16x128xf32, #tpu.memory_space<vmem_shared>>) target_semaphore(%arg10 : memref<!tpu.dma_semaphore, #tpu.memory_space<semaphore_mem>>)
    %add3A_231 = arith.constant 256 : i32
    %add3A_232 = arith.addi %select_n3A, %add3A_231 : i32
    %dma_start3A_233 = arith.constant 0 : i32
    %dma_start3A_234 = tpu.memref_slice %arg12[%add3A_232, %dma_start3A_233] : memref<10000x128xf32, #tpu.memory_space<vmem_shared>> -> memref<16x128xf32, #tpu.memory_space<vmem_shared>>
    %dma_start3A_235 = arith.constant 0 : i32
    %dma_start3A_236 = tpu.memref_slice %arg12[%add3A_232, %dma_start3A_235] : memref<10000x128xf32, #tpu.memory_space<vmem_shared>> -> memref<16x128xf32, #tpu.memory_space<vmem_shared>>
    tpu.enqueue_dma source(%arg7 : memref<16x128xf32, #tpu.memory_space<vmem>>) target(%dma_start3A_236 : memref<16x128xf32, #tpu.memory_space<vmem_shared>>) target_semaphore(%arg10 : memref<!tpu.dma_semaphore, #tpu.memory_space<semaphore_mem>>)
    %add3A_237 = arith.constant 272 : i32
    %add3A_238 = arith.addi %select_n3A, %add3A_237 : i32
    %dma_start3A_239 = arith.constant 0 : i32
    %dma_start3A_240 = tpu.memref_slice %arg12[%add3A_238, %dma_start3A_239] : memref<10000x128xf32, #tpu.memory_space<vmem_shared>> -> memref<16x128xf32, #tpu.memory_space<vmem_shared>>
    %dma_start3A_241 = arith.constant 0 : i32
    %dma_start3A_242 = tpu.memref_slice %arg12[%add3A_238, %dma_start3A_241] : memref<10000x128xf32, #tpu.memory_space<vmem_shared>> -> memref<16x128xf32, #tpu.memory_space<vmem_shared>>
    tpu.enqueue_dma source(%arg7 : memref<16x128xf32, #tpu.memory_space<vmem>>) target(%dma_start3A_242 : memref<16x128xf32, #tpu.memory_space<vmem_shared>>) target_semaphore(%arg10 : memref<!tpu.dma_semaphore, #tpu.memory_space<semaphore_mem>>)
    %add3A_243 = arith.constant 288 : i32
    %add3A_244 = arith.addi %select_n3A, %add3A_243 : i32
    %dma_start3A_245 = arith.constant 0 : i32
    %dma_start3A_246 = tpu.memref_slice %arg12[%add3A_244, %dma_start3A_245] : memref<10000x128xf32, #tpu.memory_space<vmem_shared>> -> memref<16x128xf32, #tpu.memory_space<vmem_shared>>
    %dma_start3A_247 = arith.constant 0 : i32
    %dma_start3A_248 = tpu.memref_slice %arg12[%add3A_244, %dma_start3A_247] : memref<10000x128xf32, #tpu.memory_space<vmem_shared>> -> memref<16x128xf32, #tpu.memory_space<vmem_shared>>
    tpu.enqueue_dma source(%arg7 : memref<16x128xf32, #tpu.memory_space<vmem>>) target(%dma_start3A_248 : memref<16x128xf32, #tpu.memory_space<vmem_shared>>) target_semaphore(%arg10 : memref<!tpu.dma_semaphore, #tpu.memory_space<semaphore_mem>>)
    %add3A_249 = arith.constant 304 : i32
    %add3A_250 = arith.addi %select_n3A, %add3A_249 : i32
    %dma_start3A_251 = arith.constant 0 : i32
    %dma_start3A_252 = tpu.memref_slice %arg12[%add3A_250, %dma_start3A_251] : memref<10000x128xf32, #tpu.memory_space<vmem_shared>> -> memref<16x128xf32, #tpu.memory_space<vmem_shared>>
    %dma_start3A_253 = arith.constant 0 : i32
    %dma_start3A_254 = tpu.memref_slice %arg12[%add3A_250, %dma_start3A_253] : memref<10000x128xf32, #tpu.memory_space<vmem_shared>> -> memref<16x128xf32, #tpu.memory_space<vmem_shared>>
    tpu.enqueue_dma source(%arg7 : memref<16x128xf32, #tpu.memory_space<vmem>>) target(%dma_start3A_254 : memref<16x128xf32, #tpu.memory_space<vmem_shared>>) target_semaphore(%arg10 : memref<!tpu.dma_semaphore, #tpu.memory_space<semaphore_mem>>)
    %add3A_255 = arith.constant 320 : i32
    %add3A_256 = arith.addi %select_n3A, %add3A_255 : i32
    %dma_start3A_257 = arith.constant 0 : i32
    %dma_start3A_258 = tpu.memref_slice %arg12[%add3A_256, %dma_start3A_257] : memref<10000x128xf32, #tpu.memory_space<vmem_shared>> -> memref<16x128xf32, #tpu.memory_space<vmem_shared>>
    %dma_start3A_259 = arith.constant 0 : i32
    %dma_start3A_260 = tpu.memref_slice %arg12[%add3A_256, %dma_start3A_259] : memref<10000x128xf32, #tpu.memory_space<vmem_shared>> -> memref<16x128xf32, #tpu.memory_space<vmem_shared>>
    tpu.enqueue_dma source(%arg7 : memref<16x128xf32, #tpu.memory_space<vmem>>) target(%dma_start3A_260 : memref<16x128xf32, #tpu.memory_space<vmem_shared>>) target_semaphore(%arg10 : memref<!tpu.dma_semaphore, #tpu.memory_space<semaphore_mem>>)
    %add3A_261 = arith.constant 336 : i32
    %add3A_262 = arith.addi %select_n3A, %add3A_261 : i32
    %dma_start3A_263 = arith.constant 0 : i32
    %dma_start3A_264 = tpu.memref_slice %arg12[%add3A_262, %dma_start3A_263] : memref<10000x128xf32, #tpu.memory_space<vmem_shared>> -> memref<16x128xf32, #tpu.memory_space<vmem_shared>>
    %dma_start3A_265 = arith.constant 0 : i32
    %dma_start3A_266 = tpu.memref_slice %arg12[%add3A_262, %dma_start3A_265] : memref<10000x128xf32, #tpu.memory_space<vmem_shared>> -> memref<16x128xf32, #tpu.memory_space<vmem_shared>>
    tpu.enqueue_dma source(%arg7 : memref<16x128xf32, #tpu.memory_space<vmem>>) target(%dma_start3A_266 : memref<16x128xf32, #tpu.memory_space<vmem_shared>>) target_semaphore(%arg10 : memref<!tpu.dma_semaphore, #tpu.memory_space<semaphore_mem>>)
    %add3A_267 = arith.constant 352 : i32
    %add3A_268 = arith.addi %select_n3A, %add3A_267 : i32
    %dma_start3A_269 = arith.constant 0 : i32
    %dma_start3A_270 = tpu.memref_slice %arg12[%add3A_268, %dma_start3A_269] : memref<10000x128xf32, #tpu.memory_space<vmem_shared>> -> memref<16x128xf32, #tpu.memory_space<vmem_shared>>
    %dma_start3A_271 = arith.constant 0 : i32
    %dma_start3A_272 = tpu.memref_slice %arg12[%add3A_268, %dma_start3A_271] : memref<10000x128xf32, #tpu.memory_space<vmem_shared>> -> memref<16x128xf32, #tpu.memory_space<vmem_shared>>
    tpu.enqueue_dma source(%arg7 : memref<16x128xf32, #tpu.memory_space<vmem>>) target(%dma_start3A_272 : memref<16x128xf32, #tpu.memory_space<vmem_shared>>) target_semaphore(%arg10 : memref<!tpu.dma_semaphore, #tpu.memory_space<semaphore_mem>>)
    %add3A_273 = arith.constant 368 : i32
    %add3A_274 = arith.addi %select_n3A, %add3A_273 : i32
    %dma_start3A_275 = arith.constant 0 : i32
    %dma_start3A_276 = tpu.memref_slice %arg12[%add3A_274, %dma_start3A_275] : memref<10000x128xf32, #tpu.memory_space<vmem_shared>> -> memref<16x128xf32, #tpu.memory_space<vmem_shared>>
    %dma_start3A_277 = arith.constant 0 : i32
    %dma_start3A_278 = tpu.memref_slice %arg12[%add3A_274, %dma_start3A_277] : memref<10000x128xf32, #tpu.memory_space<vmem_shared>> -> memref<16x128xf32, #tpu.memory_space<vmem_shared>>
    tpu.enqueue_dma source(%arg7 : memref<16x128xf32, #tpu.memory_space<vmem>>) target(%dma_start3A_278 : memref<16x128xf32, #tpu.memory_space<vmem_shared>>) target_semaphore(%arg10 : memref<!tpu.dma_semaphore, #tpu.memory_space<semaphore_mem>>)
    %add3A_279 = arith.constant 384 : i32
    %add3A_280 = arith.addi %select_n3A, %add3A_279 : i32
    %dma_start3A_281 = arith.constant 0 : i32
    %dma_start3A_282 = tpu.memref_slice %arg12[%add3A_280, %dma_start3A_281] : memref<10000x128xf32, #tpu.memory_space<vmem_shared>> -> memref<16x128xf32, #tpu.memory_space<vmem_shared>>
    %dma_start3A_283 = arith.constant 0 : i32
    %dma_start3A_284 = tpu.memref_slice %arg12[%add3A_280, %dma_start3A_283] : memref<10000x128xf32, #tpu.memory_space<vmem_shared>> -> memref<16x128xf32, #tpu.memory_space<vmem_shared>>
    tpu.enqueue_dma source(%arg7 : memref<16x128xf32, #tpu.memory_space<vmem>>) target(%dma_start3A_284 : memref<16x128xf32, #tpu.memory_space<vmem_shared>>) target_semaphore(%arg10 : memref<!tpu.dma_semaphore, #tpu.memory_space<semaphore_mem>>)
    %add3A_285 = arith.constant 400 : i32
    %add3A_286 = arith.addi %select_n3A, %add3A_285 : i32
    %dma_start3A_287 = arith.constant 0 : i32
    %dma_start3A_288 = tpu.memref_slice %arg12[%add3A_286, %dma_start3A_287] : memref<10000x128xf32, #tpu.memory_space<vmem_shared>> -> memref<16x128xf32, #tpu.memory_space<vmem_shared>>
    %dma_start3A_289 = arith.constant 0 : i32
    %dma_start3A_290 = tpu.memref_slice %arg12[%add3A_286, %dma_start3A_289] : memref<10000x128xf32, #tpu.memory_space<vmem_shared>> -> memref<16x128xf32, #tpu.memory_space<vmem_shared>>
    tpu.enqueue_dma source(%arg7 : memref<16x128xf32, #tpu.memory_space<vmem>>) target(%dma_start3A_290 : memref<16x128xf32, #tpu.memory_space<vmem_shared>>) target_semaphore(%arg10 : memref<!tpu.dma_semaphore, #tpu.memory_space<semaphore_mem>>)
    %add3A_291 = arith.constant 416 : i32
    %add3A_292 = arith.addi %select_n3A, %add3A_291 : i32
    %dma_start3A_293 = arith.constant 0 : i32
    %dma_start3A_294 = tpu.memref_slice %arg12[%add3A_292, %dma_start3A_293] : memref<10000x128xf32, #tpu.memory_space<vmem_shared>> -> memref<16x128xf32, #tpu.memory_space<vmem_shared>>
    %dma_start3A_295 = arith.constant 0 : i32
    %dma_start3A_296 = tpu.memref_slice %arg12[%add3A_292, %dma_start3A_295] : memref<10000x128xf32, #tpu.memory_space<vmem_shared>> -> memref<16x128xf32, #tpu.memory_space<vmem_shared>>
    tpu.enqueue_dma source(%arg7 : memref<16x128xf32, #tpu.memory_space<vmem>>) target(%dma_start3A_296 : memref<16x128xf32, #tpu.memory_space<vmem_shared>>) target_semaphore(%arg10 : memref<!tpu.dma_semaphore, #tpu.memory_space<semaphore_mem>>)
    %add3A_297 = arith.constant 432 : i32
    %add3A_298 = arith.addi %select_n3A, %add3A_297 : i32
    %dma_start3A_299 = arith.constant 0 : i32
    %dma_start3A_300 = tpu.memref_slice %arg12[%add3A_298, %dma_start3A_299] : memref<10000x128xf32, #tpu.memory_space<vmem_shared>> -> memref<16x128xf32, #tpu.memory_space<vmem_shared>>
    %dma_start3A_301 = arith.constant 0 : i32
    %dma_start3A_302 = tpu.memref_slice %arg12[%add3A_298, %dma_start3A_301] : memref<10000x128xf32, #tpu.memory_space<vmem_shared>> -> memref<16x128xf32, #tpu.memory_space<vmem_shared>>
    tpu.enqueue_dma source(%arg7 : memref<16x128xf32, #tpu.memory_space<vmem>>) target(%dma_start3A_302 : memref<16x128xf32, #tpu.memory_space<vmem_shared>>) target_semaphore(%arg10 : memref<!tpu.dma_semaphore, #tpu.memory_space<semaphore_mem>>)
    %add3A_303 = arith.constant 448 : i32
    %add3A_304 = arith.addi %select_n3A, %add3A_303 : i32
    %dma_start3A_305 = arith.constant 0 : i32
    %dma_start3A_306 = tpu.memref_slice %arg12[%add3A_304, %dma_start3A_305] : memref<10000x128xf32, #tpu.memory_space<vmem_shared>> -> memref<16x128xf32, #tpu.memory_space<vmem_shared>>
    %dma_start3A_307 = arith.constant 0 : i32
    %dma_start3A_308 = tpu.memref_slice %arg12[%add3A_304, %dma_start3A_307] : memref<10000x128xf32, #tpu.memory_space<vmem_shared>> -> memref<16x128xf32, #tpu.memory_space<vmem_shared>>
    tpu.enqueue_dma source(%arg7 : memref<16x128xf32, #tpu.memory_space<vmem>>) target(%dma_start3A_308 : memref<16x128xf32, #tpu.memory_space<vmem_shared>>) target_semaphore(%arg10 : memref<!tpu.dma_semaphore, #tpu.memory_space<semaphore_mem>>)
    %add3A_309 = arith.constant 464 : i32
    %add3A_310 = arith.addi %select_n3A, %add3A_309 : i32
    %dma_start3A_311 = arith.constant 0 : i32
    %dma_start3A_312 = tpu.memref_slice %arg12[%add3A_310, %dma_start3A_311] : memref<10000x128xf32, #tpu.memory_space<vmem_shared>> -> memref<16x128xf32, #tpu.memory_space<vmem_shared>>
    %dma_start3A_313 = arith.constant 0 : i32
    %dma_start3A_314 = tpu.memref_slice %arg12[%add3A_310, %dma_start3A_313] : memref<10000x128xf32, #tpu.memory_space<vmem_shared>> -> memref<16x128xf32, #tpu.memory_space<vmem_shared>>
    tpu.enqueue_dma source(%arg7 : memref<16x128xf32, #tpu.memory_space<vmem>>) target(%dma_start3A_314 : memref<16x128xf32, #tpu.memory_space<vmem_shared>>) target_semaphore(%arg10 : memref<!tpu.dma_semaphore, #tpu.memory_space<semaphore_mem>>)
    %add3A_315 = arith.constant 480 : i32
    %add3A_316 = arith.addi %select_n3A, %add3A_315 : i32
    %dma_start3A_317 = arith.constant 0 : i32
    %dma_start3A_318 = tpu.memref_slice %arg12[%add3A_316, %dma_start3A_317] : memref<10000x128xf32, #tpu.memory_space<vmem_shared>> -> memref<16x128xf32, #tpu.memory_space<vmem_shared>>
    %dma_start3A_319 = arith.constant 0 : i32
    %dma_start3A_320 = tpu.memref_slice %arg12[%add3A_316, %dma_start3A_319] : memref<10000x128xf32, #tpu.memory_space<vmem_shared>> -> memref<16x128xf32, #tpu.memory_space<vmem_shared>>
    tpu.enqueue_dma source(%arg7 : memref<16x128xf32, #tpu.memory_space<vmem>>) target(%dma_start3A_320 : memref<16x128xf32, #tpu.memory_space<vmem_shared>>) target_semaphore(%arg10 : memref<!tpu.dma_semaphore, #tpu.memory_space<semaphore_mem>>)
    %add3A_321 = arith.constant 496 : i32
    %add3A_322 = arith.addi %select_n3A, %add3A_321 : i32
    %dma_start3A_323 = arith.constant 0 : i32
    %dma_start3A_324 = tpu.memref_slice %arg12[%add3A_322, %dma_start3A_323] : memref<10000x128xf32, #tpu.memory_space<vmem_shared>> -> memref<16x128xf32, #tpu.memory_space<vmem_shared>>
    %dma_start3A_325 = arith.constant 0 : i32
    %dma_start3A_326 = tpu.memref_slice %arg12[%add3A_322, %dma_start3A_325] : memref<10000x128xf32, #tpu.memory_space<vmem_shared>> -> memref<16x128xf32, #tpu.memory_space<vmem_shared>>
    tpu.enqueue_dma source(%arg7 : memref<16x128xf32, #tpu.memory_space<vmem>>) target(%dma_start3A_326 : memref<16x128xf32, #tpu.memory_space<vmem_shared>>) target_semaphore(%arg10 : memref<!tpu.dma_semaphore, #tpu.memory_space<semaphore_mem>>)
    %add3A_327 = arith.constant 512 : i32
    %add3A_328 = arith.addi %select_n3A, %add3A_327 : i32
    %dma_start3A_329 = arith.constant 0 : i32
    %dma_start3A_330 = tpu.memref_slice %arg12[%add3A_328, %dma_start3A_329] : memref<10000x128xf32, #tpu.memory_space<vmem_shared>> -> memref<16x128xf32, #tpu.memory_space<vmem_shared>>
    %dma_start3A_331 = arith.constant 0 : i32
    %dma_start3A_332 = tpu.memref_slice %arg12[%add3A_328, %dma_start3A_331] : memref<10000x128xf32, #tpu.memory_space<vmem_shared>> -> memref<16x128xf32, #tpu.memory_space<vmem_shared>>
    tpu.enqueue_dma source(%arg7 : memref<16x128xf32, #tpu.memory_space<vmem>>) target(%dma_start3A_332 : memref<16x128xf32, #tpu.memory_space<vmem_shared>>) target_semaphore(%arg10 : memref<!tpu.dma_semaphore, #tpu.memory_space<semaphore_mem>>)
    %add3A_333 = arith.constant 528 : i32
    %add3A_334 = arith.addi %select_n3A, %add3A_333 : i32
    %dma_start3A_335 = arith.constant 0 : i32
    %dma_start3A_336 = tpu.memref_slice %arg12[%add3A_334, %dma_start3A_335] : memref<10000x128xf32, #tpu.memory_space<vmem_shared>> -> memref<16x128xf32, #tpu.memory_space<vmem_shared>>
    %dma_start3A_337 = arith.constant 0 : i32
    %dma_start3A_338 = tpu.memref_slice %arg12[%add3A_334, %dma_start3A_337] : memref<10000x128xf32, #tpu.memory_space<vmem_shared>> -> memref<16x128xf32, #tpu.memory_space<vmem_shared>>
    tpu.enqueue_dma source(%arg7 : memref<16x128xf32, #tpu.memory_space<vmem>>) target(%dma_start3A_338 : memref<16x128xf32, #tpu.memory_space<vmem_shared>>) target_semaphore(%arg10 : memref<!tpu.dma_semaphore, #tpu.memory_space<semaphore_mem>>)
    %add3A_339 = arith.constant 544 : i32
    %add3A_340 = arith.addi %select_n3A, %add3A_339 : i32
    %dma_start3A_341 = arith.constant 0 : i32
    %dma_start3A_342 = tpu.memref_slice %arg12[%add3A_340, %dma_start3A_341] : memref<10000x128xf32, #tpu.memory_space<vmem_shared>> -> memref<16x128xf32, #tpu.memory_space<vmem_shared>>
    %dma_start3A_343 = arith.constant 0 : i32
    %dma_start3A_344 = tpu.memref_slice %arg12[%add3A_340, %dma_start3A_343] : memref<10000x128xf32, #tpu.memory_space<vmem_shared>> -> memref<16x128xf32, #tpu.memory_space<vmem_shared>>
    tpu.enqueue_dma source(%arg7 : memref<16x128xf32, #tpu.memory_space<vmem>>) target(%dma_start3A_344 : memref<16x128xf32, #tpu.memory_space<vmem_shared>>) target_semaphore(%arg10 : memref<!tpu.dma_semaphore, #tpu.memory_space<semaphore_mem>>)
    %add3A_345 = arith.constant 560 : i32
    %add3A_346 = arith.addi %select_n3A, %add3A_345 : i32
    %dma_start3A_347 = arith.constant 0 : i32
    %dma_start3A_348 = tpu.memref_slice %arg12[%add3A_346, %dma_start3A_347] : memref<10000x128xf32, #tpu.memory_space<vmem_shared>> -> memref<16x128xf32, #tpu.memory_space<vmem_shared>>
    %dma_start3A_349 = arith.constant 0 : i32
    %dma_start3A_350 = tpu.memref_slice %arg12[%add3A_346, %dma_start3A_349] : memref<10000x128xf32, #tpu.memory_space<vmem_shared>> -> memref<16x128xf32, #tpu.memory_space<vmem_shared>>
    tpu.enqueue_dma source(%arg7 : memref<16x128xf32, #tpu.memory_space<vmem>>) target(%dma_start3A_350 : memref<16x128xf32, #tpu.memory_space<vmem_shared>>) target_semaphore(%arg10 : memref<!tpu.dma_semaphore, #tpu.memory_space<semaphore_mem>>)
    %add3A_351 = arith.constant 576 : i32
    %add3A_352 = arith.addi %select_n3A, %add3A_351 : i32
    %dma_start3A_353 = arith.constant 0 : i32
    %dma_start3A_354 = tpu.memref_slice %arg12[%add3A_352, %dma_start3A_353] : memref<10000x128xf32, #tpu.memory_space<vmem_shared>> -> memref<16x128xf32, #tpu.memory_space<vmem_shared>>
    %dma_start3A_355 = arith.constant 0 : i32
    %dma_start3A_356 = tpu.memref_slice %arg12[%add3A_352, %dma_start3A_355] : memref<10000x128xf32, #tpu.memory_space<vmem_shared>> -> memref<16x128xf32, #tpu.memory_space<vmem_shared>>
    tpu.enqueue_dma source(%arg7 : memref<16x128xf32, #tpu.memory_space<vmem>>) target(%dma_start3A_356 : memref<16x128xf32, #tpu.memory_space<vmem_shared>>) target_semaphore(%arg10 : memref<!tpu.dma_semaphore, #tpu.memory_space<semaphore_mem>>)
    %add3A_357 = arith.constant 592 : i32
    %add3A_358 = arith.addi %select_n3A, %add3A_357 : i32
    %dma_start3A_359 = arith.constant 0 : i32
    %dma_start3A_360 = tpu.memref_slice %arg12[%add3A_358, %dma_start3A_359] : memref<10000x128xf32, #tpu.memory_space<vmem_shared>> -> memref<16x128xf32, #tpu.memory_space<vmem_shared>>
    %dma_start3A_361 = arith.constant 0 : i32
    %dma_start3A_362 = tpu.memref_slice %arg12[%add3A_358, %dma_start3A_361] : memref<10000x128xf32, #tpu.memory_space<vmem_shared>> -> memref<16x128xf32, #tpu.memory_space<vmem_shared>>
    tpu.enqueue_dma source(%arg7 : memref<16x128xf32, #tpu.memory_space<vmem>>) target(%dma_start3A_362 : memref<16x128xf32, #tpu.memory_space<vmem_shared>>) target_semaphore(%arg10 : memref<!tpu.dma_semaphore, #tpu.memory_space<semaphore_mem>>)
    %add3A_363 = arith.constant 608 : i32
    %add3A_364 = arith.addi %select_n3A, %add3A_363 : i32
    %dma_start3A_365 = arith.constant 0 : i32
    %dma_start3A_366 = tpu.memref_slice %arg12[%add3A_364, %dma_start3A_365] : memref<10000x128xf32, #tpu.memory_space<vmem_shared>> -> memref<16x128xf32, #tpu.memory_space<vmem_shared>>
    %dma_start3A_367 = arith.constant 0 : i32
    %dma_start3A_368 = tpu.memref_slice %arg12[%add3A_364, %dma_start3A_367] : memref<10000x128xf32, #tpu.memory_space<vmem_shared>> -> memref<16x128xf32, #tpu.memory_space<vmem_shared>>
    tpu.enqueue_dma source(%arg7 : memref<16x128xf32, #tpu.memory_space<vmem>>) target(%dma_start3A_368 : memref<16x128xf32, #tpu.memory_space<vmem_shared>>) target_semaphore(%arg10 : memref<!tpu.dma_semaphore, #tpu.memory_space<semaphore_mem>>)
    %add3A_369 = arith.constant 624 : i32
    %add3A_370 = arith.addi %select_n3A, %add3A_369 : i32
    %dma_start3A_371 = arith.constant 0 : i32
    %dma_start3A_372 = tpu.memref_slice %arg12[%add3A_370, %dma_start3A_371] : memref<10000x128xf32, #tpu.memory_space<vmem_shared>> -> memref<16x128xf32, #tpu.memory_space<vmem_shared>>
    %dma_start3A_373 = arith.constant 0 : i32
    %dma_start3A_374 = tpu.memref_slice %arg12[%add3A_370, %dma_start3A_373] : memref<10000x128xf32, #tpu.memory_space<vmem_shared>> -> memref<16x128xf32, #tpu.memory_space<vmem_shared>>
    tpu.enqueue_dma source(%arg7 : memref<16x128xf32, #tpu.memory_space<vmem>>) target(%dma_start3A_374 : memref<16x128xf32, #tpu.memory_space<vmem_shared>>) target_semaphore(%arg10 : memref<!tpu.dma_semaphore, #tpu.memory_space<semaphore_mem>>)
    %add3A_375 = arith.constant 0 : i32
    %add3A_376 = arith.addi %select_n3A, %add3A_375 : i32
    %dma_wait3A_377 = arith.constant 0 : i32
    %dma_wait3A_378 = tpu.memref_slice %arg12[%add3A_376, %dma_wait3A_377] : memref<10000x128xf32, #tpu.memory_space<vmem_shared>> -> memref<16x128xf32, #tpu.memory_space<vmem_shared>>
    %dma_wait3A_379 = arith.constant 0 : i32
    %dma_wait3A_380 = tpu.memref_slice %arg12[%add3A_376, %dma_wait3A_379] : memref<10000x128xf32, #tpu.memory_space<vmem_shared>> -> memref<16x128xf32, #tpu.memory_space<vmem_shared>>
    tpu.wait_dma2 semaphore(%arg10 : memref<!tpu.dma_semaphore, #tpu.memory_space<semaphore_mem>>) src(%arg7 : memref<16x128xf32, #tpu.memory_space<vmem>>) dst(%dma_wait3A_380 : memref<16x128xf32, #tpu.memory_space<vmem_shared>>)
    %add3A_381 = arith.constant 16 : i32
    %add3A_382 = arith.addi %select_n3A, %add3A_381 : i32
    %dma_wait3A_383 = arith.constant 0 : i32
    %dma_wait3A_384 = tpu.memref_slice %arg12[%add3A_382, %dma_wait3A_383] : memref<10000x128xf32, #tpu.memory_space<vmem_shared>> -> memref<16x128xf32, #tpu.memory_space<vmem_shared>>
    %dma_wait3A_385 = arith.constant 0 : i32
    %dma_wait3A_386 = tpu.memref_slice %arg12[%add3A_382, %dma_wait3A_385] : memref<10000x128xf32, #tpu.memory_space<vmem_shared>> -> memref<16x128xf32, #tpu.memory_space<vmem_shared>>
    tpu.wait_dma2 semaphore(%arg10 : memref<!tpu.dma_semaphore, #tpu.memory_space<semaphore_mem>>) src(%arg7 : memref<16x128xf32, #tpu.memory_space<vmem>>) dst(%dma_wait3A_386 : memref<16x128xf32, #tpu.memory_space<vmem_shared>>)
    %add3A_387 = arith.constant 32 : i32
    %add3A_388 = arith.addi %select_n3A, %add3A_387 : i32
    %dma_wait3A_389 = arith.constant 0 : i32
    %dma_wait3A_390 = tpu.memref_slice %arg12[%add3A_388, %dma_wait3A_389] : memref<10000x128xf32, #tpu.memory_space<vmem_shared>> -> memref<16x128xf32, #tpu.memory_space<vmem_shared>>
    %dma_wait3A_391 = arith.constant 0 : i32
    %dma_wait3A_392 = tpu.memref_slice %arg12[%add3A_388, %dma_wait3A_391] : memref<10000x128xf32, #tpu.memory_space<vmem_shared>> -> memref<16x128xf32, #tpu.memory_space<vmem_shared>>
    tpu.wait_dma2 semaphore(%arg10 : memref<!tpu.dma_semaphore, #tpu.memory_space<semaphore_mem>>) src(%arg7 : memref<16x128xf32, #tpu.memory_space<vmem>>) dst(%dma_wait3A_392 : memref<16x128xf32, #tpu.memory_space<vmem_shared>>)
    %add3A_393 = arith.constant 48 : i32
    %add3A_394 = arith.addi %select_n3A, %add3A_393 : i32
    %dma_wait3A_395 = arith.constant 0 : i32
    %dma_wait3A_396 = tpu.memref_slice %arg12[%add3A_394, %dma_wait3A_395] : memref<10000x128xf32, #tpu.memory_space<vmem_shared>> -> memref<16x128xf32, #tpu.memory_space<vmem_shared>>
    %dma_wait3A_397 = arith.constant 0 : i32
    %dma_wait3A_398 = tpu.memref_slice %arg12[%add3A_394, %dma_wait3A_397] : memref<10000x128xf32, #tpu.memory_space<vmem_shared>> -> memref<16x128xf32, #tpu.memory_space<vmem_shared>>
    tpu.wait_dma2 semaphore(%arg10 : memref<!tpu.dma_semaphore, #tpu.memory_space<semaphore_mem>>) src(%arg7 : memref<16x128xf32, #tpu.memory_space<vmem>>) dst(%dma_wait3A_398 : memref<16x128xf32, #tpu.memory_space<vmem_shared>>)
    %add3A_399 = arith.constant 64 : i32
    %add3A_400 = arith.addi %select_n3A, %add3A_399 : i32
    %dma_wait3A_401 = arith.constant 0 : i32
    %dma_wait3A_402 = tpu.memref_slice %arg12[%add3A_400, %dma_wait3A_401] : memref<10000x128xf32, #tpu.memory_space<vmem_shared>> -> memref<16x128xf32, #tpu.memory_space<vmem_shared>>
    %dma_wait3A_403 = arith.constant 0 : i32
    %dma_wait3A_404 = tpu.memref_slice %arg12[%add3A_400, %dma_wait3A_403] : memref<10000x128xf32, #tpu.memory_space<vmem_shared>> -> memref<16x128xf32, #tpu.memory_space<vmem_shared>>
    tpu.wait_dma2 semaphore(%arg10 : memref<!tpu.dma_semaphore, #tpu.memory_space<semaphore_mem>>) src(%arg7 : memref<16x128xf32, #tpu.memory_space<vmem>>) dst(%dma_wait3A_404 : memref<16x128xf32, #tpu.memory_space<vmem_shared>>)
    %add3A_405 = arith.constant 80 : i32
    %add3A_406 = arith.addi %select_n3A, %add3A_405 : i32
    %dma_wait3A_407 = arith.constant 0 : i32
    %dma_wait3A_408 = tpu.memref_slice %arg12[%add3A_406, %dma_wait3A_407] : memref<10000x128xf32, #tpu.memory_space<vmem_shared>> -> memref<16x128xf32, #tpu.memory_space<vmem_shared>>
    %dma_wait3A_409 = arith.constant 0 : i32
    %dma_wait3A_410 = tpu.memref_slice %arg12[%add3A_406, %dma_wait3A_409] : memref<10000x128xf32, #tpu.memory_space<vmem_shared>> -> memref<16x128xf32, #tpu.memory_space<vmem_shared>>
    tpu.wait_dma2 semaphore(%arg10 : memref<!tpu.dma_semaphore, #tpu.memory_space<semaphore_mem>>) src(%arg7 : memref<16x128xf32, #tpu.memory_space<vmem>>) dst(%dma_wait3A_410 : memref<16x128xf32, #tpu.memory_space<vmem_shared>>)
    %add3A_411 = arith.constant 96 : i32
    %add3A_412 = arith.addi %select_n3A, %add3A_411 : i32
    %dma_wait3A_413 = arith.constant 0 : i32
    %dma_wait3A_414 = tpu.memref_slice %arg12[%add3A_412, %dma_wait3A_413] : memref<10000x128xf32, #tpu.memory_space<vmem_shared>> -> memref<16x128xf32, #tpu.memory_space<vmem_shared>>
    %dma_wait3A_415 = arith.constant 0 : i32
    %dma_wait3A_416 = tpu.memref_slice %arg12[%add3A_412, %dma_wait3A_415] : memref<10000x128xf32, #tpu.memory_space<vmem_shared>> -> memref<16x128xf32, #tpu.memory_space<vmem_shared>>
    tpu.wait_dma2 semaphore(%arg10 : memref<!tpu.dma_semaphore, #tpu.memory_space<semaphore_mem>>) src(%arg7 : memref<16x128xf32, #tpu.memory_space<vmem>>) dst(%dma_wait3A_416 : memref<16x128xf32, #tpu.memory_space<vmem_shared>>)
    %add3A_417 = arith.constant 112 : i32
    %add3A_418 = arith.addi %select_n3A, %add3A_417 : i32
    %dma_wait3A_419 = arith.constant 0 : i32
    %dma_wait3A_420 = tpu.memref_slice %arg12[%add3A_418, %dma_wait3A_419] : memref<10000x128xf32, #tpu.memory_space<vmem_shared>> -> memref<16x128xf32, #tpu.memory_space<vmem_shared>>
    %dma_wait3A_421 = arith.constant 0 : i32
    %dma_wait3A_422 = tpu.memref_slice %arg12[%add3A_418, %dma_wait3A_421] : memref<10000x128xf32, #tpu.memory_space<vmem_shared>> -> memref<16x128xf32, #tpu.memory_space<vmem_shared>>
    tpu.wait_dma2 semaphore(%arg10 : memref<!tpu.dma_semaphore, #tpu.memory_space<semaphore_mem>>) src(%arg7 : memref<16x128xf32, #tpu.memory_space<vmem>>) dst(%dma_wait3A_422 : memref<16x128xf32, #tpu.memory_space<vmem_shared>>)
    %add3A_423 = arith.constant 128 : i32
    %add3A_424 = arith.addi %select_n3A, %add3A_423 : i32
    %dma_wait3A_425 = arith.constant 0 : i32
    %dma_wait3A_426 = tpu.memref_slice %arg12[%add3A_424, %dma_wait3A_425] : memref<10000x128xf32, #tpu.memory_space<vmem_shared>> -> memref<16x128xf32, #tpu.memory_space<vmem_shared>>
    %dma_wait3A_427 = arith.constant 0 : i32
    %dma_wait3A_428 = tpu.memref_slice %arg12[%add3A_424, %dma_wait3A_427] : memref<10000x128xf32, #tpu.memory_space<vmem_shared>> -> memref<16x128xf32, #tpu.memory_space<vmem_shared>>
    tpu.wait_dma2 semaphore(%arg10 : memref<!tpu.dma_semaphore, #tpu.memory_space<semaphore_mem>>) src(%arg7 : memref<16x128xf32, #tpu.memory_space<vmem>>) dst(%dma_wait3A_428 : memref<16x128xf32, #tpu.memory_space<vmem_shared>>)
    %add3A_429 = arith.constant 144 : i32
    %add3A_430 = arith.addi %select_n3A, %add3A_429 : i32
    %dma_wait3A_431 = arith.constant 0 : i32
    %dma_wait3A_432 = tpu.memref_slice %arg12[%add3A_430, %dma_wait3A_431] : memref<10000x128xf32, #tpu.memory_space<vmem_shared>> -> memref<16x128xf32, #tpu.memory_space<vmem_shared>>
    %dma_wait3A_433 = arith.constant 0 : i32
    %dma_wait3A_434 = tpu.memref_slice %arg12[%add3A_430, %dma_wait3A_433] : memref<10000x128xf32, #tpu.memory_space<vmem_shared>> -> memref<16x128xf32, #tpu.memory_space<vmem_shared>>
    tpu.wait_dma2 semaphore(%arg10 : memref<!tpu.dma_semaphore, #tpu.memory_space<semaphore_mem>>) src(%arg7 : memref<16x128xf32, #tpu.memory_space<vmem>>) dst(%dma_wait3A_434 : memref<16x128xf32, #tpu.memory_space<vmem_shared>>)
    %add3A_435 = arith.constant 160 : i32
    %add3A_436 = arith.addi %select_n3A, %add3A_435 : i32
    %dma_wait3A_437 = arith.constant 0 : i32
    %dma_wait3A_438 = tpu.memref_slice %arg12[%add3A_436, %dma_wait3A_437] : memref<10000x128xf32, #tpu.memory_space<vmem_shared>> -> memref<16x128xf32, #tpu.memory_space<vmem_shared>>
    %dma_wait3A_439 = arith.constant 0 : i32
    %dma_wait3A_440 = tpu.memref_slice %arg12[%add3A_436, %dma_wait3A_439] : memref<10000x128xf32, #tpu.memory_space<vmem_shared>> -> memref<16x128xf32, #tpu.memory_space<vmem_shared>>
    tpu.wait_dma2 semaphore(%arg10 : memref<!tpu.dma_semaphore, #tpu.memory_space<semaphore_mem>>) src(%arg7 : memref<16x128xf32, #tpu.memory_space<vmem>>) dst(%dma_wait3A_440 : memref<16x128xf32, #tpu.memory_space<vmem_shared>>)
    %add3A_441 = arith.constant 176 : i32
    %add3A_442 = arith.addi %select_n3A, %add3A_441 : i32
    %dma_wait3A_443 = arith.constant 0 : i32
    %dma_wait3A_444 = tpu.memref_slice %arg12[%add3A_442, %dma_wait3A_443] : memref<10000x128xf32, #tpu.memory_space<vmem_shared>> -> memref<16x128xf32, #tpu.memory_space<vmem_shared>>
    %dma_wait3A_445 = arith.constant 0 : i32
    %dma_wait3A_446 = tpu.memref_slice %arg12[%add3A_442, %dma_wait3A_445] : memref<10000x128xf32, #tpu.memory_space<vmem_shared>> -> memref<16x128xf32, #tpu.memory_space<vmem_shared>>
    tpu.wait_dma2 semaphore(%arg10 : memref<!tpu.dma_semaphore, #tpu.memory_space<semaphore_mem>>) src(%arg7 : memref<16x128xf32, #tpu.memory_space<vmem>>) dst(%dma_wait3A_446 : memref<16x128xf32, #tpu.memory_space<vmem_shared>>)
    %add3A_447 = arith.constant 192 : i32
    %add3A_448 = arith.addi %select_n3A, %add3A_447 : i32
    %dma_wait3A_449 = arith.constant 0 : i32
    %dma_wait3A_450 = tpu.memref_slice %arg12[%add3A_448, %dma_wait3A_449] : memref<10000x128xf32, #tpu.memory_space<vmem_shared>> -> memref<16x128xf32, #tpu.memory_space<vmem_shared>>
    %dma_wait3A_451 = arith.constant 0 : i32
    %dma_wait3A_452 = tpu.memref_slice %arg12[%add3A_448, %dma_wait3A_451] : memref<10000x128xf32, #tpu.memory_space<vmem_shared>> -> memref<16x128xf32, #tpu.memory_space<vmem_shared>>
    tpu.wait_dma2 semaphore(%arg10 : memref<!tpu.dma_semaphore, #tpu.memory_space<semaphore_mem>>) src(%arg7 : memref<16x128xf32, #tpu.memory_space<vmem>>) dst(%dma_wait3A_452 : memref<16x128xf32, #tpu.memory_space<vmem_shared>>)
    %add3A_453 = arith.constant 208 : i32
    %add3A_454 = arith.addi %select_n3A, %add3A_453 : i32
    %dma_wait3A_455 = arith.constant 0 : i32
    %dma_wait3A_456 = tpu.memref_slice %arg12[%add3A_454, %dma_wait3A_455] : memref<10000x128xf32, #tpu.memory_space<vmem_shared>> -> memref<16x128xf32, #tpu.memory_space<vmem_shared>>
    %dma_wait3A_457 = arith.constant 0 : i32
    %dma_wait3A_458 = tpu.memref_slice %arg12[%add3A_454, %dma_wait3A_457] : memref<10000x128xf32, #tpu.memory_space<vmem_shared>> -> memref<16x128xf32, #tpu.memory_space<vmem_shared>>
    tpu.wait_dma2 semaphore(%arg10 : memref<!tpu.dma_semaphore, #tpu.memory_space<semaphore_mem>>) src(%arg7 : memref<16x128xf32, #tpu.memory_space<vmem>>) dst(%dma_wait3A_458 : memref<16x128xf32, #tpu.memory_space<vmem_shared>>)
    %add3A_459 = arith.constant 224 : i32
    %add3A_460 = arith.addi %select_n3A, %add3A_459 : i32
    %dma_wait3A_461 = arith.constant 0 : i32
    %dma_wait3A_462 = tpu.memref_slice %arg12[%add3A_460, %dma_wait3A_461] : memref<10000x128xf32, #tpu.memory_space<vmem_shared>> -> memref<16x128xf32, #tpu.memory_space<vmem_shared>>
    %dma_wait3A_463 = arith.constant 0 : i32
    %dma_wait3A_464 = tpu.memref_slice %arg12[%add3A_460, %dma_wait3A_463] : memref<10000x128xf32, #tpu.memory_space<vmem_shared>> -> memref<16x128xf32, #tpu.memory_space<vmem_shared>>
    tpu.wait_dma2 semaphore(%arg10 : memref<!tpu.dma_semaphore, #tpu.memory_space<semaphore_mem>>) src(%arg7 : memref<16x128xf32, #tpu.memory_space<vmem>>) dst(%dma_wait3A_464 : memref<16x128xf32, #tpu.memory_space<vmem_shared>>)
    %add3A_465 = arith.constant 240 : i32
    %add3A_466 = arith.addi %select_n3A, %add3A_465 : i32
    %dma_wait3A_467 = arith.constant 0 : i32
    %dma_wait3A_468 = tpu.memref_slice %arg12[%add3A_466, %dma_wait3A_467] : memref<10000x128xf32, #tpu.memory_space<vmem_shared>> -> memref<16x128xf32, #tpu.memory_space<vmem_shared>>
    %dma_wait3A_469 = arith.constant 0 : i32
    %dma_wait3A_470 = tpu.memref_slice %arg12[%add3A_466, %dma_wait3A_469] : memref<10000x128xf32, #tpu.memory_space<vmem_shared>> -> memref<16x128xf32, #tpu.memory_space<vmem_shared>>
    tpu.wait_dma2 semaphore(%arg10 : memref<!tpu.dma_semaphore, #tpu.memory_space<semaphore_mem>>) src(%arg7 : memref<16x128xf32, #tpu.memory_space<vmem>>) dst(%dma_wait3A_470 : memref<16x128xf32, #tpu.memory_space<vmem_shared>>)
    %add3A_471 = arith.constant 256 : i32
    %add3A_472 = arith.addi %select_n3A, %add3A_471 : i32
    %dma_wait3A_473 = arith.constant 0 : i32
    %dma_wait3A_474 = tpu.memref_slice %arg12[%add3A_472, %dma_wait3A_473] : memref<10000x128xf32, #tpu.memory_space<vmem_shared>> -> memref<16x128xf32, #tpu.memory_space<vmem_shared>>
    %dma_wait3A_475 = arith.constant 0 : i32
    %dma_wait3A_476 = tpu.memref_slice %arg12[%add3A_472, %dma_wait3A_475] : memref<10000x128xf32, #tpu.memory_space<vmem_shared>> -> memref<16x128xf32, #tpu.memory_space<vmem_shared>>
    tpu.wait_dma2 semaphore(%arg10 : memref<!tpu.dma_semaphore, #tpu.memory_space<semaphore_mem>>) src(%arg7 : memref<16x128xf32, #tpu.memory_space<vmem>>) dst(%dma_wait3A_476 : memref<16x128xf32, #tpu.memory_space<vmem_shared>>)
    %add3A_477 = arith.constant 272 : i32
    %add3A_478 = arith.addi %select_n3A, %add3A_477 : i32
    %dma_wait3A_479 = arith.constant 0 : i32
    %dma_wait3A_480 = tpu.memref_slice %arg12[%add3A_478, %dma_wait3A_479] : memref<10000x128xf32, #tpu.memory_space<vmem_shared>> -> memref<16x128xf32, #tpu.memory_space<vmem_shared>>
    %dma_wait3A_481 = arith.constant 0 : i32
    %dma_wait3A_482 = tpu.memref_slice %arg12[%add3A_478, %dma_wait3A_481] : memref<10000x128xf32, #tpu.memory_space<vmem_shared>> -> memref<16x128xf32, #tpu.memory_space<vmem_shared>>
    tpu.wait_dma2 semaphore(%arg10 : memref<!tpu.dma_semaphore, #tpu.memory_space<semaphore_mem>>) src(%arg7 : memref<16x128xf32, #tpu.memory_space<vmem>>) dst(%dma_wait3A_482 : memref<16x128xf32, #tpu.memory_space<vmem_shared>>)
    %add3A_483 = arith.constant 288 : i32
    %add3A_484 = arith.addi %select_n3A, %add3A_483 : i32
    %dma_wait3A_485 = arith.constant 0 : i32
    %dma_wait3A_486 = tpu.memref_slice %arg12[%add3A_484, %dma_wait3A_485] : memref<10000x128xf32, #tpu.memory_space<vmem_shared>> -> memref<16x128xf32, #tpu.memory_space<vmem_shared>>
    %dma_wait3A_487 = arith.constant 0 : i32
    %dma_wait3A_488 = tpu.memref_slice %arg12[%add3A_484, %dma_wait3A_487] : memref<10000x128xf32, #tpu.memory_space<vmem_shared>> -> memref<16x128xf32, #tpu.memory_space<vmem_shared>>
    tpu.wait_dma2 semaphore(%arg10 : memref<!tpu.dma_semaphore, #tpu.memory_space<semaphore_mem>>) src(%arg7 : memref<16x128xf32, #tpu.memory_space<vmem>>) dst(%dma_wait3A_488 : memref<16x128xf32, #tpu.memory_space<vmem_shared>>)
    %add3A_489 = arith.constant 304 : i32
    %add3A_490 = arith.addi %select_n3A, %add3A_489 : i32
    %dma_wait3A_491 = arith.constant 0 : i32
    %dma_wait3A_492 = tpu.memref_slice %arg12[%add3A_490, %dma_wait3A_491] : memref<10000x128xf32, #tpu.memory_space<vmem_shared>> -> memref<16x128xf32, #tpu.memory_space<vmem_shared>>
    %dma_wait3A_493 = arith.constant 0 : i32
    %dma_wait3A_494 = tpu.memref_slice %arg12[%add3A_490, %dma_wait3A_493] : memref<10000x128xf32, #tpu.memory_space<vmem_shared>> -> memref<16x128xf32, #tpu.memory_space<vmem_shared>>
    tpu.wait_dma2 semaphore(%arg10 : memref<!tpu.dma_semaphore, #tpu.memory_space<semaphore_mem>>) src(%arg7 : memref<16x128xf32, #tpu.memory_space<vmem>>) dst(%dma_wait3A_494 : memref<16x128xf32, #tpu.memory_space<vmem_shared>>)
    %add3A_495 = arith.constant 320 : i32
    %add3A_496 = arith.addi %select_n3A, %add3A_495 : i32
    %dma_wait3A_497 = arith.constant 0 : i32
    %dma_wait3A_498 = tpu.memref_slice %arg12[%add3A_496, %dma_wait3A_497] : memref<10000x128xf32, #tpu.memory_space<vmem_shared>> -> memref<16x128xf32, #tpu.memory_space<vmem_shared>>
    %dma_wait3A_499 = arith.constant 0 : i32
    %dma_wait3A_500 = tpu.memref_slice %arg12[%add3A_496, %dma_wait3A_499] : memref<10000x128xf32, #tpu.memory_space<vmem_shared>> -> memref<16x128xf32, #tpu.memory_space<vmem_shared>>
    tpu.wait_dma2 semaphore(%arg10 : memref<!tpu.dma_semaphore, #tpu.memory_space<semaphore_mem>>) src(%arg7 : memref<16x128xf32, #tpu.memory_space<vmem>>) dst(%dma_wait3A_500 : memref<16x128xf32, #tpu.memory_space<vmem_shared>>)
    %add3A_501 = arith.constant 336 : i32
    %add3A_502 = arith.addi %select_n3A, %add3A_501 : i32
    %dma_wait3A_503 = arith.constant 0 : i32
    %dma_wait3A_504 = tpu.memref_slice %arg12[%add3A_502, %dma_wait3A_503] : memref<10000x128xf32, #tpu.memory_space<vmem_shared>> -> memref<16x128xf32, #tpu.memory_space<vmem_shared>>
    %dma_wait3A_505 = arith.constant 0 : i32
    %dma_wait3A_506 = tpu.memref_slice %arg12[%add3A_502, %dma_wait3A_505] : memref<10000x128xf32, #tpu.memory_space<vmem_shared>> -> memref<16x128xf32, #tpu.memory_space<vmem_shared>>
    tpu.wait_dma2 semaphore(%arg10 : memref<!tpu.dma_semaphore, #tpu.memory_space<semaphore_mem>>) src(%arg7 : memref<16x128xf32, #tpu.memory_space<vmem>>) dst(%dma_wait3A_506 : memref<16x128xf32, #tpu.memory_space<vmem_shared>>)
    %add3A_507 = arith.constant 352 : i32
    %add3A_508 = arith.addi %select_n3A, %add3A_507 : i32
    %dma_wait3A_509 = arith.constant 0 : i32
    %dma_wait3A_510 = tpu.memref_slice %arg12[%add3A_508, %dma_wait3A_509] : memref<10000x128xf32, #tpu.memory_space<vmem_shared>> -> memref<16x128xf32, #tpu.memory_space<vmem_shared>>
    %dma_wait3A_511 = arith.constant 0 : i32
    %dma_wait3A_512 = tpu.memref_slice %arg12[%add3A_508, %dma_wait3A_511] : memref<10000x128xf32, #tpu.memory_space<vmem_shared>> -> memref<16x128xf32, #tpu.memory_space<vmem_shared>>
    tpu.wait_dma2 semaphore(%arg10 : memref<!tpu.dma_semaphore, #tpu.memory_space<semaphore_mem>>) src(%arg7 : memref<16x128xf32, #tpu.memory_space<vmem>>) dst(%dma_wait3A_512 : memref<16x128xf32, #tpu.memory_space<vmem_shared>>)
    %add3A_513 = arith.constant 368 : i32
    %add3A_514 = arith.addi %select_n3A, %add3A_513 : i32
    %dma_wait3A_515 = arith.constant 0 : i32
    %dma_wait3A_516 = tpu.memref_slice %arg12[%add3A_514, %dma_wait3A_515] : memref<10000x128xf32, #tpu.memory_space<vmem_shared>> -> memref<16x128xf32, #tpu.memory_space<vmem_shared>>
    %dma_wait3A_517 = arith.constant 0 : i32
    %dma_wait3A_518 = tpu.memref_slice %arg12[%add3A_514, %dma_wait3A_517] : memref<10000x128xf32, #tpu.memory_space<vmem_shared>> -> memref<16x128xf32, #tpu.memory_space<vmem_shared>>
    tpu.wait_dma2 semaphore(%arg10 : memref<!tpu.dma_semaphore, #tpu.memory_space<semaphore_mem>>) src(%arg7 : memref<16x128xf32, #tpu.memory_space<vmem>>) dst(%dma_wait3A_518 : memref<16x128xf32, #tpu.memory_space<vmem_shared>>)
    %add3A_519 = arith.constant 384 : i32
    %add3A_520 = arith.addi %select_n3A, %add3A_519 : i32
    %dma_wait3A_521 = arith.constant 0 : i32
    %dma_wait3A_522 = tpu.memref_slice %arg12[%add3A_520, %dma_wait3A_521] : memref<10000x128xf32, #tpu.memory_space<vmem_shared>> -> memref<16x128xf32, #tpu.memory_space<vmem_shared>>
    %dma_wait3A_523 = arith.constant 0 : i32
    %dma_wait3A_524 = tpu.memref_slice %arg12[%add3A_520, %dma_wait3A_523] : memref<10000x128xf32, #tpu.memory_space<vmem_shared>> -> memref<16x128xf32, #tpu.memory_space<vmem_shared>>
    tpu.wait_dma2 semaphore(%arg10 : memref<!tpu.dma_semaphore, #tpu.memory_space<semaphore_mem>>) src(%arg7 : memref<16x128xf32, #tpu.memory_space<vmem>>) dst(%dma_wait3A_524 : memref<16x128xf32, #tpu.memory_space<vmem_shared>>)
    %add3A_525 = arith.constant 400 : i32
    %add3A_526 = arith.addi %select_n3A, %add3A_525 : i32
    %dma_wait3A_527 = arith.constant 0 : i32
    %dma_wait3A_528 = tpu.memref_slice %arg12[%add3A_526, %dma_wait3A_527] : memref<10000x128xf32, #tpu.memory_space<vmem_shared>> -> memref<16x128xf32, #tpu.memory_space<vmem_shared>>
    %dma_wait3A_529 = arith.constant 0 : i32
    %dma_wait3A_530 = tpu.memref_slice %arg12[%add3A_526, %dma_wait3A_529] : memref<10000x128xf32, #tpu.memory_space<vmem_shared>> -> memref<16x128xf32, #tpu.memory_space<vmem_shared>>
    tpu.wait_dma2 semaphore(%arg10 : memref<!tpu.dma_semaphore, #tpu.memory_space<semaphore_mem>>) src(%arg7 : memref<16x128xf32, #tpu.memory_space<vmem>>) dst(%dma_wait3A_530 : memref<16x128xf32, #tpu.memory_space<vmem_shared>>)
    %add3A_531 = arith.constant 416 : i32
    %add3A_532 = arith.addi %select_n3A, %add3A_531 : i32
    %dma_wait3A_533 = arith.constant 0 : i32
    %dma_wait3A_534 = tpu.memref_slice %arg12[%add3A_532, %dma_wait3A_533] : memref<10000x128xf32, #tpu.memory_space<vmem_shared>> -> memref<16x128xf32, #tpu.memory_space<vmem_shared>>
    %dma_wait3A_535 = arith.constant 0 : i32
    %dma_wait3A_536 = tpu.memref_slice %arg12[%add3A_532, %dma_wait3A_535] : memref<10000x128xf32, #tpu.memory_space<vmem_shared>> -> memref<16x128xf32, #tpu.memory_space<vmem_shared>>
    tpu.wait_dma2 semaphore(%arg10 : memref<!tpu.dma_semaphore, #tpu.memory_space<semaphore_mem>>) src(%arg7 : memref<16x128xf32, #tpu.memory_space<vmem>>) dst(%dma_wait3A_536 : memref<16x128xf32, #tpu.memory_space<vmem_shared>>)
    %add3A_537 = arith.constant 432 : i32
    %add3A_538 = arith.addi %select_n3A, %add3A_537 : i32
    %dma_wait3A_539 = arith.constant 0 : i32
    %dma_wait3A_540 = tpu.memref_slice %arg12[%add3A_538, %dma_wait3A_539] : memref<10000x128xf32, #tpu.memory_space<vmem_shared>> -> memref<16x128xf32, #tpu.memory_space<vmem_shared>>
    %dma_wait3A_541 = arith.constant 0 : i32
    %dma_wait3A_542 = tpu.memref_slice %arg12[%add3A_538, %dma_wait3A_541] : memref<10000x128xf32, #tpu.memory_space<vmem_shared>> -> memref<16x128xf32, #tpu.memory_space<vmem_shared>>
    tpu.wait_dma2 semaphore(%arg10 : memref<!tpu.dma_semaphore, #tpu.memory_space<semaphore_mem>>) src(%arg7 : memref<16x128xf32, #tpu.memory_space<vmem>>) dst(%dma_wait3A_542 : memref<16x128xf32, #tpu.memory_space<vmem_shared>>)
    %add3A_543 = arith.constant 448 : i32
    %add3A_544 = arith.addi %select_n3A, %add3A_543 : i32
    %dma_wait3A_545 = arith.constant 0 : i32
    %dma_wait3A_546 = tpu.memref_slice %arg12[%add3A_544, %dma_wait3A_545] : memref<10000x128xf32, #tpu.memory_space<vmem_shared>> -> memref<16x128xf32, #tpu.memory_space<vmem_shared>>
    %dma_wait3A_547 = arith.constant 0 : i32
    %dma_wait3A_548 = tpu.memref_slice %arg12[%add3A_544, %dma_wait3A_547] : memref<10000x128xf32, #tpu.memory_space<vmem_shared>> -> memref<16x128xf32, #tpu.memory_space<vmem_shared>>
    tpu.wait_dma2 semaphore(%arg10 : memref<!tpu.dma_semaphore, #tpu.memory_space<semaphore_mem>>) src(%arg7 : memref<16x128xf32, #tpu.memory_space<vmem>>) dst(%dma_wait3A_548 : memref<16x128xf32, #tpu.memory_space<vmem_shared>>)
    %add3A_549 = arith.constant 464 : i32
    %add3A_550 = arith.addi %select_n3A, %add3A_549 : i32
    %dma_wait3A_551 = arith.constant 0 : i32
    %dma_wait3A_552 = tpu.memref_slice %arg12[%add3A_550, %dma_wait3A_551] : memref<10000x128xf32, #tpu.memory_space<vmem_shared>> -> memref<16x128xf32, #tpu.memory_space<vmem_shared>>
    %dma_wait3A_553 = arith.constant 0 : i32
    %dma_wait3A_554 = tpu.memref_slice %arg12[%add3A_550, %dma_wait3A_553] : memref<10000x128xf32, #tpu.memory_space<vmem_shared>> -> memref<16x128xf32, #tpu.memory_space<vmem_shared>>
    tpu.wait_dma2 semaphore(%arg10 : memref<!tpu.dma_semaphore, #tpu.memory_space<semaphore_mem>>) src(%arg7 : memref<16x128xf32, #tpu.memory_space<vmem>>) dst(%dma_wait3A_554 : memref<16x128xf32, #tpu.memory_space<vmem_shared>>)
    %add3A_555 = arith.constant 480 : i32
    %add3A_556 = arith.addi %select_n3A, %add3A_555 : i32
    %dma_wait3A_557 = arith.constant 0 : i32
    %dma_wait3A_558 = tpu.memref_slice %arg12[%add3A_556, %dma_wait3A_557] : memref<10000x128xf32, #tpu.memory_space<vmem_shared>> -> memref<16x128xf32, #tpu.memory_space<vmem_shared>>
    %dma_wait3A_559 = arith.constant 0 : i32
    %dma_wait3A_560 = tpu.memref_slice %arg12[%add3A_556, %dma_wait3A_559] : memref<10000x128xf32, #tpu.memory_space<vmem_shared>> -> memref<16x128xf32, #tpu.memory_space<vmem_shared>>
    tpu.wait_dma2 semaphore(%arg10 : memref<!tpu.dma_semaphore, #tpu.memory_space<semaphore_mem>>) src(%arg7 : memref<16x128xf32, #tpu.memory_space<vmem>>) dst(%dma_wait3A_560 : memref<16x128xf32, #tpu.memory_space<vmem_shared>>)
    %add3A_561 = arith.constant 496 : i32
    %add3A_562 = arith.addi %select_n3A, %add3A_561 : i32
    %dma_wait3A_563 = arith.constant 0 : i32
    %dma_wait3A_564 = tpu.memref_slice %arg12[%add3A_562, %dma_wait3A_563] : memref<10000x128xf32, #tpu.memory_space<vmem_shared>> -> memref<16x128xf32, #tpu.memory_space<vmem_shared>>
    %dma_wait3A_565 = arith.constant 0 : i32
    %dma_wait3A_566 = tpu.memref_slice %arg12[%add3A_562, %dma_wait3A_565] : memref<10000x128xf32, #tpu.memory_space<vmem_shared>> -> memref<16x128xf32, #tpu.memory_space<vmem_shared>>
    tpu.wait_dma2 semaphore(%arg10 : memref<!tpu.dma_semaphore, #tpu.memory_space<semaphore_mem>>) src(%arg7 : memref<16x128xf32, #tpu.memory_space<vmem>>) dst(%dma_wait3A_566 : memref<16x128xf32, #tpu.memory_space<vmem_shared>>)
    %add3A_567 = arith.constant 512 : i32
    %add3A_568 = arith.addi %select_n3A, %add3A_567 : i32
    %dma_wait3A_569 = arith.constant 0 : i32
    %dma_wait3A_570 = tpu.memref_slice %arg12[%add3A_568, %dma_wait3A_569] : memref<10000x128xf32, #tpu.memory_space<vmem_shared>> -> memref<16x128xf32, #tpu.memory_space<vmem_shared>>
    %dma_wait3A_571 = arith.constant 0 : i32
    %dma_wait3A_572 = tpu.memref_slice %arg12[%add3A_568, %dma_wait3A_571] : memref<10000x128xf32, #tpu.memory_space<vmem_shared>> -> memref<16x128xf32, #tpu.memory_space<vmem_shared>>
    tpu.wait_dma2 semaphore(%arg10 : memref<!tpu.dma_semaphore, #tpu.memory_space<semaphore_mem>>) src(%arg7 : memref<16x128xf32, #tpu.memory_space<vmem>>) dst(%dma_wait3A_572 : memref<16x128xf32, #tpu.memory_space<vmem_shared>>)
    %add3A_573 = arith.constant 528 : i32
    %add3A_574 = arith.addi %select_n3A, %add3A_573 : i32
    %dma_wait3A_575 = arith.constant 0 : i32
    %dma_wait3A_576 = tpu.memref_slice %arg12[%add3A_574, %dma_wait3A_575] : memref<10000x128xf32, #tpu.memory_space<vmem_shared>> -> memref<16x128xf32, #tpu.memory_space<vmem_shared>>
    %dma_wait3A_577 = arith.constant 0 : i32
    %dma_wait3A_578 = tpu.memref_slice %arg12[%add3A_574, %dma_wait3A_577] : memref<10000x128xf32, #tpu.memory_space<vmem_shared>> -> memref<16x128xf32, #tpu.memory_space<vmem_shared>>
    tpu.wait_dma2 semaphore(%arg10 : memref<!tpu.dma_semaphore, #tpu.memory_space<semaphore_mem>>) src(%arg7 : memref<16x128xf32, #tpu.memory_space<vmem>>) dst(%dma_wait3A_578 : memref<16x128xf32, #tpu.memory_space<vmem_shared>>)
    %add3A_579 = arith.constant 544 : i32
    %add3A_580 = arith.addi %select_n3A, %add3A_579 : i32
    %dma_wait3A_581 = arith.constant 0 : i32
    %dma_wait3A_582 = tpu.memref_slice %arg12[%add3A_580, %dma_wait3A_581] : memref<10000x128xf32, #tpu.memory_space<vmem_shared>> -> memref<16x128xf32, #tpu.memory_space<vmem_shared>>
    %dma_wait3A_583 = arith.constant 0 : i32
    %dma_wait3A_584 = tpu.memref_slice %arg12[%add3A_580, %dma_wait3A_583] : memref<10000x128xf32, #tpu.memory_space<vmem_shared>> -> memref<16x128xf32, #tpu.memory_space<vmem_shared>>
    tpu.wait_dma2 semaphore(%arg10 : memref<!tpu.dma_semaphore, #tpu.memory_space<semaphore_mem>>) src(%arg7 : memref<16x128xf32, #tpu.memory_space<vmem>>) dst(%dma_wait3A_584 : memref<16x128xf32, #tpu.memory_space<vmem_shared>>)
    %add3A_585 = arith.constant 560 : i32
    %add3A_586 = arith.addi %select_n3A, %add3A_585 : i32
    %dma_wait3A_587 = arith.constant 0 : i32
    %dma_wait3A_588 = tpu.memref_slice %arg12[%add3A_586, %dma_wait3A_587] : memref<10000x128xf32, #tpu.memory_space<vmem_shared>> -> memref<16x128xf32, #tpu.memory_space<vmem_shared>>
    %dma_wait3A_589 = arith.constant 0 : i32
    %dma_wait3A_590 = tpu.memref_slice %arg12[%add3A_586, %dma_wait3A_589] : memref<10000x128xf32, #tpu.memory_space<vmem_shared>> -> memref<16x128xf32, #tpu.memory_space<vmem_shared>>
    tpu.wait_dma2 semaphore(%arg10 : memref<!tpu.dma_semaphore, #tpu.memory_space<semaphore_mem>>) src(%arg7 : memref<16x128xf32, #tpu.memory_space<vmem>>) dst(%dma_wait3A_590 : memref<16x128xf32, #tpu.memory_space<vmem_shared>>)
    %add3A_591 = arith.constant 576 : i32
    %add3A_592 = arith.addi %select_n3A, %add3A_591 : i32
    %dma_wait3A_593 = arith.constant 0 : i32
    %dma_wait3A_594 = tpu.memref_slice %arg12[%add3A_592, %dma_wait3A_593] : memref<10000x128xf32, #tpu.memory_space<vmem_shared>> -> memref<16x128xf32, #tpu.memory_space<vmem_shared>>
    %dma_wait3A_595 = arith.constant 0 : i32
    %dma_wait3A_596 = tpu.memref_slice %arg12[%add3A_592, %dma_wait3A_595] : memref<10000x128xf32, #tpu.memory_space<vmem_shared>> -> memref<16x128xf32, #tpu.memory_space<vmem_shared>>
    tpu.wait_dma2 semaphore(%arg10 : memref<!tpu.dma_semaphore, #tpu.memory_space<semaphore_mem>>) src(%arg7 : memref<16x128xf32, #tpu.memory_space<vmem>>) dst(%dma_wait3A_596 : memref<16x128xf32, #tpu.memory_space<vmem_shared>>)
    %add3A_597 = arith.constant 592 : i32
    %add3A_598 = arith.addi %select_n3A, %add3A_597 : i32
    %dma_wait3A_599 = arith.constant 0 : i32
    %dma_wait3A_600 = tpu.memref_slice %arg12[%add3A_598, %dma_wait3A_599] : memref<10000x128xf32, #tpu.memory_space<vmem_shared>> -> memref<16x128xf32, #tpu.memory_space<vmem_shared>>
    %dma_wait3A_601 = arith.constant 0 : i32
    %dma_wait3A_602 = tpu.memref_slice %arg12[%add3A_598, %dma_wait3A_601] : memref<10000x128xf32, #tpu.memory_space<vmem_shared>> -> memref<16x128xf32, #tpu.memory_space<vmem_shared>>
    tpu.wait_dma2 semaphore(%arg10 : memref<!tpu.dma_semaphore, #tpu.memory_space<semaphore_mem>>) src(%arg7 : memref<16x128xf32, #tpu.memory_space<vmem>>) dst(%dma_wait3A_602 : memref<16x128xf32, #tpu.memory_space<vmem_shared>>)
    %add3A_603 = arith.constant 608 : i32
    %add3A_604 = arith.addi %select_n3A, %add3A_603 : i32
    %dma_wait3A_605 = arith.constant 0 : i32
    %dma_wait3A_606 = tpu.memref_slice %arg12[%add3A_604, %dma_wait3A_605] : memref<10000x128xf32, #tpu.memory_space<vmem_shared>> -> memref<16x128xf32, #tpu.memory_space<vmem_shared>>
    %dma_wait3A_607 = arith.constant 0 : i32
    %dma_wait3A_608 = tpu.memref_slice %arg12[%add3A_604, %dma_wait3A_607] : memref<10000x128xf32, #tpu.memory_space<vmem_shared>> -> memref<16x128xf32, #tpu.memory_space<vmem_shared>>
    tpu.wait_dma2 semaphore(%arg10 : memref<!tpu.dma_semaphore, #tpu.memory_space<semaphore_mem>>) src(%arg7 : memref<16x128xf32, #tpu.memory_space<vmem>>) dst(%dma_wait3A_608 : memref<16x128xf32, #tpu.memory_space<vmem_shared>>)
    %add3A_609 = arith.constant 624 : i32
    %add3A_610 = arith.addi %select_n3A, %add3A_609 : i32
    %dma_wait3A_611 = arith.constant 0 : i32
    %dma_wait3A_612 = tpu.memref_slice %arg12[%add3A_610, %dma_wait3A_611] : memref<10000x128xf32, #tpu.memory_space<vmem_shared>> -> memref<16x128xf32, #tpu.memory_space<vmem_shared>>
    %dma_wait3A_613 = arith.constant 0 : i32
    %dma_wait3A_614 = tpu.memref_slice %arg12[%add3A_610, %dma_wait3A_613] : memref<10000x128xf32, #tpu.memory_space<vmem_shared>> -> memref<16x128xf32, #tpu.memory_space<vmem_shared>>
    tpu.wait_dma2 semaphore(%arg10 : memref<!tpu.dma_semaphore, #tpu.memory_space<semaphore_mem>>) src(%arg7 : memref<16x128xf32, #tpu.memory_space<vmem>>) dst(%dma_wait3A_614 : memref<16x128xf32, #tpu.memory_space<vmem_shared>>)
    %barrier3A = arith.constant 0 : index
    tpu.barrier barrier_id(%barrier3A)
    %scan3A_615 = arith.constant 0 : i32
    %scan3A_616 = arith.constant 0 : i32
    %scan3A_617 = arith.constant 250 : i32
    %scan3A_618 = arith.addi %scan3A_616, %scan3A_617 : i32
    %scan3A_619 = arith.constant 1 : i32
    scf.for %scan3A_708 = %scan3A_616 to %scan3A_618 step %scan3A_619  : i32 {
      %jit3A_709 = arith.constant 25 : i32
      %div3A = arith.divsi %scan3A_708, %jit3A_709 : i32
      %sign3A = arith.constant 0 : i32
      %sign3A_710 = arith.cmpi sgt, %scan3A_708, %sign3A : i32
      %sign3A_711 = arith.extui %sign3A_710 : i1 to i32
      %sign3A_712 = arith.constant 0 : i32
      %sign3A_713 = arith.cmpi slt, %scan3A_708, %sign3A_712 : i32
      %sign3A_714 = arith.extui %sign3A_713 : i1 to i32
      %sign3A_715 = arith.subi %sign3A_711, %sign3A_714 : i32
      %sign3A_716 = arith.constant 0 : i32
      %sign3A_717 = arith.cmpi sgt, %jit3A_709, %sign3A_716 : i32
      %sign3A_718 = arith.extui %sign3A_717 : i1 to i32
      %sign3A_719 = arith.constant 0 : i32
      %sign3A_720 = arith.cmpi slt, %jit3A_709, %sign3A_719 : i32
      %sign3A_721 = arith.extui %sign3A_720 : i1 to i32
      %sign3A_722 = arith.subi %sign3A_718, %sign3A_721 : i32
      %ne3A = arith.cmpi ne, %sign3A_715, %sign3A_722 : i32
      %rem3A = arith.remsi %scan3A_708, %jit3A_709 : i32
      %ne3A_723 = arith.constant 0 : i32
      %ne3A_724 = arith.cmpi ne, %rem3A, %ne3A_723 : i32
      %and3A = arith.andi %ne3A, %ne3A_724 : i1
      %sub3A = arith.constant 1 : i32
      %sub3A_725 = arith.subi %div3A, %sub3A : i32
      %select_n3A_726 = arith.select %and3A, %sub3A_725, %div3A : i32
      %mul3A_727 = arith.constant 25 : i32
      %mul3A_728 = arith.muli %select_n3A_726, %mul3A_727 : i32
      %sub3A_729 = arith.subi %scan3A_708, %mul3A_728 : i32
      %rem3A_730 = arith.constant 6 : i32
      %rem3A_731 = arith.remsi %scan3A_708, %rem3A_730 : i32
      %rem3A_732 = arith.constant 2 : i32
      %rem3A_733 = arith.remsi %select_n3A_726, %rem3A_732 : i32
      %mul3A_734 = arith.constant 40 : i32
      %mul3A_735 = arith.muli %scan3A_708, %mul3A_734 : i32
      %add3A_736 = arith.addi %mul3A_2, %mul3A_735 : i32
      %dma_wait3A_737 = arith.constant 0 : i32
      %dma_wait3A_738 = arith.constant 0 : i32
      %dma_wait3A_739 = tpu.memref_slice %arg6[%rem3A_731, %dma_wait3A_737, %dma_wait3A_738] : memref<6x40x128xf32, #tpu.memory_space<vmem>> -> memref<1x40x128xf32, #tpu.memory_space<vmem>>
      %dma_wait3A_740 = tpu.memref_squeeze %dma_wait3A_739 : memref<1x40x128xf32, #tpu.memory_space<vmem>> -> memref<40x128xf32, #tpu.memory_space<vmem>>
      %dma_wait3A_741 = arith.constant 0 : i32
      %dma_wait3A_742 = tpu.memref_slice %arg2[%add3A_736, %dma_wait3A_741] : memref<320000x128xf32, #tpu.memory_space<hbm>> -> memref<40x128xf32, #tpu.memory_space<hbm>>
      %dma_wait3A_743 = tpu.memref_slice %arg8[%rem3A_731] : memref<6x!tpu.dma_semaphore, #tpu.memory_space<semaphore_mem>> -> memref<1x!tpu.dma_semaphore, #tpu.memory_space<semaphore_mem>>
      %dma_wait3A_744 = tpu.memref_squeeze %dma_wait3A_743 : memref<1x!tpu.dma_semaphore, #tpu.memory_space<semaphore_mem>> -> memref<!tpu.dma_semaphore, #tpu.memory_space<semaphore_mem>>
      %dma_wait3A_745 = arith.constant 0 : i32
      %dma_wait3A_746 = arith.constant 0 : i32
      %dma_wait3A_747 = tpu.memref_slice %arg6[%rem3A_731, %dma_wait3A_745, %dma_wait3A_746] : memref<6x40x128xf32, #tpu.memory_space<vmem>> -> memref<1x40x128xf32, #tpu.memory_space<vmem>>
      %dma_wait3A_748 = tpu.memref_squeeze %dma_wait3A_747 : memref<1x40x128xf32, #tpu.memory_space<vmem>> -> memref<40x128xf32, #tpu.memory_space<vmem>>
      %dma_wait3A_749 = arith.constant 0 : i32
      %dma_wait3A_750 = tpu.memref_slice %arg2[%add3A_736, %dma_wait3A_749] : memref<320000x128xf32, #tpu.memory_space<hbm>> -> memref<40x128xf32, #tpu.memory_space<hbm>>
      tpu.wait_dma2 semaphore(%dma_wait3A_744 : memref<!tpu.dma_semaphore, #tpu.memory_space<semaphore_mem>>) src(%dma_wait3A_750 : memref<40x128xf32, #tpu.memory_space<hbm>>) dst(%dma_wait3A_748 : memref<40x128xf32, #tpu.memory_space<vmem>>)
      %dma_start3A_751 = arith.constant 0 : i32
      %dma_start3A_752 = arith.constant 0 : i32
      %dma_start3A_753 = tpu.memref_slice %arg6[%rem3A_731, %dma_start3A_751, %dma_start3A_752] : memref<6x40x128xf32, #tpu.memory_space<vmem>> -> memref<1x40x128xf32, #tpu.memory_space<vmem>>
      %dma_start3A_754 = tpu.memref_squeeze %dma_start3A_753 : memref<1x40x128xf32, #tpu.memory_space<vmem>> -> memref<40x128xf32, #tpu.memory_space<vmem>>
      %dma_start3A_755 = arith.constant 0 : i32
      %dma_start3A_756 = tpu.memref_slice %arg5[%rem3A_733, %sub3A_729, %dma_start3A_755] : memref<2x25x40xi32, #tpu.memory_space<vmem>> -> memref<1x1x40xi32, #tpu.memory_space<vmem>>
      %dma_start3A_757 = tpu.memref_squeeze %dma_start3A_756 : memref<1x1x40xi32, #tpu.memory_space<vmem>> -> memref<40xi32, #tpu.memory_space<vmem>>
      %dma_start3A_758 = arith.constant 0 : i32
      %dma_start3A_759 = arith.constant 0 : i32
      %dma_start3A_760 = tpu.memref_slice %arg12[%dma_start3A_758, %dma_start3A_759] : memref<10000x128xf32, #tpu.memory_space<vmem_shared>> -> memref<10000x128xf32, #tpu.memory_space<vmem_shared>>
      %dma_start3A_761 = tpu.memref_slice %arg9[%rem3A_731] : memref<6x!tpu.dma_semaphore, #tpu.memory_space<semaphore_mem>> -> memref<1x!tpu.dma_semaphore, #tpu.memory_space<semaphore_mem>>
      %dma_start3A_762 = tpu.memref_squeeze %dma_start3A_761 : memref<1x!tpu.dma_semaphore, #tpu.memory_space<semaphore_mem>> -> memref<!tpu.dma_semaphore, #tpu.memory_space<semaphore_mem>>
      tpu.enqueue_indirect_dma source(%dma_start3A_754 : memref<40x128xf32, #tpu.memory_space<vmem>>) target(%dma_start3A_760 : memref<10000x128xf32, #tpu.memory_space<vmem_shared>>) offsets(%dma_start3A_757 : memref<40xi32, #tpu.memory_space<vmem>>) semaphore(%dma_start3A_762 : memref<!tpu.dma_semaphore, #tpu.memory_space<semaphore_mem>>) {add = true}
      %add3A_763 = arith.constant 6 : i32
      %add3A_764 = arith.addi %scan3A_708, %add3A_763 : i32
      %sub3A_765 = arith.constant 1 : i32
      %sub3A_766 = arith.subi %add3A_764, %sub3A_765 : i32
      %lt3A = arith.constant 250 : i32
      %lt3A_767 = arith.cmpi slt, %sub3A_766, %lt3A : i32
      %convert_element_type3A = arith.extui %lt3A_767 : i1 to i32
      %cond3A = arith.constant 0 : i32
      %cond3A_768 = arith.cmpi ne, %convert_element_type3A, %cond3A : i32
      scf.if %cond3A_768 {
        %add3A_769 = arith.constant 6 : i32
        %add3A_770 = arith.addi %scan3A_708, %add3A_769 : i32
        %sub3A_771 = arith.constant 1 : i32
        %sub3A_772 = arith.subi %add3A_770, %sub3A_771 : i32
        %jit3A_773 = arith.constant 25 : i32
        %div3A_774 = arith.divsi %sub3A_772, %jit3A_773 : i32
        %sign3A_775 = arith.constant 0 : i32
        %sign3A_776 = arith.cmpi sgt, %sub3A_772, %sign3A_775 : i32
        %sign3A_777 = arith.extui %sign3A_776 : i1 to i32
        %sign3A_778 = arith.constant 0 : i32
        %sign3A_779 = arith.cmpi slt, %sub3A_772, %sign3A_778 : i32
        %sign3A_780 = arith.extui %sign3A_779 : i1 to i32
        %sign3A_781 = arith.subi %sign3A_777, %sign3A_780 : i32
        %sign3A_782 = arith.constant 0 : i32
        %sign3A_783 = arith.cmpi sgt, %jit3A_773, %sign3A_782 : i32
        %sign3A_784 = arith.extui %sign3A_783 : i1 to i32
        %sign3A_785 = arith.constant 0 : i32
        %sign3A_786 = arith.cmpi slt, %jit3A_773, %sign3A_785 : i32
        %sign3A_787 = arith.extui %sign3A_786 : i1 to i32
        %sign3A_788 = arith.subi %sign3A_784, %sign3A_787 : i32
        %ne3A_789 = arith.cmpi ne, %sign3A_781, %sign3A_788 : i32
        %rem3A_790 = arith.remsi %sub3A_772, %jit3A_773 : i32
        %ne3A_791 = arith.constant 0 : i32
        %ne3A_792 = arith.cmpi ne, %rem3A_790, %ne3A_791 : i32
        %and3A_793 = arith.andi %ne3A_789, %ne3A_792 : i1
        %sub3A_794 = arith.constant 1 : i32
        %sub3A_795 = arith.subi %div3A_774, %sub3A_794 : i32
        %select_n3A_796 = arith.select %and3A_793, %sub3A_795, %div3A_774 : i32
        %mul3A_797 = arith.constant 25 : i32
        %mul3A_798 = arith.muli %select_n3A_796, %mul3A_797 : i32
        %sub3A_799 = arith.subi %sub3A_772, %mul3A_798 : i32
        %rem3A_800 = arith.constant 6 : i32
        %rem3A_801 = arith.remsi %sub3A_772, %rem3A_800 : i32
        %rem3A_802 = arith.constant 2 : i32
        %rem3A_803 = arith.remsi %select_n3A_796, %rem3A_802 : i32
        %eq3A_804 = arith.constant 0 : i32
        %eq3A_805 = arith.cmpi eq, %sub3A_799, %eq3A_804 : i32
        %convert_element_type3A_806 = arith.extui %eq3A_805 : i1 to i32
        %cond3A_807 = arith.constant 0 : i32
        %cond3A_808 = arith.cmpi ne, %convert_element_type3A_806, %cond3A_807 : i32
        scf.if %cond3A_808 {
          %dma_wait3A_838 = arith.constant 0 : i32
          %dma_wait3A_839 = arith.constant 0 : i32
          %dma_wait3A_840 = tpu.memref_slice %arg5[%rem3A_803, %dma_wait3A_838, %dma_wait3A_839] : memref<2x25x40xi32, #tpu.memory_space<vmem>> -> memref<1x25x40xi32, #tpu.memory_space<vmem>>
          %dma_wait3A_841 = tpu.memref_squeeze %dma_wait3A_840 : memref<1x25x40xi32, #tpu.memory_space<vmem>> -> memref<25x40xi32, #tpu.memory_space<vmem>>
          %dma_wait3A_842 = arith.constant 0 : i32
          %dma_wait3A_843 = arith.constant 0 : i32
          %dma_wait3A_844 = tpu.memref_slice %arg3[%add3A, %select_n3A_796, %dma_wait3A_842, %dma_wait3A_843] : memref<32x10x25x40xi32, #tpu.memory_space<hbm>> -> memref<1x1x25x40xi32, #tpu.memory_space<hbm>>
          %dma_wait3A_845 = tpu.memref_squeeze %dma_wait3A_844 : memref<1x1x25x40xi32, #tpu.memory_space<hbm>> -> memref<25x40xi32, #tpu.memory_space<hbm>>
          %dma_wait3A_846 = arith.constant 0 : i32
          %dma_wait3A_847 = arith.constant 0 : i32
          %dma_wait3A_848 = tpu.memref_slice %arg5[%rem3A_803, %dma_wait3A_846, %dma_wait3A_847] : memref<2x25x40xi32, #tpu.memory_space<vmem>> -> memref<1x25x40xi32, #tpu.memory_space<vmem>>
          %dma_wait3A_849 = tpu.memref_squeeze %dma_wait3A_848 : memref<1x25x40xi32, #tpu.memory_space<vmem>> -> memref<25x40xi32, #tpu.memory_space<vmem>>
          %dma_wait3A_850 = arith.constant 0 : i32
          %dma_wait3A_851 = arith.constant 0 : i32
          %dma_wait3A_852 = tpu.memref_slice %arg3[%add3A, %select_n3A_796, %dma_wait3A_850, %dma_wait3A_851] : memref<32x10x25x40xi32, #tpu.memory_space<hbm>> -> memref<1x1x25x40xi32, #tpu.memory_space<hbm>>
          %dma_wait3A_853 = tpu.memref_squeeze %dma_wait3A_852 : memref<1x1x25x40xi32, #tpu.memory_space<hbm>> -> memref<25x40xi32, #tpu.memory_space<hbm>>
          tpu.wait_dma2 semaphore(%arg11 : memref<!tpu.dma_semaphore, #tpu.memory_space<semaphore_mem>>) src(%dma_wait3A_853 : memref<25x40xi32, #tpu.memory_space<hbm>>) dst(%dma_wait3A_849 : memref<25x40xi32, #tpu.memory_space<vmem>>)
        } else {
        }
        %eq3A_809 = arith.constant 10 : i32
        %eq3A_810 = arith.cmpi eq, %sub3A_799, %eq3A_809 : i32
        %lt3A_811 = arith.constant 225 : i32
        %lt3A_812 = arith.cmpi slt, %sub3A_772, %lt3A_811 : i32
        %and3A_813 = arith.andi %eq3A_810, %lt3A_812 : i1
        %convert_element_type3A_814 = arith.extui %and3A_813 : i1 to i32
        %cond3A_815 = arith.constant 0 : i32
        %cond3A_816 = arith.cmpi ne, %convert_element_type3A_814, %cond3A_815 : i32
        scf.if %cond3A_816 {
          %add3A_838 = arith.constant 1 : i32
          %add3A_839 = arith.addi %select_n3A_796, %add3A_838 : i32
          %add3A_840 = arith.constant 1 : i32
          %add3A_841 = arith.addi %select_n3A_796, %add3A_840 : i32
          %rem3A_842 = arith.constant 2 : i32
          %rem3A_843 = arith.remsi %add3A_841, %rem3A_842 : i32
          %dma_start3A_844 = arith.constant 0 : i32
          %dma_start3A_845 = arith.constant 0 : i32
          %dma_start3A_846 = tpu.memref_slice %arg5[%rem3A_843, %dma_start3A_844, %dma_start3A_845] : memref<2x25x40xi32, #tpu.memory_space<vmem>> -> memref<1x25x40xi32, #tpu.memory_space<vmem>>
          %dma_start3A_847 = tpu.memref_squeeze %dma_start3A_846 : memref<1x25x40xi32, #tpu.memory_space<vmem>> -> memref<25x40xi32, #tpu.memory_space<vmem>>
          %dma_start3A_848 = arith.constant 0 : i32
          %dma_start3A_849 = arith.constant 0 : i32
          %dma_start3A_850 = tpu.memref_slice %arg3[%add3A, %add3A_839, %dma_start3A_848, %dma_start3A_849] : memref<32x10x25x40xi32, #tpu.memory_space<hbm>> -> memref<1x1x25x40xi32, #tpu.memory_space<hbm>>
          %dma_start3A_851 = tpu.memref_squeeze %dma_start3A_850 : memref<1x1x25x40xi32, #tpu.memory_space<hbm>> -> memref<25x40xi32, #tpu.memory_space<hbm>>
          %dma_start3A_852 = arith.constant 0 : i32
          %dma_start3A_853 = arith.constant 0 : i32
          %dma_start3A_854 = tpu.memref_slice %arg5[%rem3A_843, %dma_start3A_852, %dma_start3A_853] : memref<2x25x40xi32, #tpu.memory_space<vmem>> -> memref<1x25x40xi32, #tpu.memory_space<vmem>>
          %dma_start3A_855 = tpu.memref_squeeze %dma_start3A_854 : memref<1x25x40xi32, #tpu.memory_space<vmem>> -> memref<25x40xi32, #tpu.memory_space<vmem>>
          %dma_start3A_856 = arith.constant 0 : i32
          %dma_start3A_857 = arith.constant 0 : i32
          %dma_start3A_858 = tpu.memref_slice %arg3[%add3A, %add3A_839, %dma_start3A_856, %dma_start3A_857] : memref<32x10x25x40xi32, #tpu.memory_space<hbm>> -> memref<1x1x25x40xi32, #tpu.memory_space<hbm>>
          %dma_start3A_859 = tpu.memref_squeeze %dma_start3A_858 : memref<1x1x25x40xi32, #tpu.memory_space<hbm>> -> memref<25x40xi32, #tpu.memory_space<hbm>>
          tpu.enqueue_dma source(%dma_start3A_859 : memref<25x40xi32, #tpu.memory_space<hbm>>) target(%dma_start3A_855 : memref<25x40xi32, #tpu.memory_space<vmem>>) target_semaphore(%arg11 : memref<!tpu.dma_semaphore, #tpu.memory_space<semaphore_mem>>)
        } else {
        }
        %ge3A = arith.constant 6 : i32
        %ge3A_817 = arith.cmpi sge, %sub3A_772, %ge3A : i32
        %convert_element_type3A_818 = arith.extui %ge3A_817 : i1 to i32
        %cond3A_819 = arith.constant 0 : i32
        %cond3A_820 = arith.cmpi ne, %convert_element_type3A_818, %cond3A_819 : i32
        scf.if %cond3A_820 {
          %dma_wait3A_838 = arith.constant 0 : i32
          %dma_wait3A_839 = arith.constant 0 : i32
          %dma_wait3A_840 = tpu.memref_slice %arg6[%rem3A_801, %dma_wait3A_838, %dma_wait3A_839] : memref<6x40x128xf32, #tpu.memory_space<vmem>> -> memref<1x40x128xf32, #tpu.memory_space<vmem>>
          %dma_wait3A_841 = tpu.memref_squeeze %dma_wait3A_840 : memref<1x40x128xf32, #tpu.memory_space<vmem>> -> memref<40x128xf32, #tpu.memory_space<vmem>>
          %dma_wait3A_842 = arith.constant 0 : i32
          %dma_wait3A_843 = tpu.memref_slice %arg5[%rem3A_803, %sub3A_799, %dma_wait3A_842] : memref<2x25x40xi32, #tpu.memory_space<vmem>> -> memref<1x1x40xi32, #tpu.memory_space<vmem>>
          %dma_wait3A_844 = tpu.memref_squeeze %dma_wait3A_843 : memref<1x1x40xi32, #tpu.memory_space<vmem>> -> memref<40xi32, #tpu.memory_space<vmem>>
          %dma_wait3A_845 = arith.constant 0 : i32
          %dma_wait3A_846 = arith.constant 0 : i32
          %dma_wait3A_847 = tpu.memref_slice %arg12[%dma_wait3A_845, %dma_wait3A_846] : memref<10000x128xf32, #tpu.memory_space<vmem_shared>> -> memref<10000x128xf32, #tpu.memory_space<vmem_shared>>
          %dma_wait3A_848 = tpu.memref_slice %arg9[%rem3A_801] : memref<6x!tpu.dma_semaphore, #tpu.memory_space<semaphore_mem>> -> memref<1x!tpu.dma_semaphore, #tpu.memory_space<semaphore_mem>>
          %dma_wait3A_849 = tpu.memref_squeeze %dma_wait3A_848 : memref<1x!tpu.dma_semaphore, #tpu.memory_space<semaphore_mem>> -> memref<!tpu.dma_semaphore, #tpu.memory_space<semaphore_mem>>
          tpu.wait_indirect_dma semaphore(%dma_wait3A_849 : memref<!tpu.dma_semaphore, #tpu.memory_space<semaphore_mem>>) src(%dma_wait3A_841 : memref<40x128xf32, #tpu.memory_space<vmem>>) dst(%dma_wait3A_847 : memref<10000x128xf32, #tpu.memory_space<vmem_shared>>)
        } else {
        }
        %mul3A_821 = arith.constant 40 : i32
        %mul3A_822 = arith.muli %sub3A_772, %mul3A_821 : i32
        %add3A_823 = arith.addi %mul3A_2, %mul3A_822 : i32
        %dma_start3A_824 = arith.constant 0 : i32
        %dma_start3A_825 = arith.constant 0 : i32
        %dma_start3A_826 = tpu.memref_slice %arg6[%rem3A_801, %dma_start3A_824, %dma_start3A_825] : memref<6x40x128xf32, #tpu.memory_space<vmem>> -> memref<1x40x128xf32, #tpu.memory_space<vmem>>
        %dma_start3A_827 = tpu.memref_squeeze %dma_start3A_826 : memref<1x40x128xf32, #tpu.memory_space<vmem>> -> memref<40x128xf32, #tpu.memory_space<vmem>>
        %dma_start3A_828 = arith.constant 0 : i32
        %dma_start3A_829 = tpu.memref_slice %arg2[%add3A_823, %dma_start3A_828] : memref<320000x128xf32, #tpu.memory_space<hbm>> -> memref<40x128xf32, #tpu.memory_space<hbm>>
        %dma_start3A_830 = tpu.memref_slice %arg8[%rem3A_801] : memref<6x!tpu.dma_semaphore, #tpu.memory_space<semaphore_mem>> -> memref<1x!tpu.dma_semaphore, #tpu.memory_space<semaphore_mem>>
        %dma_start3A_831 = tpu.memref_squeeze %dma_start3A_830 : memref<1x!tpu.dma_semaphore, #tpu.memory_space<semaphore_mem>> -> memref<!tpu.dma_semaphore, #tpu.memory_space<semaphore_mem>>
        %dma_start3A_832 = arith.constant 0 : i32
        %dma_start3A_833 = arith.constant 0 : i32
        %dma_start3A_834 = tpu.memref_slice %arg6[%rem3A_801, %dma_start3A_832, %dma_start3A_833] : memref<6x40x128xf32, #tpu.memory_space<vmem>> -> memref<1x40x128xf32, #tpu.memory_space<vmem>>
        %dma_start3A_835 = tpu.memref_squeeze %dma_start3A_834 : memref<1x40x128xf32, #tpu.memory_space<vmem>> -> memref<40x128xf32, #tpu.memory_space<vmem>>
        %dma_start3A_836 = arith.constant 0 : i32
        %dma_start3A_837 = tpu.memref_slice %arg2[%add3A_823, %dma_start3A_836] : memref<320000x128xf32, #tpu.memory_space<hbm>> -> memref<40x128xf32, #tpu.memory_space<hbm>>
        tpu.enqueue_dma source(%dma_start3A_837 : memref<40x128xf32, #tpu.memory_space<hbm>>) target(%dma_start3A_835 : memref<40x128xf32, #tpu.memory_space<vmem>>) target_semaphore(%dma_start3A_831 : memref<!tpu.dma_semaphore, #tpu.memory_space<semaphore_mem>>)
      } else {
      }
    }
    %scan3A_620 = arith.constant 250 : i32
    %dma_wait3A_621 = arith.constant 5 : i32
    %dma_wait3A_622 = arith.constant 0 : i32
    %dma_wait3A_623 = arith.constant 0 : i32
    %dma_wait3A_624 = arith.constant 5 : i32
    %dma_wait3A_625 = arith.constant 0 : i32
    %dma_wait3A_626 = arith.constant 0 : i32
    %dma_wait3A_627 = tpu.memref_slice %arg6[%dma_wait3A_621, %dma_wait3A_625, %dma_wait3A_626] : memref<6x40x128xf32, #tpu.memory_space<vmem>> -> memref<1x40x128xf32, #tpu.memory_space<vmem>>
    %dma_wait3A_628 = tpu.memref_squeeze %dma_wait3A_627 : memref<1x40x128xf32, #tpu.memory_space<vmem>> -> memref<40x128xf32, #tpu.memory_space<vmem>>
    %dma_wait3A_629 = arith.constant 0 : i32
    %dma_wait3A_630 = tpu.memref_slice %arg5[%dma_wait3A_622, %dma_wait3A_623, %dma_wait3A_629] : memref<2x25x40xi32, #tpu.memory_space<vmem>> -> memref<1x1x40xi32, #tpu.memory_space<vmem>>
    %dma_wait3A_631 = tpu.memref_squeeze %dma_wait3A_630 : memref<1x1x40xi32, #tpu.memory_space<vmem>> -> memref<40xi32, #tpu.memory_space<vmem>>
    %dma_wait3A_632 = arith.constant 0 : i32
    %dma_wait3A_633 = arith.constant 0 : i32
    %dma_wait3A_634 = tpu.memref_slice %arg12[%dma_wait3A_632, %dma_wait3A_633] : memref<10000x128xf32, #tpu.memory_space<vmem_shared>> -> memref<10000x128xf32, #tpu.memory_space<vmem_shared>>
    %dma_wait3A_635 = tpu.memref_slice %arg9[%dma_wait3A_624] : memref<6x!tpu.dma_semaphore, #tpu.memory_space<semaphore_mem>> -> memref<1x!tpu.dma_semaphore, #tpu.memory_space<semaphore_mem>>
    %dma_wait3A_636 = tpu.memref_squeeze %dma_wait3A_635 : memref<1x!tpu.dma_semaphore, #tpu.memory_space<semaphore_mem>> -> memref<!tpu.dma_semaphore, #tpu.memory_space<semaphore_mem>>
    tpu.wait_indirect_dma semaphore(%dma_wait3A_636 : memref<!tpu.dma_semaphore, #tpu.memory_space<semaphore_mem>>) src(%dma_wait3A_628 : memref<40x128xf32, #tpu.memory_space<vmem>>) dst(%dma_wait3A_634 : memref<10000x128xf32, #tpu.memory_space<vmem_shared>>)
    %dma_wait3A_637 = arith.constant 0 : i32
    %dma_wait3A_638 = arith.constant 0 : i32
    %dma_wait3A_639 = arith.constant 0 : i32
    %dma_wait3A_640 = arith.constant 0 : i32
    %dma_wait3A_641 = arith.constant 0 : i32
    %dma_wait3A_642 = arith.constant 0 : i32
    %dma_wait3A_643 = tpu.memref_slice %arg6[%dma_wait3A_637, %dma_wait3A_641, %dma_wait3A_642] : memref<6x40x128xf32, #tpu.memory_space<vmem>> -> memref<1x40x128xf32, #tpu.memory_space<vmem>>
    %dma_wait3A_644 = tpu.memref_squeeze %dma_wait3A_643 : memref<1x40x128xf32, #tpu.memory_space<vmem>> -> memref<40x128xf32, #tpu.memory_space<vmem>>
    %dma_wait3A_645 = arith.constant 0 : i32
    %dma_wait3A_646 = tpu.memref_slice %arg5[%dma_wait3A_638, %dma_wait3A_639, %dma_wait3A_645] : memref<2x25x40xi32, #tpu.memory_space<vmem>> -> memref<1x1x40xi32, #tpu.memory_space<vmem>>
    %dma_wait3A_647 = tpu.memref_squeeze %dma_wait3A_646 : memref<1x1x40xi32, #tpu.memory_space<vmem>> -> memref<40xi32, #tpu.memory_space<vmem>>
    %dma_wait3A_648 = arith.constant 0 : i32
    %dma_wait3A_649 = arith.constant 0 : i32
    %dma_wait3A_650 = tpu.memref_slice %arg12[%dma_wait3A_648, %dma_wait3A_649] : memref<10000x128xf32, #tpu.memory_space<vmem_shared>> -> memref<10000x128xf32, #tpu.memory_space<vmem_shared>>
    %dma_wait3A_651 = tpu.memref_slice %arg9[%dma_wait3A_640] : memref<6x!tpu.dma_semaphore, #tpu.memory_space<semaphore_mem>> -> memref<1x!tpu.dma_semaphore, #tpu.memory_space<semaphore_mem>>
    %dma_wait3A_652 = tpu.memref_squeeze %dma_wait3A_651 : memref<1x!tpu.dma_semaphore, #tpu.memory_space<semaphore_mem>> -> memref<!tpu.dma_semaphore, #tpu.memory_space<semaphore_mem>>
    tpu.wait_indirect_dma semaphore(%dma_wait3A_652 : memref<!tpu.dma_semaphore, #tpu.memory_space<semaphore_mem>>) src(%dma_wait3A_644 : memref<40x128xf32, #tpu.memory_space<vmem>>) dst(%dma_wait3A_650 : memref<10000x128xf32, #tpu.memory_space<vmem_shared>>)
    %dma_wait3A_653 = arith.constant 1 : i32
    %dma_wait3A_654 = arith.constant 0 : i32
    %dma_wait3A_655 = arith.constant 0 : i32
    %dma_wait3A_656 = arith.constant 1 : i32
    %dma_wait3A_657 = arith.constant 0 : i32
    %dma_wait3A_658 = arith.constant 0 : i32
    %dma_wait3A_659 = tpu.memref_slice %arg6[%dma_wait3A_653, %dma_wait3A_657, %dma_wait3A_658] : memref<6x40x128xf32, #tpu.memory_space<vmem>> -> memref<1x40x128xf32, #tpu.memory_space<vmem>>
    %dma_wait3A_660 = tpu.memref_squeeze %dma_wait3A_659 : memref<1x40x128xf32, #tpu.memory_space<vmem>> -> memref<40x128xf32, #tpu.memory_space<vmem>>
    %dma_wait3A_661 = arith.constant 0 : i32
    %dma_wait3A_662 = tpu.memref_slice %arg5[%dma_wait3A_654, %dma_wait3A_655, %dma_wait3A_661] : memref<2x25x40xi32, #tpu.memory_space<vmem>> -> memref<1x1x40xi32, #tpu.memory_space<vmem>>
    %dma_wait3A_663 = tpu.memref_squeeze %dma_wait3A_662 : memref<1x1x40xi32, #tpu.memory_space<vmem>> -> memref<40xi32, #tpu.memory_space<vmem>>
    %dma_wait3A_664 = arith.constant 0 : i32
    %dma_wait3A_665 = arith.constant 0 : i32
    %dma_wait3A_666 = tpu.memref_slice %arg12[%dma_wait3A_664, %dma_wait3A_665] : memref<10000x128xf32, #tpu.memory_space<vmem_shared>> -> memref<10000x128xf32, #tpu.memory_space<vmem_shared>>
    %dma_wait3A_667 = tpu.memref_slice %arg9[%dma_wait3A_656] : memref<6x!tpu.dma_semaphore, #tpu.memory_space<semaphore_mem>> -> memref<1x!tpu.dma_semaphore, #tpu.memory_space<semaphore_mem>>
    %dma_wait3A_668 = tpu.memref_squeeze %dma_wait3A_667 : memref<1x!tpu.dma_semaphore, #tpu.memory_space<semaphore_mem>> -> memref<!tpu.dma_semaphore, #tpu.memory_space<semaphore_mem>>
    tpu.wait_indirect_dma semaphore(%dma_wait3A_668 : memref<!tpu.dma_semaphore, #tpu.memory_space<semaphore_mem>>) src(%dma_wait3A_660 : memref<40x128xf32, #tpu.memory_space<vmem>>) dst(%dma_wait3A_666 : memref<10000x128xf32, #tpu.memory_space<vmem_shared>>)
    %dma_wait3A_669 = arith.constant 2 : i32
    %dma_wait3A_670 = arith.constant 0 : i32
    %dma_wait3A_671 = arith.constant 0 : i32
    %dma_wait3A_672 = arith.constant 2 : i32
    %dma_wait3A_673 = arith.constant 0 : i32
    %dma_wait3A_674 = arith.constant 0 : i32
    %dma_wait3A_675 = tpu.memref_slice %arg6[%dma_wait3A_669, %dma_wait3A_673, %dma_wait3A_674] : memref<6x40x128xf32, #tpu.memory_space<vmem>> -> memref<1x40x128xf32, #tpu.memory_space<vmem>>
    %dma_wait3A_676 = tpu.memref_squeeze %dma_wait3A_675 : memref<1x40x128xf32, #tpu.memory_space<vmem>> -> memref<40x128xf32, #tpu.memory_space<vmem>>
    %dma_wait3A_677 = arith.constant 0 : i32
    %dma_wait3A_678 = tpu.memref_slice %arg5[%dma_wait3A_670, %dma_wait3A_671, %dma_wait3A_677] : memref<2x25x40xi32, #tpu.memory_space<vmem>> -> memref<1x1x40xi32, #tpu.memory_space<vmem>>
    %dma_wait3A_679 = tpu.memref_squeeze %dma_wait3A_678 : memref<1x1x40xi32, #tpu.memory_space<vmem>> -> memref<40xi32, #tpu.memory_space<vmem>>
    %dma_wait3A_680 = arith.constant 0 : i32
    %dma_wait3A_681 = arith.constant 0 : i32
    %dma_wait3A_682 = tpu.memref_slice %arg12[%dma_wait3A_680, %dma_wait3A_681] : memref<10000x128xf32, #tpu.memory_space<vmem_shared>> -> memref<10000x128xf32, #tpu.memory_space<vmem_shared>>
    %dma_wait3A_683 = tpu.memref_slice %arg9[%dma_wait3A_672] : memref<6x!tpu.dma_semaphore, #tpu.memory_space<semaphore_mem>> -> memref<1x!tpu.dma_semaphore, #tpu.memory_space<semaphore_mem>>
    %dma_wait3A_684 = tpu.memref_squeeze %dma_wait3A_683 : memref<1x!tpu.dma_semaphore, #tpu.memory_space<semaphore_mem>> -> memref<!tpu.dma_semaphore, #tpu.memory_space<semaphore_mem>>
    tpu.wait_indirect_dma semaphore(%dma_wait3A_684 : memref<!tpu.dma_semaphore, #tpu.memory_space<semaphore_mem>>) src(%dma_wait3A_676 : memref<40x128xf32, #tpu.memory_space<vmem>>) dst(%dma_wait3A_682 : memref<10000x128xf32, #tpu.memory_space<vmem_shared>>)
    %dma_wait3A_685 = arith.constant 3 : i32
    %dma_wait3A_686 = arith.constant 0 : i32
    %dma_wait3A_687 = arith.constant 0 : i32
    %dma_wait3A_688 = arith.constant 3 : i32
    %dma_wait3A_689 = arith.constant 0 : i32
    %dma_wait3A_690 = arith.constant 0 : i32
    %dma_wait3A_691 = tpu.memref_slice %arg6[%dma_wait3A_685, %dma_wait3A_689, %dma_wait3A_690] : memref<6x40x128xf32, #tpu.memory_space<vmem>> -> memref<1x40x128xf32, #tpu.memory_space<vmem>>
    %dma_wait3A_692 = tpu.memref_squeeze %dma_wait3A_691 : memref<1x40x128xf32, #tpu.memory_space<vmem>> -> memref<40x128xf32, #tpu.memory_space<vmem>>
    %dma_wait3A_693 = arith.constant 0 : i32
    %dma_wait3A_694 = tpu.memref_slice %arg5[%dma_wait3A_686, %dma_wait3A_687, %dma_wait3A_693] : memref<2x25x40xi32, #tpu.memory_space<vmem>> -> memref<1x1x40xi32, #tpu.memory_space<vmem>>
    %dma_wait3A_695 = tpu.memref_squeeze %dma_wait3A_694 : memref<1x1x40xi32, #tpu.memory_space<vmem>> -> memref<40xi32, #tpu.memory_space<vmem>>
    %dma_wait3A_696 = arith.constant 0 : i32
    %dma_wait3A_697 = arith.constant 0 : i32
    %dma_wait3A_698 = tpu.memref_slice %arg12[%dma_wait3A_696, %dma_wait3A_697] : memref<10000x128xf32, #tpu.memory_space<vmem_shared>> -> memref<10000x128xf32, #tpu.memory_space<vmem_shared>>
    %dma_wait3A_699 = tpu.memref_slice %arg9[%dma_wait3A_688] : memref<6x!tpu.dma_semaphore, #tpu.memory_space<semaphore_mem>> -> memref<1x!tpu.dma_semaphore, #tpu.memory_space<semaphore_mem>>
    %dma_wait3A_700 = tpu.memref_squeeze %dma_wait3A_699 : memref<1x!tpu.dma_semaphore, #tpu.memory_space<semaphore_mem>> -> memref<!tpu.dma_semaphore, #tpu.memory_space<semaphore_mem>>
    tpu.wait_indirect_dma semaphore(%dma_wait3A_700 : memref<!tpu.dma_semaphore, #tpu.memory_space<semaphore_mem>>) src(%dma_wait3A_692 : memref<40x128xf32, #tpu.memory_space<vmem>>) dst(%dma_wait3A_698 : memref<10000x128xf32, #tpu.memory_space<vmem_shared>>)
    %barrier3A_701 = arith.constant 0 : index
    tpu.barrier barrier_id(%barrier3A_701)
    %eq3A_702 = arith.constant 15 : i32
    %eq3A_703 = arith.cmpi eq, %arg1, %eq3A_702 : i32
    %mul3A_704 = arith.constant 640 : i32
    %mul3A_705 = arith.muli %arg1, %mul3A_704 : i32
    %jit3A_706 = arith.constant 9360 : i32
    %select_n3A_707 = arith.select %eq3A_703, %jit3A_706, %mul3A_705 : i32
    "tpu.region"() ({
      %run_scoped3A = tpu.sem_alloc : memref<!tpu.dma_semaphore, #tpu.memory_space<semaphore_mem>>
      %dma_start3A_708 = arith.constant 0 : i32
      %dma_start3A_709 = tpu.memref_slice %arg4[%arg0, %select_n3A_707, %dma_start3A_708] : memref<2x10000x128xf32, #tpu.memory_space<hbm>> -> memref<1x640x128xf32, #tpu.memory_space<hbm>>
      %dma_start3A_710 = tpu.memref_squeeze %dma_start3A_709 : memref<1x640x128xf32, #tpu.memory_space<hbm>> -> memref<640x128xf32, #tpu.memory_space<hbm>>
      %dma_start3A_711 = arith.constant 0 : i32
      %dma_start3A_712 = tpu.memref_slice %arg12[%select_n3A_707, %dma_start3A_711] : memref<10000x128xf32, #tpu.memory_space<vmem_shared>> -> memref<640x128xf32, #tpu.memory_space<vmem_shared>>
      tpu.enqueue_dma source(%dma_start3A_712 : memref<640x128xf32, #tpu.memory_space<vmem_shared>>) target(%dma_start3A_710 : memref<640x128xf32, #tpu.memory_space<hbm>>) target_semaphore(%run_scoped3A : memref<!tpu.dma_semaphore, #tpu.memory_space<semaphore_mem>>)
      %dma_wait3A_713 = arith.constant 0 : i32
      %dma_wait3A_714 = tpu.memref_slice %arg4[%arg0, %select_n3A_707, %dma_wait3A_713] : memref<2x10000x128xf32, #tpu.memory_space<hbm>> -> memref<1x640x128xf32, #tpu.memory_space<hbm>>
      %dma_wait3A_715 = tpu.memref_squeeze %dma_wait3A_714 : memref<1x640x128xf32, #tpu.memory_space<hbm>> -> memref<640x128xf32, #tpu.memory_space<hbm>>
      %dma_wait3A_716 = arith.constant 0 : i32
      %dma_wait3A_717 = tpu.memref_slice %arg12[%select_n3A_707, %dma_wait3A_716] : memref<10000x128xf32, #tpu.memory_space<vmem_shared>> -> memref<640x128xf32, #tpu.memory_space<vmem_shared>>
      tpu.wait_dma2 semaphore(%run_scoped3A : memref<!tpu.dma_semaphore, #tpu.memory_space<semaphore_mem>>) src(%dma_wait3A_717 : memref<640x128xf32, #tpu.memory_space<vmem_shared>>) dst(%dma_wait3A_715 : memref<640x128xf32, #tpu.memory_space<hbm>>)
      tpu.yield
    }) : () -> ()
    return
  }
}

#map = affine_map<(d0, d1) -> (0, 0)>
#map1 = affine_map<(d0, d1) -> (0, 0, 0, 0)>
#map2 = affine_map<(d0, d1) -> (0, 0, 0)>
module attributes {stable_mosaic.version = 14 : i64} {
  func.func @_sc_agg(%arg0: i32, %arg1: i32, %arg2: memref<10000x128xf32, #tpu.memory_space<hbm>>, %arg3: memref<32x10x25x40xi32, #tpu.memory_space<hbm>>, %arg4: memref<32x10x25x40xi32, #tpu.memory_space<hbm>>, %arg5: memref<2x10000x128xf32, #tpu.memory_space<hbm>>, %arg6: memref<2x25x40xi32, #tpu.memory_space<vmem>>, %arg7: memref<2x25x40xi32, #tpu.memory_space<vmem>>, %arg8: memref<6x40x128xf32, #tpu.memory_space<vmem>>, %arg9: memref<16x128xf32, #tpu.memory_space<vmem>>, %arg10: memref<6x!tpu.dma_semaphore, #tpu.memory_space<semaphore_mem>>, %arg11: memref<6x!tpu.dma_semaphore, #tpu.memory_space<semaphore_mem>>, %arg12: memref<!tpu.dma_semaphore, #tpu.memory_space<semaphore_mem>>, %arg13: memref<!tpu.dma_semaphore, #tpu.memory_space<semaphore_mem>>, %arg14: memref<10000x128xf32, #tpu.memory_space<vmem_shared>>) attributes {dimension_semantics = [#tpu.dimension_semantics<core_parallel>, #tpu.dimension_semantics<subcore_parallel>], iteration_bounds = array<i64: 2, 16>, scalar_prefetch = 0 : i64, scratch_operands = 9 : i64, tpu.core_type = #tpu.core_type<sc_vector_subcore>, window_params = [{transform_indices = #map}, {transform_indices = #map1}, {transform_indices = #map1}, {transform_indices = #map2}]} {
    %mul3A = arith.constant 16 : i32
    %mul3A_0 = arith.muli %arg0, %mul3A : i32
    %add3A = arith.addi %mul3A_0, %arg1 : i32
    %dma_start3A = arith.constant 0 : i32
    %dma_start3A_1 = arith.constant 0 : i32
    %dma_start3A_2 = arith.constant 0 : i32
    %dma_start3A_3 = arith.constant 0 : i32
    %dma_start3A_4 = tpu.memref_slice %arg6[%dma_start3A_1, %dma_start3A_2, %dma_start3A_3] : memref<2x25x40xi32, #tpu.memory_space<vmem>> -> memref<1x25x40xi32, #tpu.memory_space<vmem>>
    %dma_start3A_5 = tpu.memref_squeeze %dma_start3A_4 : memref<1x25x40xi32, #tpu.memory_space<vmem>> -> memref<25x40xi32, #tpu.memory_space<vmem>>
    %dma_start3A_6 = arith.constant 0 : i32
    %dma_start3A_7 = arith.constant 0 : i32
    %dma_start3A_8 = tpu.memref_slice %arg3[%add3A, %dma_start3A, %dma_start3A_6, %dma_start3A_7] : memref<32x10x25x40xi32, #tpu.memory_space<hbm>> -> memref<1x1x25x40xi32, #tpu.memory_space<hbm>>
    %dma_start3A_9 = tpu.memref_squeeze %dma_start3A_8 : memref<1x1x25x40xi32, #tpu.memory_space<hbm>> -> memref<25x40xi32, #tpu.memory_space<hbm>>
    %dma_start3A_10 = arith.constant 0 : i32
    %dma_start3A_11 = arith.constant 0 : i32
    %dma_start3A_12 = tpu.memref_slice %arg6[%dma_start3A_1, %dma_start3A_10, %dma_start3A_11] : memref<2x25x40xi32, #tpu.memory_space<vmem>> -> memref<1x25x40xi32, #tpu.memory_space<vmem>>
    %dma_start3A_13 = tpu.memref_squeeze %dma_start3A_12 : memref<1x25x40xi32, #tpu.memory_space<vmem>> -> memref<25x40xi32, #tpu.memory_space<vmem>>
    %dma_start3A_14 = arith.constant 0 : i32
    %dma_start3A_15 = arith.constant 0 : i32
    %dma_start3A_16 = tpu.memref_slice %arg3[%add3A, %dma_start3A, %dma_start3A_14, %dma_start3A_15] : memref<32x10x25x40xi32, #tpu.memory_space<hbm>> -> memref<1x1x25x40xi32, #tpu.memory_space<hbm>>
    %dma_start3A_17 = tpu.memref_squeeze %dma_start3A_16 : memref<1x1x25x40xi32, #tpu.memory_space<hbm>> -> memref<25x40xi32, #tpu.memory_space<hbm>>
    tpu.enqueue_dma source(%dma_start3A_17 : memref<25x40xi32, #tpu.memory_space<hbm>>) target(%dma_start3A_13 : memref<25x40xi32, #tpu.memory_space<vmem>>) target_semaphore(%arg13 : memref<!tpu.dma_semaphore, #tpu.memory_space<semaphore_mem>>)
    %dma_start3A_18 = arith.constant 0 : i32
    %dma_start3A_19 = arith.constant 0 : i32
    %dma_start3A_20 = arith.constant 0 : i32
    %dma_start3A_21 = arith.constant 0 : i32
    %dma_start3A_22 = tpu.memref_slice %arg7[%dma_start3A_19, %dma_start3A_20, %dma_start3A_21] : memref<2x25x40xi32, #tpu.memory_space<vmem>> -> memref<1x25x40xi32, #tpu.memory_space<vmem>>
    %dma_start3A_23 = tpu.memref_squeeze %dma_start3A_22 : memref<1x25x40xi32, #tpu.memory_space<vmem>> -> memref<25x40xi32, #tpu.memory_space<vmem>>
    %dma_start3A_24 = arith.constant 0 : i32
    %dma_start3A_25 = arith.constant 0 : i32
    %dma_start3A_26 = tpu.memref_slice %arg4[%add3A, %dma_start3A_18, %dma_start3A_24, %dma_start3A_25] : memref<32x10x25x40xi32, #tpu.memory_space<hbm>> -> memref<1x1x25x40xi32, #tpu.memory_space<hbm>>
    %dma_start3A_27 = tpu.memref_squeeze %dma_start3A_26 : memref<1x1x25x40xi32, #tpu.memory_space<hbm>> -> memref<25x40xi32, #tpu.memory_space<hbm>>
    %dma_start3A_28 = arith.constant 0 : i32
    %dma_start3A_29 = arith.constant 0 : i32
    %dma_start3A_30 = tpu.memref_slice %arg7[%dma_start3A_19, %dma_start3A_28, %dma_start3A_29] : memref<2x25x40xi32, #tpu.memory_space<vmem>> -> memref<1x25x40xi32, #tpu.memory_space<vmem>>
    %dma_start3A_31 = tpu.memref_squeeze %dma_start3A_30 : memref<1x25x40xi32, #tpu.memory_space<vmem>> -> memref<25x40xi32, #tpu.memory_space<vmem>>
    %dma_start3A_32 = arith.constant 0 : i32
    %dma_start3A_33 = arith.constant 0 : i32
    %dma_start3A_34 = tpu.memref_slice %arg4[%add3A, %dma_start3A_18, %dma_start3A_32, %dma_start3A_33] : memref<32x10x25x40xi32, #tpu.memory_space<hbm>> -> memref<1x1x25x40xi32, #tpu.memory_space<hbm>>
    %dma_start3A_35 = tpu.memref_squeeze %dma_start3A_34 : memref<1x1x25x40xi32, #tpu.memory_space<hbm>> -> memref<25x40xi32, #tpu.memory_space<hbm>>
    tpu.enqueue_dma source(%dma_start3A_35 : memref<25x40xi32, #tpu.memory_space<hbm>>) target(%dma_start3A_31 : memref<25x40xi32, #tpu.memory_space<vmem>>) target_semaphore(%arg13 : memref<!tpu.dma_semaphore, #tpu.memory_space<semaphore_mem>>)
    %dma_wait3A = arith.constant 0 : i32
    %dma_wait3A_36 = arith.constant 0 : i32
    %dma_wait3A_37 = arith.constant 0 : i32
    %dma_wait3A_38 = arith.constant 0 : i32
    %dma_wait3A_39 = tpu.memref_slice %arg6[%dma_wait3A_36, %dma_wait3A_37, %dma_wait3A_38] : memref<2x25x40xi32, #tpu.memory_space<vmem>> -> memref<1x25x40xi32, #tpu.memory_space<vmem>>
    %dma_wait3A_40 = tpu.memref_squeeze %dma_wait3A_39 : memref<1x25x40xi32, #tpu.memory_space<vmem>> -> memref<25x40xi32, #tpu.memory_space<vmem>>
    %dma_wait3A_41 = arith.constant 0 : i32
    %dma_wait3A_42 = arith.constant 0 : i32
    %dma_wait3A_43 = tpu.memref_slice %arg3[%add3A, %dma_wait3A, %dma_wait3A_41, %dma_wait3A_42] : memref<32x10x25x40xi32, #tpu.memory_space<hbm>> -> memref<1x1x25x40xi32, #tpu.memory_space<hbm>>
    %dma_wait3A_44 = tpu.memref_squeeze %dma_wait3A_43 : memref<1x1x25x40xi32, #tpu.memory_space<hbm>> -> memref<25x40xi32, #tpu.memory_space<hbm>>
    %dma_wait3A_45 = arith.constant 0 : i32
    %dma_wait3A_46 = arith.constant 0 : i32
    %dma_wait3A_47 = tpu.memref_slice %arg6[%dma_wait3A_36, %dma_wait3A_45, %dma_wait3A_46] : memref<2x25x40xi32, #tpu.memory_space<vmem>> -> memref<1x25x40xi32, #tpu.memory_space<vmem>>
    %dma_wait3A_48 = tpu.memref_squeeze %dma_wait3A_47 : memref<1x25x40xi32, #tpu.memory_space<vmem>> -> memref<25x40xi32, #tpu.memory_space<vmem>>
    %dma_wait3A_49 = arith.constant 0 : i32
    %dma_wait3A_50 = arith.constant 0 : i32
    %dma_wait3A_51 = tpu.memref_slice %arg3[%add3A, %dma_wait3A, %dma_wait3A_49, %dma_wait3A_50] : memref<32x10x25x40xi32, #tpu.memory_space<hbm>> -> memref<1x1x25x40xi32, #tpu.memory_space<hbm>>
    %dma_wait3A_52 = tpu.memref_squeeze %dma_wait3A_51 : memref<1x1x25x40xi32, #tpu.memory_space<hbm>> -> memref<25x40xi32, #tpu.memory_space<hbm>>
    tpu.wait_dma2 semaphore(%arg13 : memref<!tpu.dma_semaphore, #tpu.memory_space<semaphore_mem>>) src(%dma_wait3A_52 : memref<25x40xi32, #tpu.memory_space<hbm>>) dst(%dma_wait3A_48 : memref<25x40xi32, #tpu.memory_space<vmem>>)
    %dma_wait3A_53 = arith.constant 0 : i32
    %dma_wait3A_54 = arith.constant 0 : i32
    %dma_wait3A_55 = arith.constant 0 : i32
    %dma_wait3A_56 = arith.constant 0 : i32
    %dma_wait3A_57 = tpu.memref_slice %arg7[%dma_wait3A_54, %dma_wait3A_55, %dma_wait3A_56] : memref<2x25x40xi32, #tpu.memory_space<vmem>> -> memref<1x25x40xi32, #tpu.memory_space<vmem>>
    %dma_wait3A_58 = tpu.memref_squeeze %dma_wait3A_57 : memref<1x25x40xi32, #tpu.memory_space<vmem>> -> memref<25x40xi32, #tpu.memory_space<vmem>>
    %dma_wait3A_59 = arith.constant 0 : i32
    %dma_wait3A_60 = arith.constant 0 : i32
    %dma_wait3A_61 = tpu.memref_slice %arg4[%add3A, %dma_wait3A_53, %dma_wait3A_59, %dma_wait3A_60] : memref<32x10x25x40xi32, #tpu.memory_space<hbm>> -> memref<1x1x25x40xi32, #tpu.memory_space<hbm>>
    %dma_wait3A_62 = tpu.memref_squeeze %dma_wait3A_61 : memref<1x1x25x40xi32, #tpu.memory_space<hbm>> -> memref<25x40xi32, #tpu.memory_space<hbm>>
    %dma_wait3A_63 = arith.constant 0 : i32
    %dma_wait3A_64 = arith.constant 0 : i32
    %dma_wait3A_65 = tpu.memref_slice %arg7[%dma_wait3A_54, %dma_wait3A_63, %dma_wait3A_64] : memref<2x25x40xi32, #tpu.memory_space<vmem>> -> memref<1x25x40xi32, #tpu.memory_space<vmem>>
    %dma_wait3A_66 = tpu.memref_squeeze %dma_wait3A_65 : memref<1x25x40xi32, #tpu.memory_space<vmem>> -> memref<25x40xi32, #tpu.memory_space<vmem>>
    %dma_wait3A_67 = arith.constant 0 : i32
    %dma_wait3A_68 = arith.constant 0 : i32
    %dma_wait3A_69 = tpu.memref_slice %arg4[%add3A, %dma_wait3A_53, %dma_wait3A_67, %dma_wait3A_68] : memref<32x10x25x40xi32, #tpu.memory_space<hbm>> -> memref<1x1x25x40xi32, #tpu.memory_space<hbm>>
    %dma_wait3A_70 = tpu.memref_squeeze %dma_wait3A_69 : memref<1x1x25x40xi32, #tpu.memory_space<hbm>> -> memref<25x40xi32, #tpu.memory_space<hbm>>
    tpu.wait_dma2 semaphore(%arg13 : memref<!tpu.dma_semaphore, #tpu.memory_space<semaphore_mem>>) src(%dma_wait3A_70 : memref<25x40xi32, #tpu.memory_space<hbm>>) dst(%dma_wait3A_66 : memref<25x40xi32, #tpu.memory_space<vmem>>)
    %dma_start3A_71 = arith.constant 0 : i32
    %dma_start3A_72 = arith.constant 0 : i32
    %dma_start3A_73 = arith.constant 0 : i32
    %dma_start3A_74 = arith.constant 0 : i32
    %dma_start3A_75 = arith.constant 0 : i32
    %dma_start3A_76 = arith.constant 0 : i32
    %dma_start3A_77 = tpu.memref_slice %arg8[%dma_start3A_73, %dma_start3A_75, %dma_start3A_76] : memref<6x40x128xf32, #tpu.memory_space<vmem>> -> memref<1x40x128xf32, #tpu.memory_space<vmem>>
    %dma_start3A_78 = tpu.memref_squeeze %dma_start3A_77 : memref<1x40x128xf32, #tpu.memory_space<vmem>> -> memref<40x128xf32, #tpu.memory_space<vmem>>
    %dma_start3A_79 = arith.constant 0 : i32
    %dma_start3A_80 = tpu.memref_slice %arg6[%dma_start3A_71, %dma_start3A_72, %dma_start3A_79] : memref<2x25x40xi32, #tpu.memory_space<vmem>> -> memref<1x1x40xi32, #tpu.memory_space<vmem>>
    %dma_start3A_81 = tpu.memref_squeeze %dma_start3A_80 : memref<1x1x40xi32, #tpu.memory_space<vmem>> -> memref<40xi32, #tpu.memory_space<vmem>>
    %dma_start3A_82 = arith.constant 0 : i32
    %dma_start3A_83 = arith.constant 0 : i32
    %dma_start3A_84 = tpu.memref_slice %arg2[%dma_start3A_82, %dma_start3A_83] : memref<10000x128xf32, #tpu.memory_space<hbm>> -> memref<10000x128xf32, #tpu.memory_space<hbm>>
    %dma_start3A_85 = tpu.memref_slice %arg10[%dma_start3A_74] : memref<6x!tpu.dma_semaphore, #tpu.memory_space<semaphore_mem>> -> memref<1x!tpu.dma_semaphore, #tpu.memory_space<semaphore_mem>>
    %dma_start3A_86 = tpu.memref_squeeze %dma_start3A_85 : memref<1x!tpu.dma_semaphore, #tpu.memory_space<semaphore_mem>> -> memref<!tpu.dma_semaphore, #tpu.memory_space<semaphore_mem>>
    tpu.enqueue_indirect_dma source(%dma_start3A_84 : memref<10000x128xf32, #tpu.memory_space<hbm>>) target(%dma_start3A_78 : memref<40x128xf32, #tpu.memory_space<vmem>>) offsets(%dma_start3A_81 : memref<40xi32, #tpu.memory_space<vmem>>) semaphore(%dma_start3A_86 : memref<!tpu.dma_semaphore, #tpu.memory_space<semaphore_mem>>)
    %dma_start3A_87 = arith.constant 0 : i32
    %dma_start3A_88 = arith.constant 1 : i32
    %dma_start3A_89 = arith.constant 1 : i32
    %dma_start3A_90 = arith.constant 1 : i32
    %dma_start3A_91 = arith.constant 0 : i32
    %dma_start3A_92 = arith.constant 0 : i32
    %dma_start3A_93 = tpu.memref_slice %arg8[%dma_start3A_89, %dma_start3A_91, %dma_start3A_92] : memref<6x40x128xf32, #tpu.memory_space<vmem>> -> memref<1x40x128xf32, #tpu.memory_space<vmem>>
    %dma_start3A_94 = tpu.memref_squeeze %dma_start3A_93 : memref<1x40x128xf32, #tpu.memory_space<vmem>> -> memref<40x128xf32, #tpu.memory_space<vmem>>
    %dma_start3A_95 = arith.constant 0 : i32
    %dma_start3A_96 = tpu.memref_slice %arg6[%dma_start3A_87, %dma_start3A_88, %dma_start3A_95] : memref<2x25x40xi32, #tpu.memory_space<vmem>> -> memref<1x1x40xi32, #tpu.memory_space<vmem>>
    %dma_start3A_97 = tpu.memref_squeeze %dma_start3A_96 : memref<1x1x40xi32, #tpu.memory_space<vmem>> -> memref<40xi32, #tpu.memory_space<vmem>>
    %dma_start3A_98 = arith.constant 0 : i32
    %dma_start3A_99 = arith.constant 0 : i32
    %dma_start3A_100 = tpu.memref_slice %arg2[%dma_start3A_98, %dma_start3A_99] : memref<10000x128xf32, #tpu.memory_space<hbm>> -> memref<10000x128xf32, #tpu.memory_space<hbm>>
    %dma_start3A_101 = tpu.memref_slice %arg10[%dma_start3A_90] : memref<6x!tpu.dma_semaphore, #tpu.memory_space<semaphore_mem>> -> memref<1x!tpu.dma_semaphore, #tpu.memory_space<semaphore_mem>>
    %dma_start3A_102 = tpu.memref_squeeze %dma_start3A_101 : memref<1x!tpu.dma_semaphore, #tpu.memory_space<semaphore_mem>> -> memref<!tpu.dma_semaphore, #tpu.memory_space<semaphore_mem>>
    tpu.enqueue_indirect_dma source(%dma_start3A_100 : memref<10000x128xf32, #tpu.memory_space<hbm>>) target(%dma_start3A_94 : memref<40x128xf32, #tpu.memory_space<vmem>>) offsets(%dma_start3A_97 : memref<40xi32, #tpu.memory_space<vmem>>) semaphore(%dma_start3A_102 : memref<!tpu.dma_semaphore, #tpu.memory_space<semaphore_mem>>)
    %dma_start3A_103 = arith.constant 0 : i32
    %dma_start3A_104 = arith.constant 2 : i32
    %dma_start3A_105 = arith.constant 2 : i32
    %dma_start3A_106 = arith.constant 2 : i32
    %dma_start3A_107 = arith.constant 0 : i32
    %dma_start3A_108 = arith.constant 0 : i32
    %dma_start3A_109 = tpu.memref_slice %arg8[%dma_start3A_105, %dma_start3A_107, %dma_start3A_108] : memref<6x40x128xf32, #tpu.memory_space<vmem>> -> memref<1x40x128xf32, #tpu.memory_space<vmem>>
    %dma_start3A_110 = tpu.memref_squeeze %dma_start3A_109 : memref<1x40x128xf32, #tpu.memory_space<vmem>> -> memref<40x128xf32, #tpu.memory_space<vmem>>
    %dma_start3A_111 = arith.constant 0 : i32
    %dma_start3A_112 = tpu.memref_slice %arg6[%dma_start3A_103, %dma_start3A_104, %dma_start3A_111] : memref<2x25x40xi32, #tpu.memory_space<vmem>> -> memref<1x1x40xi32, #tpu.memory_space<vmem>>
    %dma_start3A_113 = tpu.memref_squeeze %dma_start3A_112 : memref<1x1x40xi32, #tpu.memory_space<vmem>> -> memref<40xi32, #tpu.memory_space<vmem>>
    %dma_start3A_114 = arith.constant 0 : i32
    %dma_start3A_115 = arith.constant 0 : i32
    %dma_start3A_116 = tpu.memref_slice %arg2[%dma_start3A_114, %dma_start3A_115] : memref<10000x128xf32, #tpu.memory_space<hbm>> -> memref<10000x128xf32, #tpu.memory_space<hbm>>
    %dma_start3A_117 = tpu.memref_slice %arg10[%dma_start3A_106] : memref<6x!tpu.dma_semaphore, #tpu.memory_space<semaphore_mem>> -> memref<1x!tpu.dma_semaphore, #tpu.memory_space<semaphore_mem>>
    %dma_start3A_118 = tpu.memref_squeeze %dma_start3A_117 : memref<1x!tpu.dma_semaphore, #tpu.memory_space<semaphore_mem>> -> memref<!tpu.dma_semaphore, #tpu.memory_space<semaphore_mem>>
    tpu.enqueue_indirect_dma source(%dma_start3A_116 : memref<10000x128xf32, #tpu.memory_space<hbm>>) target(%dma_start3A_110 : memref<40x128xf32, #tpu.memory_space<vmem>>) offsets(%dma_start3A_113 : memref<40xi32, #tpu.memory_space<vmem>>) semaphore(%dma_start3A_118 : memref<!tpu.dma_semaphore, #tpu.memory_space<semaphore_mem>>)
    %dma_start3A_119 = arith.constant 0 : i32
    %dma_start3A_120 = arith.constant 3 : i32
    %dma_start3A_121 = arith.constant 3 : i32
    %dma_start3A_122 = arith.constant 3 : i32
    %dma_start3A_123 = arith.constant 0 : i32
    %dma_start3A_124 = arith.constant 0 : i32
    %dma_start3A_125 = tpu.memref_slice %arg8[%dma_start3A_121, %dma_start3A_123, %dma_start3A_124] : memref<6x40x128xf32, #tpu.memory_space<vmem>> -> memref<1x40x128xf32, #tpu.memory_space<vmem>>
    %dma_start3A_126 = tpu.memref_squeeze %dma_start3A_125 : memref<1x40x128xf32, #tpu.memory_space<vmem>> -> memref<40x128xf32, #tpu.memory_space<vmem>>
    %dma_start3A_127 = arith.constant 0 : i32
    %dma_start3A_128 = tpu.memref_slice %arg6[%dma_start3A_119, %dma_start3A_120, %dma_start3A_127] : memref<2x25x40xi32, #tpu.memory_space<vmem>> -> memref<1x1x40xi32, #tpu.memory_space<vmem>>
    %dma_start3A_129 = tpu.memref_squeeze %dma_start3A_128 : memref<1x1x40xi32, #tpu.memory_space<vmem>> -> memref<40xi32, #tpu.memory_space<vmem>>
    %dma_start3A_130 = arith.constant 0 : i32
    %dma_start3A_131 = arith.constant 0 : i32
    %dma_start3A_132 = tpu.memref_slice %arg2[%dma_start3A_130, %dma_start3A_131] : memref<10000x128xf32, #tpu.memory_space<hbm>> -> memref<10000x128xf32, #tpu.memory_space<hbm>>
    %dma_start3A_133 = tpu.memref_slice %arg10[%dma_start3A_122] : memref<6x!tpu.dma_semaphore, #tpu.memory_space<semaphore_mem>> -> memref<1x!tpu.dma_semaphore, #tpu.memory_space<semaphore_mem>>
    %dma_start3A_134 = tpu.memref_squeeze %dma_start3A_133 : memref<1x!tpu.dma_semaphore, #tpu.memory_space<semaphore_mem>> -> memref<!tpu.dma_semaphore, #tpu.memory_space<semaphore_mem>>
    tpu.enqueue_indirect_dma source(%dma_start3A_132 : memref<10000x128xf32, #tpu.memory_space<hbm>>) target(%dma_start3A_126 : memref<40x128xf32, #tpu.memory_space<vmem>>) offsets(%dma_start3A_129 : memref<40xi32, #tpu.memory_space<vmem>>) semaphore(%dma_start3A_134 : memref<!tpu.dma_semaphore, #tpu.memory_space<semaphore_mem>>)
    %dma_start3A_135 = arith.constant 0 : i32
    %dma_start3A_136 = arith.constant 4 : i32
    %dma_start3A_137 = arith.constant 4 : i32
    %dma_start3A_138 = arith.constant 4 : i32
    %dma_start3A_139 = arith.constant 0 : i32
    %dma_start3A_140 = arith.constant 0 : i32
    %dma_start3A_141 = tpu.memref_slice %arg8[%dma_start3A_137, %dma_start3A_139, %dma_start3A_140] : memref<6x40x128xf32, #tpu.memory_space<vmem>> -> memref<1x40x128xf32, #tpu.memory_space<vmem>>
    %dma_start3A_142 = tpu.memref_squeeze %dma_start3A_141 : memref<1x40x128xf32, #tpu.memory_space<vmem>> -> memref<40x128xf32, #tpu.memory_space<vmem>>
    %dma_start3A_143 = arith.constant 0 : i32
    %dma_start3A_144 = tpu.memref_slice %arg6[%dma_start3A_135, %dma_start3A_136, %dma_start3A_143] : memref<2x25x40xi32, #tpu.memory_space<vmem>> -> memref<1x1x40xi32, #tpu.memory_space<vmem>>
    %dma_start3A_145 = tpu.memref_squeeze %dma_start3A_144 : memref<1x1x40xi32, #tpu.memory_space<vmem>> -> memref<40xi32, #tpu.memory_space<vmem>>
    %dma_start3A_146 = arith.constant 0 : i32
    %dma_start3A_147 = arith.constant 0 : i32
    %dma_start3A_148 = tpu.memref_slice %arg2[%dma_start3A_146, %dma_start3A_147] : memref<10000x128xf32, #tpu.memory_space<hbm>> -> memref<10000x128xf32, #tpu.memory_space<hbm>>
    %dma_start3A_149 = tpu.memref_slice %arg10[%dma_start3A_138] : memref<6x!tpu.dma_semaphore, #tpu.memory_space<semaphore_mem>> -> memref<1x!tpu.dma_semaphore, #tpu.memory_space<semaphore_mem>>
    %dma_start3A_150 = tpu.memref_squeeze %dma_start3A_149 : memref<1x!tpu.dma_semaphore, #tpu.memory_space<semaphore_mem>> -> memref<!tpu.dma_semaphore, #tpu.memory_space<semaphore_mem>>
    tpu.enqueue_indirect_dma source(%dma_start3A_148 : memref<10000x128xf32, #tpu.memory_space<hbm>>) target(%dma_start3A_142 : memref<40x128xf32, #tpu.memory_space<vmem>>) offsets(%dma_start3A_145 : memref<40xi32, #tpu.memory_space<vmem>>) semaphore(%dma_start3A_150 : memref<!tpu.dma_semaphore, #tpu.memory_space<semaphore_mem>>)
    %scan3A = arith.constant 0 : i32
    %scan3A_151 = arith.constant 0 : i32
    %scan3A_152 = arith.constant 128 : i32
    %scan3A_153 = arith.addi %scan3A_151, %scan3A_152 : i32
    %scan3A_154 = arith.constant 1 : i32
    scf.for %scan3A_732 = %scan3A_151 to %scan3A_153 step %scan3A_154  : i32 {
      %jit3A_733 = arith.constant 8 : i32
      %div3A = arith.divsi %scan3A_732, %jit3A_733 : i32
      %sign3A = arith.constant 0 : i32
      %sign3A_734 = arith.cmpi sgt, %scan3A_732, %sign3A : i32
      %sign3A_735 = arith.extui %sign3A_734 : i1 to i32
      %sign3A_736 = arith.constant 0 : i32
      %sign3A_737 = arith.cmpi slt, %scan3A_732, %sign3A_736 : i32
      %sign3A_738 = arith.extui %sign3A_737 : i1 to i32
      %sign3A_739 = arith.subi %sign3A_735, %sign3A_738 : i32
      %sign3A_740 = arith.constant 0 : i32
      %sign3A_741 = arith.cmpi sgt, %jit3A_733, %sign3A_740 : i32
      %sign3A_742 = arith.extui %sign3A_741 : i1 to i32
      %sign3A_743 = arith.constant 0 : i32
      %sign3A_744 = arith.cmpi slt, %jit3A_733, %sign3A_743 : i32
      %sign3A_745 = arith.extui %sign3A_744 : i1 to i32
      %sign3A_746 = arith.subi %sign3A_742, %sign3A_745 : i32
      %ne3A = arith.cmpi ne, %sign3A_739, %sign3A_746 : i32
      %rem3A = arith.remsi %scan3A_732, %jit3A_733 : i32
      %ne3A_747 = arith.constant 0 : i32
      %ne3A_748 = arith.cmpi ne, %rem3A, %ne3A_747 : i32
      %and3A = arith.andi %ne3A, %ne3A_748 : i1
      %sub3A = arith.constant 1 : i32
      %sub3A_749 = arith.subi %div3A, %sub3A : i32
      %select_n3A_750 = arith.select %and3A, %sub3A_749, %div3A : i32
      %jit3A_751 = arith.constant 8 : i32
      %eq3A_752 = arith.constant 0 : i32
      %eq3A_753 = arith.cmpi eq, %jit3A_751, %eq3A_752 : i32
      %jit3A_754 = arith.constant 1 : i32
      %select_n3A_755 = arith.select %eq3A_753, %jit3A_754, %jit3A_751 : i32
      %rem3A_756 = arith.remsi %scan3A_732, %select_n3A_755 : i32
      %ne3A_757 = arith.constant 0 : i32
      %ne3A_758 = arith.cmpi ne, %rem3A_756, %ne3A_757 : i32
      %lt3A = arith.constant 0 : i32
      %lt3A_759 = arith.cmpi slt, %rem3A_756, %lt3A : i32
      %lt3A_760 = arith.constant 0 : i32
      %lt3A_761 = arith.cmpi slt, %select_n3A_755, %lt3A_760 : i32
      %ne3A_762 = arith.xori %lt3A_759, %lt3A_761 : i1
      %and3A_763 = arith.andi %ne3A_762, %ne3A_758 : i1
      %add3A_764 = arith.addi %rem3A_756, %select_n3A_755 : i32
      %select_n3A_765 = arith.select %and3A_763, %add3A_764, %rem3A_756 : i32
      %broadcast_in_dim3A = arith.constant 0.000000e+00 : f32
      %broadcast_in_dim3A_766 = vector.broadcast %broadcast_in_dim3A : f32 to vector<16xf32>
      %mul3A_767 = arith.constant 16 : i32
      %mul3A_768 = arith.muli %select_n3A_765, %mul3A_767 : i32
      %swap3A = arith.index_cast %select_n3A_750 : i32 to index
      %swap3A_769 = arith.index_cast %mul3A_768 : i32 to index
      %swap3A_770 = tpu.vector_load %arg9[%swap3A, %swap3A_769] {strides = array<i32>} : memref<16x128xf32, #tpu.memory_space<vmem>>, vector<1x16xf32>,
      %swap3A_771 = vector.shape_cast %swap3A_770 : vector<1x16xf32> to vector<16xf32>
      %swap3A_772 = vector.shape_cast %broadcast_in_dim3A_766 : vector<16xf32> to vector<1x16xf32>
      tpu.vector_store %arg9[%swap3A, %swap3A_769], %swap3A_772 {strides = array<i32>} : memref<16x128xf32, #tpu.memory_space<vmem>>, vector<1x16xf32>,
    }
    %scan3A_155 = arith.constant 128 : i32
    %eq3A = arith.constant 15 : i32
    %eq3A_156 = arith.cmpi eq, %arg1, %eq3A : i32
    %mul3A_157 = arith.constant 640 : i32
    %mul3A_158 = arith.muli %arg1, %mul3A_157 : i32
    %jit3A = arith.constant 9360 : i32
    %select_n3A = arith.select %eq3A_156, %jit3A, %mul3A_158 : i32
    %add3A_159 = arith.constant 0 : i32
    %add3A_160 = arith.addi %select_n3A, %add3A_159 : i32
    %dma_start3A_161 = arith.constant 0 : i32
    %dma_start3A_162 = tpu.memref_slice %arg14[%add3A_160, %dma_start3A_161] : memref<10000x128xf32, #tpu.memory_space<vmem_shared>> -> memref<16x128xf32, #tpu.memory_space<vmem_shared>>
    %dma_start3A_163 = arith.constant 0 : i32
    %dma_start3A_164 = tpu.memref_slice %arg14[%add3A_160, %dma_start3A_163] : memref<10000x128xf32, #tpu.memory_space<vmem_shared>> -> memref<16x128xf32, #tpu.memory_space<vmem_shared>>
    tpu.enqueue_dma source(%arg9 : memref<16x128xf32, #tpu.memory_space<vmem>>) target(%dma_start3A_164 : memref<16x128xf32, #tpu.memory_space<vmem_shared>>) target_semaphore(%arg12 : memref<!tpu.dma_semaphore, #tpu.memory_space<semaphore_mem>>)
    %add3A_165 = arith.constant 16 : i32
    %add3A_166 = arith.addi %select_n3A, %add3A_165 : i32
    %dma_start3A_167 = arith.constant 0 : i32
    %dma_start3A_168 = tpu.memref_slice %arg14[%add3A_166, %dma_start3A_167] : memref<10000x128xf32, #tpu.memory_space<vmem_shared>> -> memref<16x128xf32, #tpu.memory_space<vmem_shared>>
    %dma_start3A_169 = arith.constant 0 : i32
    %dma_start3A_170 = tpu.memref_slice %arg14[%add3A_166, %dma_start3A_169] : memref<10000x128xf32, #tpu.memory_space<vmem_shared>> -> memref<16x128xf32, #tpu.memory_space<vmem_shared>>
    tpu.enqueue_dma source(%arg9 : memref<16x128xf32, #tpu.memory_space<vmem>>) target(%dma_start3A_170 : memref<16x128xf32, #tpu.memory_space<vmem_shared>>) target_semaphore(%arg12 : memref<!tpu.dma_semaphore, #tpu.memory_space<semaphore_mem>>)
    %add3A_171 = arith.constant 32 : i32
    %add3A_172 = arith.addi %select_n3A, %add3A_171 : i32
    %dma_start3A_173 = arith.constant 0 : i32
    %dma_start3A_174 = tpu.memref_slice %arg14[%add3A_172, %dma_start3A_173] : memref<10000x128xf32, #tpu.memory_space<vmem_shared>> -> memref<16x128xf32, #tpu.memory_space<vmem_shared>>
    %dma_start3A_175 = arith.constant 0 : i32
    %dma_start3A_176 = tpu.memref_slice %arg14[%add3A_172, %dma_start3A_175] : memref<10000x128xf32, #tpu.memory_space<vmem_shared>> -> memref<16x128xf32, #tpu.memory_space<vmem_shared>>
    tpu.enqueue_dma source(%arg9 : memref<16x128xf32, #tpu.memory_space<vmem>>) target(%dma_start3A_176 : memref<16x128xf32, #tpu.memory_space<vmem_shared>>) target_semaphore(%arg12 : memref<!tpu.dma_semaphore, #tpu.memory_space<semaphore_mem>>)
    %add3A_177 = arith.constant 48 : i32
    %add3A_178 = arith.addi %select_n3A, %add3A_177 : i32
    %dma_start3A_179 = arith.constant 0 : i32
    %dma_start3A_180 = tpu.memref_slice %arg14[%add3A_178, %dma_start3A_179] : memref<10000x128xf32, #tpu.memory_space<vmem_shared>> -> memref<16x128xf32, #tpu.memory_space<vmem_shared>>
    %dma_start3A_181 = arith.constant 0 : i32
    %dma_start3A_182 = tpu.memref_slice %arg14[%add3A_178, %dma_start3A_181] : memref<10000x128xf32, #tpu.memory_space<vmem_shared>> -> memref<16x128xf32, #tpu.memory_space<vmem_shared>>
    tpu.enqueue_dma source(%arg9 : memref<16x128xf32, #tpu.memory_space<vmem>>) target(%dma_start3A_182 : memref<16x128xf32, #tpu.memory_space<vmem_shared>>) target_semaphore(%arg12 : memref<!tpu.dma_semaphore, #tpu.memory_space<semaphore_mem>>)
    %add3A_183 = arith.constant 64 : i32
    %add3A_184 = arith.addi %select_n3A, %add3A_183 : i32
    %dma_start3A_185 = arith.constant 0 : i32
    %dma_start3A_186 = tpu.memref_slice %arg14[%add3A_184, %dma_start3A_185] : memref<10000x128xf32, #tpu.memory_space<vmem_shared>> -> memref<16x128xf32, #tpu.memory_space<vmem_shared>>
    %dma_start3A_187 = arith.constant 0 : i32
    %dma_start3A_188 = tpu.memref_slice %arg14[%add3A_184, %dma_start3A_187] : memref<10000x128xf32, #tpu.memory_space<vmem_shared>> -> memref<16x128xf32, #tpu.memory_space<vmem_shared>>
    tpu.enqueue_dma source(%arg9 : memref<16x128xf32, #tpu.memory_space<vmem>>) target(%dma_start3A_188 : memref<16x128xf32, #tpu.memory_space<vmem_shared>>) target_semaphore(%arg12 : memref<!tpu.dma_semaphore, #tpu.memory_space<semaphore_mem>>)
    %add3A_189 = arith.constant 80 : i32
    %add3A_190 = arith.addi %select_n3A, %add3A_189 : i32
    %dma_start3A_191 = arith.constant 0 : i32
    %dma_start3A_192 = tpu.memref_slice %arg14[%add3A_190, %dma_start3A_191] : memref<10000x128xf32, #tpu.memory_space<vmem_shared>> -> memref<16x128xf32, #tpu.memory_space<vmem_shared>>
    %dma_start3A_193 = arith.constant 0 : i32
    %dma_start3A_194 = tpu.memref_slice %arg14[%add3A_190, %dma_start3A_193] : memref<10000x128xf32, #tpu.memory_space<vmem_shared>> -> memref<16x128xf32, #tpu.memory_space<vmem_shared>>
    tpu.enqueue_dma source(%arg9 : memref<16x128xf32, #tpu.memory_space<vmem>>) target(%dma_start3A_194 : memref<16x128xf32, #tpu.memory_space<vmem_shared>>) target_semaphore(%arg12 : memref<!tpu.dma_semaphore, #tpu.memory_space<semaphore_mem>>)
    %add3A_195 = arith.constant 96 : i32
    %add3A_196 = arith.addi %select_n3A, %add3A_195 : i32
    %dma_start3A_197 = arith.constant 0 : i32
    %dma_start3A_198 = tpu.memref_slice %arg14[%add3A_196, %dma_start3A_197] : memref<10000x128xf32, #tpu.memory_space<vmem_shared>> -> memref<16x128xf32, #tpu.memory_space<vmem_shared>>
    %dma_start3A_199 = arith.constant 0 : i32
    %dma_start3A_200 = tpu.memref_slice %arg14[%add3A_196, %dma_start3A_199] : memref<10000x128xf32, #tpu.memory_space<vmem_shared>> -> memref<16x128xf32, #tpu.memory_space<vmem_shared>>
    tpu.enqueue_dma source(%arg9 : memref<16x128xf32, #tpu.memory_space<vmem>>) target(%dma_start3A_200 : memref<16x128xf32, #tpu.memory_space<vmem_shared>>) target_semaphore(%arg12 : memref<!tpu.dma_semaphore, #tpu.memory_space<semaphore_mem>>)
    %add3A_201 = arith.constant 112 : i32
    %add3A_202 = arith.addi %select_n3A, %add3A_201 : i32
    %dma_start3A_203 = arith.constant 0 : i32
    %dma_start3A_204 = tpu.memref_slice %arg14[%add3A_202, %dma_start3A_203] : memref<10000x128xf32, #tpu.memory_space<vmem_shared>> -> memref<16x128xf32, #tpu.memory_space<vmem_shared>>
    %dma_start3A_205 = arith.constant 0 : i32
    %dma_start3A_206 = tpu.memref_slice %arg14[%add3A_202, %dma_start3A_205] : memref<10000x128xf32, #tpu.memory_space<vmem_shared>> -> memref<16x128xf32, #tpu.memory_space<vmem_shared>>
    tpu.enqueue_dma source(%arg9 : memref<16x128xf32, #tpu.memory_space<vmem>>) target(%dma_start3A_206 : memref<16x128xf32, #tpu.memory_space<vmem_shared>>) target_semaphore(%arg12 : memref<!tpu.dma_semaphore, #tpu.memory_space<semaphore_mem>>)
    %add3A_207 = arith.constant 128 : i32
    %add3A_208 = arith.addi %select_n3A, %add3A_207 : i32
    %dma_start3A_209 = arith.constant 0 : i32
    %dma_start3A_210 = tpu.memref_slice %arg14[%add3A_208, %dma_start3A_209] : memref<10000x128xf32, #tpu.memory_space<vmem_shared>> -> memref<16x128xf32, #tpu.memory_space<vmem_shared>>
    %dma_start3A_211 = arith.constant 0 : i32
    %dma_start3A_212 = tpu.memref_slice %arg14[%add3A_208, %dma_start3A_211] : memref<10000x128xf32, #tpu.memory_space<vmem_shared>> -> memref<16x128xf32, #tpu.memory_space<vmem_shared>>
    tpu.enqueue_dma source(%arg9 : memref<16x128xf32, #tpu.memory_space<vmem>>) target(%dma_start3A_212 : memref<16x128xf32, #tpu.memory_space<vmem_shared>>) target_semaphore(%arg12 : memref<!tpu.dma_semaphore, #tpu.memory_space<semaphore_mem>>)
    %add3A_213 = arith.constant 144 : i32
    %add3A_214 = arith.addi %select_n3A, %add3A_213 : i32
    %dma_start3A_215 = arith.constant 0 : i32
    %dma_start3A_216 = tpu.memref_slice %arg14[%add3A_214, %dma_start3A_215] : memref<10000x128xf32, #tpu.memory_space<vmem_shared>> -> memref<16x128xf32, #tpu.memory_space<vmem_shared>>
    %dma_start3A_217 = arith.constant 0 : i32
    %dma_start3A_218 = tpu.memref_slice %arg14[%add3A_214, %dma_start3A_217] : memref<10000x128xf32, #tpu.memory_space<vmem_shared>> -> memref<16x128xf32, #tpu.memory_space<vmem_shared>>
    tpu.enqueue_dma source(%arg9 : memref<16x128xf32, #tpu.memory_space<vmem>>) target(%dma_start3A_218 : memref<16x128xf32, #tpu.memory_space<vmem_shared>>) target_semaphore(%arg12 : memref<!tpu.dma_semaphore, #tpu.memory_space<semaphore_mem>>)
    %add3A_219 = arith.constant 160 : i32
    %add3A_220 = arith.addi %select_n3A, %add3A_219 : i32
    %dma_start3A_221 = arith.constant 0 : i32
    %dma_start3A_222 = tpu.memref_slice %arg14[%add3A_220, %dma_start3A_221] : memref<10000x128xf32, #tpu.memory_space<vmem_shared>> -> memref<16x128xf32, #tpu.memory_space<vmem_shared>>
    %dma_start3A_223 = arith.constant 0 : i32
    %dma_start3A_224 = tpu.memref_slice %arg14[%add3A_220, %dma_start3A_223] : memref<10000x128xf32, #tpu.memory_space<vmem_shared>> -> memref<16x128xf32, #tpu.memory_space<vmem_shared>>
    tpu.enqueue_dma source(%arg9 : memref<16x128xf32, #tpu.memory_space<vmem>>) target(%dma_start3A_224 : memref<16x128xf32, #tpu.memory_space<vmem_shared>>) target_semaphore(%arg12 : memref<!tpu.dma_semaphore, #tpu.memory_space<semaphore_mem>>)
    %add3A_225 = arith.constant 176 : i32
    %add3A_226 = arith.addi %select_n3A, %add3A_225 : i32
    %dma_start3A_227 = arith.constant 0 : i32
    %dma_start3A_228 = tpu.memref_slice %arg14[%add3A_226, %dma_start3A_227] : memref<10000x128xf32, #tpu.memory_space<vmem_shared>> -> memref<16x128xf32, #tpu.memory_space<vmem_shared>>
    %dma_start3A_229 = arith.constant 0 : i32
    %dma_start3A_230 = tpu.memref_slice %arg14[%add3A_226, %dma_start3A_229] : memref<10000x128xf32, #tpu.memory_space<vmem_shared>> -> memref<16x128xf32, #tpu.memory_space<vmem_shared>>
    tpu.enqueue_dma source(%arg9 : memref<16x128xf32, #tpu.memory_space<vmem>>) target(%dma_start3A_230 : memref<16x128xf32, #tpu.memory_space<vmem_shared>>) target_semaphore(%arg12 : memref<!tpu.dma_semaphore, #tpu.memory_space<semaphore_mem>>)
    %add3A_231 = arith.constant 192 : i32
    %add3A_232 = arith.addi %select_n3A, %add3A_231 : i32
    %dma_start3A_233 = arith.constant 0 : i32
    %dma_start3A_234 = tpu.memref_slice %arg14[%add3A_232, %dma_start3A_233] : memref<10000x128xf32, #tpu.memory_space<vmem_shared>> -> memref<16x128xf32, #tpu.memory_space<vmem_shared>>
    %dma_start3A_235 = arith.constant 0 : i32
    %dma_start3A_236 = tpu.memref_slice %arg14[%add3A_232, %dma_start3A_235] : memref<10000x128xf32, #tpu.memory_space<vmem_shared>> -> memref<16x128xf32, #tpu.memory_space<vmem_shared>>
    tpu.enqueue_dma source(%arg9 : memref<16x128xf32, #tpu.memory_space<vmem>>) target(%dma_start3A_236 : memref<16x128xf32, #tpu.memory_space<vmem_shared>>) target_semaphore(%arg12 : memref<!tpu.dma_semaphore, #tpu.memory_space<semaphore_mem>>)
    %add3A_237 = arith.constant 208 : i32
    %add3A_238 = arith.addi %select_n3A, %add3A_237 : i32
    %dma_start3A_239 = arith.constant 0 : i32
    %dma_start3A_240 = tpu.memref_slice %arg14[%add3A_238, %dma_start3A_239] : memref<10000x128xf32, #tpu.memory_space<vmem_shared>> -> memref<16x128xf32, #tpu.memory_space<vmem_shared>>
    %dma_start3A_241 = arith.constant 0 : i32
    %dma_start3A_242 = tpu.memref_slice %arg14[%add3A_238, %dma_start3A_241] : memref<10000x128xf32, #tpu.memory_space<vmem_shared>> -> memref<16x128xf32, #tpu.memory_space<vmem_shared>>
    tpu.enqueue_dma source(%arg9 : memref<16x128xf32, #tpu.memory_space<vmem>>) target(%dma_start3A_242 : memref<16x128xf32, #tpu.memory_space<vmem_shared>>) target_semaphore(%arg12 : memref<!tpu.dma_semaphore, #tpu.memory_space<semaphore_mem>>)
    %add3A_243 = arith.constant 224 : i32
    %add3A_244 = arith.addi %select_n3A, %add3A_243 : i32
    %dma_start3A_245 = arith.constant 0 : i32
    %dma_start3A_246 = tpu.memref_slice %arg14[%add3A_244, %dma_start3A_245] : memref<10000x128xf32, #tpu.memory_space<vmem_shared>> -> memref<16x128xf32, #tpu.memory_space<vmem_shared>>
    %dma_start3A_247 = arith.constant 0 : i32
    %dma_start3A_248 = tpu.memref_slice %arg14[%add3A_244, %dma_start3A_247] : memref<10000x128xf32, #tpu.memory_space<vmem_shared>> -> memref<16x128xf32, #tpu.memory_space<vmem_shared>>
    tpu.enqueue_dma source(%arg9 : memref<16x128xf32, #tpu.memory_space<vmem>>) target(%dma_start3A_248 : memref<16x128xf32, #tpu.memory_space<vmem_shared>>) target_semaphore(%arg12 : memref<!tpu.dma_semaphore, #tpu.memory_space<semaphore_mem>>)
    %add3A_249 = arith.constant 240 : i32
    %add3A_250 = arith.addi %select_n3A, %add3A_249 : i32
    %dma_start3A_251 = arith.constant 0 : i32
    %dma_start3A_252 = tpu.memref_slice %arg14[%add3A_250, %dma_start3A_251] : memref<10000x128xf32, #tpu.memory_space<vmem_shared>> -> memref<16x128xf32, #tpu.memory_space<vmem_shared>>
    %dma_start3A_253 = arith.constant 0 : i32
    %dma_start3A_254 = tpu.memref_slice %arg14[%add3A_250, %dma_start3A_253] : memref<10000x128xf32, #tpu.memory_space<vmem_shared>> -> memref<16x128xf32, #tpu.memory_space<vmem_shared>>
    tpu.enqueue_dma source(%arg9 : memref<16x128xf32, #tpu.memory_space<vmem>>) target(%dma_start3A_254 : memref<16x128xf32, #tpu.memory_space<vmem_shared>>) target_semaphore(%arg12 : memref<!tpu.dma_semaphore, #tpu.memory_space<semaphore_mem>>)
    %add3A_255 = arith.constant 256 : i32
    %add3A_256 = arith.addi %select_n3A, %add3A_255 : i32
    %dma_start3A_257 = arith.constant 0 : i32
    %dma_start3A_258 = tpu.memref_slice %arg14[%add3A_256, %dma_start3A_257] : memref<10000x128xf32, #tpu.memory_space<vmem_shared>> -> memref<16x128xf32, #tpu.memory_space<vmem_shared>>
    %dma_start3A_259 = arith.constant 0 : i32
    %dma_start3A_260 = tpu.memref_slice %arg14[%add3A_256, %dma_start3A_259] : memref<10000x128xf32, #tpu.memory_space<vmem_shared>> -> memref<16x128xf32, #tpu.memory_space<vmem_shared>>
    tpu.enqueue_dma source(%arg9 : memref<16x128xf32, #tpu.memory_space<vmem>>) target(%dma_start3A_260 : memref<16x128xf32, #tpu.memory_space<vmem_shared>>) target_semaphore(%arg12 : memref<!tpu.dma_semaphore, #tpu.memory_space<semaphore_mem>>)
    %add3A_261 = arith.constant 272 : i32
    %add3A_262 = arith.addi %select_n3A, %add3A_261 : i32
    %dma_start3A_263 = arith.constant 0 : i32
    %dma_start3A_264 = tpu.memref_slice %arg14[%add3A_262, %dma_start3A_263] : memref<10000x128xf32, #tpu.memory_space<vmem_shared>> -> memref<16x128xf32, #tpu.memory_space<vmem_shared>>
    %dma_start3A_265 = arith.constant 0 : i32
    %dma_start3A_266 = tpu.memref_slice %arg14[%add3A_262, %dma_start3A_265] : memref<10000x128xf32, #tpu.memory_space<vmem_shared>> -> memref<16x128xf32, #tpu.memory_space<vmem_shared>>
    tpu.enqueue_dma source(%arg9 : memref<16x128xf32, #tpu.memory_space<vmem>>) target(%dma_start3A_266 : memref<16x128xf32, #tpu.memory_space<vmem_shared>>) target_semaphore(%arg12 : memref<!tpu.dma_semaphore, #tpu.memory_space<semaphore_mem>>)
    %add3A_267 = arith.constant 288 : i32
    %add3A_268 = arith.addi %select_n3A, %add3A_267 : i32
    %dma_start3A_269 = arith.constant 0 : i32
    %dma_start3A_270 = tpu.memref_slice %arg14[%add3A_268, %dma_start3A_269] : memref<10000x128xf32, #tpu.memory_space<vmem_shared>> -> memref<16x128xf32, #tpu.memory_space<vmem_shared>>
    %dma_start3A_271 = arith.constant 0 : i32
    %dma_start3A_272 = tpu.memref_slice %arg14[%add3A_268, %dma_start3A_271] : memref<10000x128xf32, #tpu.memory_space<vmem_shared>> -> memref<16x128xf32, #tpu.memory_space<vmem_shared>>
    tpu.enqueue_dma source(%arg9 : memref<16x128xf32, #tpu.memory_space<vmem>>) target(%dma_start3A_272 : memref<16x128xf32, #tpu.memory_space<vmem_shared>>) target_semaphore(%arg12 : memref<!tpu.dma_semaphore, #tpu.memory_space<semaphore_mem>>)
    %add3A_273 = arith.constant 304 : i32
    %add3A_274 = arith.addi %select_n3A, %add3A_273 : i32
    %dma_start3A_275 = arith.constant 0 : i32
    %dma_start3A_276 = tpu.memref_slice %arg14[%add3A_274, %dma_start3A_275] : memref<10000x128xf32, #tpu.memory_space<vmem_shared>> -> memref<16x128xf32, #tpu.memory_space<vmem_shared>>
    %dma_start3A_277 = arith.constant 0 : i32
    %dma_start3A_278 = tpu.memref_slice %arg14[%add3A_274, %dma_start3A_277] : memref<10000x128xf32, #tpu.memory_space<vmem_shared>> -> memref<16x128xf32, #tpu.memory_space<vmem_shared>>
    tpu.enqueue_dma source(%arg9 : memref<16x128xf32, #tpu.memory_space<vmem>>) target(%dma_start3A_278 : memref<16x128xf32, #tpu.memory_space<vmem_shared>>) target_semaphore(%arg12 : memref<!tpu.dma_semaphore, #tpu.memory_space<semaphore_mem>>)
    %add3A_279 = arith.constant 320 : i32
    %add3A_280 = arith.addi %select_n3A, %add3A_279 : i32
    %dma_start3A_281 = arith.constant 0 : i32
    %dma_start3A_282 = tpu.memref_slice %arg14[%add3A_280, %dma_start3A_281] : memref<10000x128xf32, #tpu.memory_space<vmem_shared>> -> memref<16x128xf32, #tpu.memory_space<vmem_shared>>
    %dma_start3A_283 = arith.constant 0 : i32
    %dma_start3A_284 = tpu.memref_slice %arg14[%add3A_280, %dma_start3A_283] : memref<10000x128xf32, #tpu.memory_space<vmem_shared>> -> memref<16x128xf32, #tpu.memory_space<vmem_shared>>
    tpu.enqueue_dma source(%arg9 : memref<16x128xf32, #tpu.memory_space<vmem>>) target(%dma_start3A_284 : memref<16x128xf32, #tpu.memory_space<vmem_shared>>) target_semaphore(%arg12 : memref<!tpu.dma_semaphore, #tpu.memory_space<semaphore_mem>>)
    %add3A_285 = arith.constant 336 : i32
    %add3A_286 = arith.addi %select_n3A, %add3A_285 : i32
    %dma_start3A_287 = arith.constant 0 : i32
    %dma_start3A_288 = tpu.memref_slice %arg14[%add3A_286, %dma_start3A_287] : memref<10000x128xf32, #tpu.memory_space<vmem_shared>> -> memref<16x128xf32, #tpu.memory_space<vmem_shared>>
    %dma_start3A_289 = arith.constant 0 : i32
    %dma_start3A_290 = tpu.memref_slice %arg14[%add3A_286, %dma_start3A_289] : memref<10000x128xf32, #tpu.memory_space<vmem_shared>> -> memref<16x128xf32, #tpu.memory_space<vmem_shared>>
    tpu.enqueue_dma source(%arg9 : memref<16x128xf32, #tpu.memory_space<vmem>>) target(%dma_start3A_290 : memref<16x128xf32, #tpu.memory_space<vmem_shared>>) target_semaphore(%arg12 : memref<!tpu.dma_semaphore, #tpu.memory_space<semaphore_mem>>)
    %add3A_291 = arith.constant 352 : i32
    %add3A_292 = arith.addi %select_n3A, %add3A_291 : i32
    %dma_start3A_293 = arith.constant 0 : i32
    %dma_start3A_294 = tpu.memref_slice %arg14[%add3A_292, %dma_start3A_293] : memref<10000x128xf32, #tpu.memory_space<vmem_shared>> -> memref<16x128xf32, #tpu.memory_space<vmem_shared>>
    %dma_start3A_295 = arith.constant 0 : i32
    %dma_start3A_296 = tpu.memref_slice %arg14[%add3A_292, %dma_start3A_295] : memref<10000x128xf32, #tpu.memory_space<vmem_shared>> -> memref<16x128xf32, #tpu.memory_space<vmem_shared>>
    tpu.enqueue_dma source(%arg9 : memref<16x128xf32, #tpu.memory_space<vmem>>) target(%dma_start3A_296 : memref<16x128xf32, #tpu.memory_space<vmem_shared>>) target_semaphore(%arg12 : memref<!tpu.dma_semaphore, #tpu.memory_space<semaphore_mem>>)
    %add3A_297 = arith.constant 368 : i32
    %add3A_298 = arith.addi %select_n3A, %add3A_297 : i32
    %dma_start3A_299 = arith.constant 0 : i32
    %dma_start3A_300 = tpu.memref_slice %arg14[%add3A_298, %dma_start3A_299] : memref<10000x128xf32, #tpu.memory_space<vmem_shared>> -> memref<16x128xf32, #tpu.memory_space<vmem_shared>>
    %dma_start3A_301 = arith.constant 0 : i32
    %dma_start3A_302 = tpu.memref_slice %arg14[%add3A_298, %dma_start3A_301] : memref<10000x128xf32, #tpu.memory_space<vmem_shared>> -> memref<16x128xf32, #tpu.memory_space<vmem_shared>>
    tpu.enqueue_dma source(%arg9 : memref<16x128xf32, #tpu.memory_space<vmem>>) target(%dma_start3A_302 : memref<16x128xf32, #tpu.memory_space<vmem_shared>>) target_semaphore(%arg12 : memref<!tpu.dma_semaphore, #tpu.memory_space<semaphore_mem>>)
    %add3A_303 = arith.constant 384 : i32
    %add3A_304 = arith.addi %select_n3A, %add3A_303 : i32
    %dma_start3A_305 = arith.constant 0 : i32
    %dma_start3A_306 = tpu.memref_slice %arg14[%add3A_304, %dma_start3A_305] : memref<10000x128xf32, #tpu.memory_space<vmem_shared>> -> memref<16x128xf32, #tpu.memory_space<vmem_shared>>
    %dma_start3A_307 = arith.constant 0 : i32
    %dma_start3A_308 = tpu.memref_slice %arg14[%add3A_304, %dma_start3A_307] : memref<10000x128xf32, #tpu.memory_space<vmem_shared>> -> memref<16x128xf32, #tpu.memory_space<vmem_shared>>
    tpu.enqueue_dma source(%arg9 : memref<16x128xf32, #tpu.memory_space<vmem>>) target(%dma_start3A_308 : memref<16x128xf32, #tpu.memory_space<vmem_shared>>) target_semaphore(%arg12 : memref<!tpu.dma_semaphore, #tpu.memory_space<semaphore_mem>>)
    %add3A_309 = arith.constant 400 : i32
    %add3A_310 = arith.addi %select_n3A, %add3A_309 : i32
    %dma_start3A_311 = arith.constant 0 : i32
    %dma_start3A_312 = tpu.memref_slice %arg14[%add3A_310, %dma_start3A_311] : memref<10000x128xf32, #tpu.memory_space<vmem_shared>> -> memref<16x128xf32, #tpu.memory_space<vmem_shared>>
    %dma_start3A_313 = arith.constant 0 : i32
    %dma_start3A_314 = tpu.memref_slice %arg14[%add3A_310, %dma_start3A_313] : memref<10000x128xf32, #tpu.memory_space<vmem_shared>> -> memref<16x128xf32, #tpu.memory_space<vmem_shared>>
    tpu.enqueue_dma source(%arg9 : memref<16x128xf32, #tpu.memory_space<vmem>>) target(%dma_start3A_314 : memref<16x128xf32, #tpu.memory_space<vmem_shared>>) target_semaphore(%arg12 : memref<!tpu.dma_semaphore, #tpu.memory_space<semaphore_mem>>)
    %add3A_315 = arith.constant 416 : i32
    %add3A_316 = arith.addi %select_n3A, %add3A_315 : i32
    %dma_start3A_317 = arith.constant 0 : i32
    %dma_start3A_318 = tpu.memref_slice %arg14[%add3A_316, %dma_start3A_317] : memref<10000x128xf32, #tpu.memory_space<vmem_shared>> -> memref<16x128xf32, #tpu.memory_space<vmem_shared>>
    %dma_start3A_319 = arith.constant 0 : i32
    %dma_start3A_320 = tpu.memref_slice %arg14[%add3A_316, %dma_start3A_319] : memref<10000x128xf32, #tpu.memory_space<vmem_shared>> -> memref<16x128xf32, #tpu.memory_space<vmem_shared>>
    tpu.enqueue_dma source(%arg9 : memref<16x128xf32, #tpu.memory_space<vmem>>) target(%dma_start3A_320 : memref<16x128xf32, #tpu.memory_space<vmem_shared>>) target_semaphore(%arg12 : memref<!tpu.dma_semaphore, #tpu.memory_space<semaphore_mem>>)
    %add3A_321 = arith.constant 432 : i32
    %add3A_322 = arith.addi %select_n3A, %add3A_321 : i32
    %dma_start3A_323 = arith.constant 0 : i32
    %dma_start3A_324 = tpu.memref_slice %arg14[%add3A_322, %dma_start3A_323] : memref<10000x128xf32, #tpu.memory_space<vmem_shared>> -> memref<16x128xf32, #tpu.memory_space<vmem_shared>>
    %dma_start3A_325 = arith.constant 0 : i32
    %dma_start3A_326 = tpu.memref_slice %arg14[%add3A_322, %dma_start3A_325] : memref<10000x128xf32, #tpu.memory_space<vmem_shared>> -> memref<16x128xf32, #tpu.memory_space<vmem_shared>>
    tpu.enqueue_dma source(%arg9 : memref<16x128xf32, #tpu.memory_space<vmem>>) target(%dma_start3A_326 : memref<16x128xf32, #tpu.memory_space<vmem_shared>>) target_semaphore(%arg12 : memref<!tpu.dma_semaphore, #tpu.memory_space<semaphore_mem>>)
    %add3A_327 = arith.constant 448 : i32
    %add3A_328 = arith.addi %select_n3A, %add3A_327 : i32
    %dma_start3A_329 = arith.constant 0 : i32
    %dma_start3A_330 = tpu.memref_slice %arg14[%add3A_328, %dma_start3A_329] : memref<10000x128xf32, #tpu.memory_space<vmem_shared>> -> memref<16x128xf32, #tpu.memory_space<vmem_shared>>
    %dma_start3A_331 = arith.constant 0 : i32
    %dma_start3A_332 = tpu.memref_slice %arg14[%add3A_328, %dma_start3A_331] : memref<10000x128xf32, #tpu.memory_space<vmem_shared>> -> memref<16x128xf32, #tpu.memory_space<vmem_shared>>
    tpu.enqueue_dma source(%arg9 : memref<16x128xf32, #tpu.memory_space<vmem>>) target(%dma_start3A_332 : memref<16x128xf32, #tpu.memory_space<vmem_shared>>) target_semaphore(%arg12 : memref<!tpu.dma_semaphore, #tpu.memory_space<semaphore_mem>>)
    %add3A_333 = arith.constant 464 : i32
    %add3A_334 = arith.addi %select_n3A, %add3A_333 : i32
    %dma_start3A_335 = arith.constant 0 : i32
    %dma_start3A_336 = tpu.memref_slice %arg14[%add3A_334, %dma_start3A_335] : memref<10000x128xf32, #tpu.memory_space<vmem_shared>> -> memref<16x128xf32, #tpu.memory_space<vmem_shared>>
    %dma_start3A_337 = arith.constant 0 : i32
    %dma_start3A_338 = tpu.memref_slice %arg14[%add3A_334, %dma_start3A_337] : memref<10000x128xf32, #tpu.memory_space<vmem_shared>> -> memref<16x128xf32, #tpu.memory_space<vmem_shared>>
    tpu.enqueue_dma source(%arg9 : memref<16x128xf32, #tpu.memory_space<vmem>>) target(%dma_start3A_338 : memref<16x128xf32, #tpu.memory_space<vmem_shared>>) target_semaphore(%arg12 : memref<!tpu.dma_semaphore, #tpu.memory_space<semaphore_mem>>)
    %add3A_339 = arith.constant 480 : i32
    %add3A_340 = arith.addi %select_n3A, %add3A_339 : i32
    %dma_start3A_341 = arith.constant 0 : i32
    %dma_start3A_342 = tpu.memref_slice %arg14[%add3A_340, %dma_start3A_341] : memref<10000x128xf32, #tpu.memory_space<vmem_shared>> -> memref<16x128xf32, #tpu.memory_space<vmem_shared>>
    %dma_start3A_343 = arith.constant 0 : i32
    %dma_start3A_344 = tpu.memref_slice %arg14[%add3A_340, %dma_start3A_343] : memref<10000x128xf32, #tpu.memory_space<vmem_shared>> -> memref<16x128xf32, #tpu.memory_space<vmem_shared>>
    tpu.enqueue_dma source(%arg9 : memref<16x128xf32, #tpu.memory_space<vmem>>) target(%dma_start3A_344 : memref<16x128xf32, #tpu.memory_space<vmem_shared>>) target_semaphore(%arg12 : memref<!tpu.dma_semaphore, #tpu.memory_space<semaphore_mem>>)
    %add3A_345 = arith.constant 496 : i32
    %add3A_346 = arith.addi %select_n3A, %add3A_345 : i32
    %dma_start3A_347 = arith.constant 0 : i32
    %dma_start3A_348 = tpu.memref_slice %arg14[%add3A_346, %dma_start3A_347] : memref<10000x128xf32, #tpu.memory_space<vmem_shared>> -> memref<16x128xf32, #tpu.memory_space<vmem_shared>>
    %dma_start3A_349 = arith.constant 0 : i32
    %dma_start3A_350 = tpu.memref_slice %arg14[%add3A_346, %dma_start3A_349] : memref<10000x128xf32, #tpu.memory_space<vmem_shared>> -> memref<16x128xf32, #tpu.memory_space<vmem_shared>>
    tpu.enqueue_dma source(%arg9 : memref<16x128xf32, #tpu.memory_space<vmem>>) target(%dma_start3A_350 : memref<16x128xf32, #tpu.memory_space<vmem_shared>>) target_semaphore(%arg12 : memref<!tpu.dma_semaphore, #tpu.memory_space<semaphore_mem>>)
    %add3A_351 = arith.constant 512 : i32
    %add3A_352 = arith.addi %select_n3A, %add3A_351 : i32
    %dma_start3A_353 = arith.constant 0 : i32
    %dma_start3A_354 = tpu.memref_slice %arg14[%add3A_352, %dma_start3A_353] : memref<10000x128xf32, #tpu.memory_space<vmem_shared>> -> memref<16x128xf32, #tpu.memory_space<vmem_shared>>
    %dma_start3A_355 = arith.constant 0 : i32
    %dma_start3A_356 = tpu.memref_slice %arg14[%add3A_352, %dma_start3A_355] : memref<10000x128xf32, #tpu.memory_space<vmem_shared>> -> memref<16x128xf32, #tpu.memory_space<vmem_shared>>
    tpu.enqueue_dma source(%arg9 : memref<16x128xf32, #tpu.memory_space<vmem>>) target(%dma_start3A_356 : memref<16x128xf32, #tpu.memory_space<vmem_shared>>) target_semaphore(%arg12 : memref<!tpu.dma_semaphore, #tpu.memory_space<semaphore_mem>>)
    %add3A_357 = arith.constant 528 : i32
    %add3A_358 = arith.addi %select_n3A, %add3A_357 : i32
    %dma_start3A_359 = arith.constant 0 : i32
    %dma_start3A_360 = tpu.memref_slice %arg14[%add3A_358, %dma_start3A_359] : memref<10000x128xf32, #tpu.memory_space<vmem_shared>> -> memref<16x128xf32, #tpu.memory_space<vmem_shared>>
    %dma_start3A_361 = arith.constant 0 : i32
    %dma_start3A_362 = tpu.memref_slice %arg14[%add3A_358, %dma_start3A_361] : memref<10000x128xf32, #tpu.memory_space<vmem_shared>> -> memref<16x128xf32, #tpu.memory_space<vmem_shared>>
    tpu.enqueue_dma source(%arg9 : memref<16x128xf32, #tpu.memory_space<vmem>>) target(%dma_start3A_362 : memref<16x128xf32, #tpu.memory_space<vmem_shared>>) target_semaphore(%arg12 : memref<!tpu.dma_semaphore, #tpu.memory_space<semaphore_mem>>)
    %add3A_363 = arith.constant 544 : i32
    %add3A_364 = arith.addi %select_n3A, %add3A_363 : i32
    %dma_start3A_365 = arith.constant 0 : i32
    %dma_start3A_366 = tpu.memref_slice %arg14[%add3A_364, %dma_start3A_365] : memref<10000x128xf32, #tpu.memory_space<vmem_shared>> -> memref<16x128xf32, #tpu.memory_space<vmem_shared>>
    %dma_start3A_367 = arith.constant 0 : i32
    %dma_start3A_368 = tpu.memref_slice %arg14[%add3A_364, %dma_start3A_367] : memref<10000x128xf32, #tpu.memory_space<vmem_shared>> -> memref<16x128xf32, #tpu.memory_space<vmem_shared>>
    tpu.enqueue_dma source(%arg9 : memref<16x128xf32, #tpu.memory_space<vmem>>) target(%dma_start3A_368 : memref<16x128xf32, #tpu.memory_space<vmem_shared>>) target_semaphore(%arg12 : memref<!tpu.dma_semaphore, #tpu.memory_space<semaphore_mem>>)
    %add3A_369 = arith.constant 560 : i32
    %add3A_370 = arith.addi %select_n3A, %add3A_369 : i32
    %dma_start3A_371 = arith.constant 0 : i32
    %dma_start3A_372 = tpu.memref_slice %arg14[%add3A_370, %dma_start3A_371] : memref<10000x128xf32, #tpu.memory_space<vmem_shared>> -> memref<16x128xf32, #tpu.memory_space<vmem_shared>>
    %dma_start3A_373 = arith.constant 0 : i32
    %dma_start3A_374 = tpu.memref_slice %arg14[%add3A_370, %dma_start3A_373] : memref<10000x128xf32, #tpu.memory_space<vmem_shared>> -> memref<16x128xf32, #tpu.memory_space<vmem_shared>>
    tpu.enqueue_dma source(%arg9 : memref<16x128xf32, #tpu.memory_space<vmem>>) target(%dma_start3A_374 : memref<16x128xf32, #tpu.memory_space<vmem_shared>>) target_semaphore(%arg12 : memref<!tpu.dma_semaphore, #tpu.memory_space<semaphore_mem>>)
    %add3A_375 = arith.constant 576 : i32
    %add3A_376 = arith.addi %select_n3A, %add3A_375 : i32
    %dma_start3A_377 = arith.constant 0 : i32
    %dma_start3A_378 = tpu.memref_slice %arg14[%add3A_376, %dma_start3A_377] : memref<10000x128xf32, #tpu.memory_space<vmem_shared>> -> memref<16x128xf32, #tpu.memory_space<vmem_shared>>
    %dma_start3A_379 = arith.constant 0 : i32
    %dma_start3A_380 = tpu.memref_slice %arg14[%add3A_376, %dma_start3A_379] : memref<10000x128xf32, #tpu.memory_space<vmem_shared>> -> memref<16x128xf32, #tpu.memory_space<vmem_shared>>
    tpu.enqueue_dma source(%arg9 : memref<16x128xf32, #tpu.memory_space<vmem>>) target(%dma_start3A_380 : memref<16x128xf32, #tpu.memory_space<vmem_shared>>) target_semaphore(%arg12 : memref<!tpu.dma_semaphore, #tpu.memory_space<semaphore_mem>>)
    %add3A_381 = arith.constant 592 : i32
    %add3A_382 = arith.addi %select_n3A, %add3A_381 : i32
    %dma_start3A_383 = arith.constant 0 : i32
    %dma_start3A_384 = tpu.memref_slice %arg14[%add3A_382, %dma_start3A_383] : memref<10000x128xf32, #tpu.memory_space<vmem_shared>> -> memref<16x128xf32, #tpu.memory_space<vmem_shared>>
    %dma_start3A_385 = arith.constant 0 : i32
    %dma_start3A_386 = tpu.memref_slice %arg14[%add3A_382, %dma_start3A_385] : memref<10000x128xf32, #tpu.memory_space<vmem_shared>> -> memref<16x128xf32, #tpu.memory_space<vmem_shared>>
    tpu.enqueue_dma source(%arg9 : memref<16x128xf32, #tpu.memory_space<vmem>>) target(%dma_start3A_386 : memref<16x128xf32, #tpu.memory_space<vmem_shared>>) target_semaphore(%arg12 : memref<!tpu.dma_semaphore, #tpu.memory_space<semaphore_mem>>)
    %add3A_387 = arith.constant 608 : i32
    %add3A_388 = arith.addi %select_n3A, %add3A_387 : i32
    %dma_start3A_389 = arith.constant 0 : i32
    %dma_start3A_390 = tpu.memref_slice %arg14[%add3A_388, %dma_start3A_389] : memref<10000x128xf32, #tpu.memory_space<vmem_shared>> -> memref<16x128xf32, #tpu.memory_space<vmem_shared>>
    %dma_start3A_391 = arith.constant 0 : i32
    %dma_start3A_392 = tpu.memref_slice %arg14[%add3A_388, %dma_start3A_391] : memref<10000x128xf32, #tpu.memory_space<vmem_shared>> -> memref<16x128xf32, #tpu.memory_space<vmem_shared>>
    tpu.enqueue_dma source(%arg9 : memref<16x128xf32, #tpu.memory_space<vmem>>) target(%dma_start3A_392 : memref<16x128xf32, #tpu.memory_space<vmem_shared>>) target_semaphore(%arg12 : memref<!tpu.dma_semaphore, #tpu.memory_space<semaphore_mem>>)
    %add3A_393 = arith.constant 624 : i32
    %add3A_394 = arith.addi %select_n3A, %add3A_393 : i32
    %dma_start3A_395 = arith.constant 0 : i32
    %dma_start3A_396 = tpu.memref_slice %arg14[%add3A_394, %dma_start3A_395] : memref<10000x128xf32, #tpu.memory_space<vmem_shared>> -> memref<16x128xf32, #tpu.memory_space<vmem_shared>>
    %dma_start3A_397 = arith.constant 0 : i32
    %dma_start3A_398 = tpu.memref_slice %arg14[%add3A_394, %dma_start3A_397] : memref<10000x128xf32, #tpu.memory_space<vmem_shared>> -> memref<16x128xf32, #tpu.memory_space<vmem_shared>>
    tpu.enqueue_dma source(%arg9 : memref<16x128xf32, #tpu.memory_space<vmem>>) target(%dma_start3A_398 : memref<16x128xf32, #tpu.memory_space<vmem_shared>>) target_semaphore(%arg12 : memref<!tpu.dma_semaphore, #tpu.memory_space<semaphore_mem>>)
    %add3A_399 = arith.constant 0 : i32
    %add3A_400 = arith.addi %select_n3A, %add3A_399 : i32
    %dma_wait3A_401 = arith.constant 0 : i32
    %dma_wait3A_402 = tpu.memref_slice %arg14[%add3A_400, %dma_wait3A_401] : memref<10000x128xf32, #tpu.memory_space<vmem_shared>> -> memref<16x128xf32, #tpu.memory_space<vmem_shared>>
    %dma_wait3A_403 = arith.constant 0 : i32
    %dma_wait3A_404 = tpu.memref_slice %arg14[%add3A_400, %dma_wait3A_403] : memref<10000x128xf32, #tpu.memory_space<vmem_shared>> -> memref<16x128xf32, #tpu.memory_space<vmem_shared>>
    tpu.wait_dma2 semaphore(%arg12 : memref<!tpu.dma_semaphore, #tpu.memory_space<semaphore_mem>>) src(%arg9 : memref<16x128xf32, #tpu.memory_space<vmem>>) dst(%dma_wait3A_404 : memref<16x128xf32, #tpu.memory_space<vmem_shared>>)
    %add3A_405 = arith.constant 16 : i32
    %add3A_406 = arith.addi %select_n3A, %add3A_405 : i32
    %dma_wait3A_407 = arith.constant 0 : i32
    %dma_wait3A_408 = tpu.memref_slice %arg14[%add3A_406, %dma_wait3A_407] : memref<10000x128xf32, #tpu.memory_space<vmem_shared>> -> memref<16x128xf32, #tpu.memory_space<vmem_shared>>
    %dma_wait3A_409 = arith.constant 0 : i32
    %dma_wait3A_410 = tpu.memref_slice %arg14[%add3A_406, %dma_wait3A_409] : memref<10000x128xf32, #tpu.memory_space<vmem_shared>> -> memref<16x128xf32, #tpu.memory_space<vmem_shared>>
    tpu.wait_dma2 semaphore(%arg12 : memref<!tpu.dma_semaphore, #tpu.memory_space<semaphore_mem>>) src(%arg9 : memref<16x128xf32, #tpu.memory_space<vmem>>) dst(%dma_wait3A_410 : memref<16x128xf32, #tpu.memory_space<vmem_shared>>)
    %add3A_411 = arith.constant 32 : i32
    %add3A_412 = arith.addi %select_n3A, %add3A_411 : i32
    %dma_wait3A_413 = arith.constant 0 : i32
    %dma_wait3A_414 = tpu.memref_slice %arg14[%add3A_412, %dma_wait3A_413] : memref<10000x128xf32, #tpu.memory_space<vmem_shared>> -> memref<16x128xf32, #tpu.memory_space<vmem_shared>>
    %dma_wait3A_415 = arith.constant 0 : i32
    %dma_wait3A_416 = tpu.memref_slice %arg14[%add3A_412, %dma_wait3A_415] : memref<10000x128xf32, #tpu.memory_space<vmem_shared>> -> memref<16x128xf32, #tpu.memory_space<vmem_shared>>
    tpu.wait_dma2 semaphore(%arg12 : memref<!tpu.dma_semaphore, #tpu.memory_space<semaphore_mem>>) src(%arg9 : memref<16x128xf32, #tpu.memory_space<vmem>>) dst(%dma_wait3A_416 : memref<16x128xf32, #tpu.memory_space<vmem_shared>>)
    %add3A_417 = arith.constant 48 : i32
    %add3A_418 = arith.addi %select_n3A, %add3A_417 : i32
    %dma_wait3A_419 = arith.constant 0 : i32
    %dma_wait3A_420 = tpu.memref_slice %arg14[%add3A_418, %dma_wait3A_419] : memref<10000x128xf32, #tpu.memory_space<vmem_shared>> -> memref<16x128xf32, #tpu.memory_space<vmem_shared>>
    %dma_wait3A_421 = arith.constant 0 : i32
    %dma_wait3A_422 = tpu.memref_slice %arg14[%add3A_418, %dma_wait3A_421] : memref<10000x128xf32, #tpu.memory_space<vmem_shared>> -> memref<16x128xf32, #tpu.memory_space<vmem_shared>>
    tpu.wait_dma2 semaphore(%arg12 : memref<!tpu.dma_semaphore, #tpu.memory_space<semaphore_mem>>) src(%arg9 : memref<16x128xf32, #tpu.memory_space<vmem>>) dst(%dma_wait3A_422 : memref<16x128xf32, #tpu.memory_space<vmem_shared>>)
    %add3A_423 = arith.constant 64 : i32
    %add3A_424 = arith.addi %select_n3A, %add3A_423 : i32
    %dma_wait3A_425 = arith.constant 0 : i32
    %dma_wait3A_426 = tpu.memref_slice %arg14[%add3A_424, %dma_wait3A_425] : memref<10000x128xf32, #tpu.memory_space<vmem_shared>> -> memref<16x128xf32, #tpu.memory_space<vmem_shared>>
    %dma_wait3A_427 = arith.constant 0 : i32
    %dma_wait3A_428 = tpu.memref_slice %arg14[%add3A_424, %dma_wait3A_427] : memref<10000x128xf32, #tpu.memory_space<vmem_shared>> -> memref<16x128xf32, #tpu.memory_space<vmem_shared>>
    tpu.wait_dma2 semaphore(%arg12 : memref<!tpu.dma_semaphore, #tpu.memory_space<semaphore_mem>>) src(%arg9 : memref<16x128xf32, #tpu.memory_space<vmem>>) dst(%dma_wait3A_428 : memref<16x128xf32, #tpu.memory_space<vmem_shared>>)
    %add3A_429 = arith.constant 80 : i32
    %add3A_430 = arith.addi %select_n3A, %add3A_429 : i32
    %dma_wait3A_431 = arith.constant 0 : i32
    %dma_wait3A_432 = tpu.memref_slice %arg14[%add3A_430, %dma_wait3A_431] : memref<10000x128xf32, #tpu.memory_space<vmem_shared>> -> memref<16x128xf32, #tpu.memory_space<vmem_shared>>
    %dma_wait3A_433 = arith.constant 0 : i32
    %dma_wait3A_434 = tpu.memref_slice %arg14[%add3A_430, %dma_wait3A_433] : memref<10000x128xf32, #tpu.memory_space<vmem_shared>> -> memref<16x128xf32, #tpu.memory_space<vmem_shared>>
    tpu.wait_dma2 semaphore(%arg12 : memref<!tpu.dma_semaphore, #tpu.memory_space<semaphore_mem>>) src(%arg9 : memref<16x128xf32, #tpu.memory_space<vmem>>) dst(%dma_wait3A_434 : memref<16x128xf32, #tpu.memory_space<vmem_shared>>)
    %add3A_435 = arith.constant 96 : i32
    %add3A_436 = arith.addi %select_n3A, %add3A_435 : i32
    %dma_wait3A_437 = arith.constant 0 : i32
    %dma_wait3A_438 = tpu.memref_slice %arg14[%add3A_436, %dma_wait3A_437] : memref<10000x128xf32, #tpu.memory_space<vmem_shared>> -> memref<16x128xf32, #tpu.memory_space<vmem_shared>>
    %dma_wait3A_439 = arith.constant 0 : i32
    %dma_wait3A_440 = tpu.memref_slice %arg14[%add3A_436, %dma_wait3A_439] : memref<10000x128xf32, #tpu.memory_space<vmem_shared>> -> memref<16x128xf32, #tpu.memory_space<vmem_shared>>
    tpu.wait_dma2 semaphore(%arg12 : memref<!tpu.dma_semaphore, #tpu.memory_space<semaphore_mem>>) src(%arg9 : memref<16x128xf32, #tpu.memory_space<vmem>>) dst(%dma_wait3A_440 : memref<16x128xf32, #tpu.memory_space<vmem_shared>>)
    %add3A_441 = arith.constant 112 : i32
    %add3A_442 = arith.addi %select_n3A, %add3A_441 : i32
    %dma_wait3A_443 = arith.constant 0 : i32
    %dma_wait3A_444 = tpu.memref_slice %arg14[%add3A_442, %dma_wait3A_443] : memref<10000x128xf32, #tpu.memory_space<vmem_shared>> -> memref<16x128xf32, #tpu.memory_space<vmem_shared>>
    %dma_wait3A_445 = arith.constant 0 : i32
    %dma_wait3A_446 = tpu.memref_slice %arg14[%add3A_442, %dma_wait3A_445] : memref<10000x128xf32, #tpu.memory_space<vmem_shared>> -> memref<16x128xf32, #tpu.memory_space<vmem_shared>>
    tpu.wait_dma2 semaphore(%arg12 : memref<!tpu.dma_semaphore, #tpu.memory_space<semaphore_mem>>) src(%arg9 : memref<16x128xf32, #tpu.memory_space<vmem>>) dst(%dma_wait3A_446 : memref<16x128xf32, #tpu.memory_space<vmem_shared>>)
    %add3A_447 = arith.constant 128 : i32
    %add3A_448 = arith.addi %select_n3A, %add3A_447 : i32
    %dma_wait3A_449 = arith.constant 0 : i32
    %dma_wait3A_450 = tpu.memref_slice %arg14[%add3A_448, %dma_wait3A_449] : memref<10000x128xf32, #tpu.memory_space<vmem_shared>> -> memref<16x128xf32, #tpu.memory_space<vmem_shared>>
    %dma_wait3A_451 = arith.constant 0 : i32
    %dma_wait3A_452 = tpu.memref_slice %arg14[%add3A_448, %dma_wait3A_451] : memref<10000x128xf32, #tpu.memory_space<vmem_shared>> -> memref<16x128xf32, #tpu.memory_space<vmem_shared>>
    tpu.wait_dma2 semaphore(%arg12 : memref<!tpu.dma_semaphore, #tpu.memory_space<semaphore_mem>>) src(%arg9 : memref<16x128xf32, #tpu.memory_space<vmem>>) dst(%dma_wait3A_452 : memref<16x128xf32, #tpu.memory_space<vmem_shared>>)
    %add3A_453 = arith.constant 144 : i32
    %add3A_454 = arith.addi %select_n3A, %add3A_453 : i32
    %dma_wait3A_455 = arith.constant 0 : i32
    %dma_wait3A_456 = tpu.memref_slice %arg14[%add3A_454, %dma_wait3A_455] : memref<10000x128xf32, #tpu.memory_space<vmem_shared>> -> memref<16x128xf32, #tpu.memory_space<vmem_shared>>
    %dma_wait3A_457 = arith.constant 0 : i32
    %dma_wait3A_458 = tpu.memref_slice %arg14[%add3A_454, %dma_wait3A_457] : memref<10000x128xf32, #tpu.memory_space<vmem_shared>> -> memref<16x128xf32, #tpu.memory_space<vmem_shared>>
    tpu.wait_dma2 semaphore(%arg12 : memref<!tpu.dma_semaphore, #tpu.memory_space<semaphore_mem>>) src(%arg9 : memref<16x128xf32, #tpu.memory_space<vmem>>) dst(%dma_wait3A_458 : memref<16x128xf32, #tpu.memory_space<vmem_shared>>)
    %add3A_459 = arith.constant 160 : i32
    %add3A_460 = arith.addi %select_n3A, %add3A_459 : i32
    %dma_wait3A_461 = arith.constant 0 : i32
    %dma_wait3A_462 = tpu.memref_slice %arg14[%add3A_460, %dma_wait3A_461] : memref<10000x128xf32, #tpu.memory_space<vmem_shared>> -> memref<16x128xf32, #tpu.memory_space<vmem_shared>>
    %dma_wait3A_463 = arith.constant 0 : i32
    %dma_wait3A_464 = tpu.memref_slice %arg14[%add3A_460, %dma_wait3A_463] : memref<10000x128xf32, #tpu.memory_space<vmem_shared>> -> memref<16x128xf32, #tpu.memory_space<vmem_shared>>
    tpu.wait_dma2 semaphore(%arg12 : memref<!tpu.dma_semaphore, #tpu.memory_space<semaphore_mem>>) src(%arg9 : memref<16x128xf32, #tpu.memory_space<vmem>>) dst(%dma_wait3A_464 : memref<16x128xf32, #tpu.memory_space<vmem_shared>>)
    %add3A_465 = arith.constant 176 : i32
    %add3A_466 = arith.addi %select_n3A, %add3A_465 : i32
    %dma_wait3A_467 = arith.constant 0 : i32
    %dma_wait3A_468 = tpu.memref_slice %arg14[%add3A_466, %dma_wait3A_467] : memref<10000x128xf32, #tpu.memory_space<vmem_shared>> -> memref<16x128xf32, #tpu.memory_space<vmem_shared>>
    %dma_wait3A_469 = arith.constant 0 : i32
    %dma_wait3A_470 = tpu.memref_slice %arg14[%add3A_466, %dma_wait3A_469] : memref<10000x128xf32, #tpu.memory_space<vmem_shared>> -> memref<16x128xf32, #tpu.memory_space<vmem_shared>>
    tpu.wait_dma2 semaphore(%arg12 : memref<!tpu.dma_semaphore, #tpu.memory_space<semaphore_mem>>) src(%arg9 : memref<16x128xf32, #tpu.memory_space<vmem>>) dst(%dma_wait3A_470 : memref<16x128xf32, #tpu.memory_space<vmem_shared>>)
    %add3A_471 = arith.constant 192 : i32
    %add3A_472 = arith.addi %select_n3A, %add3A_471 : i32
    %dma_wait3A_473 = arith.constant 0 : i32
    %dma_wait3A_474 = tpu.memref_slice %arg14[%add3A_472, %dma_wait3A_473] : memref<10000x128xf32, #tpu.memory_space<vmem_shared>> -> memref<16x128xf32, #tpu.memory_space<vmem_shared>>
    %dma_wait3A_475 = arith.constant 0 : i32
    %dma_wait3A_476 = tpu.memref_slice %arg14[%add3A_472, %dma_wait3A_475] : memref<10000x128xf32, #tpu.memory_space<vmem_shared>> -> memref<16x128xf32, #tpu.memory_space<vmem_shared>>
    tpu.wait_dma2 semaphore(%arg12 : memref<!tpu.dma_semaphore, #tpu.memory_space<semaphore_mem>>) src(%arg9 : memref<16x128xf32, #tpu.memory_space<vmem>>) dst(%dma_wait3A_476 : memref<16x128xf32, #tpu.memory_space<vmem_shared>>)
    %add3A_477 = arith.constant 208 : i32
    %add3A_478 = arith.addi %select_n3A, %add3A_477 : i32
    %dma_wait3A_479 = arith.constant 0 : i32
    %dma_wait3A_480 = tpu.memref_slice %arg14[%add3A_478, %dma_wait3A_479] : memref<10000x128xf32, #tpu.memory_space<vmem_shared>> -> memref<16x128xf32, #tpu.memory_space<vmem_shared>>
    %dma_wait3A_481 = arith.constant 0 : i32
    %dma_wait3A_482 = tpu.memref_slice %arg14[%add3A_478, %dma_wait3A_481] : memref<10000x128xf32, #tpu.memory_space<vmem_shared>> -> memref<16x128xf32, #tpu.memory_space<vmem_shared>>
    tpu.wait_dma2 semaphore(%arg12 : memref<!tpu.dma_semaphore, #tpu.memory_space<semaphore_mem>>) src(%arg9 : memref<16x128xf32, #tpu.memory_space<vmem>>) dst(%dma_wait3A_482 : memref<16x128xf32, #tpu.memory_space<vmem_shared>>)
    %add3A_483 = arith.constant 224 : i32
    %add3A_484 = arith.addi %select_n3A, %add3A_483 : i32
    %dma_wait3A_485 = arith.constant 0 : i32
    %dma_wait3A_486 = tpu.memref_slice %arg14[%add3A_484, %dma_wait3A_485] : memref<10000x128xf32, #tpu.memory_space<vmem_shared>> -> memref<16x128xf32, #tpu.memory_space<vmem_shared>>
    %dma_wait3A_487 = arith.constant 0 : i32
    %dma_wait3A_488 = tpu.memref_slice %arg14[%add3A_484, %dma_wait3A_487] : memref<10000x128xf32, #tpu.memory_space<vmem_shared>> -> memref<16x128xf32, #tpu.memory_space<vmem_shared>>
    tpu.wait_dma2 semaphore(%arg12 : memref<!tpu.dma_semaphore, #tpu.memory_space<semaphore_mem>>) src(%arg9 : memref<16x128xf32, #tpu.memory_space<vmem>>) dst(%dma_wait3A_488 : memref<16x128xf32, #tpu.memory_space<vmem_shared>>)
    %add3A_489 = arith.constant 240 : i32
    %add3A_490 = arith.addi %select_n3A, %add3A_489 : i32
    %dma_wait3A_491 = arith.constant 0 : i32
    %dma_wait3A_492 = tpu.memref_slice %arg14[%add3A_490, %dma_wait3A_491] : memref<10000x128xf32, #tpu.memory_space<vmem_shared>> -> memref<16x128xf32, #tpu.memory_space<vmem_shared>>
    %dma_wait3A_493 = arith.constant 0 : i32
    %dma_wait3A_494 = tpu.memref_slice %arg14[%add3A_490, %dma_wait3A_493] : memref<10000x128xf32, #tpu.memory_space<vmem_shared>> -> memref<16x128xf32, #tpu.memory_space<vmem_shared>>
    tpu.wait_dma2 semaphore(%arg12 : memref<!tpu.dma_semaphore, #tpu.memory_space<semaphore_mem>>) src(%arg9 : memref<16x128xf32, #tpu.memory_space<vmem>>) dst(%dma_wait3A_494 : memref<16x128xf32, #tpu.memory_space<vmem_shared>>)
    %add3A_495 = arith.constant 256 : i32
    %add3A_496 = arith.addi %select_n3A, %add3A_495 : i32
    %dma_wait3A_497 = arith.constant 0 : i32
    %dma_wait3A_498 = tpu.memref_slice %arg14[%add3A_496, %dma_wait3A_497] : memref<10000x128xf32, #tpu.memory_space<vmem_shared>> -> memref<16x128xf32, #tpu.memory_space<vmem_shared>>
    %dma_wait3A_499 = arith.constant 0 : i32
    %dma_wait3A_500 = tpu.memref_slice %arg14[%add3A_496, %dma_wait3A_499] : memref<10000x128xf32, #tpu.memory_space<vmem_shared>> -> memref<16x128xf32, #tpu.memory_space<vmem_shared>>
    tpu.wait_dma2 semaphore(%arg12 : memref<!tpu.dma_semaphore, #tpu.memory_space<semaphore_mem>>) src(%arg9 : memref<16x128xf32, #tpu.memory_space<vmem>>) dst(%dma_wait3A_500 : memref<16x128xf32, #tpu.memory_space<vmem_shared>>)
    %add3A_501 = arith.constant 272 : i32
    %add3A_502 = arith.addi %select_n3A, %add3A_501 : i32
    %dma_wait3A_503 = arith.constant 0 : i32
    %dma_wait3A_504 = tpu.memref_slice %arg14[%add3A_502, %dma_wait3A_503] : memref<10000x128xf32, #tpu.memory_space<vmem_shared>> -> memref<16x128xf32, #tpu.memory_space<vmem_shared>>
    %dma_wait3A_505 = arith.constant 0 : i32
    %dma_wait3A_506 = tpu.memref_slice %arg14[%add3A_502, %dma_wait3A_505] : memref<10000x128xf32, #tpu.memory_space<vmem_shared>> -> memref<16x128xf32, #tpu.memory_space<vmem_shared>>
    tpu.wait_dma2 semaphore(%arg12 : memref<!tpu.dma_semaphore, #tpu.memory_space<semaphore_mem>>) src(%arg9 : memref<16x128xf32, #tpu.memory_space<vmem>>) dst(%dma_wait3A_506 : memref<16x128xf32, #tpu.memory_space<vmem_shared>>)
    %add3A_507 = arith.constant 288 : i32
    %add3A_508 = arith.addi %select_n3A, %add3A_507 : i32
    %dma_wait3A_509 = arith.constant 0 : i32
    %dma_wait3A_510 = tpu.memref_slice %arg14[%add3A_508, %dma_wait3A_509] : memref<10000x128xf32, #tpu.memory_space<vmem_shared>> -> memref<16x128xf32, #tpu.memory_space<vmem_shared>>
    %dma_wait3A_511 = arith.constant 0 : i32
    %dma_wait3A_512 = tpu.memref_slice %arg14[%add3A_508, %dma_wait3A_511] : memref<10000x128xf32, #tpu.memory_space<vmem_shared>> -> memref<16x128xf32, #tpu.memory_space<vmem_shared>>
    tpu.wait_dma2 semaphore(%arg12 : memref<!tpu.dma_semaphore, #tpu.memory_space<semaphore_mem>>) src(%arg9 : memref<16x128xf32, #tpu.memory_space<vmem>>) dst(%dma_wait3A_512 : memref<16x128xf32, #tpu.memory_space<vmem_shared>>)
    %add3A_513 = arith.constant 304 : i32
    %add3A_514 = arith.addi %select_n3A, %add3A_513 : i32
    %dma_wait3A_515 = arith.constant 0 : i32
    %dma_wait3A_516 = tpu.memref_slice %arg14[%add3A_514, %dma_wait3A_515] : memref<10000x128xf32, #tpu.memory_space<vmem_shared>> -> memref<16x128xf32, #tpu.memory_space<vmem_shared>>
    %dma_wait3A_517 = arith.constant 0 : i32
    %dma_wait3A_518 = tpu.memref_slice %arg14[%add3A_514, %dma_wait3A_517] : memref<10000x128xf32, #tpu.memory_space<vmem_shared>> -> memref<16x128xf32, #tpu.memory_space<vmem_shared>>
    tpu.wait_dma2 semaphore(%arg12 : memref<!tpu.dma_semaphore, #tpu.memory_space<semaphore_mem>>) src(%arg9 : memref<16x128xf32, #tpu.memory_space<vmem>>) dst(%dma_wait3A_518 : memref<16x128xf32, #tpu.memory_space<vmem_shared>>)
    %add3A_519 = arith.constant 320 : i32
    %add3A_520 = arith.addi %select_n3A, %add3A_519 : i32
    %dma_wait3A_521 = arith.constant 0 : i32
    %dma_wait3A_522 = tpu.memref_slice %arg14[%add3A_520, %dma_wait3A_521] : memref<10000x128xf32, #tpu.memory_space<vmem_shared>> -> memref<16x128xf32, #tpu.memory_space<vmem_shared>>
    %dma_wait3A_523 = arith.constant 0 : i32
    %dma_wait3A_524 = tpu.memref_slice %arg14[%add3A_520, %dma_wait3A_523] : memref<10000x128xf32, #tpu.memory_space<vmem_shared>> -> memref<16x128xf32, #tpu.memory_space<vmem_shared>>
    tpu.wait_dma2 semaphore(%arg12 : memref<!tpu.dma_semaphore, #tpu.memory_space<semaphore_mem>>) src(%arg9 : memref<16x128xf32, #tpu.memory_space<vmem>>) dst(%dma_wait3A_524 : memref<16x128xf32, #tpu.memory_space<vmem_shared>>)
    %add3A_525 = arith.constant 336 : i32
    %add3A_526 = arith.addi %select_n3A, %add3A_525 : i32
    %dma_wait3A_527 = arith.constant 0 : i32
    %dma_wait3A_528 = tpu.memref_slice %arg14[%add3A_526, %dma_wait3A_527] : memref<10000x128xf32, #tpu.memory_space<vmem_shared>> -> memref<16x128xf32, #tpu.memory_space<vmem_shared>>
    %dma_wait3A_529 = arith.constant 0 : i32
    %dma_wait3A_530 = tpu.memref_slice %arg14[%add3A_526, %dma_wait3A_529] : memref<10000x128xf32, #tpu.memory_space<vmem_shared>> -> memref<16x128xf32, #tpu.memory_space<vmem_shared>>
    tpu.wait_dma2 semaphore(%arg12 : memref<!tpu.dma_semaphore, #tpu.memory_space<semaphore_mem>>) src(%arg9 : memref<16x128xf32, #tpu.memory_space<vmem>>) dst(%dma_wait3A_530 : memref<16x128xf32, #tpu.memory_space<vmem_shared>>)
    %add3A_531 = arith.constant 352 : i32
    %add3A_532 = arith.addi %select_n3A, %add3A_531 : i32
    %dma_wait3A_533 = arith.constant 0 : i32
    %dma_wait3A_534 = tpu.memref_slice %arg14[%add3A_532, %dma_wait3A_533] : memref<10000x128xf32, #tpu.memory_space<vmem_shared>> -> memref<16x128xf32, #tpu.memory_space<vmem_shared>>
    %dma_wait3A_535 = arith.constant 0 : i32
    %dma_wait3A_536 = tpu.memref_slice %arg14[%add3A_532, %dma_wait3A_535] : memref<10000x128xf32, #tpu.memory_space<vmem_shared>> -> memref<16x128xf32, #tpu.memory_space<vmem_shared>>
    tpu.wait_dma2 semaphore(%arg12 : memref<!tpu.dma_semaphore, #tpu.memory_space<semaphore_mem>>) src(%arg9 : memref<16x128xf32, #tpu.memory_space<vmem>>) dst(%dma_wait3A_536 : memref<16x128xf32, #tpu.memory_space<vmem_shared>>)
    %add3A_537 = arith.constant 368 : i32
    %add3A_538 = arith.addi %select_n3A, %add3A_537 : i32
    %dma_wait3A_539 = arith.constant 0 : i32
    %dma_wait3A_540 = tpu.memref_slice %arg14[%add3A_538, %dma_wait3A_539] : memref<10000x128xf32, #tpu.memory_space<vmem_shared>> -> memref<16x128xf32, #tpu.memory_space<vmem_shared>>
    %dma_wait3A_541 = arith.constant 0 : i32
    %dma_wait3A_542 = tpu.memref_slice %arg14[%add3A_538, %dma_wait3A_541] : memref<10000x128xf32, #tpu.memory_space<vmem_shared>> -> memref<16x128xf32, #tpu.memory_space<vmem_shared>>
    tpu.wait_dma2 semaphore(%arg12 : memref<!tpu.dma_semaphore, #tpu.memory_space<semaphore_mem>>) src(%arg9 : memref<16x128xf32, #tpu.memory_space<vmem>>) dst(%dma_wait3A_542 : memref<16x128xf32, #tpu.memory_space<vmem_shared>>)
    %add3A_543 = arith.constant 384 : i32
    %add3A_544 = arith.addi %select_n3A, %add3A_543 : i32
    %dma_wait3A_545 = arith.constant 0 : i32
    %dma_wait3A_546 = tpu.memref_slice %arg14[%add3A_544, %dma_wait3A_545] : memref<10000x128xf32, #tpu.memory_space<vmem_shared>> -> memref<16x128xf32, #tpu.memory_space<vmem_shared>>
    %dma_wait3A_547 = arith.constant 0 : i32
    %dma_wait3A_548 = tpu.memref_slice %arg14[%add3A_544, %dma_wait3A_547] : memref<10000x128xf32, #tpu.memory_space<vmem_shared>> -> memref<16x128xf32, #tpu.memory_space<vmem_shared>>
    tpu.wait_dma2 semaphore(%arg12 : memref<!tpu.dma_semaphore, #tpu.memory_space<semaphore_mem>>) src(%arg9 : memref<16x128xf32, #tpu.memory_space<vmem>>) dst(%dma_wait3A_548 : memref<16x128xf32, #tpu.memory_space<vmem_shared>>)
    %add3A_549 = arith.constant 400 : i32
    %add3A_550 = arith.addi %select_n3A, %add3A_549 : i32
    %dma_wait3A_551 = arith.constant 0 : i32
    %dma_wait3A_552 = tpu.memref_slice %arg14[%add3A_550, %dma_wait3A_551] : memref<10000x128xf32, #tpu.memory_space<vmem_shared>> -> memref<16x128xf32, #tpu.memory_space<vmem_shared>>
    %dma_wait3A_553 = arith.constant 0 : i32
    %dma_wait3A_554 = tpu.memref_slice %arg14[%add3A_550, %dma_wait3A_553] : memref<10000x128xf32, #tpu.memory_space<vmem_shared>> -> memref<16x128xf32, #tpu.memory_space<vmem_shared>>
    tpu.wait_dma2 semaphore(%arg12 : memref<!tpu.dma_semaphore, #tpu.memory_space<semaphore_mem>>) src(%arg9 : memref<16x128xf32, #tpu.memory_space<vmem>>) dst(%dma_wait3A_554 : memref<16x128xf32, #tpu.memory_space<vmem_shared>>)
    %add3A_555 = arith.constant 416 : i32
    %add3A_556 = arith.addi %select_n3A, %add3A_555 : i32
    %dma_wait3A_557 = arith.constant 0 : i32
    %dma_wait3A_558 = tpu.memref_slice %arg14[%add3A_556, %dma_wait3A_557] : memref<10000x128xf32, #tpu.memory_space<vmem_shared>> -> memref<16x128xf32, #tpu.memory_space<vmem_shared>>
    %dma_wait3A_559 = arith.constant 0 : i32
    %dma_wait3A_560 = tpu.memref_slice %arg14[%add3A_556, %dma_wait3A_559] : memref<10000x128xf32, #tpu.memory_space<vmem_shared>> -> memref<16x128xf32, #tpu.memory_space<vmem_shared>>
    tpu.wait_dma2 semaphore(%arg12 : memref<!tpu.dma_semaphore, #tpu.memory_space<semaphore_mem>>) src(%arg9 : memref<16x128xf32, #tpu.memory_space<vmem>>) dst(%dma_wait3A_560 : memref<16x128xf32, #tpu.memory_space<vmem_shared>>)
    %add3A_561 = arith.constant 432 : i32
    %add3A_562 = arith.addi %select_n3A, %add3A_561 : i32
    %dma_wait3A_563 = arith.constant 0 : i32
    %dma_wait3A_564 = tpu.memref_slice %arg14[%add3A_562, %dma_wait3A_563] : memref<10000x128xf32, #tpu.memory_space<vmem_shared>> -> memref<16x128xf32, #tpu.memory_space<vmem_shared>>
    %dma_wait3A_565 = arith.constant 0 : i32
    %dma_wait3A_566 = tpu.memref_slice %arg14[%add3A_562, %dma_wait3A_565] : memref<10000x128xf32, #tpu.memory_space<vmem_shared>> -> memref<16x128xf32, #tpu.memory_space<vmem_shared>>
    tpu.wait_dma2 semaphore(%arg12 : memref<!tpu.dma_semaphore, #tpu.memory_space<semaphore_mem>>) src(%arg9 : memref<16x128xf32, #tpu.memory_space<vmem>>) dst(%dma_wait3A_566 : memref<16x128xf32, #tpu.memory_space<vmem_shared>>)
    %add3A_567 = arith.constant 448 : i32
    %add3A_568 = arith.addi %select_n3A, %add3A_567 : i32
    %dma_wait3A_569 = arith.constant 0 : i32
    %dma_wait3A_570 = tpu.memref_slice %arg14[%add3A_568, %dma_wait3A_569] : memref<10000x128xf32, #tpu.memory_space<vmem_shared>> -> memref<16x128xf32, #tpu.memory_space<vmem_shared>>
    %dma_wait3A_571 = arith.constant 0 : i32
    %dma_wait3A_572 = tpu.memref_slice %arg14[%add3A_568, %dma_wait3A_571] : memref<10000x128xf32, #tpu.memory_space<vmem_shared>> -> memref<16x128xf32, #tpu.memory_space<vmem_shared>>
    tpu.wait_dma2 semaphore(%arg12 : memref<!tpu.dma_semaphore, #tpu.memory_space<semaphore_mem>>) src(%arg9 : memref<16x128xf32, #tpu.memory_space<vmem>>) dst(%dma_wait3A_572 : memref<16x128xf32, #tpu.memory_space<vmem_shared>>)
    %add3A_573 = arith.constant 464 : i32
    %add3A_574 = arith.addi %select_n3A, %add3A_573 : i32
    %dma_wait3A_575 = arith.constant 0 : i32
    %dma_wait3A_576 = tpu.memref_slice %arg14[%add3A_574, %dma_wait3A_575] : memref<10000x128xf32, #tpu.memory_space<vmem_shared>> -> memref<16x128xf32, #tpu.memory_space<vmem_shared>>
    %dma_wait3A_577 = arith.constant 0 : i32
    %dma_wait3A_578 = tpu.memref_slice %arg14[%add3A_574, %dma_wait3A_577] : memref<10000x128xf32, #tpu.memory_space<vmem_shared>> -> memref<16x128xf32, #tpu.memory_space<vmem_shared>>
    tpu.wait_dma2 semaphore(%arg12 : memref<!tpu.dma_semaphore, #tpu.memory_space<semaphore_mem>>) src(%arg9 : memref<16x128xf32, #tpu.memory_space<vmem>>) dst(%dma_wait3A_578 : memref<16x128xf32, #tpu.memory_space<vmem_shared>>)
    %add3A_579 = arith.constant 480 : i32
    %add3A_580 = arith.addi %select_n3A, %add3A_579 : i32
    %dma_wait3A_581 = arith.constant 0 : i32
    %dma_wait3A_582 = tpu.memref_slice %arg14[%add3A_580, %dma_wait3A_581] : memref<10000x128xf32, #tpu.memory_space<vmem_shared>> -> memref<16x128xf32, #tpu.memory_space<vmem_shared>>
    %dma_wait3A_583 = arith.constant 0 : i32
    %dma_wait3A_584 = tpu.memref_slice %arg14[%add3A_580, %dma_wait3A_583] : memref<10000x128xf32, #tpu.memory_space<vmem_shared>> -> memref<16x128xf32, #tpu.memory_space<vmem_shared>>
    tpu.wait_dma2 semaphore(%arg12 : memref<!tpu.dma_semaphore, #tpu.memory_space<semaphore_mem>>) src(%arg9 : memref<16x128xf32, #tpu.memory_space<vmem>>) dst(%dma_wait3A_584 : memref<16x128xf32, #tpu.memory_space<vmem_shared>>)
    %add3A_585 = arith.constant 496 : i32
    %add3A_586 = arith.addi %select_n3A, %add3A_585 : i32
    %dma_wait3A_587 = arith.constant 0 : i32
    %dma_wait3A_588 = tpu.memref_slice %arg14[%add3A_586, %dma_wait3A_587] : memref<10000x128xf32, #tpu.memory_space<vmem_shared>> -> memref<16x128xf32, #tpu.memory_space<vmem_shared>>
    %dma_wait3A_589 = arith.constant 0 : i32
    %dma_wait3A_590 = tpu.memref_slice %arg14[%add3A_586, %dma_wait3A_589] : memref<10000x128xf32, #tpu.memory_space<vmem_shared>> -> memref<16x128xf32, #tpu.memory_space<vmem_shared>>
    tpu.wait_dma2 semaphore(%arg12 : memref<!tpu.dma_semaphore, #tpu.memory_space<semaphore_mem>>) src(%arg9 : memref<16x128xf32, #tpu.memory_space<vmem>>) dst(%dma_wait3A_590 : memref<16x128xf32, #tpu.memory_space<vmem_shared>>)
    %add3A_591 = arith.constant 512 : i32
    %add3A_592 = arith.addi %select_n3A, %add3A_591 : i32
    %dma_wait3A_593 = arith.constant 0 : i32
    %dma_wait3A_594 = tpu.memref_slice %arg14[%add3A_592, %dma_wait3A_593] : memref<10000x128xf32, #tpu.memory_space<vmem_shared>> -> memref<16x128xf32, #tpu.memory_space<vmem_shared>>
    %dma_wait3A_595 = arith.constant 0 : i32
    %dma_wait3A_596 = tpu.memref_slice %arg14[%add3A_592, %dma_wait3A_595] : memref<10000x128xf32, #tpu.memory_space<vmem_shared>> -> memref<16x128xf32, #tpu.memory_space<vmem_shared>>
    tpu.wait_dma2 semaphore(%arg12 : memref<!tpu.dma_semaphore, #tpu.memory_space<semaphore_mem>>) src(%arg9 : memref<16x128xf32, #tpu.memory_space<vmem>>) dst(%dma_wait3A_596 : memref<16x128xf32, #tpu.memory_space<vmem_shared>>)
    %add3A_597 = arith.constant 528 : i32
    %add3A_598 = arith.addi %select_n3A, %add3A_597 : i32
    %dma_wait3A_599 = arith.constant 0 : i32
    %dma_wait3A_600 = tpu.memref_slice %arg14[%add3A_598, %dma_wait3A_599] : memref<10000x128xf32, #tpu.memory_space<vmem_shared>> -> memref<16x128xf32, #tpu.memory_space<vmem_shared>>
    %dma_wait3A_601 = arith.constant 0 : i32
    %dma_wait3A_602 = tpu.memref_slice %arg14[%add3A_598, %dma_wait3A_601] : memref<10000x128xf32, #tpu.memory_space<vmem_shared>> -> memref<16x128xf32, #tpu.memory_space<vmem_shared>>
    tpu.wait_dma2 semaphore(%arg12 : memref<!tpu.dma_semaphore, #tpu.memory_space<semaphore_mem>>) src(%arg9 : memref<16x128xf32, #tpu.memory_space<vmem>>) dst(%dma_wait3A_602 : memref<16x128xf32, #tpu.memory_space<vmem_shared>>)
    %add3A_603 = arith.constant 544 : i32
    %add3A_604 = arith.addi %select_n3A, %add3A_603 : i32
    %dma_wait3A_605 = arith.constant 0 : i32
    %dma_wait3A_606 = tpu.memref_slice %arg14[%add3A_604, %dma_wait3A_605] : memref<10000x128xf32, #tpu.memory_space<vmem_shared>> -> memref<16x128xf32, #tpu.memory_space<vmem_shared>>
    %dma_wait3A_607 = arith.constant 0 : i32
    %dma_wait3A_608 = tpu.memref_slice %arg14[%add3A_604, %dma_wait3A_607] : memref<10000x128xf32, #tpu.memory_space<vmem_shared>> -> memref<16x128xf32, #tpu.memory_space<vmem_shared>>
    tpu.wait_dma2 semaphore(%arg12 : memref<!tpu.dma_semaphore, #tpu.memory_space<semaphore_mem>>) src(%arg9 : memref<16x128xf32, #tpu.memory_space<vmem>>) dst(%dma_wait3A_608 : memref<16x128xf32, #tpu.memory_space<vmem_shared>>)
    %add3A_609 = arith.constant 560 : i32
    %add3A_610 = arith.addi %select_n3A, %add3A_609 : i32
    %dma_wait3A_611 = arith.constant 0 : i32
    %dma_wait3A_612 = tpu.memref_slice %arg14[%add3A_610, %dma_wait3A_611] : memref<10000x128xf32, #tpu.memory_space<vmem_shared>> -> memref<16x128xf32, #tpu.memory_space<vmem_shared>>
    %dma_wait3A_613 = arith.constant 0 : i32
    %dma_wait3A_614 = tpu.memref_slice %arg14[%add3A_610, %dma_wait3A_613] : memref<10000x128xf32, #tpu.memory_space<vmem_shared>> -> memref<16x128xf32, #tpu.memory_space<vmem_shared>>
    tpu.wait_dma2 semaphore(%arg12 : memref<!tpu.dma_semaphore, #tpu.memory_space<semaphore_mem>>) src(%arg9 : memref<16x128xf32, #tpu.memory_space<vmem>>) dst(%dma_wait3A_614 : memref<16x128xf32, #tpu.memory_space<vmem_shared>>)
    %add3A_615 = arith.constant 576 : i32
    %add3A_616 = arith.addi %select_n3A, %add3A_615 : i32
    %dma_wait3A_617 = arith.constant 0 : i32
    %dma_wait3A_618 = tpu.memref_slice %arg14[%add3A_616, %dma_wait3A_617] : memref<10000x128xf32, #tpu.memory_space<vmem_shared>> -> memref<16x128xf32, #tpu.memory_space<vmem_shared>>
    %dma_wait3A_619 = arith.constant 0 : i32
    %dma_wait3A_620 = tpu.memref_slice %arg14[%add3A_616, %dma_wait3A_619] : memref<10000x128xf32, #tpu.memory_space<vmem_shared>> -> memref<16x128xf32, #tpu.memory_space<vmem_shared>>
    tpu.wait_dma2 semaphore(%arg12 : memref<!tpu.dma_semaphore, #tpu.memory_space<semaphore_mem>>) src(%arg9 : memref<16x128xf32, #tpu.memory_space<vmem>>) dst(%dma_wait3A_620 : memref<16x128xf32, #tpu.memory_space<vmem_shared>>)
    %add3A_621 = arith.constant 592 : i32
    %add3A_622 = arith.addi %select_n3A, %add3A_621 : i32
    %dma_wait3A_623 = arith.constant 0 : i32
    %dma_wait3A_624 = tpu.memref_slice %arg14[%add3A_622, %dma_wait3A_623] : memref<10000x128xf32, #tpu.memory_space<vmem_shared>> -> memref<16x128xf32, #tpu.memory_space<vmem_shared>>
    %dma_wait3A_625 = arith.constant 0 : i32
    %dma_wait3A_626 = tpu.memref_slice %arg14[%add3A_622, %dma_wait3A_625] : memref<10000x128xf32, #tpu.memory_space<vmem_shared>> -> memref<16x128xf32, #tpu.memory_space<vmem_shared>>
    tpu.wait_dma2 semaphore(%arg12 : memref<!tpu.dma_semaphore, #tpu.memory_space<semaphore_mem>>) src(%arg9 : memref<16x128xf32, #tpu.memory_space<vmem>>) dst(%dma_wait3A_626 : memref<16x128xf32, #tpu.memory_space<vmem_shared>>)
    %add3A_627 = arith.constant 608 : i32
    %add3A_628 = arith.addi %select_n3A, %add3A_627 : i32
    %dma_wait3A_629 = arith.constant 0 : i32
    %dma_wait3A_630 = tpu.memref_slice %arg14[%add3A_628, %dma_wait3A_629] : memref<10000x128xf32, #tpu.memory_space<vmem_shared>> -> memref<16x128xf32, #tpu.memory_space<vmem_shared>>
    %dma_wait3A_631 = arith.constant 0 : i32
    %dma_wait3A_632 = tpu.memref_slice %arg14[%add3A_628, %dma_wait3A_631] : memref<10000x128xf32, #tpu.memory_space<vmem_shared>> -> memref<16x128xf32, #tpu.memory_space<vmem_shared>>
    tpu.wait_dma2 semaphore(%arg12 : memref<!tpu.dma_semaphore, #tpu.memory_space<semaphore_mem>>) src(%arg9 : memref<16x128xf32, #tpu.memory_space<vmem>>) dst(%dma_wait3A_632 : memref<16x128xf32, #tpu.memory_space<vmem_shared>>)
    %add3A_633 = arith.constant 624 : i32
    %add3A_634 = arith.addi %select_n3A, %add3A_633 : i32
    %dma_wait3A_635 = arith.constant 0 : i32
    %dma_wait3A_636 = tpu.memref_slice %arg14[%add3A_634, %dma_wait3A_635] : memref<10000x128xf32, #tpu.memory_space<vmem_shared>> -> memref<16x128xf32, #tpu.memory_space<vmem_shared>>
    %dma_wait3A_637 = arith.constant 0 : i32
    %dma_wait3A_638 = tpu.memref_slice %arg14[%add3A_634, %dma_wait3A_637] : memref<10000x128xf32, #tpu.memory_space<vmem_shared>> -> memref<16x128xf32, #tpu.memory_space<vmem_shared>>
    tpu.wait_dma2 semaphore(%arg12 : memref<!tpu.dma_semaphore, #tpu.memory_space<semaphore_mem>>) src(%arg9 : memref<16x128xf32, #tpu.memory_space<vmem>>) dst(%dma_wait3A_638 : memref<16x128xf32, #tpu.memory_space<vmem_shared>>)
    %barrier3A = arith.constant 0 : index
    tpu.barrier barrier_id(%barrier3A)
    %scan3A_639 = arith.constant 0 : i32
    %scan3A_640 = arith.constant 0 : i32
    %scan3A_641 = arith.constant 250 : i32
    %scan3A_642 = arith.addi %scan3A_640, %scan3A_641 : i32
    %scan3A_643 = arith.constant 1 : i32
    scf.for %scan3A_732 = %scan3A_640 to %scan3A_642 step %scan3A_643  : i32 {
      %jit3A_733 = arith.constant 25 : i32
      %div3A = arith.divsi %scan3A_732, %jit3A_733 : i32
      %sign3A = arith.constant 0 : i32
      %sign3A_734 = arith.cmpi sgt, %scan3A_732, %sign3A : i32
      %sign3A_735 = arith.extui %sign3A_734 : i1 to i32
      %sign3A_736 = arith.constant 0 : i32
      %sign3A_737 = arith.cmpi slt, %scan3A_732, %sign3A_736 : i32
      %sign3A_738 = arith.extui %sign3A_737 : i1 to i32
      %sign3A_739 = arith.subi %sign3A_735, %sign3A_738 : i32
      %sign3A_740 = arith.constant 0 : i32
      %sign3A_741 = arith.cmpi sgt, %jit3A_733, %sign3A_740 : i32
      %sign3A_742 = arith.extui %sign3A_741 : i1 to i32
      %sign3A_743 = arith.constant 0 : i32
      %sign3A_744 = arith.cmpi slt, %jit3A_733, %sign3A_743 : i32
      %sign3A_745 = arith.extui %sign3A_744 : i1 to i32
      %sign3A_746 = arith.subi %sign3A_742, %sign3A_745 : i32
      %ne3A = arith.cmpi ne, %sign3A_739, %sign3A_746 : i32
      %rem3A = arith.remsi %scan3A_732, %jit3A_733 : i32
      %ne3A_747 = arith.constant 0 : i32
      %ne3A_748 = arith.cmpi ne, %rem3A, %ne3A_747 : i32
      %and3A = arith.andi %ne3A, %ne3A_748 : i1
      %sub3A = arith.constant 1 : i32
      %sub3A_749 = arith.subi %div3A, %sub3A : i32
      %select_n3A_750 = arith.select %and3A, %sub3A_749, %div3A : i32
      %mul3A_751 = arith.constant 25 : i32
      %mul3A_752 = arith.muli %select_n3A_750, %mul3A_751 : i32
      %sub3A_753 = arith.subi %scan3A_732, %mul3A_752 : i32
      %rem3A_754 = arith.constant 6 : i32
      %rem3A_755 = arith.remsi %scan3A_732, %rem3A_754 : i32
      %rem3A_756 = arith.constant 2 : i32
      %rem3A_757 = arith.remsi %select_n3A_750, %rem3A_756 : i32
      %jit3A_758 = arith.constant 25 : i32
      %div3A_759 = arith.divsi %scan3A_732, %jit3A_758 : i32
      %sign3A_760 = arith.constant 0 : i32
      %sign3A_761 = arith.cmpi sgt, %scan3A_732, %sign3A_760 : i32
      %sign3A_762 = arith.extui %sign3A_761 : i1 to i32
      %sign3A_763 = arith.constant 0 : i32
      %sign3A_764 = arith.cmpi slt, %scan3A_732, %sign3A_763 : i32
      %sign3A_765 = arith.extui %sign3A_764 : i1 to i32
      %sign3A_766 = arith.subi %sign3A_762, %sign3A_765 : i32
      %sign3A_767 = arith.constant 0 : i32
      %sign3A_768 = arith.cmpi sgt, %jit3A_758, %sign3A_767 : i32
      %sign3A_769 = arith.extui %sign3A_768 : i1 to i32
      %sign3A_770 = arith.constant 0 : i32
      %sign3A_771 = arith.cmpi slt, %jit3A_758, %sign3A_770 : i32
      %sign3A_772 = arith.extui %sign3A_771 : i1 to i32
      %sign3A_773 = arith.subi %sign3A_769, %sign3A_772 : i32
      %ne3A_774 = arith.cmpi ne, %sign3A_766, %sign3A_773 : i32
      %rem3A_775 = arith.remsi %scan3A_732, %jit3A_758 : i32
      %ne3A_776 = arith.constant 0 : i32
      %ne3A_777 = arith.cmpi ne, %rem3A_775, %ne3A_776 : i32
      %and3A_778 = arith.andi %ne3A_774, %ne3A_777 : i1
      %sub3A_779 = arith.constant 1 : i32
      %sub3A_780 = arith.subi %div3A_759, %sub3A_779 : i32
      %select_n3A_781 = arith.select %and3A_778, %sub3A_780, %div3A_759 : i32
      %mul3A_782 = arith.constant 25 : i32
      %mul3A_783 = arith.muli %select_n3A_781, %mul3A_782 : i32
      %sub3A_784 = arith.subi %scan3A_732, %mul3A_783 : i32
      %rem3A_785 = arith.constant 2 : i32
      %rem3A_786 = arith.remsi %select_n3A_781, %rem3A_785 : i32
      %dma_wait3A_787 = arith.constant 0 : i32
      %dma_wait3A_788 = arith.constant 0 : i32
      %dma_wait3A_789 = tpu.memref_slice %arg8[%rem3A_755, %dma_wait3A_787, %dma_wait3A_788] : memref<6x40x128xf32, #tpu.memory_space<vmem>> -> memref<1x40x128xf32, #tpu.memory_space<vmem>>
      %dma_wait3A_790 = tpu.memref_squeeze %dma_wait3A_789 : memref<1x40x128xf32, #tpu.memory_space<vmem>> -> memref<40x128xf32, #tpu.memory_space<vmem>>
      %dma_wait3A_791 = arith.constant 0 : i32
      %dma_wait3A_792 = tpu.memref_slice %arg6[%rem3A_786, %sub3A_784, %dma_wait3A_791] : memref<2x25x40xi32, #tpu.memory_space<vmem>> -> memref<1x1x40xi32, #tpu.memory_space<vmem>>
      %dma_wait3A_793 = tpu.memref_squeeze %dma_wait3A_792 : memref<1x1x40xi32, #tpu.memory_space<vmem>> -> memref<40xi32, #tpu.memory_space<vmem>>
      %dma_wait3A_794 = arith.constant 0 : i32
      %dma_wait3A_795 = arith.constant 0 : i32
      %dma_wait3A_796 = tpu.memref_slice %arg2[%dma_wait3A_794, %dma_wait3A_795] : memref<10000x128xf32, #tpu.memory_space<hbm>> -> memref<10000x128xf32, #tpu.memory_space<hbm>>
      %dma_wait3A_797 = tpu.memref_slice %arg10[%rem3A_755] : memref<6x!tpu.dma_semaphore, #tpu.memory_space<semaphore_mem>> -> memref<1x!tpu.dma_semaphore, #tpu.memory_space<semaphore_mem>>
      %dma_wait3A_798 = tpu.memref_squeeze %dma_wait3A_797 : memref<1x!tpu.dma_semaphore, #tpu.memory_space<semaphore_mem>> -> memref<!tpu.dma_semaphore, #tpu.memory_space<semaphore_mem>>
      tpu.wait_indirect_dma semaphore(%dma_wait3A_798 : memref<!tpu.dma_semaphore, #tpu.memory_space<semaphore_mem>>) src(%dma_wait3A_796 : memref<10000x128xf32, #tpu.memory_space<hbm>>) dst(%dma_wait3A_790 : memref<40x128xf32, #tpu.memory_space<vmem>>)
      %dma_start3A_799 = arith.constant 0 : i32
      %dma_start3A_800 = arith.constant 0 : i32
      %dma_start3A_801 = tpu.memref_slice %arg8[%rem3A_755, %dma_start3A_799, %dma_start3A_800] : memref<6x40x128xf32, #tpu.memory_space<vmem>> -> memref<1x40x128xf32, #tpu.memory_space<vmem>>
      %dma_start3A_802 = tpu.memref_squeeze %dma_start3A_801 : memref<1x40x128xf32, #tpu.memory_space<vmem>> -> memref<40x128xf32, #tpu.memory_space<vmem>>
      %dma_start3A_803 = arith.constant 0 : i32
      %dma_start3A_804 = tpu.memref_slice %arg7[%rem3A_757, %sub3A_753, %dma_start3A_803] : memref<2x25x40xi32, #tpu.memory_space<vmem>> -> memref<1x1x40xi32, #tpu.memory_space<vmem>>
      %dma_start3A_805 = tpu.memref_squeeze %dma_start3A_804 : memref<1x1x40xi32, #tpu.memory_space<vmem>> -> memref<40xi32, #tpu.memory_space<vmem>>
      %dma_start3A_806 = arith.constant 0 : i32
      %dma_start3A_807 = arith.constant 0 : i32
      %dma_start3A_808 = tpu.memref_slice %arg14[%dma_start3A_806, %dma_start3A_807] : memref<10000x128xf32, #tpu.memory_space<vmem_shared>> -> memref<10000x128xf32, #tpu.memory_space<vmem_shared>>
      %dma_start3A_809 = tpu.memref_slice %arg11[%rem3A_755] : memref<6x!tpu.dma_semaphore, #tpu.memory_space<semaphore_mem>> -> memref<1x!tpu.dma_semaphore, #tpu.memory_space<semaphore_mem>>
      %dma_start3A_810 = tpu.memref_squeeze %dma_start3A_809 : memref<1x!tpu.dma_semaphore, #tpu.memory_space<semaphore_mem>> -> memref<!tpu.dma_semaphore, #tpu.memory_space<semaphore_mem>>
      tpu.enqueue_indirect_dma source(%dma_start3A_802 : memref<40x128xf32, #tpu.memory_space<vmem>>) target(%dma_start3A_808 : memref<10000x128xf32, #tpu.memory_space<vmem_shared>>) offsets(%dma_start3A_805 : memref<40xi32, #tpu.memory_space<vmem>>) semaphore(%dma_start3A_810 : memref<!tpu.dma_semaphore, #tpu.memory_space<semaphore_mem>>) {add = true}
      %add3A_811 = arith.constant 6 : i32
      %add3A_812 = arith.addi %scan3A_732, %add3A_811 : i32
      %sub3A_813 = arith.constant 1 : i32
      %sub3A_814 = arith.subi %add3A_812, %sub3A_813 : i32
      %lt3A = arith.constant 250 : i32
      %lt3A_815 = arith.cmpi slt, %sub3A_814, %lt3A : i32
      %convert_element_type3A = arith.extui %lt3A_815 : i1 to i32
      %cond3A = arith.constant 0 : i32
      %cond3A_816 = arith.cmpi ne, %convert_element_type3A, %cond3A : i32
      scf.if %cond3A_816 {
        %add3A_817 = arith.constant 6 : i32
        %add3A_818 = arith.addi %scan3A_732, %add3A_817 : i32
        %sub3A_819 = arith.constant 1 : i32
        %sub3A_820 = arith.subi %add3A_818, %sub3A_819 : i32
        %jit3A_821 = arith.constant 25 : i32
        %div3A_822 = arith.divsi %sub3A_820, %jit3A_821 : i32
        %sign3A_823 = arith.constant 0 : i32
        %sign3A_824 = arith.cmpi sgt, %sub3A_820, %sign3A_823 : i32
        %sign3A_825 = arith.extui %sign3A_824 : i1 to i32
        %sign3A_826 = arith.constant 0 : i32
        %sign3A_827 = arith.cmpi slt, %sub3A_820, %sign3A_826 : i32
        %sign3A_828 = arith.extui %sign3A_827 : i1 to i32
        %sign3A_829 = arith.subi %sign3A_825, %sign3A_828 : i32
        %sign3A_830 = arith.constant 0 : i32
        %sign3A_831 = arith.cmpi sgt, %jit3A_821, %sign3A_830 : i32
        %sign3A_832 = arith.extui %sign3A_831 : i1 to i32
        %sign3A_833 = arith.constant 0 : i32
        %sign3A_834 = arith.cmpi slt, %jit3A_821, %sign3A_833 : i32
        %sign3A_835 = arith.extui %sign3A_834 : i1 to i32
        %sign3A_836 = arith.subi %sign3A_832, %sign3A_835 : i32
        %ne3A_837 = arith.cmpi ne, %sign3A_829, %sign3A_836 : i32
        %rem3A_838 = arith.remsi %sub3A_820, %jit3A_821 : i32
        %ne3A_839 = arith.constant 0 : i32
        %ne3A_840 = arith.cmpi ne, %rem3A_838, %ne3A_839 : i32
        %and3A_841 = arith.andi %ne3A_837, %ne3A_840 : i1
        %sub3A_842 = arith.constant 1 : i32
        %sub3A_843 = arith.subi %div3A_822, %sub3A_842 : i32
        %select_n3A_844 = arith.select %and3A_841, %sub3A_843, %div3A_822 : i32
        %mul3A_845 = arith.constant 25 : i32
        %mul3A_846 = arith.muli %select_n3A_844, %mul3A_845 : i32
        %sub3A_847 = arith.subi %sub3A_820, %mul3A_846 : i32
        %rem3A_848 = arith.constant 6 : i32
        %rem3A_849 = arith.remsi %sub3A_820, %rem3A_848 : i32
        %rem3A_850 = arith.constant 2 : i32
        %rem3A_851 = arith.remsi %select_n3A_844, %rem3A_850 : i32
        %eq3A_852 = arith.constant 0 : i32
        %eq3A_853 = arith.cmpi eq, %sub3A_847, %eq3A_852 : i32
        %convert_element_type3A_854 = arith.extui %eq3A_853 : i1 to i32
        %cond3A_855 = arith.constant 0 : i32
        %cond3A_856 = arith.cmpi ne, %convert_element_type3A_854, %cond3A_855 : i32
        scf.if %cond3A_856 {
          %dma_wait3A_910 = arith.constant 0 : i32
          %dma_wait3A_911 = arith.constant 0 : i32
          %dma_wait3A_912 = tpu.memref_slice %arg6[%rem3A_851, %dma_wait3A_910, %dma_wait3A_911] : memref<2x25x40xi32, #tpu.memory_space<vmem>> -> memref<1x25x40xi32, #tpu.memory_space<vmem>>
          %dma_wait3A_913 = tpu.memref_squeeze %dma_wait3A_912 : memref<1x25x40xi32, #tpu.memory_space<vmem>> -> memref<25x40xi32, #tpu.memory_space<vmem>>
          %dma_wait3A_914 = arith.constant 0 : i32
          %dma_wait3A_915 = arith.constant 0 : i32
          %dma_wait3A_916 = tpu.memref_slice %arg3[%add3A, %select_n3A_844, %dma_wait3A_914, %dma_wait3A_915] : memref<32x10x25x40xi32, #tpu.memory_space<hbm>> -> memref<1x1x25x40xi32, #tpu.memory_space<hbm>>
          %dma_wait3A_917 = tpu.memref_squeeze %dma_wait3A_916 : memref<1x1x25x40xi32, #tpu.memory_space<hbm>> -> memref<25x40xi32, #tpu.memory_space<hbm>>
          %dma_wait3A_918 = arith.constant 0 : i32
          %dma_wait3A_919 = arith.constant 0 : i32
          %dma_wait3A_920 = tpu.memref_slice %arg6[%rem3A_851, %dma_wait3A_918, %dma_wait3A_919] : memref<2x25x40xi32, #tpu.memory_space<vmem>> -> memref<1x25x40xi32, #tpu.memory_space<vmem>>
          %dma_wait3A_921 = tpu.memref_squeeze %dma_wait3A_920 : memref<1x25x40xi32, #tpu.memory_space<vmem>> -> memref<25x40xi32, #tpu.memory_space<vmem>>
          %dma_wait3A_922 = arith.constant 0 : i32
          %dma_wait3A_923 = arith.constant 0 : i32
          %dma_wait3A_924 = tpu.memref_slice %arg3[%add3A, %select_n3A_844, %dma_wait3A_922, %dma_wait3A_923] : memref<32x10x25x40xi32, #tpu.memory_space<hbm>> -> memref<1x1x25x40xi32, #tpu.memory_space<hbm>>
          %dma_wait3A_925 = tpu.memref_squeeze %dma_wait3A_924 : memref<1x1x25x40xi32, #tpu.memory_space<hbm>> -> memref<25x40xi32, #tpu.memory_space<hbm>>
          tpu.wait_dma2 semaphore(%arg13 : memref<!tpu.dma_semaphore, #tpu.memory_space<semaphore_mem>>) src(%dma_wait3A_925 : memref<25x40xi32, #tpu.memory_space<hbm>>) dst(%dma_wait3A_921 : memref<25x40xi32, #tpu.memory_space<vmem>>)
          %dma_wait3A_926 = arith.constant 0 : i32
          %dma_wait3A_927 = arith.constant 0 : i32
          %dma_wait3A_928 = tpu.memref_slice %arg7[%rem3A_851, %dma_wait3A_926, %dma_wait3A_927] : memref<2x25x40xi32, #tpu.memory_space<vmem>> -> memref<1x25x40xi32, #tpu.memory_space<vmem>>
          %dma_wait3A_929 = tpu.memref_squeeze %dma_wait3A_928 : memref<1x25x40xi32, #tpu.memory_space<vmem>> -> memref<25x40xi32, #tpu.memory_space<vmem>>
          %dma_wait3A_930 = arith.constant 0 : i32
          %dma_wait3A_931 = arith.constant 0 : i32
          %dma_wait3A_932 = tpu.memref_slice %arg4[%add3A, %select_n3A_844, %dma_wait3A_930, %dma_wait3A_931] : memref<32x10x25x40xi32, #tpu.memory_space<hbm>> -> memref<1x1x25x40xi32, #tpu.memory_space<hbm>>
          %dma_wait3A_933 = tpu.memref_squeeze %dma_wait3A_932 : memref<1x1x25x40xi32, #tpu.memory_space<hbm>> -> memref<25x40xi32, #tpu.memory_space<hbm>>
          %dma_wait3A_934 = arith.constant 0 : i32
          %dma_wait3A_935 = arith.constant 0 : i32
          %dma_wait3A_936 = tpu.memref_slice %arg7[%rem3A_851, %dma_wait3A_934, %dma_wait3A_935] : memref<2x25x40xi32, #tpu.memory_space<vmem>> -> memref<1x25x40xi32, #tpu.memory_space<vmem>>
          %dma_wait3A_937 = tpu.memref_squeeze %dma_wait3A_936 : memref<1x25x40xi32, #tpu.memory_space<vmem>> -> memref<25x40xi32, #tpu.memory_space<vmem>>
          %dma_wait3A_938 = arith.constant 0 : i32
          %dma_wait3A_939 = arith.constant 0 : i32
          %dma_wait3A_940 = tpu.memref_slice %arg4[%add3A, %select_n3A_844, %dma_wait3A_938, %dma_wait3A_939] : memref<32x10x25x40xi32, #tpu.memory_space<hbm>> -> memref<1x1x25x40xi32, #tpu.memory_space<hbm>>
          %dma_wait3A_941 = tpu.memref_squeeze %dma_wait3A_940 : memref<1x1x25x40xi32, #tpu.memory_space<hbm>> -> memref<25x40xi32, #tpu.memory_space<hbm>>
          tpu.wait_dma2 semaphore(%arg13 : memref<!tpu.dma_semaphore, #tpu.memory_space<semaphore_mem>>) src(%dma_wait3A_941 : memref<25x40xi32, #tpu.memory_space<hbm>>) dst(%dma_wait3A_937 : memref<25x40xi32, #tpu.memory_space<vmem>>)
        } else {
        }
        %eq3A_857 = arith.constant 10 : i32
        %eq3A_858 = arith.cmpi eq, %sub3A_847, %eq3A_857 : i32
        %lt3A_859 = arith.constant 225 : i32
        %lt3A_860 = arith.cmpi slt, %sub3A_820, %lt3A_859 : i32
        %and3A_861 = arith.andi %eq3A_858, %lt3A_860 : i1
        %convert_element_type3A_862 = arith.extui %and3A_861 : i1 to i32
        %cond3A_863 = arith.constant 0 : i32
        %cond3A_864 = arith.cmpi ne, %convert_element_type3A_862, %cond3A_863 : i32
        scf.if %cond3A_864 {
          %add3A_910 = arith.constant 1 : i32
          %add3A_911 = arith.addi %select_n3A_844, %add3A_910 : i32
          %add3A_912 = arith.constant 1 : i32
          %add3A_913 = arith.addi %select_n3A_844, %add3A_912 : i32
          %rem3A_914 = arith.constant 2 : i32
          %rem3A_915 = arith.remsi %add3A_913, %rem3A_914 : i32
          %dma_start3A_916 = arith.constant 0 : i32
          %dma_start3A_917 = arith.constant 0 : i32
          %dma_start3A_918 = tpu.memref_slice %arg6[%rem3A_915, %dma_start3A_916, %dma_start3A_917] : memref<2x25x40xi32, #tpu.memory_space<vmem>> -> memref<1x25x40xi32, #tpu.memory_space<vmem>>
          %dma_start3A_919 = tpu.memref_squeeze %dma_start3A_918 : memref<1x25x40xi32, #tpu.memory_space<vmem>> -> memref<25x40xi32, #tpu.memory_space<vmem>>
          %dma_start3A_920 = arith.constant 0 : i32
          %dma_start3A_921 = arith.constant 0 : i32
          %dma_start3A_922 = tpu.memref_slice %arg3[%add3A, %add3A_911, %dma_start3A_920, %dma_start3A_921] : memref<32x10x25x40xi32, #tpu.memory_space<hbm>> -> memref<1x1x25x40xi32, #tpu.memory_space<hbm>>
          %dma_start3A_923 = tpu.memref_squeeze %dma_start3A_922 : memref<1x1x25x40xi32, #tpu.memory_space<hbm>> -> memref<25x40xi32, #tpu.memory_space<hbm>>
          %dma_start3A_924 = arith.constant 0 : i32
          %dma_start3A_925 = arith.constant 0 : i32
          %dma_start3A_926 = tpu.memref_slice %arg6[%rem3A_915, %dma_start3A_924, %dma_start3A_925] : memref<2x25x40xi32, #tpu.memory_space<vmem>> -> memref<1x25x40xi32, #tpu.memory_space<vmem>>
          %dma_start3A_927 = tpu.memref_squeeze %dma_start3A_926 : memref<1x25x40xi32, #tpu.memory_space<vmem>> -> memref<25x40xi32, #tpu.memory_space<vmem>>
          %dma_start3A_928 = arith.constant 0 : i32
          %dma_start3A_929 = arith.constant 0 : i32
          %dma_start3A_930 = tpu.memref_slice %arg3[%add3A, %add3A_911, %dma_start3A_928, %dma_start3A_929] : memref<32x10x25x40xi32, #tpu.memory_space<hbm>> -> memref<1x1x25x40xi32, #tpu.memory_space<hbm>>
          %dma_start3A_931 = tpu.memref_squeeze %dma_start3A_930 : memref<1x1x25x40xi32, #tpu.memory_space<hbm>> -> memref<25x40xi32, #tpu.memory_space<hbm>>
          tpu.enqueue_dma source(%dma_start3A_931 : memref<25x40xi32, #tpu.memory_space<hbm>>) target(%dma_start3A_927 : memref<25x40xi32, #tpu.memory_space<vmem>>) target_semaphore(%arg13 : memref<!tpu.dma_semaphore, #tpu.memory_space<semaphore_mem>>)
          %dma_start3A_932 = arith.constant 0 : i32
          %dma_start3A_933 = arith.constant 0 : i32
          %dma_start3A_934 = tpu.memref_slice %arg7[%rem3A_915, %dma_start3A_932, %dma_start3A_933] : memref<2x25x40xi32, #tpu.memory_space<vmem>> -> memref<1x25x40xi32, #tpu.memory_space<vmem>>
          %dma_start3A_935 = tpu.memref_squeeze %dma_start3A_934 : memref<1x25x40xi32, #tpu.memory_space<vmem>> -> memref<25x40xi32, #tpu.memory_space<vmem>>
          %dma_start3A_936 = arith.constant 0 : i32
          %dma_start3A_937 = arith.constant 0 : i32
          %dma_start3A_938 = tpu.memref_slice %arg4[%add3A, %add3A_911, %dma_start3A_936, %dma_start3A_937] : memref<32x10x25x40xi32, #tpu.memory_space<hbm>> -> memref<1x1x25x40xi32, #tpu.memory_space<hbm>>
          %dma_start3A_939 = tpu.memref_squeeze %dma_start3A_938 : memref<1x1x25x40xi32, #tpu.memory_space<hbm>> -> memref<25x40xi32, #tpu.memory_space<hbm>>
          %dma_start3A_940 = arith.constant 0 : i32
          %dma_start3A_941 = arith.constant 0 : i32
          %dma_start3A_942 = tpu.memref_slice %arg7[%rem3A_915, %dma_start3A_940, %dma_start3A_941] : memref<2x25x40xi32, #tpu.memory_space<vmem>> -> memref<1x25x40xi32, #tpu.memory_space<vmem>>
          %dma_start3A_943 = tpu.memref_squeeze %dma_start3A_942 : memref<1x25x40xi32, #tpu.memory_space<vmem>> -> memref<25x40xi32, #tpu.memory_space<vmem>>
          %dma_start3A_944 = arith.constant 0 : i32
          %dma_start3A_945 = arith.constant 0 : i32
          %dma_start3A_946 = tpu.memref_slice %arg4[%add3A, %add3A_911, %dma_start3A_944, %dma_start3A_945] : memref<32x10x25x40xi32, #tpu.memory_space<hbm>> -> memref<1x1x25x40xi32, #tpu.memory_space<hbm>>
          %dma_start3A_947 = tpu.memref_squeeze %dma_start3A_946 : memref<1x1x25x40xi32, #tpu.memory_space<hbm>> -> memref<25x40xi32, #tpu.memory_space<hbm>>
          tpu.enqueue_dma source(%dma_start3A_947 : memref<25x40xi32, #tpu.memory_space<hbm>>) target(%dma_start3A_943 : memref<25x40xi32, #tpu.memory_space<vmem>>) target_semaphore(%arg13 : memref<!tpu.dma_semaphore, #tpu.memory_space<semaphore_mem>>)
        } else {
        }
        %ge3A = arith.constant 6 : i32
        %ge3A_865 = arith.cmpi sge, %sub3A_820, %ge3A : i32
        %convert_element_type3A_866 = arith.extui %ge3A_865 : i1 to i32
        %cond3A_867 = arith.constant 0 : i32
        %cond3A_868 = arith.cmpi ne, %convert_element_type3A_866, %cond3A_867 : i32
        scf.if %cond3A_868 {
          %dma_wait3A_910 = arith.constant 0 : i32
          %dma_wait3A_911 = arith.constant 0 : i32
          %dma_wait3A_912 = tpu.memref_slice %arg8[%rem3A_849, %dma_wait3A_910, %dma_wait3A_911] : memref<6x40x128xf32, #tpu.memory_space<vmem>> -> memref<1x40x128xf32, #tpu.memory_space<vmem>>
          %dma_wait3A_913 = tpu.memref_squeeze %dma_wait3A_912 : memref<1x40x128xf32, #tpu.memory_space<vmem>> -> memref<40x128xf32, #tpu.memory_space<vmem>>
          %dma_wait3A_914 = arith.constant 0 : i32
          %dma_wait3A_915 = tpu.memref_slice %arg7[%rem3A_851, %sub3A_847, %dma_wait3A_914] : memref<2x25x40xi32, #tpu.memory_space<vmem>> -> memref<1x1x40xi32, #tpu.memory_space<vmem>>
          %dma_wait3A_916 = tpu.memref_squeeze %dma_wait3A_915 : memref<1x1x40xi32, #tpu.memory_space<vmem>> -> memref<40xi32, #tpu.memory_space<vmem>>
          %dma_wait3A_917 = arith.constant 0 : i32
          %dma_wait3A_918 = arith.constant 0 : i32
          %dma_wait3A_919 = tpu.memref_slice %arg14[%dma_wait3A_917, %dma_wait3A_918] : memref<10000x128xf32, #tpu.memory_space<vmem_shared>> -> memref<10000x128xf32, #tpu.memory_space<vmem_shared>>
          %dma_wait3A_920 = tpu.memref_slice %arg11[%rem3A_849] : memref<6x!tpu.dma_semaphore, #tpu.memory_space<semaphore_mem>> -> memref<1x!tpu.dma_semaphore, #tpu.memory_space<semaphore_mem>>
          %dma_wait3A_921 = tpu.memref_squeeze %dma_wait3A_920 : memref<1x!tpu.dma_semaphore, #tpu.memory_space<semaphore_mem>> -> memref<!tpu.dma_semaphore, #tpu.memory_space<semaphore_mem>>
          tpu.wait_indirect_dma semaphore(%dma_wait3A_921 : memref<!tpu.dma_semaphore, #tpu.memory_space<semaphore_mem>>) src(%dma_wait3A_913 : memref<40x128xf32, #tpu.memory_space<vmem>>) dst(%dma_wait3A_919 : memref<10000x128xf32, #tpu.memory_space<vmem_shared>>)
        } else {
        }
        %jit3A_869 = arith.constant 25 : i32
        %div3A_870 = arith.divsi %sub3A_820, %jit3A_869 : i32
        %sign3A_871 = arith.constant 0 : i32
        %sign3A_872 = arith.cmpi sgt, %sub3A_820, %sign3A_871 : i32
        %sign3A_873 = arith.extui %sign3A_872 : i1 to i32
        %sign3A_874 = arith.constant 0 : i32
        %sign3A_875 = arith.cmpi slt, %sub3A_820, %sign3A_874 : i32
        %sign3A_876 = arith.extui %sign3A_875 : i1 to i32
        %sign3A_877 = arith.subi %sign3A_873, %sign3A_876 : i32
        %sign3A_878 = arith.constant 0 : i32
        %sign3A_879 = arith.cmpi sgt, %jit3A_869, %sign3A_878 : i32
        %sign3A_880 = arith.extui %sign3A_879 : i1 to i32
        %sign3A_881 = arith.constant 0 : i32
        %sign3A_882 = arith.cmpi slt, %jit3A_869, %sign3A_881 : i32
        %sign3A_883 = arith.extui %sign3A_882 : i1 to i32
        %sign3A_884 = arith.subi %sign3A_880, %sign3A_883 : i32
        %ne3A_885 = arith.cmpi ne, %sign3A_877, %sign3A_884 : i32
        %rem3A_886 = arith.remsi %sub3A_820, %jit3A_869 : i32
        %ne3A_887 = arith.constant 0 : i32
        %ne3A_888 = arith.cmpi ne, %rem3A_886, %ne3A_887 : i32
        %and3A_889 = arith.andi %ne3A_885, %ne3A_888 : i1
        %sub3A_890 = arith.constant 1 : i32
        %sub3A_891 = arith.subi %div3A_870, %sub3A_890 : i32
        %select_n3A_892 = arith.select %and3A_889, %sub3A_891, %div3A_870 : i32
        %mul3A_893 = arith.constant 25 : i32
        %mul3A_894 = arith.muli %select_n3A_892, %mul3A_893 : i32
        %sub3A_895 = arith.subi %sub3A_820, %mul3A_894 : i32
        %rem3A_896 = arith.constant 2 : i32
        %rem3A_897 = arith.remsi %select_n3A_892, %rem3A_896 : i32
        %dma_start3A_898 = arith.constant 0 : i32
        %dma_start3A_899 = arith.constant 0 : i32
        %dma_start3A_900 = tpu.memref_slice %arg8[%rem3A_849, %dma_start3A_898, %dma_start3A_899] : memref<6x40x128xf32, #tpu.memory_space<vmem>> -> memref<1x40x128xf32, #tpu.memory_space<vmem>>
        %dma_start3A_901 = tpu.memref_squeeze %dma_start3A_900 : memref<1x40x128xf32, #tpu.memory_space<vmem>> -> memref<40x128xf32, #tpu.memory_space<vmem>>
        %dma_start3A_902 = arith.constant 0 : i32
        %dma_start3A_903 = tpu.memref_slice %arg6[%rem3A_897, %sub3A_895, %dma_start3A_902] : memref<2x25x40xi32, #tpu.memory_space<vmem>> -> memref<1x1x40xi32, #tpu.memory_space<vmem>>
        %dma_start3A_904 = tpu.memref_squeeze %dma_start3A_903 : memref<1x1x40xi32, #tpu.memory_space<vmem>> -> memref<40xi32, #tpu.memory_space<vmem>>
        %dma_start3A_905 = arith.constant 0 : i32
        %dma_start3A_906 = arith.constant 0 : i32
        %dma_start3A_907 = tpu.memref_slice %arg2[%dma_start3A_905, %dma_start3A_906] : memref<10000x128xf32, #tpu.memory_space<hbm>> -> memref<10000x128xf32, #tpu.memory_space<hbm>>
        %dma_start3A_908 = tpu.memref_slice %arg10[%rem3A_849] : memref<6x!tpu.dma_semaphore, #tpu.memory_space<semaphore_mem>> -> memref<1x!tpu.dma_semaphore, #tpu.memory_space<semaphore_mem>>
        %dma_start3A_909 = tpu.memref_squeeze %dma_start3A_908 : memref<1x!tpu.dma_semaphore, #tpu.memory_space<semaphore_mem>> -> memref<!tpu.dma_semaphore, #tpu.memory_space<semaphore_mem>>
        tpu.enqueue_indirect_dma source(%dma_start3A_907 : memref<10000x128xf32, #tpu.memory_space<hbm>>) target(%dma_start3A_901 : memref<40x128xf32, #tpu.memory_space<vmem>>) offsets(%dma_start3A_904 : memref<40xi32, #tpu.memory_space<vmem>>) semaphore(%dma_start3A_909 : memref<!tpu.dma_semaphore, #tpu.memory_space<semaphore_mem>>)
      } else {
      }
    }
    %scan3A_644 = arith.constant 250 : i32
    %dma_wait3A_645 = arith.constant 5 : i32
    %dma_wait3A_646 = arith.constant 0 : i32
    %dma_wait3A_647 = arith.constant 0 : i32
    %dma_wait3A_648 = arith.constant 5 : i32
    %dma_wait3A_649 = arith.constant 0 : i32
    %dma_wait3A_650 = arith.constant 0 : i32
    %dma_wait3A_651 = tpu.memref_slice %arg8[%dma_wait3A_645, %dma_wait3A_649, %dma_wait3A_650] : memref<6x40x128xf32, #tpu.memory_space<vmem>> -> memref<1x40x128xf32, #tpu.memory_space<vmem>>
    %dma_wait3A_652 = tpu.memref_squeeze %dma_wait3A_651 : memref<1x40x128xf32, #tpu.memory_space<vmem>> -> memref<40x128xf32, #tpu.memory_space<vmem>>
    %dma_wait3A_653 = arith.constant 0 : i32
    %dma_wait3A_654 = tpu.memref_slice %arg7[%dma_wait3A_646, %dma_wait3A_647, %dma_wait3A_653] : memref<2x25x40xi32, #tpu.memory_space<vmem>> -> memref<1x1x40xi32, #tpu.memory_space<vmem>>
    %dma_wait3A_655 = tpu.memref_squeeze %dma_wait3A_654 : memref<1x1x40xi32, #tpu.memory_space<vmem>> -> memref<40xi32, #tpu.memory_space<vmem>>
    %dma_wait3A_656 = arith.constant 0 : i32
    %dma_wait3A_657 = arith.constant 0 : i32
    %dma_wait3A_658 = tpu.memref_slice %arg14[%dma_wait3A_656, %dma_wait3A_657] : memref<10000x128xf32, #tpu.memory_space<vmem_shared>> -> memref<10000x128xf32, #tpu.memory_space<vmem_shared>>
    %dma_wait3A_659 = tpu.memref_slice %arg11[%dma_wait3A_648] : memref<6x!tpu.dma_semaphore, #tpu.memory_space<semaphore_mem>> -> memref<1x!tpu.dma_semaphore, #tpu.memory_space<semaphore_mem>>
    %dma_wait3A_660 = tpu.memref_squeeze %dma_wait3A_659 : memref<1x!tpu.dma_semaphore, #tpu.memory_space<semaphore_mem>> -> memref<!tpu.dma_semaphore, #tpu.memory_space<semaphore_mem>>
    tpu.wait_indirect_dma semaphore(%dma_wait3A_660 : memref<!tpu.dma_semaphore, #tpu.memory_space<semaphore_mem>>) src(%dma_wait3A_652 : memref<40x128xf32, #tpu.memory_space<vmem>>) dst(%dma_wait3A_658 : memref<10000x128xf32, #tpu.memory_space<vmem_shared>>)
    %dma_wait3A_661 = arith.constant 0 : i32
    %dma_wait3A_662 = arith.constant 0 : i32
    %dma_wait3A_663 = arith.constant 0 : i32
    %dma_wait3A_664 = arith.constant 0 : i32
    %dma_wait3A_665 = arith.constant 0 : i32
    %dma_wait3A_666 = arith.constant 0 : i32
    %dma_wait3A_667 = tpu.memref_slice %arg8[%dma_wait3A_661, %dma_wait3A_665, %dma_wait3A_666] : memref<6x40x128xf32, #tpu.memory_space<vmem>> -> memref<1x40x128xf32, #tpu.memory_space<vmem>>
    %dma_wait3A_668 = tpu.memref_squeeze %dma_wait3A_667 : memref<1x40x128xf32, #tpu.memory_space<vmem>> -> memref<40x128xf32, #tpu.memory_space<vmem>>
    %dma_wait3A_669 = arith.constant 0 : i32
    %dma_wait3A_670 = tpu.memref_slice %arg7[%dma_wait3A_662, %dma_wait3A_663, %dma_wait3A_669] : memref<2x25x40xi32, #tpu.memory_space<vmem>> -> memref<1x1x40xi32, #tpu.memory_space<vmem>>
    %dma_wait3A_671 = tpu.memref_squeeze %dma_wait3A_670 : memref<1x1x40xi32, #tpu.memory_space<vmem>> -> memref<40xi32, #tpu.memory_space<vmem>>
    %dma_wait3A_672 = arith.constant 0 : i32
    %dma_wait3A_673 = arith.constant 0 : i32
    %dma_wait3A_674 = tpu.memref_slice %arg14[%dma_wait3A_672, %dma_wait3A_673] : memref<10000x128xf32, #tpu.memory_space<vmem_shared>> -> memref<10000x128xf32, #tpu.memory_space<vmem_shared>>
    %dma_wait3A_675 = tpu.memref_slice %arg11[%dma_wait3A_664] : memref<6x!tpu.dma_semaphore, #tpu.memory_space<semaphore_mem>> -> memref<1x!tpu.dma_semaphore, #tpu.memory_space<semaphore_mem>>
    %dma_wait3A_676 = tpu.memref_squeeze %dma_wait3A_675 : memref<1x!tpu.dma_semaphore, #tpu.memory_space<semaphore_mem>> -> memref<!tpu.dma_semaphore, #tpu.memory_space<semaphore_mem>>
    tpu.wait_indirect_dma semaphore(%dma_wait3A_676 : memref<!tpu.dma_semaphore, #tpu.memory_space<semaphore_mem>>) src(%dma_wait3A_668 : memref<40x128xf32, #tpu.memory_space<vmem>>) dst(%dma_wait3A_674 : memref<10000x128xf32, #tpu.memory_space<vmem_shared>>)
    %dma_wait3A_677 = arith.constant 1 : i32
    %dma_wait3A_678 = arith.constant 0 : i32
    %dma_wait3A_679 = arith.constant 0 : i32
    %dma_wait3A_680 = arith.constant 1 : i32
    %dma_wait3A_681 = arith.constant 0 : i32
    %dma_wait3A_682 = arith.constant 0 : i32
    %dma_wait3A_683 = tpu.memref_slice %arg8[%dma_wait3A_677, %dma_wait3A_681, %dma_wait3A_682] : memref<6x40x128xf32, #tpu.memory_space<vmem>> -> memref<1x40x128xf32, #tpu.memory_space<vmem>>
    %dma_wait3A_684 = tpu.memref_squeeze %dma_wait3A_683 : memref<1x40x128xf32, #tpu.memory_space<vmem>> -> memref<40x128xf32, #tpu.memory_space<vmem>>
    %dma_wait3A_685 = arith.constant 0 : i32
    %dma_wait3A_686 = tpu.memref_slice %arg7[%dma_wait3A_678, %dma_wait3A_679, %dma_wait3A_685] : memref<2x25x40xi32, #tpu.memory_space<vmem>> -> memref<1x1x40xi32, #tpu.memory_space<vmem>>
    %dma_wait3A_687 = tpu.memref_squeeze %dma_wait3A_686 : memref<1x1x40xi32, #tpu.memory_space<vmem>> -> memref<40xi32, #tpu.memory_space<vmem>>
    %dma_wait3A_688 = arith.constant 0 : i32
    %dma_wait3A_689 = arith.constant 0 : i32
    %dma_wait3A_690 = tpu.memref_slice %arg14[%dma_wait3A_688, %dma_wait3A_689] : memref<10000x128xf32, #tpu.memory_space<vmem_shared>> -> memref<10000x128xf32, #tpu.memory_space<vmem_shared>>
    %dma_wait3A_691 = tpu.memref_slice %arg11[%dma_wait3A_680] : memref<6x!tpu.dma_semaphore, #tpu.memory_space<semaphore_mem>> -> memref<1x!tpu.dma_semaphore, #tpu.memory_space<semaphore_mem>>
    %dma_wait3A_692 = tpu.memref_squeeze %dma_wait3A_691 : memref<1x!tpu.dma_semaphore, #tpu.memory_space<semaphore_mem>> -> memref<!tpu.dma_semaphore, #tpu.memory_space<semaphore_mem>>
    tpu.wait_indirect_dma semaphore(%dma_wait3A_692 : memref<!tpu.dma_semaphore, #tpu.memory_space<semaphore_mem>>) src(%dma_wait3A_684 : memref<40x128xf32, #tpu.memory_space<vmem>>) dst(%dma_wait3A_690 : memref<10000x128xf32, #tpu.memory_space<vmem_shared>>)
    %dma_wait3A_693 = arith.constant 2 : i32
    %dma_wait3A_694 = arith.constant 0 : i32
    %dma_wait3A_695 = arith.constant 0 : i32
    %dma_wait3A_696 = arith.constant 2 : i32
    %dma_wait3A_697 = arith.constant 0 : i32
    %dma_wait3A_698 = arith.constant 0 : i32
    %dma_wait3A_699 = tpu.memref_slice %arg8[%dma_wait3A_693, %dma_wait3A_697, %dma_wait3A_698] : memref<6x40x128xf32, #tpu.memory_space<vmem>> -> memref<1x40x128xf32, #tpu.memory_space<vmem>>
    %dma_wait3A_700 = tpu.memref_squeeze %dma_wait3A_699 : memref<1x40x128xf32, #tpu.memory_space<vmem>> -> memref<40x128xf32, #tpu.memory_space<vmem>>
    %dma_wait3A_701 = arith.constant 0 : i32
    %dma_wait3A_702 = tpu.memref_slice %arg7[%dma_wait3A_694, %dma_wait3A_695, %dma_wait3A_701] : memref<2x25x40xi32, #tpu.memory_space<vmem>> -> memref<1x1x40xi32, #tpu.memory_space<vmem>>
    %dma_wait3A_703 = tpu.memref_squeeze %dma_wait3A_702 : memref<1x1x40xi32, #tpu.memory_space<vmem>> -> memref<40xi32, #tpu.memory_space<vmem>>
    %dma_wait3A_704 = arith.constant 0 : i32
    %dma_wait3A_705 = arith.constant 0 : i32
    %dma_wait3A_706 = tpu.memref_slice %arg14[%dma_wait3A_704, %dma_wait3A_705] : memref<10000x128xf32, #tpu.memory_space<vmem_shared>> -> memref<10000x128xf32, #tpu.memory_space<vmem_shared>>
    %dma_wait3A_707 = tpu.memref_slice %arg11[%dma_wait3A_696] : memref<6x!tpu.dma_semaphore, #tpu.memory_space<semaphore_mem>> -> memref<1x!tpu.dma_semaphore, #tpu.memory_space<semaphore_mem>>
    %dma_wait3A_708 = tpu.memref_squeeze %dma_wait3A_707 : memref<1x!tpu.dma_semaphore, #tpu.memory_space<semaphore_mem>> -> memref<!tpu.dma_semaphore, #tpu.memory_space<semaphore_mem>>
    tpu.wait_indirect_dma semaphore(%dma_wait3A_708 : memref<!tpu.dma_semaphore, #tpu.memory_space<semaphore_mem>>) src(%dma_wait3A_700 : memref<40x128xf32, #tpu.memory_space<vmem>>) dst(%dma_wait3A_706 : memref<10000x128xf32, #tpu.memory_space<vmem_shared>>)
    %dma_wait3A_709 = arith.constant 3 : i32
    %dma_wait3A_710 = arith.constant 0 : i32
    %dma_wait3A_711 = arith.constant 0 : i32
    %dma_wait3A_712 = arith.constant 3 : i32
    %dma_wait3A_713 = arith.constant 0 : i32
    %dma_wait3A_714 = arith.constant 0 : i32
    %dma_wait3A_715 = tpu.memref_slice %arg8[%dma_wait3A_709, %dma_wait3A_713, %dma_wait3A_714] : memref<6x40x128xf32, #tpu.memory_space<vmem>> -> memref<1x40x128xf32, #tpu.memory_space<vmem>>
    %dma_wait3A_716 = tpu.memref_squeeze %dma_wait3A_715 : memref<1x40x128xf32, #tpu.memory_space<vmem>> -> memref<40x128xf32, #tpu.memory_space<vmem>>
    %dma_wait3A_717 = arith.constant 0 : i32
    %dma_wait3A_718 = tpu.memref_slice %arg7[%dma_wait3A_710, %dma_wait3A_711, %dma_wait3A_717] : memref<2x25x40xi32, #tpu.memory_space<vmem>> -> memref<1x1x40xi32, #tpu.memory_space<vmem>>
    %dma_wait3A_719 = tpu.memref_squeeze %dma_wait3A_718 : memref<1x1x40xi32, #tpu.memory_space<vmem>> -> memref<40xi32, #tpu.memory_space<vmem>>
    %dma_wait3A_720 = arith.constant 0 : i32
    %dma_wait3A_721 = arith.constant 0 : i32
    %dma_wait3A_722 = tpu.memref_slice %arg14[%dma_wait3A_720, %dma_wait3A_721] : memref<10000x128xf32, #tpu.memory_space<vmem_shared>> -> memref<10000x128xf32, #tpu.memory_space<vmem_shared>>
    %dma_wait3A_723 = tpu.memref_slice %arg11[%dma_wait3A_712] : memref<6x!tpu.dma_semaphore, #tpu.memory_space<semaphore_mem>> -> memref<1x!tpu.dma_semaphore, #tpu.memory_space<semaphore_mem>>
    %dma_wait3A_724 = tpu.memref_squeeze %dma_wait3A_723 : memref<1x!tpu.dma_semaphore, #tpu.memory_space<semaphore_mem>> -> memref<!tpu.dma_semaphore, #tpu.memory_space<semaphore_mem>>
    tpu.wait_indirect_dma semaphore(%dma_wait3A_724 : memref<!tpu.dma_semaphore, #tpu.memory_space<semaphore_mem>>) src(%dma_wait3A_716 : memref<40x128xf32, #tpu.memory_space<vmem>>) dst(%dma_wait3A_722 : memref<10000x128xf32, #tpu.memory_space<vmem_shared>>)
    %barrier3A_725 = arith.constant 0 : index
    tpu.barrier barrier_id(%barrier3A_725)
    %eq3A_726 = arith.constant 15 : i32
    %eq3A_727 = arith.cmpi eq, %arg1, %eq3A_726 : i32
    %mul3A_728 = arith.constant 640 : i32
    %mul3A_729 = arith.muli %arg1, %mul3A_728 : i32
    %jit3A_730 = arith.constant 9360 : i32
    %select_n3A_731 = arith.select %eq3A_727, %jit3A_730, %mul3A_729 : i32
    "tpu.region"() ({
      %run_scoped3A = tpu.sem_alloc : memref<!tpu.dma_semaphore, #tpu.memory_space<semaphore_mem>>
      %dma_start3A_732 = arith.constant 0 : i32
      %dma_start3A_733 = tpu.memref_slice %arg5[%arg0, %select_n3A_731, %dma_start3A_732] : memref<2x10000x128xf32, #tpu.memory_space<hbm>> -> memref<1x640x128xf32, #tpu.memory_space<hbm>>
      %dma_start3A_734 = tpu.memref_squeeze %dma_start3A_733 : memref<1x640x128xf32, #tpu.memory_space<hbm>> -> memref<640x128xf32, #tpu.memory_space<hbm>>
      %dma_start3A_735 = arith.constant 0 : i32
      %dma_start3A_736 = tpu.memref_slice %arg14[%select_n3A_731, %dma_start3A_735] : memref<10000x128xf32, #tpu.memory_space<vmem_shared>> -> memref<640x128xf32, #tpu.memory_space<vmem_shared>>
      tpu.enqueue_dma source(%dma_start3A_736 : memref<640x128xf32, #tpu.memory_space<vmem_shared>>) target(%dma_start3A_734 : memref<640x128xf32, #tpu.memory_space<hbm>>) target_semaphore(%run_scoped3A : memref<!tpu.dma_semaphore, #tpu.memory_space<semaphore_mem>>)
      %dma_wait3A_737 = arith.constant 0 : i32
      %dma_wait3A_738 = tpu.memref_slice %arg5[%arg0, %select_n3A_731, %dma_wait3A_737] : memref<2x10000x128xf32, #tpu.memory_space<hbm>> -> memref<1x640x128xf32, #tpu.memory_space<hbm>>
      %dma_wait3A_739 = tpu.memref_squeeze %dma_wait3A_738 : memref<1x640x128xf32, #tpu.memory_space<hbm>> -> memref<640x128xf32, #tpu.memory_space<hbm>>
      %dma_wait3A_740 = arith.constant 0 : i32
      %dma_wait3A_741 = tpu.memref_slice %arg14[%select_n3A_731, %dma_wait3A_740] : memref<10000x128xf32, #tpu.memory_space<vmem_shared>> -> memref<640x128xf32, #tpu.memory_space<vmem_shared>>
      tpu.wait_dma2 semaphore(%run_scoped3A : memref<!tpu.dma_semaphore, #tpu.memory_space<semaphore_mem>>) src(%dma_wait3A_741 : memref<640x128xf32, #tpu.memory_space<vmem_shared>>) dst(%dma_wait3A_739 : memref<640x128xf32, #tpu.memory_space<hbm>>)
      tpu.yield
    }) : () -> ()
    return
  }
}

module attributes {stable_mosaic.version = 14 : i64} {
  func.func @_mlp_body(%arg0: i32, %arg1: memref<2x1000x128xf32, #tpu.memory_space<vmem>>, %arg2: memref<2x1000x128xf32, #tpu.memory_space<vmem>>, %arg3: memref<1000x128xf32, #tpu.memory_space<vmem>>, %arg4: memref<128x128xf32, #tpu.memory_space<vmem>>, %arg5: memref<1x128xf32, #tpu.memory_space<vmem>>, %arg6: memref<1x128xf32, #tpu.memory_space<vmem>>, %arg7: memref<1x128xf32, #tpu.memory_space<vmem>>, %arg8: memref<128x128xf32, #tpu.memory_space<vmem>>, %arg9: memref<1x128xf32, #tpu.memory_space<vmem>>, %arg10: memref<1x128xf32, #tpu.memory_space<vmem>>, %arg11: memref<1x128xf32, #tpu.memory_space<vmem>>, %arg12: memref<1000x128xf32, #tpu.memory_space<vmem>>) attributes {dimension_semantics = [#tpu.dimension_semantics<arbitrary>], iteration_bounds = array<i64: 10>, scalar_prefetch = 0 : i64, scratch_operands = 0 : i64, tpu.core_type = #tpu.core_type<tc>, window_params = [{transform_indices = @transform_0, window_bounds = array<i64: 2, 1000, 128>}, {transform_indices = @transform_1, window_bounds = array<i64: 2, 1000, 128>}, {transform_indices = @transform_2, window_bounds = array<i64: 1000, 128>}, {pipeline_mode = #tpu.pipeline_mode<synchronous>, transform_indices = @transform_3, window_bounds = array<i64: 128, 128>}, {pipeline_mode = #tpu.pipeline_mode<synchronous>, transform_indices = @transform_4, window_bounds = array<i64: 1, 128>}, {pipeline_mode = #tpu.pipeline_mode<synchronous>, transform_indices = @transform_5, window_bounds = array<i64: 1, 128>}, {pipeline_mode = #tpu.pipeline_mode<synchronous>, transform_indices = @transform_6, window_bounds = array<i64: 1, 128>}, {pipeline_mode = #tpu.pipeline_mode<synchronous>, transform_indices = @transform_7, window_bounds = array<i64: 128, 128>}, {pipeline_mode = #tpu.pipeline_mode<synchronous>, transform_indices = @transform_8, window_bounds = array<i64: 1, 128>}, {pipeline_mode = #tpu.pipeline_mode<synchronous>, transform_indices = @transform_9, window_bounds = array<i64: 1, 128>}, {pipeline_mode = #tpu.pipeline_mode<synchronous>, transform_indices = @transform_10, window_bounds = array<i64: 1, 128>}, {transform_indices = @transform_11, window_bounds = array<i64: 1000, 128>}]} {
    %get3A = arith.constant 0 : index
    %get3A_0 = arith.constant 0 : index
    %get3A_1 = vector.load %arg3[%get3A, %get3A_0] : memref<1000x128xf32, #tpu.memory_space<vmem>>, vector<1000x128xf32>
    %get3A_2 = arith.constant 0 : index
    %get3A_3 = arith.constant 0 : index
    %get3A_4 = arith.constant 0 : index
    %get3A_5 = vector.load %arg1[%get3A_2, %get3A_3, %get3A_4] : memref<2x1000x128xf32, #tpu.memory_space<vmem>>, vector<1x1000x128xf32>
    %get3A_6 = vector.shape_cast %get3A_5 : vector<1x1000x128xf32> to vector<1000x128xf32>
    %get3A_7 = arith.constant 1 : index
    %get3A_8 = arith.constant 0 : index
    %get3A_9 = arith.constant 0 : index
    %get3A_10 = vector.load %arg1[%get3A_7, %get3A_8, %get3A_9] : memref<2x1000x128xf32, #tpu.memory_space<vmem>>, vector<1x1000x128xf32>
    %get3A_11 = vector.shape_cast %get3A_10 : vector<1x1000x128xf32> to vector<1000x128xf32>
    %add3A = arith.addf %get3A_6, %get3A_11 : vector<1000x128xf32>
    %get3A_12 = arith.constant 0 : index
    %get3A_13 = arith.constant 0 : index
    %get3A_14 = arith.constant 0 : index
    %get3A_15 = vector.load %arg2[%get3A_12, %get3A_13, %get3A_14] : memref<2x1000x128xf32, #tpu.memory_space<vmem>>, vector<1x1000x128xf32>
    %get3A_16 = vector.shape_cast %get3A_15 : vector<1x1000x128xf32> to vector<1000x128xf32>
    %add3A_17 = arith.addf %add3A, %get3A_16 : vector<1000x128xf32>
    %get3A_18 = arith.constant 1 : index
    %get3A_19 = arith.constant 0 : index
    %get3A_20 = arith.constant 0 : index
    %get3A_21 = vector.load %arg2[%get3A_18, %get3A_19, %get3A_20] : memref<2x1000x128xf32, #tpu.memory_space<vmem>>, vector<1x1000x128xf32>
    %get3A_22 = vector.shape_cast %get3A_21 : vector<1x1000x128xf32> to vector<1000x128xf32>
    %add3A_23 = arith.addf %add3A_17, %get3A_22 : vector<1000x128xf32>
    %add3A_24 = arith.addf %add3A_23, %get3A_1 : vector<1000x128xf32>
    %get3A_25 = arith.constant 0 : index
    %get3A_26 = arith.constant 0 : index
    %get3A_27 = vector.load %arg4[%get3A_25, %get3A_26] : memref<128x128xf32, #tpu.memory_space<vmem>>, vector<128x128xf32>
    %dot_general3A = arith.constant dense<0.000000e+00> : vector<1000x128xf32>
    %dot_general3A_28 = tpu.matmul %add3A_24, %get3A_27, %dot_general3A {dimension_numbers = #tpu.dot_dimension_numbers<[1], [0], [0], [1], [0, 0, 1, 1], [], []>, transpose_lhs_hint = false} : vector<1000x128xf32>, vector<128x128xf32>, vector<1000x128xf32> -> vector<1000x128xf32>
    %get3A_29 = arith.constant 0 : index
    %get3A_30 = arith.constant 0 : index
    %get3A_31 = vector.load %arg5[%get3A_29, %get3A_30] : memref<1x128xf32, #tpu.memory_space<vmem>>, vector<1x128xf32>
    %add3A_32 = vector.broadcast %get3A_31 : vector<1x128xf32> to vector<1000x128xf32>
    %add3A_33 = arith.addf %dot_general3A_28, %add3A_32 : vector<1000x128xf32>
    %get3A_34 = arith.constant 0 : index
    %get3A_35 = arith.constant 0 : index
    %get3A_36 = vector.load %arg6[%get3A_34, %get3A_35] : memref<1x128xf32, #tpu.memory_space<vmem>>, vector<1x128xf32>
    %get3A_37 = arith.constant 0 : index
    %get3A_38 = arith.constant 0 : index
    %get3A_39 = vector.load %arg7[%get3A_37, %get3A_38] : memref<1x128xf32, #tpu.memory_space<vmem>>, vector<1x128xf32>
    %reduce_sum3A = arith.constant dense<0.000000e+00> : vector<1000xf32>
    %reduce_sum3A_40 = vector.multi_reduction <add>, %add3A_33, %reduce_sum3A [1] : vector<1000x128xf32> to vector<1000xf32>
    %broadcast_in_dim3A = vector.shape_cast %reduce_sum3A_40 : vector<1000xf32> to vector<1000x1xf32>
    %div3A = arith.constant 1.280000e+02 : f32
    %div3A_41 = vector.broadcast %div3A : f32 to vector<1000x1xf32>
    %div3A_42 = arith.divf %broadcast_in_dim3A, %div3A_41 : vector<1000x1xf32>
    %sub3A = vector.broadcast %div3A_42 : vector<1000x1xf32> to vector<1000x128xf32>
    %sub3A_43 = arith.subf %add3A_33, %sub3A : vector<1000x128xf32>
    %integer_pow3A = arith.mulf %sub3A_43, %sub3A_43 : vector<1000x128xf32>
    %reduce_sum3A_44 = arith.constant dense<0.000000e+00> : vector<1000xf32>
    %reduce_sum3A_45 = vector.multi_reduction <add>, %integer_pow3A, %reduce_sum3A_44 [1] : vector<1000x128xf32> to vector<1000xf32>
    %broadcast_in_dim3A_46 = vector.shape_cast %reduce_sum3A_45 : vector<1000xf32> to vector<1000x1xf32>
    %div3A_47 = arith.constant 1.280000e+02 : f32
    %div3A_48 = vector.broadcast %div3A_47 : f32 to vector<1000x1xf32>
    %div3A_49 = arith.divf %broadcast_in_dim3A_46, %div3A_48 : vector<1000x1xf32>
    %sub3A_50 = vector.broadcast %div3A_42 : vector<1000x1xf32> to vector<1000x128xf32>
    %sub3A_51 = arith.subf %add3A_33, %sub3A_50 : vector<1000x128xf32>
    %add3A_52 = arith.constant 9.99999974E-6 : f32
    %add3A_53 = vector.broadcast %add3A_52 : f32 to vector<1000x1xf32>
    %add3A_54 = arith.addf %div3A_49, %add3A_53 : vector<1000x1xf32>
    %rsqrt3A = math.rsqrt %add3A_54 : vector<1000x1xf32>
    %mul3A = vector.broadcast %rsqrt3A : vector<1000x1xf32> to vector<1000x128xf32>
    %mul3A_55 = arith.mulf %sub3A_51, %mul3A : vector<1000x128xf32>
    %mul3A_56 = vector.broadcast %get3A_36 : vector<1x128xf32> to vector<1000x128xf32>
    %mul3A_57 = arith.mulf %mul3A_55, %mul3A_56 : vector<1000x128xf32>
    %add3A_58 = vector.broadcast %get3A_39 : vector<1x128xf32> to vector<1000x128xf32>
    %add3A_59 = arith.addf %mul3A_57, %add3A_58 : vector<1000x128xf32>
    %mul3A_60 = arith.constant 5.000000e-01 : f32
    %mul3A_61 = vector.broadcast %mul3A_60 : f32 to vector<1000x128xf32>
    %mul3A_62 = arith.mulf %mul3A_61, %add3A_59 : vector<1000x128xf32>
    %mul3A_63 = arith.constant 0.707106769 : f32
    %mul3A_64 = vector.broadcast %mul3A_63 : f32 to vector<1000x128xf32>
    %mul3A_65 = arith.mulf %add3A_59, %mul3A_64 : vector<1000x128xf32>
    %erf3A = math.erf %mul3A_65 : vector<1000x128xf32>
    %add3A_66 = arith.constant 1.000000e+00 : f32
    %add3A_67 = vector.broadcast %add3A_66 : f32 to vector<1000x128xf32>
    %add3A_68 = arith.addf %add3A_67, %erf3A : vector<1000x128xf32>
    %mul3A_69 = arith.mulf %mul3A_62, %add3A_68 : vector<1000x128xf32>
    %get3A_70 = arith.constant 0 : index
    %get3A_71 = arith.constant 0 : index
    %get3A_72 = vector.load %arg8[%get3A_70, %get3A_71] : memref<128x128xf32, #tpu.memory_space<vmem>>, vector<128x128xf32>
    %dot_general3A_73 = arith.constant dense<0.000000e+00> : vector<1000x128xf32>
    %dot_general3A_74 = tpu.matmul %mul3A_69, %get3A_72, %dot_general3A_73 {dimension_numbers = #tpu.dot_dimension_numbers<[1], [0], [0], [1], [0, 0, 1, 1], [], []>, transpose_lhs_hint = false} : vector<1000x128xf32>, vector<128x128xf32>, vector<1000x128xf32> -> vector<1000x128xf32>
    %get3A_75 = arith.constant 0 : index
    %get3A_76 = arith.constant 0 : index
    %get3A_77 = vector.load %arg9[%get3A_75, %get3A_76] : memref<1x128xf32, #tpu.memory_space<vmem>>, vector<1x128xf32>
    %add3A_78 = vector.broadcast %get3A_77 : vector<1x128xf32> to vector<1000x128xf32>
    %add3A_79 = arith.addf %dot_general3A_74, %add3A_78 : vector<1000x128xf32>
    %get3A_80 = arith.constant 0 : index
    %get3A_81 = arith.constant 0 : index
    %get3A_82 = vector.load %arg10[%get3A_80, %get3A_81] : memref<1x128xf32, #tpu.memory_space<vmem>>, vector<1x128xf32>
    %get3A_83 = arith.constant 0 : index
    %get3A_84 = arith.constant 0 : index
    %get3A_85 = vector.load %arg11[%get3A_83, %get3A_84] : memref<1x128xf32, #tpu.memory_space<vmem>>, vector<1x128xf32>
    %reduce_sum3A_86 = arith.constant dense<0.000000e+00> : vector<1000xf32>
    %reduce_sum3A_87 = vector.multi_reduction <add>, %add3A_79, %reduce_sum3A_86 [1] : vector<1000x128xf32> to vector<1000xf32>
    %broadcast_in_dim3A_88 = vector.shape_cast %reduce_sum3A_87 : vector<1000xf32> to vector<1000x1xf32>
    %div3A_89 = arith.constant 1.280000e+02 : f32
    %div3A_90 = vector.broadcast %div3A_89 : f32 to vector<1000x1xf32>
    %div3A_91 = arith.divf %broadcast_in_dim3A_88, %div3A_90 : vector<1000x1xf32>
    %sub3A_92 = vector.broadcast %div3A_91 : vector<1000x1xf32> to vector<1000x128xf32>
    %sub3A_93 = arith.subf %add3A_79, %sub3A_92 : vector<1000x128xf32>
    %integer_pow3A_94 = arith.mulf %sub3A_93, %sub3A_93 : vector<1000x128xf32>
    %reduce_sum3A_95 = arith.constant dense<0.000000e+00> : vector<1000xf32>
    %reduce_sum3A_96 = vector.multi_reduction <add>, %integer_pow3A_94, %reduce_sum3A_95 [1] : vector<1000x128xf32> to vector<1000xf32>
    %broadcast_in_dim3A_97 = vector.shape_cast %reduce_sum3A_96 : vector<1000xf32> to vector<1000x1xf32>
    %div3A_98 = arith.constant 1.280000e+02 : f32
    %div3A_99 = vector.broadcast %div3A_98 : f32 to vector<1000x1xf32>
    %div3A_100 = arith.divf %broadcast_in_dim3A_97, %div3A_99 : vector<1000x1xf32>
    %sub3A_101 = vector.broadcast %div3A_91 : vector<1000x1xf32> to vector<1000x128xf32>
    %sub3A_102 = arith.subf %add3A_79, %sub3A_101 : vector<1000x128xf32>
    %add3A_103 = arith.constant 9.99999974E-6 : f32
    %add3A_104 = vector.broadcast %add3A_103 : f32 to vector<1000x1xf32>
    %add3A_105 = arith.addf %div3A_100, %add3A_104 : vector<1000x1xf32>
    %rsqrt3A_106 = math.rsqrt %add3A_105 : vector<1000x1xf32>
    %mul3A_107 = vector.broadcast %rsqrt3A_106 : vector<1000x1xf32> to vector<1000x128xf32>
    %mul3A_108 = arith.mulf %sub3A_102, %mul3A_107 : vector<1000x128xf32>
    %mul3A_109 = vector.broadcast %get3A_82 : vector<1x128xf32> to vector<1000x128xf32>
    %mul3A_110 = arith.mulf %mul3A_108, %mul3A_109 : vector<1000x128xf32>
    %add3A_111 = vector.broadcast %get3A_85 : vector<1x128xf32> to vector<1000x128xf32>
    %add3A_112 = arith.addf %mul3A_110, %add3A_111 : vector<1000x128xf32>
    %add3A_113 = arith.addf %add3A_112, %get3A_1 : vector<1000x128xf32>
    %mul3A_114 = arith.constant 5.000000e-01 : f32
    %mul3A_115 = vector.broadcast %mul3A_114 : f32 to vector<1000x128xf32>
    %mul3A_116 = arith.mulf %mul3A_115, %add3A_113 : vector<1000x128xf32>
    %mul3A_117 = arith.constant 0.707106769 : f32
    %mul3A_118 = vector.broadcast %mul3A_117 : f32 to vector<1000x128xf32>
    %mul3A_119 = arith.mulf %add3A_113, %mul3A_118 : vector<1000x128xf32>
    %erf3A_120 = math.erf %mul3A_119 : vector<1000x128xf32>
    %add3A_121 = arith.constant 1.000000e+00 : f32
    %add3A_122 = vector.broadcast %add3A_121 : f32 to vector<1000x128xf32>
    %add3A_123 = arith.addf %add3A_122, %erf3A_120 : vector<1000x128xf32>
    %mul3A_124 = arith.mulf %mul3A_116, %add3A_123 : vector<1000x128xf32>
    %swap3A = arith.constant 0 : index
    %swap3A_125 = arith.constant 0 : index
    %swap3A_126 = vector.load %arg12[%swap3A, %swap3A_125] : memref<1000x128xf32, #tpu.memory_space<vmem>>, vector<1000x128xf32>
    tpu.vector_store %arg12[%swap3A, %swap3A_125], %mul3A_124 {strides = array<i32>} : memref<1000x128xf32, #tpu.memory_space<vmem>>, vector<1000x128xf32>,
    return
  }
  func.func @transform_0(%arg0: i32) -> (i32, i32, i32) {
    %c0_i32 = arith.constant 0 : i32
    %c0_i32_0 = arith.constant 0 : i32
    %c0_i32_1 = arith.constant 0 : i32
    return %c0_i32, %arg0, %c0_i32_0 : i32, i32, i32
  }
  func.func @transform_1(%arg0: i32) -> (i32, i32, i32) {
    %c0_i32 = arith.constant 0 : i32
    %c0_i32_0 = arith.constant 0 : i32
    %c0_i32_1 = arith.constant 0 : i32
    return %c0_i32, %arg0, %c0_i32_0 : i32, i32, i32
  }
  func.func @transform_2(%arg0: i32) -> (i32, i32) {
    %c0_i32 = arith.constant 0 : i32
    %c0_i32_0 = arith.constant 0 : i32
    return %arg0, %c0_i32 : i32, i32
  }
  func.func @transform_3(%arg0: i32) -> (i32, i32) {
    %c0_i32 = arith.constant 0 : i32
    %c0_i32_0 = arith.constant 0 : i32
    %c0_i32_1 = arith.constant 0 : i32
    return %c0_i32, %c0_i32_0 : i32, i32
  }
  func.func @transform_4(%arg0: i32) -> (i32, i32) {
    %c0_i32 = arith.constant 0 : i32
    %c0_i32_0 = arith.constant 0 : i32
    %c0_i32_1 = arith.constant 0 : i32
    return %c0_i32, %c0_i32_0 : i32, i32
  }
  func.func @transform_5(%arg0: i32) -> (i32, i32) {
    %c0_i32 = arith.constant 0 : i32
    %c0_i32_0 = arith.constant 0 : i32
    %c0_i32_1 = arith.constant 0 : i32
    return %c0_i32, %c0_i32_0 : i32, i32
  }
  func.func @transform_6(%arg0: i32) -> (i32, i32) {
    %c0_i32 = arith.constant 0 : i32
    %c0_i32_0 = arith.constant 0 : i32
    %c0_i32_1 = arith.constant 0 : i32
    return %c0_i32, %c0_i32_0 : i32, i32
  }
  func.func @transform_7(%arg0: i32) -> (i32, i32) {
    %c0_i32 = arith.constant 0 : i32
    %c0_i32_0 = arith.constant 0 : i32
    %c0_i32_1 = arith.constant 0 : i32
    return %c0_i32, %c0_i32_0 : i32, i32
  }
  func.func @transform_8(%arg0: i32) -> (i32, i32) {
    %c0_i32 = arith.constant 0 : i32
    %c0_i32_0 = arith.constant 0 : i32
    %c0_i32_1 = arith.constant 0 : i32
    return %c0_i32, %c0_i32_0 : i32, i32
  }
  func.func @transform_9(%arg0: i32) -> (i32, i32) {
    %c0_i32 = arith.constant 0 : i32
    %c0_i32_0 = arith.constant 0 : i32
    %c0_i32_1 = arith.constant 0 : i32
    return %c0_i32, %c0_i32_0 : i32, i32
  }
  func.func @transform_10(%arg0: i32) -> (i32, i32) {
    %c0_i32 = arith.constant 0 : i32
    %c0_i32_0 = arith.constant 0 : i32
    %c0_i32_1 = arith.constant 0 : i32
    return %c0_i32, %c0_i32_0 : i32, i32
  }
  func.func @transform_11(%arg0: i32) -> (i32, i32) {
    %c0_i32 = arith.constant 0 : i32
    %c0_i32_0 = arith.constant 0 : i32
    return %arg0, %c0_i32 : i32, i32
  }
}

</mosaic_0001>

<sc_bundles>
// kernel: closed_call.9.cloned.1.call-start
scs
__scs_entry_jumppad:
0x0: {  	(pc) =	sbr.rel $0x88, $3  }
0x1: {  	(tag) =	ssettag $0x0;
	lr =	simm.s32 $0x1  }
0x2: {  	[smem:$0x3F96] =	sst lr;
	_ =	strace $0xD0000000  }
0x3: {  	_ = 	snop  }
0x4: {  	_ = 	snop  }
0x5: {  	_ = 	snop  }
0x6: {  	_ = 	snop  }
0x7: {  	_ = 	snop  }
__scs_overlays_trampoline_lowered:
0x8: {  	[smem:$0x3FA5] =	sst s0  }
0x9: {  	[smem:$0x3FA6] =	sst s1  }
0xa: {  	[smem:$0x3FA7] =	sst s2  }
0xb: {  	[smem:$0x3FA8] =	sst s3  }
0xc: {  	[smem:$0x3FA9] =	sst s4  }
0xd: {  	[smem:$0x3FAA] =	sst s5  }
0xe: {  	[smem:$0x3FAB] =	sst s6  }
0xf: {  	[smem:$0x3FAC] =	sst s7  }
0x10: {  	[smem:$0x3FAD] =	sst s8  }
0x11: {  	[smem:$0x3FAE] =	sst s9;
	s0 =	simm.s32 @!p0 $0x0  }
0x12: {  	s1 =	sld [smem:$0x3F94];
	s0 =	simm.s32 @p0 $0x1  }
0x13: {  	[smem:$0x3FAF] =	sst s0;
	s0 =	simm.s32 @!p1 $0x0  }
0x14: {  	s2 =	sld [smem:$0x3F93];
	s0 =	simm.s32 @p1 $0x1  }
0x15: {  	[smem:$0x3FB0] =	sst s0;
	s0 =	simm.s32 @!p2 $0x0  }
0x16: {  	s3 =	sld [smem:$0x3FDB];
	s0 =	simm.s32 @p2 $0x1  }
0x17: {  	s4 =	simm.s32 $0x1BF5;
	[smem:$0x3FB2] =	sst s0  }
0x18: {  	s0 =	sld [smem:$0x3F95];
	_ =	swait.ge [sflag:s4], $0x0  }
0x19: {  	s7 =	sld [smem:$0x3F96]  }
0x1a: {  	s8 =	sadd.s32 $0xFFFFE003, lr  }
0x1b: {  	s9 =	sadd.s32 $0xFFFFFEF7, lr;
	s5 =	simm.s32 $0xFFFFFFFF;
	p2 =	slt.u32 s8, $0xFFFFF086  }
0x1c: {  	p1 =	slt.u32 s9, $0xF7A;
	s5 =	simm.s32 @!p2 $0x0  }
0x1d: {  	s5 =	simm.s32 @p1 $0x1;
	p0 =	seq.s32 s7, s2  }
0x1e: {  	s7 =	smul.u32 @!p0 $0xF7A, s2;
	p2 =	seq.s32 @!p0 s5, $0x0  }
0x1f: {  	s9 =	smul.u32 $0xF7A, s1;
	s8 =	simm.s32 @!p0 $0x1BF5;
	p2 =	por !p2, p0  }
0x20: {  	[sflag:s8] =	ssyncset.s32 @!p0 $0xFFFFF086;
	s6 =	sadd.s32 @!p0 s3, s7;
	s7 =	simm.s32 @!p0 $0x108  }
0x21: {  	s3 =	sadd.s32 s3, s9;
	s6 =	sadd.s32 @!p0 $0x88, s6;
	s7 =	simm.s32 @p2 $0x1082  }
0x22: {  	[simem:s7], [sflag:s8] =	dma.local @!p0 [hbm:s6], $0xF7A  }
0x23: {  	s9 =	sor.u32 $0xD0000000, s2;
	s6 =	simm.s32 $0x108;
	_ =	swait.ge @!p0 [sflag:s8], $0x0  }
0x24: {  	s3 =	sadd.s32 $0x88, s3;
	s6 =	simm.s32 @!p1 $0x1082;
	[sflag:s4] =	ssyncset.s32 $0xFFFFF086  }
0x25: {  	[simem:s6], [sflag:s4] =	dma.local [hbm:s3], $0xF7A  }
0x26: {  	[smem:$0x3F96] =	sst s1;
	(tag) =	ssettag s2;
	_ =	strace s9  }
0x27: {  	s1 =	sld [smem:$0x3FA6]  }
0x28: {  	s2 =	sld [smem:$0x3FA7]  }
0x29: {  	s4 =	sld [smem:$0x3FA9]  }
0x2a: {  	p0 =	seq.s32 s5, $0x0;
	s5 =	sld [smem:$0x3FAA]  }
0x2b: {  	s6 =	sld [smem:$0x3FAB]  }
0x2c: {  	s7 =	sld [smem:$0x3FAC]  }
0x2d: {  	s3 =	simm.s32 $0x108;
	s8 =	sld [smem:$0x3FAD]  }
0x2e: {  	s3 =	simm.s32 @!p0 $0x1082;
	s9 =	sld [smem:$0x3FAE]  }
0x2f: {  	lr =	sadd.s32 s0, s3;
	s0 =	sld [smem:$0x3FA5]  }
0x30: {  	s3 =	sld [smem:$0x3FA8]  }
0x31: {  	[smem:$0x3FB1] =	sst s10  }
0x32: {  	s10 =	sld [smem:$0x3FAF];
	_ =	sdelay $0x3  }
0x33: {  	p0 =	seq.s32 s10, $0x1;
	s10 =	sld [smem:$0x3FB1];
	_ =	sdelay $0x3  }
0x34: {  	[smem:$0x3FB1] =	sst s10  }
0x35: {  	s10 =	sld [smem:$0x3FB0];
	_ =	sdelay $0x3  }
0x36: {  	p1 =	seq.s32 s10, $0x1;
	s10 =	sld [smem:$0x3FB1];
	_ =	sdelay $0x3  }
0x37: {  	[smem:$0x3FB1] =	sst s10  }
0x38: {  	s10 =	sld [smem:$0x3FB2]  }
0x39: {  	_ = 	snop;
	(pc) =	sbr.ind lr, $3  }
0x3a: {  	_ = 	snop  }
0x3b: {  	_ = 	snop  }
0x3c: {  	p2 =	seq.s32 s10, $0x1;
	s10 =	sld [smem:$0x3FB1]  }
0x3d: {  	_ =	shalt  }
0x3e: {  	_ =	shalt  }
0x3f: {  	_ =	shalt  }
0x40: {  	_ =	shalt  }
0x41: {  	_ =	shalt  }
0x42: {  	_ =	shalt  }
0x43: {  	_ =	shalt  }
0x44: {  	_ =	shalt  }
0x45: {  	_ =	shalt  }
0x46: {  	_ =	shalt  }
0x47: {  	_ =	shalt  }
0x48: {  	_ =	shalt  }
0x49: {  	_ =	shalt  }
0x4a: {  	_ =	shalt  }
0x4b: {  	_ =	shalt  }
0x4c: {  	_ =	shalt  }
0x4d: {  	_ =	shalt  }
0x4e: {  	_ =	shalt  }
0x4f: {  	_ =	shalt  }
0x50: {  	_ =	shalt  }
0x51: {  	_ =	shalt  }
0x52: {  	_ =	shalt  }
0x53: {  	_ =	shalt  }
0x54: {  	_ =	shalt  }
0x55: {  	_ =	shalt  }
0x56: {  	_ =	shalt  }
0x57: {  	_ =	shalt  }
0x58: {  	_ =	shalt  }
0x59: {  	_ =	shalt  }
0x5a: {  	_ =	shalt  }
0x5b: {  	_ =	shalt  }
0x5c: {  	_ =	shalt  }
0x5d: {  	_ =	shalt  }
0x5e: {  	_ =	shalt  }
0x5f: {  	_ =	shalt  }
0x60: {  	_ =	shalt  }
0x61: {  	_ =	shalt  }
0x62: {  	_ =	shalt  }
0x63: {  	_ =	shalt  }
0x64: {  	_ =	shalt  }
0x65: {  	_ =	shalt  }
0x66: {  	_ =	shalt  }
0x67: {  	_ =	shalt  }
0x68: {  	_ =	shalt  }
0x69: {  	_ =	shalt  }
0x6a: {  	_ =	shalt  }
0x6b: {  	_ =	shalt  }
0x6c: {  	_ =	shalt  }
0x6d: {  	_ =	shalt  }
0x6e: {  	_ =	shalt  }
0x6f: {  	_ =	shalt  }
0x70: {  	_ =	shalt  }
0x71: {  	_ =	shalt  }
0x72: {  	_ =	shalt  }
0x73: {  	_ =	shalt  }
0x74: {  	_ =	shalt  }
0x75: {  	_ =	shalt  }
0x76: {  	_ =	shalt  }
0x77: {  	_ =	shalt  }
0x78: {  	_ =	shalt  }
0x79: {  	_ =	shalt  }
0x7a: {  	_ =	shalt  }
0x7b: {  	_ =	shalt  }
0x7c: {  	_ =	shalt  }
0x7d: {  	_ =	shalt  }
0x7e: {  	_ =	shalt  }
0x7f: {  	_ =	shalt  }
0x80: {  	_ =	shalt  }
0x81: {  	_ =	shalt  }
0x82: {  	_ =	shalt  }
0x83: {  	_ =	shalt  }
0x84: {  	_ =	shalt  }
0x85: {  	_ =	shalt  }
0x86: {  	_ =	shalt  }
0x87: {  	_ =	shalt  }
.Lfunc_end0:
.L_simem_size_0:
called_computation_lowered:
.L_overlay_start_0:
0x88: {  	s2 =	sld [smem:$0x3FD9]  }
0x89: {  	s3 =	sld [smem:$0x3FFE];
	_ =	sdelay $0x1  }
0x8a: {  	s1 =	srdreg.scid  }
0x8b: {  	s0 =	sand.u32 $0x1, s1  }
0x8c: {  	s16 =	sshll.u32 s0, $0xA;
	s2 =	sadd.s32 s3, s2  }
0x8d: {  	s2 =	sadd.s32 s2, s16  }
0x8e: {  	[smem:$0x3FBD] =	sst s2  }
0x8f: {  	_ = 	snop  }
0x90: {  	(tm) =	ssettm $0x1  }
0x91: {  	s17 =	sld [smem:$0x3FFB];
	_ =	sdelay $0x3  }
0x92: {  	_ =	strace s17  }
0x93: {  	s2 =	sld [smem:$0x3FFC];
	_ =	sdelay $0x3  }
0x94: {  	_ =	strace s2  }
0x95: {  	s2 =	sld [smem:$0x3FFD];
	_ =	sdelay $0x3  }
0x96: {  	_ =	strace s2  }
0x97: {  	_ =	strace $0x8FFFFFFF  }
0x98: {  	s18 =	sld [smem:$0x3FDB];
	_ =	sdelay $0x1  }
0x99: {  	s19 =	simm.s32 $_scs_section_size  }
0x9a: {  	s4 =	simm.s32 $_size__tile_overlayer_lowered;
	s5 =	simm.s32 $_tile_overlayer_lowered  }
0x9b: {  	s22 =	simm.s32 $0x1BFF;
	s21 =	sshll.u32 s5, $0x1;
	s2 =	sadd.s32 s19, s18  }
0x9c: {  	s6 =	simm.s32 $0x0;
	s20 =	sshll.u32 s4, $0x1;
	s4 =	sadd.s32 s21, s2  }
0x9d: {  	[timem:s6], [sflag:s22] =	dma.local [hbm:s4], s20  }
0x9e: {  	_ =	swait.ge [sflag:s22], s20  }
0x9f: {  	s3 =	ssub.s32 $0x0, s20;
	[sflag:s22] =	ssyncset.done $0x0  }
0xa0: {  	[sflag:s22] =	ssyncadd.s32 s3;
	_ =	sdelay $0x1  }
0xa1: {  	s23 =	simm.s32 $0x1B8B  }
0xa2: {  	_ =	swait.ge [sflag:s23], $0x1  }
0xa3: {  	[sflag:s23] =	ssyncset.done $0x0  }
0xa4: {  	s25 =	simm.s32 $0x1B8E;
	s24 =	sld [smem:$0x3FFE];
	[sflag:s23] =	ssyncadd.s32 $0xFFFFFFFF  }
0xa5: {  	s26 =	simm.s32 $execute0_lowered;
	[smem:$0x3FD2] =	sst s25  }
0xa6: {  	s4 =	sshll.u32 s26, $0x1;
	_ =	strace $0x80000049;
	[dreg:$0x1] =	wrdreg $0xFFFFFFFF  }
0xa7: {  	s28 =	simm.s32 $_size_execute0_lowered;
	s2 =	sadd.s32 s2, s4;
	[dreg:$0x0] =	wrdreg $0x0  }
0xa8: {  	s4 =	sshll.u32 s28, $0x1;
	[dreg:$0x2] =	wrdreg s2  }
0xa9: {  	[dreg:$0x3] =	wrdreg s4  }
0xaa: {  	[dreg:$0x4] =	wrdreg $0xC0  }
0xab: {  	_ =	task [dreg:s6], $0x5FFFF  }
0xac: {  	[dreg:$0x1] =	wrdreg $0xFFFFFFFF  }
0xad: {  	[dreg:$0x0] =	wrdreg $0x60  }
0xae: {  	[dreg:$0x2] =	wrdreg s24  }
0xaf: {  	[dreg:$0x3] =	wrdreg $0xC0000  }
0xb0: {  	[dreg:$0x4] =	wrdreg $0x9  }
0xb1: {  	_ =	task.clear_ibuf [dreg:s6], $0x5FFFF;
	_ =	strace $0x90000049  }
0xb2: {  	s29 =	simm.s32 $0x9;
	_ =	strace $0x8000004B  }
0xb3: {  	_ =	swait.ge [sflag:s29], $0x1  }
0xb4: {  	[sflag:s29] =	ssyncadd.s32 $0xFFFFFFFF  }
0xb5: {  	_ =	strace $0x9000004B  }
0xb6: {  	_ =	sfence  }
0xb7: {  	s30 =	sld [smem:$0x0];
	_ =	sdelay $0x2  }
0xb8: {  	s31 =	sshll.u32 s1, $0xD;
	s1 =	sshrl.u32 s1, $0x2  }
0xb9: {  	s3 =	sand.u32 $0x4000, s31;
	s1 =	sadd.s32 s1, s30  }
0xba: {  	s0 =	sor.u32 s3, s0;
	s1 =	sshll.u32 s1, $0x11  }
0xbb: {  	s0 =	sor.u32 s1, s0  }
0xbc: {  	s0 =	sadd.s32 $0x8F2B, s0  }
0xbd: {  	[sflag:s0] =	ssyncadd.remote.s32 $0x1  }
0xbe: {  	_ =	sfence.sel $0xFFFF  }
0xbf: {  	[dreg:$0x0] =	wrdreg $0xFFFFFFFF;
	(pc) =	sbr.abs _section_cstart, $3  }
0xc0: {  	[dreg:$0x1] =	wrdreg $0xFFFFFFFF  }
0xc1: {  	_ =	task.clear_ibuf [dreg:s6], $0x2FFFF;
	_ =	strace $0x9FFFFFFF  }
0xc2: {  	(tm) =	ssettm $0x7FFFFFFF  }
0xc3: {  	_ =	shalt  }
tec
execute0_lowered:
.L_overlay_start_1:
0x0: {  	(tag) =	ssettag $0x1  }
0x1: {  	s0 =	rddreg [dreg:$0x0]  }
0x2: {  	s2 =	rddreg [dreg:$0x1]  }
0x3: {  	s3 =	simm.s32 $0x0;
	s9 =	stileid.u32;
	s1 =	srdreg.scid  }
0x4: {  	[smem:$0x7FF] =	sst s3;
	s5 =	smul.u32 $0x280, s9;
	s1 =	sand.u32 $0x1, s1  }
0x5: {  	p0 =	seq.s32 s9, $0xF;
	s4 =	sadd.s32 $0xAB000, s0;
	_ =	strace $0x8000004A  }
0x6: {  	s6 =	smul.u32 $0x138800, s1;
	s7 =	sshll.u32 s1, $0x4;
	s5 =	simm.s32 @p0 $0x2490  }
0x7: {  	s1 =	ssub.s32 $0x2, s1;
	s7 =	sor.u32 s9, s7;
	s8 =	sshll.u32 s5, $0x7  }
0x8: {  	s23 =	sshrl.u32 s1, $0x1;
	s22 =	sadd.s32 s6, s8;
	s6 =	smul.u32 $0xA000, s7  }
0x9: {  	s5 =	sadd.s32 $0x83000, s0;
	s1 =	ssub.s32 s1, s23;
	s7 =	sadd.s32 $0xCC00, s0  }
0xa: {  	s9 =	sshrl.u32 s22, $0x3;
	s22 =	smax.u32 s1, $0x1;
	s10 =	sshrl.u32 s6, $0x3  }
0xb: {  	s0 =	sadd.s32 s9, s0;
	[dreg:$0x13] =	wrdreg s22;
	s24 =	sadd.s32 s5, s10  }
0xc: {  	s9 =	sadd.s32 s8, s2;
	s25 =	sadd.s32 s7, s10;
	[dreg:$0x3] =	wrdreg s24  }
0xd: {  	s26 =	sadd.s32 $0x800, s9;
	[dreg:$0x4] =	wrdreg s25  }
0xe: {  	s10 =	sadd.s32 $0x1000, s9;
	[dreg:$0x5] =	wrdreg s26  }
0xf: {  	s11 =	sadd.s32 $0x1800, s9;
	[dreg:$0x6] =	wrdreg s10  }
0x10: {  	s12 =	sadd.s32 $0x2000, s9;
	[dreg:$0x7] =	wrdreg s11  }
0x11: {  	s13 =	sadd.s32 $0x2800, s9;
	[dreg:$0x8] =	wrdreg s12  }
0x12: {  	s14 =	sadd.s32 $0x3000, s9;
	[dreg:$0x9] =	wrdreg s13  }
0x13: {  	s15 =	sadd.s32 $0x3800, s9;
	[dreg:$0xa] =	wrdreg s14  }
0x14: {  	s16 =	sadd.s32 $0x4000, s9;
	[dreg:$0xb] =	wrdreg s15  }
0x15: {  	s17 =	sadd.s32 $0x4800, s9;
	[dreg:$0xc] =	wrdreg s16  }
0x16: {  	s18 =	sadd.s32 $0x5000, s9;
	[dreg:$0xd] =	wrdreg s17  }
0x17: {  	s19 =	sadd.s32 $0x5800, s9;
	[dreg:$0xe] =	wrdreg s18  }
0x18: {  	s20 =	sadd.s32 $0x6000, s9;
	[dreg:$0xf] =	wrdreg s19  }
0x19: {  	s21 =	sadd.s32 $0x6800, s9;
	[dreg:$0x10] =	wrdreg s20  }
0x1a: {  	s0 =	sadd.s32 $0xD2200, s0;
	[dreg:$0x11] =	wrdreg s21  }
0x1b: {  	s23 =	sadd.s32 $0x7000, s9;
	[dreg:$0x12] =	wrdreg s0  }
0x1c: {  	s1 =	sadd.s32 $0x9000, s9;
	[dreg:$0x14] =	wrdreg s23  }
0x1d: {  	s8 =	sadd.s32 $0x9800, s9;
	[dreg:$0x18] =	wrdreg s1  }
0x1e: {  	s22 =	sadd.s32 $0x10000, s9;
	[dreg:$0x19] =	wrdreg s8  }
0x1f: {  	s24 =	sadd.s32 $0x7800, s9;
	[smem:$0x7F9] =	sst s22  }
0x20: {  	s25 =	sadd.s32 $0x8000, s9;
	[dreg:$0x15] =	wrdreg s24  }
0x21: {  	s26 =	sadd.s32 $0x8800, s9;
	[dreg:$0x16] =	wrdreg s25  }
0x22: {  	s10 =	sadd.s32 $0xA000, s9;
	[dreg:$0x17] =	wrdreg s26  }
0x23: {  	s11 =	sadd.s32 $0xA800, s9;
	[dreg:$0x1a] =	wrdreg s10  }
0x24: {  	s12 =	sadd.s32 $0xB000, s9;
	[dreg:$0x1b] =	wrdreg s11  }
0x25: {  	s13 =	sadd.s32 $0xB800, s9;
	[dreg:$0x1c] =	wrdreg s12  }
0x26: {  	s14 =	sadd.s32 $0xC000, s9;
	[dreg:$0x1d] =	wrdreg s13  }
0x27: {  	s15 =	sadd.s32 $0xC800, s9;
	[dreg:$0x1e] =	wrdreg s14  }
0x28: {  	s29 =	simm.s32 $0xE;
	s16 =	sadd.s32 $0xD000, s9;
	[dreg:$0x1f] =	wrdreg s15  }
0x29: {  	s30 =	simm.s32 $0x28;
	s17 =	sadd.s32 $0xD800, s9;
	[smem:$0x7F3] =	sst s16  }
0x2a: {  	s31 =	simm.s32 $0xB800;
	s18 =	sadd.s32 $0xE000, s9;
	[smem:$0x7F4] =	sst s17  }
0x2b: {  	s28 =	sadd.s32 $0x13800, s9;
	s19 =	sadd.s32 $0xE800, s9;
	[smem:$0x7F5] =	sst s18  }
0x2c: {  	s20 =	sadd.s32 $0xF000, s9;
	s21 =	sadd.s32 $0xF800, s9;
	[smem:$0x7F6] =	sst s19  }
0x2d: {  	s23 =	sadd.s32 $0x10800, s9;
	s0 =	simm.s32 $0xD;
	[smem:$0x7F7] =	sst s20  }
0x2e: {  	s1 =	simm.s32 $0xC;
	s8 =	simm.s32 $0x7;
	[smem:$0x7F8] =	sst s21  }
.Ltmp0:
0x2f: {  	[smem:$0x7FA] =	sst s23;
	s24 =	sadd.s32 $0x11000, s9;
	(pc) =	sbr.rel .LBB2_1-.Ltmp0, $4  }
0x30: {  	s25 =	sadd.s32 $0x11800, s9;
	s26 =	sadd.s32 $0x12000, s9;
	s10 =	simm.s32 $0x8  }
0x31: {  	s11 =	simm.s32 $0x9;
	s12 =	simm.s32 $0xA;
	[smem:$0x7FB] =	sst s24  }
0x32: {  	s13 =	simm.s32 $0xF;
	s14 =	simm.s32 $0x0;
	[smem:$0x7FC] =	sst s25  }
0x33: {  	v0 =	vimm.f32 $0.0e+00;
	[smem:$0x7FD] =	sst s26;
	s25 =	sadd.s32 $0x12800, s9;
	s26 =	sadd.s32 $0x13000, s9  }
.LBB2_7:
0x34: {  	_ =	swait.ge [sflag:s1], $0x1400  }
0x35: {  	[sflag:s1] =	ssyncset.done $0x0  }
0x36: {  	[sflag:s1] =	ssyncadd.s32 $0xFFFFEC00  }
0x37: {  	_ =	swait.ge [sflag:s8], $0x1400  }
0x38: {  	[sflag:s8] =	ssyncset.done $0x0  }
0x39: {  	[sflag:s8] =	ssyncadd.s32 $0xFFFFEC00  }
0x3a: {  	_ =	swait.ge [sflag:s10], $0x1400  }
0x3b: {  	[sflag:s10] =	ssyncset.done $0x0  }
0x3c: {  	[sflag:s10] =	ssyncadd.s32 $0xFFFFEC00  }
0x3d: {  	_ =	swait.ge [sflag:s11], $0x1400  }
0x3e: {  	[sflag:s11] =	ssyncset.done $0x0  }
0x3f: {  	[sflag:s11] =	ssyncadd.s32 $0xFFFFEC00  }
0x40: {  	_ =	swait.ge [sflag:s12], $0x1400  }
0x41: {  	[sflag:s12] =	ssyncset.done $0x0  }
0x42: {  	s15 =	stileid.u32;
	[sflag:s12] =	ssyncadd.s32 $0xFFFFEC00  }
0x43: {  	s15 =	sshll.u32 s15, $0x6;
	[bflag:$0x0] =	sbarrier.arrive $0xFFFF  }
0x44: {  	s16 =	sshrl.u32 s9, $0x3;
	s15 =	sor.u32 $0x1C0F, s15;
	s17 =	rddreg [dreg:$0x12]  }
0x45: {  	[hbm:s17], [sflag:s15] =	dma.local [spmem:s16], $0x2800  }
0x46: {  	_ =	swait.ge [sflag:s13], $0x2800  }
0x47: {  	s14 =	sadd.s32 $0x1, s14;
	s24 =	rddreg [dreg:$0x13]  }
0x48: {  	p0 =	sne.s32 s14, s24  }
.Ltmp1:
0x49: {  	_ = 	snop;
	(pc) =	sbr.rel @!p0 .LBB2_8-.Ltmp1, $3  }
0x4a: {  	_ =	sdelay $0x1  }
0x4b: {  	[sflag:s13] =	ssyncset.done $0x0  }
0x4c: {  	[sflag:s13] =	ssyncadd.s32 $0xFFFFD800  }
.LBB2_1:
0x4d: {  	s15 =	rddreg [dreg:$0x3]  }
0x4e: {  	[tilespmem:s3], [sflag:$0xE] =	stream.linear.gather [hbm4b:s15+s3], $0xC80, $0x38;
	[tilespmem:$0x1F880] =	vst v63  }
0x4f: {  	s21 =	rddreg [dreg:$0x4];
	s16 =	simm.s32 $0x2000  }
0x50: {  	[tilespmem:s16], [sflag:$0xE] =	stream.linear.gather [hbm4b:s21+s3], $0xC80, $0x38;
	[tilespmem:$0x1F880] =	vst v63  }
0x51: {  	_ =	swait.ge [sflag:s29], $0xC80  }
0x52: {  	[sflag:s29] =	ssyncset.done $0x0  }
0x53: {  	[sflag:s29] =	ssyncadd.s32 $0xFFFFF380  }
0x54: {  	_ =	swait.ge [sflag:s29], $0xC80  }
0x55: {  	s22 =	simm.s32 $0x4000;
	[sflag:s29] =	ssyncset.done $0x0  }
0x56: {  	s23 =	simm.s32 $0x80;
	s24 =	simm.s32 $0x5400;
	[sflag:s29] =	ssyncadd.s32 $0xFFFFF380  }
0x57: {  	[tilespmem:s22], [sflag:$0x1] =	stream.indirect.gather [hbm4b:s4+s30], $0x80, s3, s30, $0xb8;
	[tilespmem:$0x1F880] =	vst v63  }
0x58: {  	s17 =	simm.s32 $0x100;
	s18 =	simm.s32 $0x6800;
	s19 =	simm.s32 $0x180  }
0x59: {  	[tilespmem:s24], [sflag:$0x2] =	stream.indirect.gather [hbm4b:s4+s30], $0x80, s23, s30, $0xb8;
	[tilespmem:$0x1F880] =	vst v63  }
0x5a: {  	s20 =	simm.s32 $0x7C00;
	s15 =	simm.s32 $0x40;
	s23 =	sand.u32 $0x1E00, s3  }
0x5b: {  	[tilespmem:s18], [sflag:$0x3] =	stream.indirect.gather [hbm4b:s4+s30], $0x80, s17, s30, $0xb8;
	[tilespmem:$0x1F880] =	vst v63  }
0x5c: {  	s21 =	simm.s32 $0x200;
	s24 =	sand.u32 $0x70, s3;
	s17 =	sshrl.u32 s23, $0x2  }
0x5d: {  	[tilespmem:s20], [sflag:$0x4] =	stream.indirect.gather [hbm4b:s4+s30], $0x80, s19, s30, $0xb8;
	[tilespmem:$0x1F880] =	vst v63  }
0x5e: {  	s16 =	simm.s32 $0x0;
	s22 =	simm.s32 $0x9000;
	s17 =	sor.u32 s24, s17  }
0x5f: {  	[tilespmem:s22], [sflag:$0x5] =	stream.indirect.gather [hbm4b:s4+s30], $0x80, s21, s30, $0xb8;
	[tilespmem:$0x1F880] =	vst v63  }
.LBB2_2:
0x60: {  	p0 =	sne.s32 s15, $0x1FC0  }
0x61: {  	[tilespmem:s17+$0xB800] =	vst v0;
	s16 =	sadd.s32 $0x10, s16;
	s17 =	smov.u32 s15;
	s15 =	sadd.s32 $0x40, s15  }
.Ltmp2:
0x62: {  	(pc) =	sbr.rel @p0 .LBB2_2-.Ltmp2, $4  }
0x63: {  	_ = 	snop  }
0x64: {  	s17 =	sand.u32 $0x1E00, s17  }
0x65: {  	s18 =	sand.u32 $0x70, s16;
	s17 =	sshrl.u32 s17, $0x2  }
0x66: {  	s17 =	sor.u32 s18, s17  }
0x67: {  	[tilespmem:s17+$0xB800] =	vst v0;
	s15 =	rddreg [dreg:$0x5]  }
0x68: {  	[spmem:s9] =	stream.linear.scatter [tilespmem:s31], [sflag:$0xD], $0x800, $0x38;
	[tilespmem:$0x1F880] =	vst v63  }
0x69: {  	s17 =	rddreg [dreg:$0x6]  }
0x6a: {  	[spmem:s15] =	stream.linear.scatter [tilespmem:s31], [sflag:$0xD], $0x800, $0x38;
	[tilespmem:$0x1F880] =	vst v63  }
0x6b: {  	s18 =	rddreg [dreg:$0x7]  }
0x6c: {  	[spmem:s17] =	stream.linear.scatter [tilespmem:s31], [sflag:$0xD], $0x800, $0x38;
	[tilespmem:$0x1F880] =	vst v63  }
0x6d: {  	s19 =	rddreg [dreg:$0x8]  }
0x6e: {  	[spmem:s18] =	stream.linear.scatter [tilespmem:s31], [sflag:$0xD], $0x800, $0x38;
	[tilespmem:$0x1F880] =	vst v63  }
0x6f: {  	s20 =	rddreg [dreg:$0x9]  }
0x70: {  	[spmem:s19] =	stream.linear.scatter [tilespmem:s31], [sflag:$0xD], $0x800, $0x38;
	[tilespmem:$0x1F880] =	vst v63  }
0x71: {  	s21 =	rddreg [dreg:$0xa]  }
0x72: {  	[spmem:s20] =	stream.linear.scatter [tilespmem:s31], [sflag:$0xD], $0x800, $0x38;
	[tilespmem:$0x1F880] =	vst v63  }
0x73: {  	s22 =	rddreg [dreg:$0xb]  }
0x74: {  	[spmem:s21] =	stream.linear.scatter [tilespmem:s31], [sflag:$0xD], $0x800, $0x38;
	[tilespmem:$0x1F880] =	vst v63  }
0x75: {  	s23 =	rddreg [dreg:$0xc]  }
0x76: {  	[spmem:s22] =	stream.linear.scatter [tilespmem:s31], [sflag:$0xD], $0x800, $0x38;
	[tilespmem:$0x1F880] =	vst v63  }
0x77: {  	s24 =	rddreg [dreg:$0xd]  }
0x78: {  	[spmem:s23] =	stream.linear.scatter [tilespmem:s31], [sflag:$0xD], $0x800, $0x38;
	[tilespmem:$0x1F880] =	vst v63  }
0x79: {  	s16 =	rddreg [dreg:$0xe]  }
0x7a: {  	[spmem:s24] =	stream.linear.scatter [tilespmem:s31], [sflag:$0xD], $0x800, $0x38;
	[tilespmem:$0x1F880] =	vst v63  }
0x7b: {  	s17 =	rddreg [dreg:$0xf]  }
0x7c: {  	[spmem:s16] =	stream.linear.scatter [tilespmem:s31], [sflag:$0xD], $0x800, $0x38;
	[tilespmem:$0x1F880] =	vst v63  }
0x7d: {  	s18 =	rddreg [dreg:$0x10]  }
0x7e: {  	[spmem:s17] =	stream.linear.scatter [tilespmem:s31], [sflag:$0xD], $0x800, $0x38;
	[tilespmem:$0x1F880] =	vst v63  }
0x7f: {  	s19 =	rddreg [dreg:$0x11]  }
0x80: {  	[spmem:s18] =	stream.linear.scatter [tilespmem:s31], [sflag:$0xD], $0x800, $0x38;
	[tilespmem:$0x1F880] =	vst v63  }
0x81: {  	s20 =	rddreg [dreg:$0x14]  }
0x82: {  	[spmem:s19] =	stream.linear.scatter [tilespmem:s31], [sflag:$0xD], $0x800, $0x38;
	[tilespmem:$0x1F880] =	vst v63  }
0x83: {  	s21 =	rddreg [dreg:$0x15]  }
0x84: {  	[spmem:s20] =	stream.linear.scatter [tilespmem:s31], [sflag:$0xD], $0x800, $0x38;
	[tilespmem:$0x1F880] =	vst v63  }
0x85: {  	s22 =	rddreg [dreg:$0x16]  }
0x86: {  	[spmem:s21] =	stream.linear.scatter [tilespmem:s31], [sflag:$0xD], $0x800, $0x38;
	[tilespmem:$0x1F880] =	vst v63  }
0x87: {  	s23 =	rddreg [dreg:$0x17]  }
0x88: {  	[spmem:s22] =	stream.linear.scatter [tilespmem:s31], [sflag:$0xD], $0x800, $0x38;
	[tilespmem:$0x1F880] =	vst v63  }
0x89: {  	s24 =	rddreg [dreg:$0x18]  }
0x8a: {  	[spmem:s23] =	stream.linear.scatter [tilespmem:s31], [sflag:$0xD], $0x800, $0x38;
	[tilespmem:$0x1F880] =	vst v63  }
0x8b: {  	s16 =	rddreg [dreg:$0x19]  }
0x8c: {  	[spmem:s24] =	stream.linear.scatter [tilespmem:s31], [sflag:$0xD], $0x800, $0x38;
	[tilespmem:$0x1F880] =	vst v63  }
0x8d: {  	s17 =	rddreg [dreg:$0x1a]  }
0x8e: {  	[spmem:s16] =	stream.linear.scatter [tilespmem:s31], [sflag:$0xD], $0x800, $0x38;
	[tilespmem:$0x1F880] =	vst v63  }
0x8f: {  	s18 =	rddreg [dreg:$0x1b]  }
0x90: {  	[spmem:s17] =	stream.linear.scatter [tilespmem:s31], [sflag:$0xD], $0x800, $0x38;
	[tilespmem:$0x1F880] =	vst v63  }
0x91: {  	s19 =	rddreg [dreg:$0x1c]  }
0x92: {  	[spmem:s18] =	stream.linear.scatter [tilespmem:s31], [sflag:$0xD], $0x800, $0x38;
	[tilespmem:$0x1F880] =	vst v63  }
0x93: {  	s20 =	rddreg [dreg:$0x1d]  }
0x94: {  	[spmem:s19] =	stream.linear.scatter [tilespmem:s31], [sflag:$0xD], $0x800, $0x38;
	[tilespmem:$0x1F880] =	vst v63  }
0x95: {  	s21 =	rddreg [dreg:$0x1e]  }
0x96: {  	[spmem:s20] =	stream.linear.scatter [tilespmem:s31], [sflag:$0xD], $0x800, $0x38;
	[tilespmem:$0x1F880] =	vst v63  }
0x97: {  	s22 =	rddreg [dreg:$0x1f]  }
0x98: {  	[spmem:s21] =	stream.linear.scatter [tilespmem:s31], [sflag:$0xD], $0x800, $0x38;
	[tilespmem:$0x1F880] =	vst v63  }
0x99: {  	s23 =	sld [smem:$0x7F3]  }
0x9a: {  	[spmem:s22] =	stream.linear.scatter [tilespmem:s31], [sflag:$0xD], $0x800, $0x38;
	[tilespmem:$0x1F880] =	vst v63  }
0x9b: {  	s24 =	sld [smem:$0x7F4]  }
0x9c: {  	[spmem:s23] =	stream.linear.scatter [tilespmem:s31], [sflag:$0xD], $0x800, $0x38;
	[tilespmem:$0x1F880] =	vst v63  }
0x9d: {  	s16 =	sld [smem:$0x7F5]  }
0x9e: {  	[spmem:s24] =	stream.linear.scatter [tilespmem:s31], [sflag:$0xD], $0x800, $0x38;
	[tilespmem:$0x1F880] =	vst v63  }
0x9f: {  	s17 =	sld [smem:$0x7F6]  }
0xa0: {  	[spmem:s16] =	stream.linear.scatter [tilespmem:s31], [sflag:$0xD], $0x800, $0x38;
	[tilespmem:$0x1F880] =	vst v63  }
0xa1: {  	s18 =	sld [smem:$0x7F7]  }
0xa2: {  	[spmem:s17] =	stream.linear.scatter [tilespmem:s31], [sflag:$0xD], $0x800, $0x38;
	[tilespmem:$0x1F880] =	vst v63  }
0xa3: {  	s19 =	sld [smem:$0x7F8]  }
0xa4: {  	[spmem:s18] =	stream.linear.scatter [tilespmem:s31], [sflag:$0xD], $0x800, $0x38;
	[tilespmem:$0x1F880] =	vst v63  }
0xa5: {  	s20 =	sld [smem:$0x7F9]  }
0xa6: {  	[spmem:s19] =	stream.linear.scatter [tilespmem:s31], [sflag:$0xD], $0x800, $0x38;
	[tilespmem:$0x1F880] =	vst v63  }
0xa7: {  	s21 =	sld [smem:$0x7FA]  }
0xa8: {  	[spmem:s20] =	stream.linear.scatter [tilespmem:s31], [sflag:$0xD], $0x800, $0x38;
	[tilespmem:$0x1F880] =	vst v63  }
0xa9: {  	s22 =	sld [smem:$0x7FB]  }
0xaa: {  	[spmem:s21] =	stream.linear.scatter [tilespmem:s31], [sflag:$0xD], $0x800, $0x38;
	[tilespmem:$0x1F880] =	vst v63  }
0xab: {  	s23 =	sld [smem:$0x7FC]  }
0xac: {  	[spmem:s22] =	stream.linear.scatter [tilespmem:s31], [sflag:$0xD], $0x800, $0x38;
	[tilespmem:$0x1F880] =	vst v63  }
0xad: {  	s24 =	sld [smem:$0x7FD]  }
0xae: {  	[spmem:s23] =	stream.linear.scatter [tilespmem:s31], [sflag:$0xD], $0x800, $0x38;
	[tilespmem:$0x1F880] =	vst v63  }
0xaf: {  	_ = 	snop  }
0xb0: {  	[spmem:s24] =	stream.linear.scatter [tilespmem:s31], [sflag:$0xD], $0x800, $0x38;
	[tilespmem:$0x1F880] =	vst v63  }
0xb1: {  	_ = 	snop  }
0xb2: {  	[spmem:s25] =	stream.linear.scatter [tilespmem:s31], [sflag:$0xD], $0x800, $0x38;
	[tilespmem:$0x1F880] =	vst v63  }
0xb3: {  	_ = 	snop  }
0xb4: {  	[spmem:s26] =	stream.linear.scatter [tilespmem:s31], [sflag:$0xD], $0x800, $0x38;
	[tilespmem:$0x1F880] =	vst v63  }
0xb5: {  	_ = 	snop  }
0xb6: {  	[spmem:s28] =	stream.linear.scatter [tilespmem:s31], [sflag:$0xD], $0x800, $0x38;
	[tilespmem:$0x1F880] =	vst v63  }
0xb7: {  	_ =	swait.ge [sflag:s0], $0x800  }
0xb8: {  	[sflag:s0] =	ssyncset.done $0x0  }
0xb9: {  	[sflag:s0] =	ssyncadd.s32 $0xFFFFF800  }
0xba: {  	_ =	swait.ge [sflag:s0], $0x800  }
0xbb: {  	[sflag:s0] =	ssyncset.done $0x0  }
0xbc: {  	[sflag:s0] =	ssyncadd.s32 $0xFFFFF800  }
0xbd: {  	_ =	swait.ge [sflag:s0], $0x800  }
0xbe: {  	[sflag:s0] =	ssyncset.done $0x0  }
0xbf: {  	[sflag:s0] =	ssyncadd.s32 $0xFFFFF800  }
0xc0: {  	_ =	swait.ge [sflag:s0], $0x800  }
0xc1: {  	[sflag:s0] =	ssyncset.done $0x0  }
0xc2: {  	[sflag:s0] =	ssyncadd.s32 $0xFFFFF800  }
0xc3: {  	_ =	swait.ge [sflag:s0], $0x800  }
0xc4: {  	[sflag:s0] =	ssyncset.done $0x0  }
0xc5: {  	[sflag:s0] =	ssyncadd.s32 $0xFFFFF800  }
0xc6: {  	_ =	swait.ge [sflag:s0], $0x800  }
0xc7: {  	[sflag:s0] =	ssyncset.done $0x0  }
0xc8: {  	[sflag:s0] =	ssyncadd.s32 $0xFFFFF800  }
0xc9: {  	_ =	swait.ge [sflag:s0], $0x800  }
0xca: {  	[sflag:s0] =	ssyncset.done $0x0  }
0xcb: {  	[sflag:s0] =	ssyncadd.s32 $0xFFFFF800  }
0xcc: {  	_ =	swait.ge [sflag:s0], $0x800  }
0xcd: {  	[sflag:s0] =	ssyncset.done $0x0  }
0xce: {  	[sflag:s0] =	ssyncadd.s32 $0xFFFFF800  }
0xcf: {  	_ =	swait.ge [sflag:s0], $0x800  }
0xd0: {  	[sflag:s0] =	ssyncset.done $0x0  }
0xd1: {  	[sflag:s0] =	ssyncadd.s32 $0xFFFFF800  }
0xd2: {  	_ =	swait.ge [sflag:s0], $0x800  }
0xd3: {  	[sflag:s0] =	ssyncset.done $0x0  }
0xd4: {  	[sflag:s0] =	ssyncadd.s32 $0xFFFFF800  }
0xd5: {  	_ =	swait.ge [sflag:s0], $0x800  }
0xd6: {  	[sflag:s0] =	ssyncset.done $0x0  }
0xd7: {  	[sflag:s0] =	ssyncadd.s32 $0xFFFFF800  }
0xd8: {  	_ =	swait.ge [sflag:s0], $0x800  }
0xd9: {  	[sflag:s0] =	ssyncset.done $0x0  }
0xda: {  	[sflag:s0] =	ssyncadd.s32 $0xFFFFF800  }
0xdb: {  	_ =	swait.ge [sflag:s0], $0x800  }
0xdc: {  	[sflag:s0] =	ssyncset.done $0x0  }
0xdd: {  	[sflag:s0] =	ssyncadd.s32 $0xFFFFF800  }
0xde: {  	_ =	swait.ge [sflag:s0], $0x800  }
0xdf: {  	[sflag:s0] =	ssyncset.done $0x0  }
0xe0: {  	[sflag:s0] =	ssyncadd.s32 $0xFFFFF800  }
0xe1: {  	_ =	swait.ge [sflag:s0], $0x800  }
0xe2: {  	[sflag:s0] =	ssyncset.done $0x0  }
0xe3: {  	[sflag:s0] =	ssyncadd.s32 $0xFFFFF800  }
0xe4: {  	_ =	swait.ge [sflag:s0], $0x800  }
0xe5: {  	[sflag:s0] =	ssyncset.done $0x0  }
0xe6: {  	[sflag:s0] =	ssyncadd.s32 $0xFFFFF800  }
0xe7: {  	_ =	swait.ge [sflag:s0], $0x800  }
0xe8: {  	[sflag:s0] =	ssyncset.done $0x0  }
0xe9: {  	[sflag:s0] =	ssyncadd.s32 $0xFFFFF800  }
0xea: {  	_ =	swait.ge [sflag:s0], $0x800  }
0xeb: {  	[sflag:s0] =	ssyncset.done $0x0  }
0xec: {  	[sflag:s0] =	ssyncadd.s32 $0xFFFFF800  }
0xed: {  	_ =	swait.ge [sflag:s0], $0x800  }
0xee: {  	[sflag:s0] =	ssyncset.done $0x0  }
0xef: {  	[sflag:s0] =	ssyncadd.s32 $0xFFFFF800  }
0xf0: {  	_ =	swait.ge [sflag:s0], $0x800  }
0xf1: {  	[sflag:s0] =	ssyncset.done $0x0  }
0xf2: {  	[sflag:s0] =	ssyncadd.s32 $0xFFFFF800  }
0xf3: {  	_ =	swait.ge [sflag:s0], $0x800  }
0xf4: {  	[sflag:s0] =	ssyncset.done $0x0  }
0xf5: {  	[sflag:s0] =	ssyncadd.s32 $0xFFFFF800  }
0xf6: {  	_ =	swait.ge [sflag:s0], $0x800  }
0xf7: {  	[sflag:s0] =	ssyncset.done $0x0  }
0xf8: {  	[sflag:s0] =	ssyncadd.s32 $0xFFFFF800  }
0xf9: {  	_ =	swait.ge [sflag:s0], $0x800  }
0xfa: {  	[sflag:s0] =	ssyncset.done $0x0  }
0xfb: {  	[sflag:s0] =	ssyncadd.s32 $0xFFFFF800  }
0xfc: {  	_ =	swait.ge [sflag:s0], $0x800  }
0xfd: {  	[sflag:s0] =	ssyncset.done $0x0  }
0xfe: {  	[sflag:s0] =	ssyncadd.s32 $0xFFFFF800  }
0xff: {  	_ =	swait.ge [sflag:s0], $0x800  }
0x100: {  	[sflag:s0] =	ssyncset.done $0x0  }
0x101: {  	[sflag:s0] =	ssyncadd.s32 $0xFFFFF800  }
0x102: {  	_ =	swait.ge [sflag:s0], $0x800  }
0x103: {  	[sflag:s0] =	ssyncset.done $0x0  }
0x104: {  	[sflag:s0] =	ssyncadd.s32 $0xFFFFF800  }
0x105: {  	_ =	swait.ge [sflag:s0], $0x800  }
0x106: {  	[sflag:s0] =	ssyncset.done $0x0  }
0x107: {  	[sflag:s0] =	ssyncadd.s32 $0xFFFFF800  }
0x108: {  	_ =	swait.ge [sflag:s0], $0x800  }
0x109: {  	[sflag:s0] =	ssyncset.done $0x0  }
0x10a: {  	[sflag:s0] =	ssyncadd.s32 $0xFFFFF800  }
0x10b: {  	_ =	swait.ge [sflag:s0], $0x800  }
0x10c: {  	[sflag:s0] =	ssyncset.done $0x0  }
0x10d: {  	[sflag:s0] =	ssyncadd.s32 $0xFFFFF800  }
0x10e: {  	_ =	swait.ge [sflag:s0], $0x800  }
0x10f: {  	[sflag:s0] =	ssyncset.done $0x0  }
0x110: {  	[sflag:s0] =	ssyncadd.s32 $0xFFFFF800  }
0x111: {  	_ =	swait.ge [sflag:s0], $0x800  }
0x112: {  	[sflag:s0] =	ssyncset.done $0x0  }
0x113: {  	[sflag:s0] =	ssyncadd.s32 $0xFFFFF800  }
0x114: {  	_ =	swait.ge [sflag:s0], $0x800  }
0x115: {  	[sflag:s0] =	ssyncset.done $0x0  }
0x116: {  	[sflag:s0] =	ssyncadd.s32 $0xFFFFF800  }
0x117: {  	_ =	swait.ge [sflag:s0], $0x800  }
0x118: {  	[sflag:s0] =	ssyncset.done $0x0  }
0x119: {  	[sflag:s0] =	ssyncadd.s32 $0xFFFFF800  }
0x11a: {  	_ =	swait.ge [sflag:s0], $0x800  }
0x11b: {  	[sflag:s0] =	ssyncset.done $0x0  }
0x11c: {  	[sflag:s0] =	ssyncadd.s32 $0xFFFFF800  }
0x11d: {  	_ =	swait.ge [sflag:s0], $0x800  }
0x11e: {  	[sflag:s0] =	ssyncset.done $0x0  }
0x11f: {  	[sflag:s0] =	ssyncadd.s32 $0xFFFFF800  }
0x120: {  	_ =	swait.ge [sflag:s0], $0x800  }
0x121: {  	[sflag:s0] =	ssyncset.done $0x0  }
0x122: {  	[sflag:s0] =	ssyncadd.s32 $0xFFFFF800  }
0x123: {  	_ =	swait.ge [sflag:s0], $0x800  }
0x124: {  	[sflag:s0] =	ssyncset.done $0x0  }
0x125: {  	[sflag:s0] =	ssyncadd.s32 $0xFFFFF800  }
0x126: {  	_ =	swait.ge [sflag:s0], $0x800  }
0x127: {  	[sflag:s0] =	ssyncset.done $0x0  }
0x128: {  	[sflag:s0] =	ssyncadd.s32 $0xFFFFF800  }
0x129: {  	_ =	swait.ge [sflag:s0], $0x800  }
0x12a: {  	[sflag:s0] =	ssyncset.done $0x0  }
0x12b: {  	[sflag:s0] =	ssyncadd.s32 $0xFFFFF800  }
.Ltmp3:
0x12c: {  	_ =	swait.ge [sflag:s0], $0x800;
	(pc) =	sbr.rel .LBB2_4-.Ltmp3, $4  }
0x12d: {  	[sflag:s0] =	ssyncset.done $0x0  }
0x12e: {  	[sflag:s0] =	ssyncadd.s32 $0xFFFFF800  }
0x12f: {  	s15 =	simm.s32 $0x0;
	[bflag:$0x0] =	sbarrier.arrive $0xFFFF  }
0x130: {  	s16 =	simm.s32 $0x5;
	s17 =	simm.s32 $0x280;
	s18 =	simm.s32 $0x2000  }
.LBB2_6:
0x131: {  	s16 =	sadd.s32 $0x1, s16  }
0x132: {  	p0 =	sne.s32 s16, $0xFF  }
.Ltmp4:
0x133: {  	_ = 	snop;
	(pc) =	sbr.rel @!p0 .LBB2_7-.Ltmp4, $2  }
0x134: {  	_ =	sdelay $0x2  }
0x135: {  	s15 =	sadd.s32 $0x1, s15;
	s17 =	sadd.s32 $0x80, s17;
	s18 =	sadd.s32 $0x80, s18  }
.LBB2_4:
0x136: {  	s19 =	sadd.s32 $0xFFFFFFFB, s16  }
0x137: {  	s20 =	smul.u32 $0xAB, s19;
	_ =	sdelay $0x1  }
0x138: {  	s20 =	sshrl.u32 s20, $0xA  }
0x139: {  	s21 =	smulhi.u32 $0x51EB851F, s15;
	s20 =	sand.u32 $0x3F, s20  }
0x13a: {  	s20 =	smul.u32 $0x6, s20;
	_ =	sdelay $0x1  }
0x13b: {  	s22 =	sshrl.u32 s21, $0x3;
	s20 =	ssub.s32 s19, s20  }
0x13c: {  	s21 =	sshll.u32 s21, $0xB;
	s22 =	smul.u32 $0x3200, s22;
	s20 =	sand.u32 $0xFF, s20  }
0x13d: {  	p0 =	sgt.u32 s19, $0xF4;
	s21 =	sand.u32 $0x4000, s21;
	s24 =	smul.u32 $0x5000, s20  }
.Ltmp5:
0x13e: {  	s21 =	ssub.s32 s21, s22;
	s23 =	sadd.s32 $0x1, s20;
	(pc) =	sbr.rel @p0 .LBB2_6-.Ltmp5, $4  }
0x13f: {  	s21 =	sshra.s32 s21, $0x2;
	_ =	swait.ge [sflag:s23], $0x1400  }
0x140: {  	s21 =	sadd.s32 s21, s18;
	s22 =	sshrl.u32 s24, $0x2;
	[sflag:s23] =	ssyncset.done $0x0  }
0x141: {  	s20 =	sadd.s32 $0x7, s20;
	s22 =	sadd.s32 $0x4000, s22;
	[sflag:s23] =	ssyncadd.s32 $0xFFFFEC00  }
0x142: {  	[spmem:s2] =	stream.indirect.scatter.add.f32 [tilespmem:s22], [sflag:s20], $0x80, s21, s30, $0xb8;
	[tilespmem:$0x1F880] =	vst v63  }
0x143: {  	s20 =	smulhi.u32 $0x51EB851F, s16;
	_ =	sdelay $0x1  }
0x144: {  	s21 =	sshrl.u32 s20, $0x3  }
0x145: {  	s22 =	smul.u32 $0x19, s21;
	_ =	sdelay $0x1  }
0x146: {  	s23 =	ssub.s32 $0x5, s22  }
0x147: {  	s23 =	sadd.s32 s23, s16  }
0x148: {  	p0 =	sne.s32 s23, $0x5  }
0x149: {  	s22 =	ssub.s32 $0xFFFFFFFB, s22;
	p1 =	sgt.u32 @p0 s19, $0xDB  }
0x14a: {  	s22 =	sadd.s32 s22, s16;
	s23 =	smul.u32 $0x29, s16;
	p2 =	por p1, !p0  }
0x14b: {  	p2 =	sne.s32 @!p2 s22, $0x5  }
0x14c: {  	s19 =	sshrl.u32 s23, $0xA;
	p1 =	por @p0 p2, p1  }
0x14d: {  	s19 =	sand.u32 $0x3F, s19;
	p1 =	por p1, !p0  }
0x14e: {  	s19 =	sshll.u32 @!p1 s19, $0xC  }
0x14f: {  	s19 =	sadd.s32 @!p1 $0x1000, s19  }
0x150: {  	s22 =	sadd.s32 @!p1 s6, s19  }
0x151: {  	s22 =	sshrl.u32 @!p1 s22, $0x3  }
0x152: {  	s24 =	simm.s32 @!p1 $0x0;
	s19 =	sand.u32 @!p1 $0x1000, s19;
	s23 =	sadd.s32 @!p1 s5, s22  }
0x153: {  	[tilespmem:s19], [sflag:$0xE] =	stream.linear.gather @!p1 [hbm4b:s23+s24], $0xC80, $0x38;
	[tilespmem:$0x1F880] =	vst v63  }
0x154: {  	s22 =	sadd.s32 @!p1 s7, s22;
	s23 =	smul.u32 $0xAB, s16;
	s19 =	sor.u32 @!p1 $0x2000, s19  }
0x155: {  	[tilespmem:s19], [sflag:$0xE] =	stream.linear.gather @!p1 [hbm4b:s22+s24], $0xC80, $0x38;
	[tilespmem:$0x1F880] =	vst v63  }
0x156: {  	s24 =	sshrl.u32 s23, $0xA  }
0x157: {  	s22 =	simm.s32 @!p0 $0xE;
	s19 =	sand.u32 $0x3F, s24  }
0x158: {  	_ =	swait.ge @!p0 [sflag:s22], $0xC80;
	s19 =	smul.u32 $0x6, s19  }
0x159: {  	s20 =	sshll.u32 s20, $0xB;
	s21 =	smul.u32 $0x3200, s21;
	[sflag:s22] =	ssyncset.done @!p0 $0x0  }
0x15a: {  	s20 =	sand.u32 $0x4000, s20;
	[sflag:s22] =	ssyncadd.s32 @!p0 $0xFFFFF380;
	s19 =	ssub.s32 s16, s19  }
0x15b: {  	s20 =	ssub.s32 s20, s21;
	_ =	swait.ge @!p0 [sflag:s22], $0xC80;
	s19 =	sand.u32 $0xFF, s19  }
0x15c: {  	p1 =	seq.s32 s16, $0x5;
	[sflag:s22] =	ssyncset.done @!p0 $0x0;
	s23 =	smul.u32 $0x5000, s19  }
.Ltmp6:
0x15d: {  	[sflag:s22] =	ssyncadd.s32 @!p0 $0xFFFFF380;
	s21 =	sadd.s32 @!p1 $0x7, s19;
	(pc) =	sbr.rel .LBB2_6-.Ltmp6, $4  }
0x15e: {  	s20 =	sshra.s32 s20, $0x2;
	_ =	swait.ge @!p1 [sflag:s21], $0x1400  }
0x15f: {  	s20 =	sadd.s32 s20, s17;
	[sflag:s21] =	ssyncset.done @!p1 $0x0;
	s22 =	sshrl.u32 s23, $0x2  }
0x160: {  	s19 =	sadd.s32 $0x1, s19;
	[sflag:s21] =	ssyncadd.s32 @!p1 $0xFFFFEC00;
	s24 =	sadd.s32 $0x4000, s22  }
0x161: {  	[tilespmem:s24], [sflag:s19] =	stream.indirect.gather [hbm4b:s4+s30], $0x80, s20, s30, $0xb8;
	[tilespmem:$0x1F880] =	vst v63  }
.LBB2_8:
0x162: {  	_ =	sfence.sel $0x180000  }
0x163: {  	[bflag:$0x0] =	sbarrier.arrive $0xFFFF  }
0x164: {  	_ =	strace $0x9000004A  }
0x165: {  	s0 =	stileid.u32;
	[bflag:$0x2] =	sbarrier.arrive $0xFFFF  }
0x166: {  	p0 =	sne.s32 s0, $0x0;
	s0 =	rddreg [dreg:$0x2]  }
0x167: {  	s0 =	sadd.s32 @!p0 $0x100000, s0  }
0x168: {  	[sflag:s0] =	ssyncadd.tile.s32 @!p0 $0x1;
	_ =	shalt  }
.Lfunc_end2:
_tile_overlayer_lowered:
.L_overlay_start_2:
0x169: {  	(tag) =	ssettag $0x2  }
0x16a: {  	s0 =	rddreg [dreg:$0x0];
	s2 =	stileid.u32  }
0x16b: {  	s1 =	rddreg [dreg:$0x1];
	p0 =	sne.s32 s2, $0x0  }
0x16c: {  	s3 =	rddreg [dreg:$0x2];
	[bflag:$0x3] =	sbarrier.arrive $0xFFFF;
	s2 =	simm.s32 @!p0 $0x1C0F  }
0x16d: {  	[timem:s3], [sflag:s2] =	dma.local @!p0 [hbm:s0], s1  }
0x16e: {  	s0 =	simm.s32 @!p0 $0xF  }
0x16f: {  	_ =	swait.ge @!p0 [sflag:s0], s1  }
0x170: {  	s1 =	ssub.s32 @!p0 $0x0, s1;
	[sflag:s0] =	ssyncset.done @!p0 $0x0  }
0x171: {  	[sflag:s0] =	ssyncadd.s32 @!p0 s1  }
0x172: {  	[bflag:$0x3] =	sbarrier.arrive $0xFFFF  }
0x173: {  	_ =	shalt  }

// kernel: kernel.3.cloned.1.call-start
scs
__scs_entry_jumppad:
0x0: {  	(pc) =	sbr.rel $0x88, $3  }
0x1: {  	(tag) =	ssettag $0x0;
	lr =	simm.s32 $0x1  }
0x2: {  	[smem:$0x3F96] =	sst lr;
	_ =	strace $0xD0000000  }
0x3: {  	_ = 	snop  }
0x4: {  	_ = 	snop  }
0x5: {  	_ = 	snop  }
0x6: {  	_ = 	snop  }
0x7: {  	_ = 	snop  }
__scs_overlays_trampoline_lowered:
0x8: {  	[smem:$0x3FA5] =	sst s0  }
0x9: {  	[smem:$0x3FA6] =	sst s1  }
0xa: {  	[smem:$0x3FA7] =	sst s2  }
0xb: {  	[smem:$0x3FA8] =	sst s3  }
0xc: {  	[smem:$0x3FA9] =	sst s4  }
0xd: {  	[smem:$0x3FAA] =	sst s5  }
0xe: {  	[smem:$0x3FAB] =	sst s6  }
0xf: {  	[smem:$0x3FAC] =	sst s7  }
0x10: {  	[smem:$0x3FAD] =	sst s8  }
0x11: {  	[smem:$0x3FAE] =	sst s9;
	s0 =	simm.s32 @!p0 $0x0  }
0x12: {  	s1 =	sld [smem:$0x3F94];
	s0 =	simm.s32 @p0 $0x1  }
0x13: {  	[smem:$0x3FAF] =	sst s0;
	s0 =	simm.s32 @!p1 $0x0  }
0x14: {  	s2 =	sld [smem:$0x3F93];
	s0 =	simm.s32 @p1 $0x1  }
0x15: {  	[smem:$0x3FB0] =	sst s0;
	s0 =	simm.s32 @!p2 $0x0  }
0x16: {  	s3 =	sld [smem:$0x3FDB];
	s0 =	simm.s32 @p2 $0x1  }
0x17: {  	s4 =	simm.s32 $0x1BF5;
	[smem:$0x3FB2] =	sst s0  }
0x18: {  	s0 =	sld [smem:$0x3F95];
	_ =	swait.ge [sflag:s4], $0x0  }
0x19: {  	s7 =	sld [smem:$0x3F96]  }
0x1a: {  	s8 =	sadd.s32 $0xFFFFE003, lr  }
0x1b: {  	s9 =	sadd.s32 $0xFFFFFEF7, lr;
	s5 =	simm.s32 $0xFFFFFFFF;
	p2 =	slt.u32 s8, $0xFFFFF086  }
0x1c: {  	p1 =	slt.u32 s9, $0xF7A;
	s5 =	simm.s32 @!p2 $0x0  }
0x1d: {  	s5 =	simm.s32 @p1 $0x1;
	p0 =	seq.s32 s7, s2  }
0x1e: {  	s7 =	smul.u32 @!p0 $0xF7A, s2;
	p2 =	seq.s32 @!p0 s5, $0x0  }
0x1f: {  	s9 =	smul.u32 $0xF7A, s1;
	s8 =	simm.s32 @!p0 $0x1BF5;
	p2 =	por !p2, p0  }
0x20: {  	[sflag:s8] =	ssyncset.s32 @!p0 $0xFFFFF086;
	s6 =	sadd.s32 @!p0 s3, s7;
	s7 =	simm.s32 @!p0 $0x108  }
0x21: {  	s3 =	sadd.s32 s3, s9;
	s6 =	sadd.s32 @!p0 $0x88, s6;
	s7 =	simm.s32 @p2 $0x1082  }
0x22: {  	[simem:s7], [sflag:s8] =	dma.local @!p0 [hbm:s6], $0xF7A  }
0x23: {  	s9 =	sor.u32 $0xD0000000, s2;
	s6 =	simm.s32 $0x108;
	_ =	swait.ge @!p0 [sflag:s8], $0x0  }
0x24: {  	s3 =	sadd.s32 $0x88, s3;
	s6 =	simm.s32 @!p1 $0x1082;
	[sflag:s4] =	ssyncset.s32 $0xFFFFF086  }
0x25: {  	[simem:s6], [sflag:s4] =	dma.local [hbm:s3], $0xF7A  }
0x26: {  	[smem:$0x3F96] =	sst s1;
	(tag) =	ssettag s2;
	_ =	strace s9  }
0x27: {  	s1 =	sld [smem:$0x3FA6]  }
0x28: {  	s2 =	sld [smem:$0x3FA7]  }
0x29: {  	s4 =	sld [smem:$0x3FA9]  }
0x2a: {  	p0 =	seq.s32 s5, $0x0;
	s5 =	sld [smem:$0x3FAA]  }
0x2b: {  	s6 =	sld [smem:$0x3FAB]  }
0x2c: {  	s7 =	sld [smem:$0x3FAC]  }
0x2d: {  	s3 =	simm.s32 $0x108;
	s8 =	sld [smem:$0x3FAD]  }
0x2e: {  	s3 =	simm.s32 @!p0 $0x1082;
	s9 =	sld [smem:$0x3FAE]  }
0x2f: {  	lr =	sadd.s32 s0, s3;
	s0 =	sld [smem:$0x3FA5]  }
0x30: {  	s3 =	sld [smem:$0x3FA8]  }
0x31: {  	[smem:$0x3FB1] =	sst s10  }
0x32: {  	s10 =	sld [smem:$0x3FAF];
	_ =	sdelay $0x3  }
0x33: {  	p0 =	seq.s32 s10, $0x1;
	s10 =	sld [smem:$0x3FB1];
	_ =	sdelay $0x3  }
0x34: {  	[smem:$0x3FB1] =	sst s10  }
0x35: {  	s10 =	sld [smem:$0x3FB0];
	_ =	sdelay $0x3  }
0x36: {  	p1 =	seq.s32 s10, $0x1;
	s10 =	sld [smem:$0x3FB1];
	_ =	sdelay $0x3  }
0x37: {  	[smem:$0x3FB1] =	sst s10  }
0x38: {  	s10 =	sld [smem:$0x3FB2]  }
0x39: {  	_ = 	snop;
	(pc) =	sbr.ind lr, $3  }
0x3a: {  	_ = 	snop  }
0x3b: {  	_ = 	snop  }
0x3c: {  	p2 =	seq.s32 s10, $0x1;
	s10 =	sld [smem:$0x3FB1]  }
0x3d: {  	_ =	shalt  }
0x3e: {  	_ =	shalt  }
0x3f: {  	_ =	shalt  }
0x40: {  	_ =	shalt  }
0x41: {  	_ =	shalt  }
0x42: {  	_ =	shalt  }
0x43: {  	_ =	shalt  }
0x44: {  	_ =	shalt  }
0x45: {  	_ =	shalt  }
0x46: {  	_ =	shalt  }
0x47: {  	_ =	shalt  }
0x48: {  	_ =	shalt  }
0x49: {  	_ =	shalt  }
0x4a: {  	_ =	shalt  }
0x4b: {  	_ =	shalt  }
0x4c: {  	_ =	shalt  }
0x4d: {  	_ =	shalt  }
0x4e: {  	_ =	shalt  }
0x4f: {  	_ =	shalt  }
0x50: {  	_ =	shalt  }
0x51: {  	_ =	shalt  }
0x52: {  	_ =	shalt  }
0x53: {  	_ =	shalt  }
0x54: {  	_ =	shalt  }
0x55: {  	_ =	shalt  }
0x56: {  	_ =	shalt  }
0x57: {  	_ =	shalt  }
0x58: {  	_ =	shalt  }
0x59: {  	_ =	shalt  }
0x5a: {  	_ =	shalt  }
0x5b: {  	_ =	shalt  }
0x5c: {  	_ =	shalt  }
0x5d: {  	_ =	shalt  }
0x5e: {  	_ =	shalt  }
0x5f: {  	_ =	shalt  }
0x60: {  	_ =	shalt  }
0x61: {  	_ =	shalt  }
0x62: {  	_ =	shalt  }
0x63: {  	_ =	shalt  }
0x64: {  	_ =	shalt  }
0x65: {  	_ =	shalt  }
0x66: {  	_ =	shalt  }
0x67: {  	_ =	shalt  }
0x68: {  	_ =	shalt  }
0x69: {  	_ =	shalt  }
0x6a: {  	_ =	shalt  }
0x6b: {  	_ =	shalt  }
0x6c: {  	_ =	shalt  }
0x6d: {  	_ =	shalt  }
0x6e: {  	_ =	shalt  }
0x6f: {  	_ =	shalt  }
0x70: {  	_ =	shalt  }
0x71: {  	_ =	shalt  }
0x72: {  	_ =	shalt  }
0x73: {  	_ =	shalt  }
0x74: {  	_ =	shalt  }
0x75: {  	_ =	shalt  }
0x76: {  	_ =	shalt  }
0x77: {  	_ =	shalt  }
0x78: {  	_ =	shalt  }
0x79: {  	_ =	shalt  }
0x7a: {  	_ =	shalt  }
0x7b: {  	_ =	shalt  }
0x7c: {  	_ =	shalt  }
0x7d: {  	_ =	shalt  }
0x7e: {  	_ =	shalt  }
0x7f: {  	_ =	shalt  }
0x80: {  	_ =	shalt  }
0x81: {  	_ =	shalt  }
0x82: {  	_ =	shalt  }
0x83: {  	_ =	shalt  }
0x84: {  	_ =	shalt  }
0x85: {  	_ =	shalt  }
0x86: {  	_ =	shalt  }
0x87: {  	_ =	shalt  }
.Lfunc_end0:
.L_simem_size_0:
called_computation.1_lowered:
.L_overlay_start_0:
0x88: {  	s2 =	sld [smem:$0x3FD9]  }
0x89: {  	s3 =	sld [smem:$0x3FFE];
	_ =	sdelay $0x1  }
0x8a: {  	s1 =	srdreg.scid  }
0x8b: {  	s0 =	sand.u32 $0x1, s1  }
0x8c: {  	s17 =	sshll.u32 s0, $0xA;
	s2 =	sadd.s32 s3, s2  }
0x8d: {  	s2 =	sadd.s32 s2, s17  }
0x8e: {  	[smem:$0x3FBD] =	sst s2  }
0x8f: {  	_ = 	snop  }
0x90: {  	s2 =	sld [smem:$0x3FC7];
	(tm) =	ssettm $0x1  }
0x91: {  	s18 =	sld [smem:$0x3FFB];
	_ =	sdelay $0x3  }
0x92: {  	_ =	strace s18  }
0x93: {  	s3 =	sld [smem:$0x3FFC];
	_ =	sdelay $0x3  }
0x94: {  	_ =	strace s3  }
0x95: {  	s3 =	sld [smem:$0x3FFD];
	_ =	sdelay $0x3  }
0x96: {  	_ =	strace s3  }
0x97: {  	_ =	strace $0x8FFFFFFF  }
0x98: {  	s19 =	sld [smem:$0x3FDB];
	_ =	sdelay $0x1  }
0x99: {  	s4 =	simm.s32 $_scs_section_size  }
0x9a: {  	s5 =	simm.s32 $_size__tile_overlayer_lowered;
	s6 =	simm.s32 $_tile_overlayer_lowered  }
0x9b: {  	s22 =	simm.s32 $0x1BFF;
	s21 =	sshll.u32 s6, $0x1;
	s3 =	sadd.s32 s4, s19  }
0x9c: {  	s7 =	simm.s32 $0x0;
	s20 =	sshll.u32 s5, $0x1;
	s5 =	sadd.s32 s21, s3  }
0x9d: {  	[timem:s7], [sflag:s22] =	dma.local [hbm:s5], s20  }
0x9e: {  	_ =	swait.ge [sflag:s22], s20  }
0x9f: {  	s4 =	ssub.s32 $0x0, s20;
	[sflag:s22] =	ssyncset.done $0x0  }
0xa0: {  	[sflag:s22] =	ssyncadd.s32 s4;
	_ =	sdelay $0x1  }
0xa1: {  	s23 =	simm.s32 $0x1B8B  }
0xa2: {  	_ =	swait.ge [sflag:s23], $0x1  }
0xa3: {  	[sflag:s23] =	ssyncset.done $0x0  }
0xa4: {  	s25 =	simm.s32 $0x1B8E;
	s24 =	sld [smem:$0x3FFE];
	[sflag:s23] =	ssyncadd.s32 $0xFFFFFFFF  }
0xa5: {  	s26 =	simm.s32 $execute0_lowered;
	[smem:$0x3FD2] =	sst s25  }
0xa6: {  	s5 =	sshll.u32 s26, $0x1;
	_ =	strace $0x80000046;
	[dreg:$0x1] =	wrdreg $0xFFFFFFFF  }
0xa7: {  	s28 =	simm.s32 $_size_execute0_lowered;
	s3 =	sadd.s32 s3, s5;
	[dreg:$0x0] =	wrdreg $0x0  }
0xa8: {  	s5 =	sshll.u32 s28, $0x1;
	[dreg:$0x2] =	wrdreg s3  }
0xa9: {  	[dreg:$0x3] =	wrdreg s5  }
0xaa: {  	[dreg:$0x4] =	wrdreg $0xC0  }
0xab: {  	_ =	task [dreg:s7], $0x5FFFF  }
0xac: {  	[dreg:$0x1] =	wrdreg $0xFFFFFFFF  }
0xad: {  	[dreg:$0x0] =	wrdreg $0x60  }
0xae: {  	[dreg:$0x2] =	wrdreg s2  }
0xaf: {  	[dreg:$0x3] =	wrdreg s24  }
0xb0: {  	[dreg:$0x4] =	wrdreg $0xA0000  }
0xb1: {  	[dreg:$0x5] =	wrdreg $0x9  }
0xb2: {  	_ =	task.clear_ibuf [dreg:s7], $0x6FFFF;
	_ =	strace $0x90000046  }
0xb3: {  	s29 =	simm.s32 $0x9;
	_ =	strace $0x80000048  }
0xb4: {  	_ =	swait.ge [sflag:s29], $0x1  }
0xb5: {  	[sflag:s29] =	ssyncadd.s32 $0xFFFFFFFF  }
0xb6: {  	_ =	strace $0x90000048  }
0xb7: {  	_ =	sfence  }
0xb8: {  	s30 =	sld [smem:$0x0];
	_ =	sdelay $0x2  }
0xb9: {  	s31 =	sshll.u32 s1, $0xD;
	s1 =	sshrl.u32 s1, $0x2  }
0xba: {  	s3 =	sand.u32 $0x4000, s31;
	s1 =	sadd.s32 s1, s30  }
0xbb: {  	s0 =	sor.u32 s3, s0;
	s1 =	sshll.u32 s1, $0x11  }
0xbc: {  	s0 =	sor.u32 s1, s0  }
0xbd: {  	s0 =	sadd.s32 $0x8F2B, s0  }
0xbe: {  	[sflag:s0] =	ssyncadd.remote.s32 $0x1  }
0xbf: {  	_ =	sfence.sel $0xFFFF  }
0xc0: {  	[dreg:$0x0] =	wrdreg $0xFFFFFFFF;
	(pc) =	sbr.abs _section_cstart, $3  }
0xc1: {  	[dreg:$0x1] =	wrdreg $0xFFFFFFFF  }
0xc2: {  	_ =	task.clear_ibuf [dreg:s7], $0x2FFFF;
	_ =	strace $0x9FFFFFFF  }
0xc3: {  	(tm) =	ssettm $0x7FFFFFFF  }
tec
execute0_lowered:
.L_overlay_start_1:
0x0: {  	(tag) =	ssettag $0x1  }
0x1: {  	s0 =	rddreg [dreg:$0x0]  }
0x2: {  	s13 =	stileid.u32;
	s4 =	srdreg.scid  }
0x3: {  	s1 =	rddreg [dreg:$0x1];
	s5 =	smul.u32 $0x280, s13;
	s6 =	sand.u32 $0x1, s4  }
0x4: {  	s2 =	rddreg [dreg:$0x2];
	p0 =	seq.s32 s13, $0xF;
	s7 =	sshll.u32 s6, $0x4  }
0x5: {  	s4 =	smul.u32 $0x138800, s6;
	s5 =	simm.s32 @p0 $0x2490;
	s7 =	sor.u32 s13, s7  }
0x6: {  	s3 =	simm.s32 $0x0;
	s8 =	sshll.u32 s5, $0x7;
	s11 =	smul.u32 $0x138800, s7  }
0x7: {  	[smem:$0x7FF] =	sst s3;
	s5 =	sadd.s32 s4, s8;
	s4 =	smul.u32 $0xA000, s7  }
0x8: {  	s20 =	simm.s32 $0x28;
	_ =	strace $0x80000047;
	s7 =	smul.u32 $0x27100, s7  }
0x9: {  	[dreg:$0x4] =	wrdreg s20;
	s9 =	sshrl.u32 s5, $0x3;
	s5 =	sadd.s32 $0xCC00, s1  }
0xa: {  	s11 =	sshrl.u32 s11, $0x3;
	s12 =	sshrl.u32 s4, $0x3;
	s7 =	sadd.s32 s0, s7  }
0xb: {  	s25 =	sadd.s32 s0, s11;
	s24 =	sadd.s32 s5, s12;
	[dreg:$0x6] =	wrdreg s7  }
0xc: {  	s26 =	sadd.s32 $0x280, s25;
	[dreg:$0x5] =	wrdreg s24  }
0xd: {  	s10 =	ssub.s32 $0x2, s6;
	s28 =	sadd.s32 $0x500, s25;
	[dreg:$0x7] =	wrdreg s26  }
0xe: {  	s23 =	sshrl.u32 s10, $0x1;
	s29 =	sadd.s32 $0x780, s25;
	[dreg:$0x8] =	wrdreg s28  }
0xf: {  	s1 =	sadd.s32 s9, s1;
	s30 =	sadd.s32 $0xA00, s25;
	[dreg:$0x9] =	wrdreg s29  }
0x10: {  	s9 =	ssub.s32 s10, s23;
	s1 =	sadd.s32 $0x34C00, s1;
	[dreg:$0xa] =	wrdreg s30  }
0x11: {  	s12 =	sadd.s32 s8, s2;
	s23 =	smax.u32 s9, $0x1;
	[dreg:$0x15] =	wrdreg s1  }
0x12: {  	s10 =	sadd.s32 $0x800, s12;
	[dreg:$0x16] =	wrdreg s23  }
0x13: {  	s11 =	sadd.s32 $0x1000, s12;
	[dreg:$0xb] =	wrdreg s10  }
0x14: {  	s14 =	sadd.s32 $0x1800, s12;
	[dreg:$0xc] =	wrdreg s11  }
0x15: {  	s15 =	sadd.s32 $0x2000, s12;
	[dreg:$0xd] =	wrdreg s14  }
0x16: {  	s16 =	sadd.s32 $0x2800, s12;
	[dreg:$0xe] =	wrdreg s15  }
0x17: {  	s17 =	sadd.s32 $0x3000, s12;
	[dreg:$0xf] =	wrdreg s16  }
0x18: {  	s18 =	sadd.s32 $0x3800, s12;
	[dreg:$0x10] =	wrdreg s17  }
0x19: {  	s8 =	sadd.s32 $0x4000, s12;
	[dreg:$0x11] =	wrdreg s18  }
0x1a: {  	s21 =	sadd.s32 $0x4800, s12;
	[dreg:$0x12] =	wrdreg s8  }
0x1b: {  	s22 =	sadd.s32 $0x5000, s12;
	[dreg:$0x13] =	wrdreg s21  }
0x1c: {  	s24 =	sadd.s32 $0x5800, s12;
	[dreg:$0x14] =	wrdreg s22  }
0x1d: {  	s25 =	sadd.s32 $0x6000, s12;
	[dreg:$0x17] =	wrdreg s24  }
0x1e: {  	s26 =	sadd.s32 $0x6800, s12;
	[dreg:$0x18] =	wrdreg s25  }
0x1f: {  	s28 =	sadd.s32 $0x7000, s12;
	[dreg:$0x19] =	wrdreg s26  }
0x20: {  	s29 =	sadd.s32 $0x7800, s12;
	[dreg:$0x1a] =	wrdreg s28  }
0x21: {  	s6 =	smul.u32 $0x271000, s6;
	s30 =	sadd.s32 $0x8000, s12;
	[dreg:$0x1b] =	wrdreg s29  }
0x22: {  	s1 =	sadd.s32 $0x8800, s12;
	[dreg:$0x1c] =	wrdreg s30  }
0x23: {  	s0 =	sadd.s32 s6, s0;
	s6 =	sadd.s32 $0x9000, s12;
	[dreg:$0x1d] =	wrdreg s1  }
0x24: {  	s7 =	sadd.s32 $0x9800, s12;
	[dreg:$0x1e] =	wrdreg s6  }
0x25: {  	s19 =	smul.u32 $0x27100, s13;
	s9 =	sadd.s32 $0xA800, s12;
	[dreg:$0x1f] =	wrdreg s7  }
0x26: {  	s13 =	sadd.s32 $0xC000, s12;
	[smem:$0x7EB] =	sst s9  }
0x27: {  	s0 =	sadd.s32 s19, s0;
	s19 =	sadd.s32 $0xE800, s12;
	[smem:$0x7EE] =	sst s13  }
0x28: {  	s20 =	sadd.s32 $0xF000, s12;
	[smem:$0x7F3] =	sst s19  }
0x29: {  	s23 =	sadd.s32 $0x10800, s12;
	[smem:$0x7F4] =	sst s20  }
0x2a: {  	s8 =	sadd.s32 $0xA000, s12;
	[smem:$0x7F7] =	sst s23  }
0x2b: {  	s10 =	sadd.s32 $0xB000, s12;
	[smem:$0x7EA] =	sst s8  }
0x2c: {  	s11 =	sadd.s32 $0xB800, s12;
	[smem:$0x7EC] =	sst s10  }
0x2d: {  	s14 =	sadd.s32 $0xC800, s12;
	[smem:$0x7ED] =	sst s11  }
0x2e: {  	s15 =	sadd.s32 $0xD000, s12;
	[smem:$0x7EF] =	sst s14  }
0x2f: {  	s16 =	sadd.s32 $0xD800, s12;
	[smem:$0x7F0] =	sst s15  }
0x30: {  	s18 =	sadd.s32 $0xE000, s12;
	[smem:$0x7F1] =	sst s16  }
0x31: {  	s21 =	sadd.s32 $0xF800, s12;
	[smem:$0x7F2] =	sst s18  }
0x32: {  	s22 =	sadd.s32 $0x10000, s12;
	[smem:$0x7F5] =	sst s21  }
0x33: {  	s31 =	simm.s32 $0xE;
	s24 =	sadd.s32 $0x11000, s12;
	[smem:$0x7F6] =	sst s22  }
0x34: {  	s17 =	sadd.s32 $0xC80, s0;
	s25 =	sadd.s32 $0x11800, s12;
	[smem:$0x7F8] =	sst s24  }
0x35: {  	s26 =	sadd.s32 $0x12000, s12;
	s28 =	sadd.s32 $0x12800, s12;
	[smem:$0x7F9] =	sst s25  }
0x36: {  	s29 =	sadd.s32 $0x13000, s12;
	s30 =	sadd.s32 $0x13800, s12;
	[smem:$0x7FA] =	sst s26  }
0x37: {  	s0 =	simm.s32 $0x9800;
	s1 =	simm.s32 $0xD;
	[smem:$0x7FB] =	sst s28  }
0x38: {  	s6 =	simm.s32 $0xC;
	s7 =	simm.s32 $0x7;
	[smem:$0x7FC] =	sst s29  }
0x39: {  	s9 =	simm.s32 $0x9;
	s13 =	simm.s32 $0x0;
	[smem:$0x7FD] =	sst s30  }
0x3a: {  	v0 =	vimm.f32 $0.0e+00;
	s8 =	simm.s32 $0x8;
	s10 =	simm.s32 $0xA;
	s11 =	simm.s32 $0xF  }
.LBB2_1:
0x3b: {  	s14 =	rddreg [dreg:$0x5]  }
0x3c: {  	[tilespmem:s3], [sflag:$0xE] =	stream.linear.gather [hbm4b:s14+s3], $0xC80, $0x38;
	[tilespmem:$0x1D880] =	vst v63  }
0x3d: {  	_ =	swait.ge [sflag:s31], $0xC80  }
0x3e: {  	s15 =	simm.s32 $0x2000;
	s21 =	simm.s32 $0x3400;
	[sflag:s31] =	ssyncset.done $0x0  }
0x3f: {  	s23 =	simm.s32 $0x4800;
	s19 =	rddreg [dreg:$0x6];
	[sflag:s31] =	ssyncadd.s32 $0xFFFFF380  }
0x40: {  	[tilespmem:s15], [sflag:$0x1] =	stream.linear.gather [hbm4b:s19+s3], $0x1400, $0x38;
	[tilespmem:$0x1D880] =	vst v63  }
0x41: {  	s25 =	simm.s32 $0x5C00;
	s28 =	simm.s32 $0x7000;
	s20 =	rddreg [dreg:$0x7]  }
0x42: {  	[tilespmem:s21], [sflag:$0x2] =	stream.linear.gather [hbm4b:s20+s3], $0x1400, $0x38;
	[tilespmem:$0x1D880] =	vst v63  }
0x43: {  	s29 =	sand.u32 $0x1E00, s3;
	s30 =	sand.u32 $0x70, s3;
	s22 =	rddreg [dreg:$0x8]  }
0x44: {  	[tilespmem:s23], [sflag:$0x3] =	stream.linear.gather [hbm4b:s22+s3], $0x1400, $0x38;
	[tilespmem:$0x1D880] =	vst v63  }
0x45: {  	s16 =	sshrl.u32 s29, $0x2;
	s14 =	simm.s32 $0x40;
	s24 =	rddreg [dreg:$0x9]  }
0x46: {  	[tilespmem:s25], [sflag:$0x4] =	stream.linear.gather [hbm4b:s24+s3], $0x1400, $0x38;
	[tilespmem:$0x1D880] =	vst v63  }
0x47: {  	s16 =	sor.u32 s30, s16;
	s26 =	rddreg [dreg:$0xa];
	s15 =	simm.s32 $0x0  }
0x48: {  	[tilespmem:s28], [sflag:$0x5] =	stream.linear.gather [hbm4b:s26+s3], $0x1400, $0x38;
	[tilespmem:$0x1D880] =	vst v63  }
.LBB2_2:
0x49: {  	p0 =	sne.s32 s14, $0x1FC0  }
0x4a: {  	[tilespmem:s16+$0x9800] =	vst v0;
	s15 =	sadd.s32 $0x10, s15;
	s16 =	smov.u32 s14;
	s14 =	sadd.s32 $0x40, s14  }
.Ltmp0:
0x4b: {  	(pc) =	sbr.rel @p0 .LBB2_2-.Ltmp0, $4  }
0x4c: {  	_ = 	snop  }
0x4d: {  	s16 =	sand.u32 $0x1E00, s16  }
0x4e: {  	s18 =	sand.u32 $0x70, s15;
	s16 =	sshrl.u32 s16, $0x2  }
0x4f: {  	s16 =	sor.u32 s18, s16  }
0x50: {  	[tilespmem:s16+$0x9800] =	vst v0;
	s14 =	rddreg [dreg:$0xb]  }
0x51: {  	[spmem:s12] =	stream.linear.scatter [tilespmem:s0], [sflag:$0xD], $0x800, $0x38;
	[tilespmem:$0x1D880] =	vst v63  }
0x52: {  	s30 =	rddreg [dreg:$0xc]  }
0x53: {  	[spmem:s14] =	stream.linear.scatter [tilespmem:s0], [sflag:$0xD], $0x800, $0x38;
	[tilespmem:$0x1D880] =	vst v63  }
0x54: {  	s15 =	rddreg [dreg:$0xd]  }
0x55: {  	[spmem:s30] =	stream.linear.scatter [tilespmem:s0], [sflag:$0xD], $0x800, $0x38;
	[tilespmem:$0x1D880] =	vst v63  }
0x56: {  	s16 =	rddreg [dreg:$0xe]  }
0x57: {  	[spmem:s15] =	stream.linear.scatter [tilespmem:s0], [sflag:$0xD], $0x800, $0x38;
	[tilespmem:$0x1D880] =	vst v63  }
0x58: {  	s18 =	rddreg [dreg:$0xf]  }
0x59: {  	[spmem:s16] =	stream.linear.scatter [tilespmem:s0], [sflag:$0xD], $0x800, $0x38;
	[tilespmem:$0x1D880] =	vst v63  }
0x5a: {  	s19 =	rddreg [dreg:$0x10]  }
0x5b: {  	[spmem:s18] =	stream.linear.scatter [tilespmem:s0], [sflag:$0xD], $0x800, $0x38;
	[tilespmem:$0x1D880] =	vst v63  }
0x5c: {  	s20 =	rddreg [dreg:$0x11]  }
0x5d: {  	[spmem:s19] =	stream.linear.scatter [tilespmem:s0], [sflag:$0xD], $0x800, $0x38;
	[tilespmem:$0x1D880] =	vst v63  }
0x5e: {  	s21 =	rddreg [dreg:$0x12]  }
0x5f: {  	[spmem:s20] =	stream.linear.scatter [tilespmem:s0], [sflag:$0xD], $0x800, $0x38;
	[tilespmem:$0x1D880] =	vst v63  }
0x60: {  	s22 =	rddreg [dreg:$0x13]  }
0x61: {  	[spmem:s21] =	stream.linear.scatter [tilespmem:s0], [sflag:$0xD], $0x800, $0x38;
	[tilespmem:$0x1D880] =	vst v63  }
0x62: {  	s23 =	rddreg [dreg:$0x14]  }
0x63: {  	[spmem:s22] =	stream.linear.scatter [tilespmem:s0], [sflag:$0xD], $0x800, $0x38;
	[tilespmem:$0x1D880] =	vst v63  }
0x64: {  	s24 =	rddreg [dreg:$0x17]  }
0x65: {  	[spmem:s23] =	stream.linear.scatter [tilespmem:s0], [sflag:$0xD], $0x800, $0x38;
	[tilespmem:$0x1D880] =	vst v63  }
0x66: {  	s25 =	rddreg [dreg:$0x18]  }
0x67: {  	[spmem:s24] =	stream.linear.scatter [tilespmem:s0], [sflag:$0xD], $0x800, $0x38;
	[tilespmem:$0x1D880] =	vst v63  }
0x68: {  	s26 =	rddreg [dreg:$0x19]  }
0x69: {  	[spmem:s25] =	stream.linear.scatter [tilespmem:s0], [sflag:$0xD], $0x800, $0x38;
	[tilespmem:$0x1D880] =	vst v63  }
0x6a: {  	s28 =	rddreg [dreg:$0x1a]  }
0x6b: {  	[spmem:s26] =	stream.linear.scatter [tilespmem:s0], [sflag:$0xD], $0x800, $0x38;
	[tilespmem:$0x1D880] =	vst v63  }
0x6c: {  	s29 =	rddreg [dreg:$0x1b]  }
0x6d: {  	[spmem:s28] =	stream.linear.scatter [tilespmem:s0], [sflag:$0xD], $0x800, $0x38;
	[tilespmem:$0x1D880] =	vst v63  }
0x6e: {  	s30 =	rddreg [dreg:$0x1c]  }
0x6f: {  	[spmem:s29] =	stream.linear.scatter [tilespmem:s0], [sflag:$0xD], $0x800, $0x38;
	[tilespmem:$0x1D880] =	vst v63  }
0x70: {  	s15 =	rddreg [dreg:$0x1d]  }
0x71: {  	[spmem:s30] =	stream.linear.scatter [tilespmem:s0], [sflag:$0xD], $0x800, $0x38;
	[tilespmem:$0x1D880] =	vst v63  }
0x72: {  	s16 =	rddreg [dreg:$0x1e]  }
0x73: {  	[spmem:s15] =	stream.linear.scatter [tilespmem:s0], [sflag:$0xD], $0x800, $0x38;
	[tilespmem:$0x1D880] =	vst v63  }
0x74: {  	s18 =	rddreg [dreg:$0x1f]  }
0x75: {  	[spmem:s16] =	stream.linear.scatter [tilespmem:s0], [sflag:$0xD], $0x800, $0x38;
	[tilespmem:$0x1D880] =	vst v63  }
0x76: {  	s19 =	sld [smem:$0x7EA]  }
0x77: {  	[spmem:s18] =	stream.linear.scatter [tilespmem:s0], [sflag:$0xD], $0x800, $0x38;
	[tilespmem:$0x1D880] =	vst v63  }
0x78: {  	s20 =	sld [smem:$0x7EB]  }
0x79: {  	[spmem:s19] =	stream.linear.scatter [tilespmem:s0], [sflag:$0xD], $0x800, $0x38;
	[tilespmem:$0x1D880] =	vst v63  }
0x7a: {  	s21 =	sld [smem:$0x7EC]  }
0x7b: {  	[spmem:s20] =	stream.linear.scatter [tilespmem:s0], [sflag:$0xD], $0x800, $0x38;
	[tilespmem:$0x1D880] =	vst v63  }
0x7c: {  	s22 =	sld [smem:$0x7ED]  }
0x7d: {  	[spmem:s21] =	stream.linear.scatter [tilespmem:s0], [sflag:$0xD], $0x800, $0x38;
	[tilespmem:$0x1D880] =	vst v63  }
0x7e: {  	s23 =	sld [smem:$0x7EE]  }
0x7f: {  	[spmem:s22] =	stream.linear.scatter [tilespmem:s0], [sflag:$0xD], $0x800, $0x38;
	[tilespmem:$0x1D880] =	vst v63  }
0x80: {  	s24 =	sld [smem:$0x7EF]  }
0x81: {  	[spmem:s23] =	stream.linear.scatter [tilespmem:s0], [sflag:$0xD], $0x800, $0x38;
	[tilespmem:$0x1D880] =	vst v63  }
0x82: {  	s25 =	sld [smem:$0x7F0]  }
0x83: {  	[spmem:s24] =	stream.linear.scatter [tilespmem:s0], [sflag:$0xD], $0x800, $0x38;
	[tilespmem:$0x1D880] =	vst v63  }
0x84: {  	s26 =	sld [smem:$0x7F1]  }
0x85: {  	[spmem:s25] =	stream.linear.scatter [tilespmem:s0], [sflag:$0xD], $0x800, $0x38;
	[tilespmem:$0x1D880] =	vst v63  }
0x86: {  	s28 =	sld [smem:$0x7F2]  }
0x87: {  	[spmem:s26] =	stream.linear.scatter [tilespmem:s0], [sflag:$0xD], $0x800, $0x38;
	[tilespmem:$0x1D880] =	vst v63  }
0x88: {  	s29 =	sld [smem:$0x7F3]  }
0x89: {  	[spmem:s28] =	stream.linear.scatter [tilespmem:s0], [sflag:$0xD], $0x800, $0x38;
	[tilespmem:$0x1D880] =	vst v63  }
0x8a: {  	s30 =	sld [smem:$0x7F4]  }
0x8b: {  	[spmem:s29] =	stream.linear.scatter [tilespmem:s0], [sflag:$0xD], $0x800, $0x38;
	[tilespmem:$0x1D880] =	vst v63  }
0x8c: {  	s15 =	sld [smem:$0x7F5]  }
0x8d: {  	[spmem:s30] =	stream.linear.scatter [tilespmem:s0], [sflag:$0xD], $0x800, $0x38;
	[tilespmem:$0x1D880] =	vst v63  }
0x8e: {  	s16 =	sld [smem:$0x7F6]  }
0x8f: {  	[spmem:s15] =	stream.linear.scatter [tilespmem:s0], [sflag:$0xD], $0x800, $0x38;
	[tilespmem:$0x1D880] =	vst v63  }
0x90: {  	s18 =	sld [smem:$0x7F7]  }
0x91: {  	[spmem:s16] =	stream.linear.scatter [tilespmem:s0], [sflag:$0xD], $0x800, $0x38;
	[tilespmem:$0x1D880] =	vst v63  }
0x92: {  	s19 =	sld [smem:$0x7F8]  }
0x93: {  	[spmem:s18] =	stream.linear.scatter [tilespmem:s0], [sflag:$0xD], $0x800, $0x38;
	[tilespmem:$0x1D880] =	vst v63  }
0x94: {  	s20 =	sld [smem:$0x7F9]  }
0x95: {  	[spmem:s19] =	stream.linear.scatter [tilespmem:s0], [sflag:$0xD], $0x800, $0x38;
	[tilespmem:$0x1D880] =	vst v63  }
0x96: {  	s21 =	sld [smem:$0x7FA]  }
0x97: {  	[spmem:s20] =	stream.linear.scatter [tilespmem:s0], [sflag:$0xD], $0x800, $0x38;
	[tilespmem:$0x1D880] =	vst v63  }
0x98: {  	s22 =	sld [smem:$0x7FB]  }
0x99: {  	[spmem:s21] =	stream.linear.scatter [tilespmem:s0], [sflag:$0xD], $0x800, $0x38;
	[tilespmem:$0x1D880] =	vst v63  }
0x9a: {  	s23 =	sld [smem:$0x7FC]  }
0x9b: {  	[spmem:s22] =	stream.linear.scatter [tilespmem:s0], [sflag:$0xD], $0x800, $0x38;
	[tilespmem:$0x1D880] =	vst v63  }
0x9c: {  	s24 =	sld [smem:$0x7FD]  }
0x9d: {  	[spmem:s23] =	stream.linear.scatter [tilespmem:s0], [sflag:$0xD], $0x800, $0x38;
	[tilespmem:$0x1D880] =	vst v63  }
0x9e: {  	_ = 	snop  }
0x9f: {  	[spmem:s24] =	stream.linear.scatter [tilespmem:s0], [sflag:$0xD], $0x800, $0x38;
	[tilespmem:$0x1D880] =	vst v63  }
0xa0: {  	_ =	swait.ge [sflag:s1], $0x800  }
0xa1: {  	[sflag:s1] =	ssyncset.done $0x0  }
0xa2: {  	[sflag:s1] =	ssyncadd.s32 $0xFFFFF800  }
0xa3: {  	_ =	swait.ge [sflag:s1], $0x800  }
0xa4: {  	[sflag:s1] =	ssyncset.done $0x0  }
0xa5: {  	[sflag:s1] =	ssyncadd.s32 $0xFFFFF800  }
0xa6: {  	_ =	swait.ge [sflag:s1], $0x800  }
0xa7: {  	[sflag:s1] =	ssyncset.done $0x0  }
0xa8: {  	[sflag:s1] =	ssyncadd.s32 $0xFFFFF800  }
0xa9: {  	_ =	swait.ge [sflag:s1], $0x800  }
0xaa: {  	[sflag:s1] =	ssyncset.done $0x0  }
0xab: {  	[sflag:s1] =	ssyncadd.s32 $0xFFFFF800  }
0xac: {  	_ =	swait.ge [sflag:s1], $0x800  }
0xad: {  	[sflag:s1] =	ssyncset.done $0x0  }
0xae: {  	[sflag:s1] =	ssyncadd.s32 $0xFFFFF800  }
0xaf: {  	_ =	swait.ge [sflag:s1], $0x800  }
0xb0: {  	[sflag:s1] =	ssyncset.done $0x0  }
0xb1: {  	[sflag:s1] =	ssyncadd.s32 $0xFFFFF800  }
0xb2: {  	_ =	swait.ge [sflag:s1], $0x800  }
0xb3: {  	[sflag:s1] =	ssyncset.done $0x0  }
0xb4: {  	[sflag:s1] =	ssyncadd.s32 $0xFFFFF800  }
0xb5: {  	_ =	swait.ge [sflag:s1], $0x800  }
0xb6: {  	[sflag:s1] =	ssyncset.done $0x0  }
0xb7: {  	[sflag:s1] =	ssyncadd.s32 $0xFFFFF800  }
0xb8: {  	_ =	swait.ge [sflag:s1], $0x800  }
0xb9: {  	[sflag:s1] =	ssyncset.done $0x0  }
0xba: {  	[sflag:s1] =	ssyncadd.s32 $0xFFFFF800  }
0xbb: {  	_ =	swait.ge [sflag:s1], $0x800  }
0xbc: {  	[sflag:s1] =	ssyncset.done $0x0  }
0xbd: {  	[sflag:s1] =	ssyncadd.s32 $0xFFFFF800  }
0xbe: {  	_ =	swait.ge [sflag:s1], $0x800  }
0xbf: {  	[sflag:s1] =	ssyncset.done $0x0  }
0xc0: {  	[sflag:s1] =	ssyncadd.s32 $0xFFFFF800  }
0xc1: {  	_ =	swait.ge [sflag:s1], $0x800  }
0xc2: {  	[sflag:s1] =	ssyncset.done $0x0  }
0xc3: {  	[sflag:s1] =	ssyncadd.s32 $0xFFFFF800  }
0xc4: {  	_ =	swait.ge [sflag:s1], $0x800  }
0xc5: {  	[sflag:s1] =	ssyncset.done $0x0  }
0xc6: {  	[sflag:s1] =	ssyncadd.s32 $0xFFFFF800  }
0xc7: {  	_ =	swait.ge [sflag:s1], $0x800  }
0xc8: {  	[sflag:s1] =	ssyncset.done $0x0  }
0xc9: {  	[sflag:s1] =	ssyncadd.s32 $0xFFFFF800  }
0xca: {  	_ =	swait.ge [sflag:s1], $0x800  }
0xcb: {  	[sflag:s1] =	ssyncset.done $0x0  }
0xcc: {  	[sflag:s1] =	ssyncadd.s32 $0xFFFFF800  }
0xcd: {  	_ =	swait.ge [sflag:s1], $0x800  }
0xce: {  	[sflag:s1] =	ssyncset.done $0x0  }
0xcf: {  	[sflag:s1] =	ssyncadd.s32 $0xFFFFF800  }
0xd0: {  	_ =	swait.ge [sflag:s1], $0x800  }
0xd1: {  	[sflag:s1] =	ssyncset.done $0x0  }
0xd2: {  	[sflag:s1] =	ssyncadd.s32 $0xFFFFF800  }
0xd3: {  	_ =	swait.ge [sflag:s1], $0x800  }
0xd4: {  	[sflag:s1] =	ssyncset.done $0x0  }
0xd5: {  	[sflag:s1] =	ssyncadd.s32 $0xFFFFF800  }
0xd6: {  	_ =	swait.ge [sflag:s1], $0x800  }
0xd7: {  	[sflag:s1] =	ssyncset.done $0x0  }
0xd8: {  	[sflag:s1] =	ssyncadd.s32 $0xFFFFF800  }
0xd9: {  	_ =	swait.ge [sflag:s1], $0x800  }
0xda: {  	[sflag:s1] =	ssyncset.done $0x0  }
0xdb: {  	[sflag:s1] =	ssyncadd.s32 $0xFFFFF800  }
0xdc: {  	_ =	swait.ge [sflag:s1], $0x800  }
0xdd: {  	[sflag:s1] =	ssyncset.done $0x0  }
0xde: {  	[sflag:s1] =	ssyncadd.s32 $0xFFFFF800  }
0xdf: {  	_ =	swait.ge [sflag:s1], $0x800  }
0xe0: {  	[sflag:s1] =	ssyncset.done $0x0  }
0xe1: {  	[sflag:s1] =	ssyncadd.s32 $0xFFFFF800  }
0xe2: {  	_ =	swait.ge [sflag:s1], $0x800  }
0xe3: {  	[sflag:s1] =	ssyncset.done $0x0  }
0xe4: {  	[sflag:s1] =	ssyncadd.s32 $0xFFFFF800  }
0xe5: {  	_ =	swait.ge [sflag:s1], $0x800  }
0xe6: {  	[sflag:s1] =	ssyncset.done $0x0  }
0xe7: {  	[sflag:s1] =	ssyncadd.s32 $0xFFFFF800  }
0xe8: {  	_ =	swait.ge [sflag:s1], $0x800  }
0xe9: {  	[sflag:s1] =	ssyncset.done $0x0  }
0xea: {  	[sflag:s1] =	ssyncadd.s32 $0xFFFFF800  }
0xeb: {  	_ =	swait.ge [sflag:s1], $0x800  }
0xec: {  	[sflag:s1] =	ssyncset.done $0x0  }
0xed: {  	[sflag:s1] =	ssyncadd.s32 $0xFFFFF800  }
0xee: {  	_ =	swait.ge [sflag:s1], $0x800  }
0xef: {  	[sflag:s1] =	ssyncset.done $0x0  }
0xf0: {  	[sflag:s1] =	ssyncadd.s32 $0xFFFFF800  }
0xf1: {  	_ =	swait.ge [sflag:s1], $0x800  }
0xf2: {  	[sflag:s1] =	ssyncset.done $0x0  }
0xf3: {  	[sflag:s1] =	ssyncadd.s32 $0xFFFFF800  }
0xf4: {  	_ =	swait.ge [sflag:s1], $0x800  }
0xf5: {  	[sflag:s1] =	ssyncset.done $0x0  }
0xf6: {  	[sflag:s1] =	ssyncadd.s32 $0xFFFFF800  }
0xf7: {  	_ =	swait.ge [sflag:s1], $0x800  }
0xf8: {  	[sflag:s1] =	ssyncset.done $0x0  }
0xf9: {  	[sflag:s1] =	ssyncadd.s32 $0xFFFFF800  }
0xfa: {  	_ =	swait.ge [sflag:s1], $0x800  }
0xfb: {  	[sflag:s1] =	ssyncset.done $0x0  }
0xfc: {  	[sflag:s1] =	ssyncadd.s32 $0xFFFFF800  }
0xfd: {  	_ =	swait.ge [sflag:s1], $0x800  }
0xfe: {  	s25 =	simm.s32 $0x5;
	[sflag:s1] =	ssyncset.done $0x0  }
0xff: {  	s14 =	smulhi.u32 $0x51EB851F, s25;
	[sflag:s1] =	ssyncadd.s32 $0xFFFFF800  }
0x100: {  	_ =	swait.ge [sflag:s1], $0x800  }
0x101: {  	p0 =	por $0x0, $0x0;
	s14 =	sshrl.u32 s14, $0x3;
	[sflag:s1] =	ssyncset.done $0x0  }
0x102: {  	s26 =	smul.u32 $0x19, s14;
	s18 =	simm.s32 $0x0;
	[sflag:s1] =	ssyncadd.s32 $0xFFFFF800  }
0x103: {  	p2 =	por @!p0 $0x1, $0x1;
	s19 =	smulhi.u32 $0x51EB851F, s18;
	_ =	swait.ge [sflag:s1], $0x800  }
0x104: {  	p2 =	por p2, p0;
	s18 =	smul.u32 $0xAB, s18;
	[sflag:s1] =	ssyncset.done $0x0  }
0x105: {  	s14 =	simm.s32 $0x1;
	s15 =	simm.s32 $0x80;
	[sflag:s1] =	ssyncadd.s32 $0xFFFFF800  }
0x106: {  	s16 =	sadd.s32 $0x5, s26;
	s18 =	sshrl.u32 s18, $0xA;
	_ =	swait.ge [sflag:s1], $0x800  }
0x107: {  	s20 =	simm.s32 $0x5;
	s18 =	sand.u32 $0x3F, s18;
	[sflag:s1] =	ssyncset.done $0x0  }
0x108: {  	s21 =	sadd.s32 @!p0 $0xFFFFFFF6, s16;
	s18 =	smul.u32 $0x6, s18;
	[sflag:s1] =	ssyncadd.s32 $0xFFFFF800  }
0x109: {  	p1 =	sne.s32 @!p0 s21, $0x0;
	s21 =	smul.u32 @!p0 $0x29, s20;
	_ =	swait.ge [sflag:s1], $0x800  }
0x10a: {  	s20 =	smul.u32 @!p0 $0xAB, s20;
	s22 =	sshrl.u32 s19, $0x3;
	[sflag:s1] =	ssyncset.done $0x0  }
0x10b: {  	s19 =	sshll.u32 s19, $0xB;
	p3 =	por !p1, p0;
	[sflag:s1] =	ssyncadd.s32 $0xFFFFF800  }
0x10c: {  	s18 =	ssub.s32 $0x0, s18;
	s19 =	sand.u32 $0x4000, s19;
	_ =	swait.ge [sflag:s1], $0x800  }
0x10d: {  	p4 =	por @!p3 $0x0, $0x0;
	s21 =	sshrl.u32 @!p0 s21, $0xA;
	[sflag:s1] =	ssyncset.done $0x0  }
0x10e: {  	s20 =	sshrl.u32 @!p0 s20, $0xA;
	s28 =	smul.u32 $0x3200, s22;
	[sflag:s1] =	ssyncadd.s32 $0xFFFFF800  }
0x10f: {  	s18 =	sand.u32 $0xFF, s18;
	p5 =	por @!p0 p4, !p1;
	_ =	swait.ge [sflag:s1], $0x800  }
0x110: {  	s21 =	sand.u32 @!p0 $0x3F, s21;
	s20 =	sand.u32 @!p0 $0x3F, s20;
	[sflag:s1] =	ssyncset.done $0x0  }
0x111: {  	s29 =	sadd.s32 $0x1, s18;
	s30 =	smul.u32 $0x5000, s18;
	[sflag:s1] =	ssyncadd.s32 $0xFFFFF800  }
0x112: {  	s18 =	sadd.s32 $0x7, s18;
	p5 =	por p5, p0;
	_ =	swait.ge [sflag:s1], $0x800  }
0x113: {  	s20 =	smul.u32 @!p0 $0x6, s20;
	p5 =	sne.s32 @!p5 s16, $0x0;
	[sflag:s1] =	ssyncset.done $0x0  }
0x114: {  	s16 =	ssub.s32 s19, s28;
	s22 =	sshrl.u32 s30, $0x2;
	[sflag:s1] =	ssyncadd.s32 $0xFFFFF800  }
0x115: {  	p3 =	por @!p3 p5, p4;
	s16 =	sshra.s32 s16, $0x2;
	_ =	swait.ge [sflag:s1], $0x800  }
0x116: {  	s22 =	sadd.s32 $0x2000, s22;
	p3 =	por @!p0 p3, !p1;
	[sflag:s1] =	ssyncset.done $0x0  }
0x117: {  	s20 =	ssub.s32 @!p0 $0x5, s20;
	p3 =	por p3, p0;
	[sflag:s1] =	ssyncadd.s32 $0xFFFFF800  }
0x118: {  	p4 =	por p1, p0;
	s21 =	sshll.u32 @!p3 s21, $0xC;
	[bflag:$0x0] =	sbarrier.arrive $0xFFFF  }
0x119: {  	s16 =	sadd.s32 $0x0, s16;
	s21 =	sadd.s32 @!p3 $0x1000, s21;
	_ =	swait.ge [sflag:s29], $0x1400  }
0x11a: {  	s19 =	sadd.s32 @!p3 s4, s21;
	s21 =	sand.u32 @!p3 $0x1000, s21;
	[sflag:s29] =	ssyncset.done $0x0  }
0x11b: {  	s19 =	sshrl.u32 @!p3 s19, $0x3;
	s25 =	rddreg [dreg:$0x4];
	[sflag:s29] =	ssyncadd.s32 $0xFFFFEC00  }
0x11c: {  	[spmem:s2] =	stream.indirect.scatter.add.f32 [tilespmem:s22], [sflag:s18], $0x80, s16, s25, $0xb8;
	[tilespmem:$0x1D880] =	vst v63  }
0x11d: {  	s19 =	sadd.s32 @!p3 s5, s19;
	s18 =	simm.s32 @!p3 $0x0;
	s16 =	sadd.s32 $0x280, s17  }
0x11e: {  	[tilespmem:s21], [sflag:$0xE] =	stream.linear.gather @!p3 [hbm4b:s19+s18], $0xC80, $0x38;
	[tilespmem:$0x1D880] =	vst v63  }
0x11f: {  	s25 =	smov.u32 s17;
	s18 =	sand.u32 @!p0 $0xFF, s20;
	s19 =	simm.s32 @!p4 $0xE  }
0x120: {  	_ =	swait.ge @!p4 [sflag:s19], $0xC80;
	s20 =	sadd.s32 @!p2 $0x7, s18;
	s22 =	smul.u32 @!p0 $0x5000, s18  }
0x121: {  	s21 =	sadd.s32 @!p0 $0x1, s18;
	s18 =	simm.s32 $0x6;
	[sflag:s19] =	ssyncset.done @!p4 $0x0  }
.LBB2_4:
0x122: {  	[sflag:s19] =	ssyncadd.s32 @!p4 $0xFFFFF380;
	s23 =	smov.u32 s14  }
0x123: {  	s14 =	sadd.s32 $0x1, s14;
	s19 =	smov.u32 s15;
	s24 =	smulhi.u32 $0x51EB851F, s18  }
0x124: {  	s26 =	simm.s32 @!p0 $0x0;
	s15 =	sadd.s32 $0x80, s15;
	s18 =	sadd.s32 $0x1, s18  }
0x125: {  	s22 =	sshrl.u32 @!p0 s22, $0x2;
	_ =	swait.ge @!p2 [sflag:s20], $0x1400;
	s29 =	smulhi.u32 $0x51EB851F, s23  }
0x126: {  	p1 =	sne.s32 s14, $0xFA;
	s30 =	smul.u32 $0xAB, s23;
	[sflag:s20] =	ssyncset.done @!p2 $0x0  }
0x127: {  	s22 =	sadd.s32 @!p0 $0x2000, s22;
	s24 =	sshrl.u32 s24, $0x3;
	[sflag:s20] =	ssyncadd.s32 @!p2 $0xFFFFEC00  }
0x128: {  	s28 =	smul.u32 $0x19, s24;
	s20 =	sadd.s32 $0x5, s23;
	s24 =	sshrl.u32 s30, $0xA  }
0x129: {  	[tilespmem:s22], [sflag:s21] =	stream.linear.gather @!p0 [hbm4b:s25+s26], $0x1400, $0x38;
	[tilespmem:$0x1D880] =	vst v63  }
0x12a: {  	s25 =	smov.u32 s16;
	p0 =	sgt.u32 s23, $0xF4;
	s21 =	sadd.s32 $0x5, s28  }
0x12b: {  	s22 =	sshll.u32 s29, $0xB;
	s24 =	sand.u32 $0x3F, s24;
	s26 =	sadd.s32 @!p0 $0xFFFFFFF6, s21  }
0x12c: {  	s28 =	sshrl.u32 s29, $0x3;
	s29 =	smul.u32 @!p0 $0xAB, s20;
	p2 =	sne.s32 @!p0 s26, s23  }
0x12d: {  	s22 =	sand.u32 $0x4000, s22;
	s26 =	smul.u32 @!p0 $0x29, s20;
	p4 =	por !p2, p0  }
0x12e: {  	p3 =	seq.s32 @!p0 s23, $0x0;
	s24 =	smul.u32 $0x6, s24;
	p5 =	sgt.u32 @!p4 s23, $0xDB  }
0x12f: {  	s28 =	smul.u32 $0x3200, s28;
	s26 =	sshrl.u32 @!p0 s26, $0xA;
	p6 =	por @!p0 p5, !p2  }
0x130: {  	s29 =	sshrl.u32 @!p0 s29, $0xA;
	s26 =	sand.u32 @!p0 $0x3F, s26;
	p6 =	por p6, p0  }
0x131: {  	p6 =	sne.s32 @!p6 s21, s23;
	s23 =	ssub.s32 s23, s24;
	s24 =	sand.u32 @!p0 $0x3F, s29  }
0x132: {  	s21 =	ssub.s32 s22, s28;
	p4 =	por @!p4 p6, p5;
	s23 =	sand.u32 $0xFF, s23  }
0x133: {  	s24 =	smul.u32 @!p0 $0x6, s24;
	s21 =	sshra.s32 s21, $0x2;
	p4 =	por @!p0 p4, !p2  }
0x134: {  	s22 =	sadd.s32 $0x1, s23;
	s30 =	smul.u32 $0x5000, s23;
	s23 =	sadd.s32 $0x7, s23  }
0x135: {  	s19 =	sadd.s32 s21, s19;
	p5 =	por p4, p0;
	_ =	swait.ge [sflag:s22], $0x1400  }
0x136: {  	p4 =	por p2, p0;
	s26 =	sshll.u32 @!p5 s26, $0xC;
	s29 =	rddreg [dreg:$0x4]  }
0x137: {  	s28 =	sshrl.u32 s30, $0x2;
	[sflag:s22] =	ssyncset.done $0x0;
	s26 =	sadd.s32 @!p5 $0x1000, s26  }
0x138: {  	s28 =	sadd.s32 $0x2000, s28;
	[sflag:s22] =	ssyncadd.s32 $0xFFFFEC00;
	s30 =	sadd.s32 @!p5 s4, s26  }
0x139: {  	[spmem:s2] =	stream.indirect.scatter.add.f32 [tilespmem:s28], [sflag:s23], $0x80, s19, s29, $0xb8;
	[tilespmem:$0x1D880] =	vst v63  }
0x13a: {  	s22 =	sand.u32 @!p5 $0x1000, s26;
	s19 =	ssub.s32 @!p0 s20, s24;
	s21 =	sshrl.u32 @!p5 s30, $0x3  }
.Ltmp1:
0x13b: {  	s30 =	simm.s32 @!p5 $0x0;
	s21 =	sadd.s32 @!p5 s5, s21;
	(pc) =	sbr.rel @p1 .LBB2_4-.Ltmp1, $4  }
0x13c: {  	[tilespmem:s22], [sflag:$0xE] =	stream.linear.gather @!p5 [hbm4b:s21+s30], $0xC80, $0x38;
	[tilespmem:$0x1D880] =	vst v63  }
0x13d: {  	p2 =	por p3, p0;
	s21 =	sand.u32 @!p0 $0xFF, s19;
	s19 =	simm.s32 @!p4 $0xE  }
0x13e: {  	s16 =	sadd.s32 $0x280, s16;
	_ =	swait.ge @!p4 [sflag:s19], $0xC80;
	s20 =	sadd.s32 @!p2 $0x7, s21  }
0x13f: {  	s22 =	smul.u32 @!p0 $0x5000, s21;
	s21 =	sadd.s32 @!p0 $0x1, s21;
	[sflag:s19] =	ssyncset.done @!p4 $0x0  }
0x140: {  	[sflag:s19] =	ssyncadd.s32 @!p4 $0xFFFFF380  }
0x141: {  	_ =	swait.ge @!p2 [sflag:s20], $0x1400  }
0x142: {  	s14 =	sshrl.u32 @!p0 s22, $0x2;
	[sflag:s20] =	ssyncset.done @!p2 $0x0  }
0x143: {  	s15 =	simm.s32 @!p0 $0x0;
	s14 =	sadd.s32 @!p0 $0x2000, s14;
	[sflag:s20] =	ssyncadd.s32 @!p2 $0xFFFFEC00  }
0x144: {  	[tilespmem:s14], [sflag:s21] =	stream.linear.gather @!p0 [hbm4b:s25+s15], $0x1400, $0x38;
	[tilespmem:$0x1D880] =	vst v63  }
0x145: {  	_ =	swait.ge [sflag:s6], $0x1400  }
0x146: {  	[sflag:s6] =	ssyncset.done $0x0  }
0x147: {  	[sflag:s6] =	ssyncadd.s32 $0xFFFFEC00  }
0x148: {  	_ =	swait.ge [sflag:s7], $0x1400  }
0x149: {  	[sflag:s7] =	ssyncset.done $0x0  }
0x14a: {  	[sflag:s7] =	ssyncadd.s32 $0xFFFFEC00  }
0x14b: {  	_ =	swait.ge [sflag:s8], $0x1400  }
0x14c: {  	[sflag:s8] =	ssyncset.done $0x0  }
0x14d: {  	[sflag:s8] =	ssyncadd.s32 $0xFFFFEC00  }
0x14e: {  	_ =	swait.ge [sflag:s9], $0x1400  }
0x14f: {  	[sflag:s9] =	ssyncset.done $0x0  }
0x150: {  	[sflag:s9] =	ssyncadd.s32 $0xFFFFEC00  }
0x151: {  	_ =	swait.ge [sflag:s10], $0x1400  }
0x152: {  	[sflag:s10] =	ssyncset.done $0x0  }
0x153: {  	s28 =	stileid.u32;
	[sflag:s10] =	ssyncadd.s32 $0xFFFFEC00  }
0x154: {  	s14 =	sshll.u32 s28, $0x6;
	[bflag:$0x0] =	sbarrier.arrive $0xFFFF  }
0x155: {  	s29 =	sshrl.u32 s12, $0x3;
	s14 =	sor.u32 $0x1C0F, s14;
	s16 =	rddreg [dreg:$0x15]  }
0x156: {  	[hbm:s16], [sflag:s14] =	dma.local [spmem:s29], $0x2800  }
0x157: {  	_ =	swait.ge [sflag:s11], $0x2800  }
0x158: {  	s13 =	sadd.s32 $0x1, s13;
	s30 =	rddreg [dreg:$0x16]  }
0x159: {  	p0 =	sne.s32 s13, s30  }
.Ltmp2:
0x15a: {  	_ = 	snop;
	(pc) =	sbr.rel @p0 .LBB2_1-.Ltmp2, $3  }
0x15b: {  	_ =	sdelay $0x1  }
0x15c: {  	[sflag:s11] =	ssyncset.done $0x0  }
0x15d: {  	[sflag:s11] =	ssyncadd.s32 $0xFFFFD800  }
0x15e: {  	_ =	sfence.sel $0x180000  }
0x15f: {  	[bflag:$0x0] =	sbarrier.arrive $0xFFFF  }
0x160: {  	_ =	strace $0x90000047  }
0x161: {  	s0 =	stileid.u32;
	[bflag:$0x2] =	sbarrier.arrive $0xFFFF  }
0x162: {  	p0 =	sne.s32 s0, $0x0;
	s0 =	rddreg [dreg:$0x3]  }
0x163: {  	s0 =	sadd.s32 @!p0 $0x100000, s0  }
0x164: {  	[sflag:s0] =	ssyncadd.tile.s32 @!p0 $0x1;
	_ =	shalt  }
.Lfunc_end2:
_tile_overlayer_lowered:
.L_overlay_start_2:
0x165: {  	(tag) =	ssettag $0x2  }
0x166: {  	s0 =	rddreg [dreg:$0x0];
	s2 =	stileid.u32  }
0x167: {  	s1 =	rddreg [dreg:$0x1];
	p0 =	sne.s32 s2, $0x0  }
0x168: {  	s3 =	rddreg [dreg:$0x2];
	[bflag:$0x3] =	sbarrier.arrive $0xFFFF;
	s2 =	simm.s32 @!p0 $0x1C0F  }
0x169: {  	[timem:s3], [sflag:s2] =	dma.local @!p0 [hbm:s0], s1  }
0x16a: {  	s0 =	simm.s32 @!p0 $0xF  }
0x16b: {  	_ =	swait.ge @!p0 [sflag:s0], s1  }
0x16c: {  	s1 =	ssub.s32 @!p0 $0x0, s1;
	[sflag:s0] =	ssyncset.done @!p0 $0x0  }
0x16d: {  	[sflag:s0] =	ssyncadd.s32 @!p0 s1  }
0x16e: {  	[bflag:$0x3] =	sbarrier.arrive $0xFFFF  }
0x16f: {  	_ =	shalt  }

</sc_bundles>
